<compile_context>
chip_gen: v7x
topology: tpu7x:2x2x1
jax: 0.10.2.dev20260603
libtpu: 0.0.44.dev20260713+nightly
codegen_flags: <defaults>
</compile_context>

<pallas_src>
import functools
import jax
import jax.numpy as jnp
from jax import lax
from jax.experimental import pallas as pl
from jax.experimental.pallas import tpu as pltpu
from jax.experimental.pallas import tpu_sc as plsc

N = 10000
D = 128
E = 320000
B = 100
NC = 2
NS = 16
NW = NC * NS
L = 16
NP = 10240
EPT = E // NW
K = 80
NCHUNK = EPT // K

@functools.lru_cache(maxsize=1)
def _mesh():
  return plsc.VectorSubcoreMesh(core_axis_name="c", subcore_axis_name="s",
                                num_cores=NC, num_subcores=NS)


def _f32(shape):
  return jax.ShapeDtypeStruct(shape, jnp.float32)


def _i32(shape):
  return jax.ShapeDtypeStruct(shape, jnp.int32)



def _hist_vreg(vals, ref, scr16):
  iota = lax.iota(jnp.int32, 16)
  s, _ = plsc.sort_key_val(vals, vals)
  scr16[...] = s
  prev = plsc.load_gather(scr16, [jnp.maximum(iota - 1, 0)])
  nxt = plsc.load_gather(scr16, [jnp.minimum(iota + 1, 15)])
  run_start = (iota == 0) | (s != prev)
  run_end = (iota == 15) | (s != nxt)
  rsi = plsc.cummax(jnp.where(run_start, iota, 0))
  cnt = (iota - rsi + 1).astype(jnp.float32)
  plsc.addupdate_scatter(ref, [s // 16, s % 16], cnt, mask=run_end)


def _hist_kernel(dst_hbm, batchp_hbm, deg_out, cnt_out,
                 deg_v, cnt_v, chunk_v, bchunk_v, scr16):
  cid = lax.axis_index("c")
  sid = lax.axis_index("s")
  wid = sid * NC + cid

  def z_deg(i, _):
    deg_v[i, :] = jnp.zeros((16,), jnp.float32)
    return 0
  lax.fori_loop(0, 640, z_deg, 0)
  for i in range(16):
    cnt_v[i, :] = jnp.zeros((16,), jnp.float32)

  def chunk_body(c, _):
    pltpu.sync_copy(dst_hbm.at[pl.ds(wid * EPT + c * 400, 400)], chunk_v)
    def vreg_body(j, _):
      _hist_vreg(chunk_v[pl.ds(j * 16, 16)], deg_v, scr16)
      return 0
    lax.fori_loop(0, 25, vreg_body, 0)
    return 0
  lax.fori_loop(0, 25, chunk_body, 0)

  pltpu.sync_copy(batchp_hbm.at[pl.ds(wid * 320, 320)], bchunk_v)
  def bvreg_body(j, _):
    _hist_vreg(bchunk_v[pl.ds(j * 16, 16)], cnt_v, scr16)
    return 0
  lax.fori_loop(0, 20, bvreg_body, 0)

  pltpu.sync_copy(deg_v, deg_out.at[wid])
  pltpu.sync_copy(cnt_v, cnt_out.at[wid])


@functools.lru_cache(maxsize=1)
def _hist():
  @functools.partial(
      pl.kernel,
      out_type=[_f32((NW, 640, 16)), _f32((NW, 16, 16))],
      mesh=_mesh(),
      scratch_types=[
          pltpu.VMEM((640, 16), jnp.float32),
          pltpu.VMEM((16, 16), jnp.float32),
          pltpu.VMEM((400,), jnp.int32),
          pltpu.VMEM((320,), jnp.int32),
          pltpu.VMEM((16,), jnp.int32),
      ],
      compiler_params=pltpu.CompilerParams(needs_layout_passes=False),
  )
  def hist(dst_hbm, batchp_hbm, deg_out, cnt_out, *scratch):
    _hist_kernel(dst_hbm, batchp_hbm, deg_out, cnt_out, *scratch)
  return hist



def _agg_kernel(h_hbm, src_hbm, dst_hbm, p_out,
                r0, r1, r2, r3,
                si0, si1, si2, si3, di0, di1, di2, di3,
                g0, g1, g2, g3, s0, s1, s2, s3, acc):
  cid = lax.axis_index("c")
  sid = lax.axis_index("s")
  wid = sid * NC + cid
  rows = [r0, r1, r2, r3]
  sidxs = [si0, si1, si2, si3]
  didxs = [di0, di1, di2, di3]
  gsems = [g0, g1, g2, g3]
  ssems = [s0, s1, s2, s3]

  def zrow(i, _):
    for j in range(8):
      r0[i, pl.ds(j * 16, 16)] = jnp.zeros((16,), jnp.float32)
    return 0
  lax.fori_loop(0, K, zrow, 0)
  for k in range(8):
    pltpu.sync_copy(r0, acc.at[pl.ds(sid * 640 + k * K, K)])
  plsc.subcore_barrier()

  ebase = wid * EPT
  def fill(c, b):
    pltpu.sync_copy(src_hbm.at[pl.ds(ebase + c * K, K)], sidxs[b])
    pltpu.sync_copy(dst_hbm.at[pl.ds(ebase + c * K, K)], didxs[b])
  def gstart(b):
    pltpu.async_copy(h_hbm.at[sidxs[b]], rows[b], gsems[b])
  def gwait(b):
    pltpu.make_async_copy(h_hbm.at[sidxs[b]], rows[b], gsems[b]).wait()
  def sstart(b):
    pltpu.async_copy(rows[b], acc.at[didxs[b]], ssems[b], add=True)
  def swait(b):
    pltpu.make_async_copy(rows[b], acc.at[didxs[b]], ssems[b]).wait()

  fill(0, 0)
  gstart(0)
  fill(1, 1)
  gstart(1)

  def body(i, _):
    c0 = i * 4
    for b in range(4):
      c = c0 + b
      gwait(b)
      sstart(b)
      @pl.when(c >= 2)
      def _():
        swait((b + 2) % 4)
      @pl.when(c <= NCHUNK - 3)
      def _():
        fill(c + 2, (b + 2) % 4)
        gstart((b + 2) % 4)
    return 0
  lax.fori_loop(0, (NCHUNK - 1) // 4, body, 0)

  gwait(0)
  sstart(0)
  swait(2)
  swait(3)
  swait(0)
  plsc.subcore_barrier()

  for k in range(8):
    rr = sid * 640 + k * K
    pltpu.sync_copy(acc.at[pl.ds(rr, K)], p_out.at[cid, pl.ds(rr, K)])


@functools.lru_cache(maxsize=1)
def _agg():
  @functools.partial(
      pl.kernel,
      out_type=_f32((NC, NP, D)),
      mesh=_mesh(),
      scratch_types=[
          pltpu.VMEM((K, D), jnp.float32),
          pltpu.VMEM((K, D), jnp.float32),
          pltpu.VMEM((K, D), jnp.float32),
          pltpu.VMEM((K, D), jnp.float32),
          pltpu.VMEM((K,), jnp.int32),
          pltpu.VMEM((K,), jnp.int32),
          pltpu.VMEM((K,), jnp.int32),
          pltpu.VMEM((K,), jnp.int32),
          pltpu.VMEM((K,), jnp.int32),
          pltpu.VMEM((K,), jnp.int32),
          pltpu.VMEM((K,), jnp.int32),
          pltpu.VMEM((K,), jnp.int32),
          pltpu.SemaphoreType.DMA,
          pltpu.SemaphoreType.DMA,
          pltpu.SemaphoreType.DMA,
          pltpu.SemaphoreType.DMA,
          pltpu.SemaphoreType.DMA,
          pltpu.SemaphoreType.DMA,
          pltpu.SemaphoreType.DMA,
          pltpu.SemaphoreType.DMA,
          pltpu.VMEM_SHARED((NP, D), jnp.float32),
      ],
      compiler_params=pltpu.CompilerParams(needs_layout_passes=False),
  )
  def agg(h_hbm, src_hbm, dst_hbm, p_out, *scratch):
    _agg_kernel(h_hbm, src_hbm, dst_hbm, p_out, *scratch)
  return agg



def _qgather_kernel(qf_hbm, hs2_hbm, dinv_hbm, gq_hbm, gqb_hbm, b2_hbm,
                    qe_out, dinv_v, b2_v, g8, g8b, dscr,
                    q0v, q1v, hsv, outv):
  cid = lax.axis_index("c")
  sid = lax.axis_index("s")
  wid = sid * NC + cid

  @pl.when(wid < 25)
  def _():
    pltpu.sync_copy(dinv_hbm, dinv_v)
    pltpu.sync_copy(b2_hbm, b2_v)
    pltpu.sync_copy(gq_hbm.at[pl.ds(wid * 8, 8)], g8)
    pltpu.sync_copy(gqb_hbm.at[pl.ds(wid * 8, 8)], g8b)
    iota = lax.iota(jnp.int32, 16)
    g16 = plsc.load_gather(g8, [jnp.minimum(iota, 7)])
    dv16 = plsc.load_gather(dinv_v, [g16])
    dscr[...] = dv16
    pltpu.sync_copy(qf_hbm.at[g8], q0v)
    pltpu.sync_copy(qf_hbm.at[g8b], q1v)
    pltpu.sync_copy(hs2_hbm.at[g8], hsv)
    for r in range(8):
      dr = dv16[r]
      for c in range(8):
        sl = pl.ds(c * 16, 16)
        vec = q0v[r, sl] + q1v[r, sl] + hsv[r, sl]
        outv[r, sl] = dr * vec + b2_v[sl]
    pltpu.sync_copy(outv, qe_out.at[pl.ds(wid * 8, 8)])


@functools.lru_cache(maxsize=1)
def _qgather():
  @functools.partial(
      pl.kernel,
      out_type=_f32((200, D)),
      mesh=_mesh(),
      scratch_types=[
          pltpu.VMEM((NP,), jnp.float32),
          pltpu.VMEM((D,), jnp.float32),
          pltpu.VMEM((8,), jnp.int32),
          pltpu.VMEM((8,), jnp.int32),
          pltpu.VMEM((16,), jnp.float32),
          pltpu.VMEM((8, D), jnp.float32),
          pltpu.VMEM((8, D), jnp.float32),
          pltpu.VMEM((8, D), jnp.float32),
          pltpu.VMEM((8, D), jnp.float32),
      ],
      compiler_params=pltpu.CompilerParams(needs_layout_passes=False),
  )
  def qgather(qf, hs2, dinv, gq, gqb, b2, qe_out, *scratch):
    _qgather_kernel(qf, hs2, dinv, gq, gqb, b2, qe_out, *scratch)
  return qgather




def _t0_body(deg_ref, cnt_ref, targ_ref, dinv_ref, gidx_ref):
  deg = jnp.sum(deg_ref[...], axis=0, keepdims=True)
  dinv_ref[...] = lax.rsqrt(1.0 + deg)
  counts = jnp.sum(cnt_ref[...], axis=0).reshape(1, 256)
  ri = lax.broadcasted_iota(jnp.int32, (256, 128), 0)
  ci = lax.broadcasted_iota(jnp.int32, (256, 128), 1)
  ut = ((ri < ci) & (ri < B)).astype(jnp.float32)
  starts = jnp.dot(counts, ut, preferred_element_type=jnp.float32)
  g = jnp.clip(starts.astype(jnp.int32) + targ_ref[...], 0, N - 1)
  gidx_ref[...] = jnp.concatenate([g, g + NP], axis=0)


def _t0(deg_flat, cnt2, targ2):
  return pl.pallas_call(
      _t0_body,
      out_shape=[_f32((1, NP)), _i32((4, 128))],
  )(deg_flat, cnt2, targ2)



RB = 2000


def _t1_body(x_ref, w_ref, dinv_ref, hs_ref):
  h1p = jnp.dot(x_ref[...], w_ref[...], preferred_element_type=jnp.float32)
  hs_ref[...] = h1p * dinv_ref[...]


def _t1(x, w1, dinv2d):
  return pl.pallas_call(
      _t1_body,
      grid=(N // RB,),
      in_specs=[
          pl.BlockSpec((RB, D), lambda i: (i, 0)),
          pl.BlockSpec((D, D), lambda i: (0, 0)),
          pl.BlockSpec((RB, 1), lambda i: (i, 0)),
      ],
      out_specs=pl.BlockSpec((RB, D), lambda i: (i, 0)),
      out_shape=_f32((N, D)),
  )(x, w1, dinv2d)



def _t2_body(p_ref, hs1_ref, dinv_ref, b1_ref, w2_ref, hs2_ref):
  dinv = dinv_ref[...]
  p = p_ref[...]
  h1 = dinv * (p[0] + p[1] + hs1_ref[...]) + b1_ref[...]
  h1 = jnp.maximum(h1, 0.0)
  h2p = jnp.dot(h1, w2_ref[...], preferred_element_type=jnp.float32)
  hs2_ref[...] = dinv * h2p


def _t2(p, hs1, dinv, b1, w2):
  return pl.pallas_call(
      _t2_body,
      grid=(N // RB,),
      in_specs=[
          pl.BlockSpec((NC, RB, D), lambda i: (0, i, 0)),
          pl.BlockSpec((RB, D), lambda i: (i, 0)),
          pl.BlockSpec((RB, 1), lambda i: (i, 0)),
          pl.BlockSpec((1, D), lambda i: (0, 0)),
          pl.BlockSpec((D, D), lambda i: (0, 0)),
      ],
      out_specs=pl.BlockSpec((RB, D), lambda i: (i, 0)),
      out_shape=_f32((N, D)),
  )(p, hs1, dinv, b1, w2)



def _t4_body(qe_ref, w_ref, b_ref, out_ref):
  out_ref[...] = jnp.dot(qe_ref[...], w_ref[...],
                         preferred_element_type=jnp.float32) + b_ref[...]


def _t4(qe2, w, b):
  return pl.pallas_call(
      _t4_body,
      out_shape=_f32((B, 128)),
  )(qe2, w, b)



def kernel(x, edge_index, batch, target, W1, b1, W2, b2, lin_W, lin_b):
  src = edge_index[0]
  dst = edge_index[1]
  batchp = jnp.concatenate(
      [batch, jnp.full((NW * 320 - N,), B, dtype=jnp.int32)])
  targ2 = jnp.zeros((NC, 128), jnp.int32)
  targ2 = targ2.at[0, :B].set(target[:, 0]).at[1, :B].set(target[:, 1])

  deg_q, cnt_q = _hist()(dst, batchp)
  deg_flat = deg_q.reshape(NW, NP)
  cnt2 = cnt_q.reshape(NW, 256)

  dinv_flat, gidx = _t0(deg_flat, cnt2, targ2)
  dinv2d = dinv_flat.reshape(NP, 1)
  hs1 = _t1(x, W1, dinv2d)
  p = _agg()(hs1, src, dst)
  hs2 = _t2(p, hs1, dinv2d, b1.reshape(1, D), W2)
  q = _agg()(hs2, src, dst)

  gq = jnp.stack([gidx[0, :B], gidx[1, :B]], axis=1).reshape(2 * B)
  gqb = jnp.stack([gidx[2, :B], gidx[3, :B]], axis=1).reshape(2 * B)
  qe = _qgather()(q.reshape(NC * NP, D), hs2, dinv_flat.reshape(NP), gq, gqb, b2)
  qe2 = qe.reshape(B, 2 * D)

  lin_Wp = jnp.zeros((2 * D, 128), jnp.float32).at[:, :18].set(lin_W)
  lin_bp = jnp.zeros((1, 128), jnp.float32).at[0, :18].set(lin_b)
  logits = _t4(qe2, lin_Wp, lin_bp)
  return logits[:, :18]

# --- scband reference (transcript-rebuilt; emitter-appended) ---
"""Pipeline reference for scband-gcn-61864708931601 (READ-ONLY COPY).

The authoritative reference and input builder live on the scoring server;
editing this copy changes nothing except your own understanding.
"""

import jax, jax.numpy as jnp
import numpy as np

EMBED_DIM = 128
TARGET_SIZE = 18  # len(clutrr_data.relation_lst) for CLUTRR
N_NODES = 10000
N_EDGES = 320000
BATCH_SIZE = 100


def _xavier(key, shape):
    fan_in, fan_out = shape[0], shape[1]
    a = jnp.sqrt(6.0 / (fan_in + fan_out))
    return jax.random.uniform(key, shape, dtype=jnp.float32, minval=-a, maxval=a)


def setup_inputs(seed: int = 0) -> dict:
    key = jax.random.key(seed)
    ks = jax.random.split(key, 12)
    x = jax.random.normal(ks[0], (N_NODES, EMBED_DIM), dtype=jnp.float32)
    edge_index = jax.random.randint(ks[1], (2, N_EDGES), 0, N_NODES, dtype=jnp.int32)
    batch = jnp.sort(jax.random.randint(ks[2], (N_NODES,), 0, BATCH_SIZE, dtype=jnp.int32))
    target = jax.random.randint(ks[3], (BATCH_SIZE, 2), 0, 50, dtype=jnp.int32)
    W1 = _xavier(ks[4], (EMBED_DIM, EMBED_DIM))
    b1 = jnp.zeros((EMBED_DIM,), dtype=jnp.float32)
    W2 = _xavier(ks[5], (EMBED_DIM, EMBED_DIM))
    b2 = jnp.zeros((EMBED_DIM,), dtype=jnp.float32)
    lin_W = _xavier(ks[6], (EMBED_DIM * 2, TARGET_SIZE))
    lin_b = jnp.zeros((TARGET_SIZE,), dtype=jnp.float32)
    return {"x": x, "edge_index": edge_index, "batch": batch, "target": target,
            "W1": W1, "b1": b1, "W2": W2, "b2": b2, "lin_W": lin_W, "lin_b": lin_b}


def _gcn_conv(x, edge_index, W, b):
    # GCNConv: sym-normalized aggregation with self-loops: D^{-1/2}(A+I)D^{-1/2} X W + b
    N = x.shape[0]
    src = edge_index[0]
    dst = edge_index[1]
    loop = jnp.arange(N, dtype=src.dtype)
    src = jnp.concatenate([src, loop])
    dst = jnp.concatenate([dst, loop])
    h = x @ W
    deg = jnp.zeros((N,), dtype=h.dtype).at[dst].add(1.0)
    dinv = jnp.where(deg > 0, jax.lax.rsqrt(jnp.maximum(deg, 1e-12)), 0.0)
    norm = dinv[src] * dinv[dst]
    msgs = h[src] * norm[:, None]
    out = jnp.zeros((N, h.shape[1]), dtype=h.dtype).at[dst].add(msgs)
    return out + b


def reference(x, edge_index, batch, target, W1, b1, W2, b2, lin_W, lin_b):
    h = _gcn_conv(x, edge_index, W1, b1)
    h = jax.nn.relu(h)
    # F.dropout with training=False (eval mode) is identity
    h = _gcn_conv(h, edge_index, W2, b2)
    # per-graph query embedding gather: batch is sorted segment ids,
    # so start offset of graph i = searchsorted(batch, i)
    starts = jnp.searchsorted(batch, jnp.arange(BATCH_SIZE, dtype=batch.dtype))
    g0 = starts + target[:, 0]
    g1 = starts + target[:, 1]
    query_embs = jnp.concatenate([h[g0], h[g1]], axis=1)
    logits = query_embs @ lin_W + lin_b
    return logits

if __name__ == "__main__":
    import jax
    _d = setup_inputs()
    print(jax.jit(kernel)(*tuple(_d.values())))

</pallas_src>

<mosaic_0001>
#map = affine_map<(d0, d1) -> (0)>
#map1 = affine_map<(d0, d1) -> (0, 0, 0)>
module attributes {stable_mosaic.version = 14 : i64} {
  func.func @hist(%arg0: i32, %arg1: i32, %arg2: memref<320000xi32, #tpu.memory_space<hbm>>, %arg3: memref<10240xi32, #tpu.memory_space<hbm>>, %arg4: memref<32x640x16xf32, #tpu.memory_space<hbm>>, %arg5: memref<32x16x16xf32, #tpu.memory_space<hbm>>, %arg6: memref<640x16xf32, #tpu.memory_space<vmem>>, %arg7: memref<16x16xf32, #tpu.memory_space<vmem>>, %arg8: memref<400xi32, #tpu.memory_space<vmem>>, %arg9: memref<320xi32, #tpu.memory_space<vmem>>, %arg10: memref<16xi32, #tpu.memory_space<vmem>>) attributes {dimension_semantics = [#tpu.dimension_semantics<core_parallel>, #tpu.dimension_semantics<subcore_parallel>], iteration_bounds = array<i64: 2, 16>, scalar_prefetch = 0 : i64, scratch_operands = 5 : i64, tpu.core_type = #tpu.core_type<sc_vector_subcore>, window_params = [{transform_indices = #map}, {transform_indices = #map}, {transform_indices = #map1}, {transform_indices = #map1}]} {
    %mul3A = arith.constant 2 : i32
    %mul3A_0 = arith.muli %arg1, %mul3A : i32
    %add3A = arith.addi %mul3A_0, %arg0 : i32
    %scan3A = arith.constant 0 : i32
    %scan3A_1 = arith.constant 0 : i32
    %scan3A_2 = arith.constant 640 : i32
    %scan3A_3 = arith.addi %scan3A_1, %scan3A_2 : i32
    %scan3A_4 = arith.constant 1 : i32
    %scan3A_5 = scf.for %scan3A_117 = %scan3A_1 to %scan3A_3 step %scan3A_4 iter_args(%scan3A_118 = %scan3A) -> (i32)  : i32 {
      %broadcast_in_dim3A_119 = arith.constant 0.000000e+00 : f32
      %broadcast_in_dim3A_120 = vector.broadcast %broadcast_in_dim3A_119 : f32 to vector<16xf32>
      %swap3A_121 = arith.index_cast %scan3A_117 : i32 to index
      %swap3A_122 = arith.constant 0 : index
      %swap3A_123 = tpu.vector_load %arg6[%swap3A_121, %swap3A_122] {strides = array<i32>} : memref<640x16xf32, #tpu.memory_space<vmem>>, vector<16xf32>,
      tpu.vector_store %arg6[%swap3A_121, %swap3A_122], %broadcast_in_dim3A_120 {strides = array<i32>} : memref<640x16xf32, #tpu.memory_space<vmem>>, vector<16xf32>,
      %scan3A_124 = arith.constant 0 : i32
      scf.yield %scan3A_124 : i32
    }
    %scan3A_6 = arith.constant 640 : i32
    %broadcast_in_dim3A = arith.constant 0.000000e+00 : f32
    %broadcast_in_dim3A_7 = vector.broadcast %broadcast_in_dim3A : f32 to vector<16xf32>
    %swap3A = arith.constant 0 : i32
    %swap3A_8 = arith.index_cast %swap3A : i32 to index
    %swap3A_9 = arith.constant 0 : index
    %swap3A_10 = tpu.vector_load %arg7[%swap3A_8, %swap3A_9] {strides = array<i32>} : memref<16x16xf32, #tpu.memory_space<vmem>>, vector<16xf32>,
    tpu.vector_store %arg7[%swap3A_8, %swap3A_9], %broadcast_in_dim3A_7 {strides = array<i32>} : memref<16x16xf32, #tpu.memory_space<vmem>>, vector<16xf32>,
    %broadcast_in_dim3A_11 = arith.constant 0.000000e+00 : f32
    %broadcast_in_dim3A_12 = vector.broadcast %broadcast_in_dim3A_11 : f32 to vector<16xf32>
    %swap3A_13 = arith.constant 1 : i32
    %swap3A_14 = arith.index_cast %swap3A_13 : i32 to index
    %swap3A_15 = arith.constant 0 : index
    %swap3A_16 = tpu.vector_load %arg7[%swap3A_14, %swap3A_15] {strides = array<i32>} : memref<16x16xf32, #tpu.memory_space<vmem>>, vector<16xf32>,
    tpu.vector_store %arg7[%swap3A_14, %swap3A_15], %broadcast_in_dim3A_12 {strides = array<i32>} : memref<16x16xf32, #tpu.memory_space<vmem>>, vector<16xf32>,
    %broadcast_in_dim3A_17 = arith.constant 0.000000e+00 : f32
    %broadcast_in_dim3A_18 = vector.broadcast %broadcast_in_dim3A_17 : f32 to vector<16xf32>
    %swap3A_19 = arith.constant 2 : i32
    %swap3A_20 = arith.index_cast %swap3A_19 : i32 to index
    %swap3A_21 = arith.constant 0 : index
    %swap3A_22 = tpu.vector_load %arg7[%swap3A_20, %swap3A_21] {strides = array<i32>} : memref<16x16xf32, #tpu.memory_space<vmem>>, vector<16xf32>,
    tpu.vector_store %arg7[%swap3A_20, %swap3A_21], %broadcast_in_dim3A_18 {strides = array<i32>} : memref<16x16xf32, #tpu.memory_space<vmem>>, vector<16xf32>,
    %broadcast_in_dim3A_23 = arith.constant 0.000000e+00 : f32
    %broadcast_in_dim3A_24 = vector.broadcast %broadcast_in_dim3A_23 : f32 to vector<16xf32>
    %swap3A_25 = arith.constant 3 : i32
    %swap3A_26 = arith.index_cast %swap3A_25 : i32 to index
    %swap3A_27 = arith.constant 0 : index
    %swap3A_28 = tpu.vector_load %arg7[%swap3A_26, %swap3A_27] {strides = array<i32>} : memref<16x16xf32, #tpu.memory_space<vmem>>, vector<16xf32>,
    tpu.vector_store %arg7[%swap3A_26, %swap3A_27], %broadcast_in_dim3A_24 {strides = array<i32>} : memref<16x16xf32, #tpu.memory_space<vmem>>, vector<16xf32>,
    %broadcast_in_dim3A_29 = arith.constant 0.000000e+00 : f32
    %broadcast_in_dim3A_30 = vector.broadcast %broadcast_in_dim3A_29 : f32 to vector<16xf32>
    %swap3A_31 = arith.constant 4 : i32
    %swap3A_32 = arith.index_cast %swap3A_31 : i32 to index
    %swap3A_33 = arith.constant 0 : index
    %swap3A_34 = tpu.vector_load %arg7[%swap3A_32, %swap3A_33] {strides = array<i32>} : memref<16x16xf32, #tpu.memory_space<vmem>>, vector<16xf32>,
    tpu.vector_store %arg7[%swap3A_32, %swap3A_33], %broadcast_in_dim3A_30 {strides = array<i32>} : memref<16x16xf32, #tpu.memory_space<vmem>>, vector<16xf32>,
    %broadcast_in_dim3A_35 = arith.constant 0.000000e+00 : f32
    %broadcast_in_dim3A_36 = vector.broadcast %broadcast_in_dim3A_35 : f32 to vector<16xf32>
    %swap3A_37 = arith.constant 5 : i32
    %swap3A_38 = arith.index_cast %swap3A_37 : i32 to index
    %swap3A_39 = arith.constant 0 : index
    %swap3A_40 = tpu.vector_load %arg7[%swap3A_38, %swap3A_39] {strides = array<i32>} : memref<16x16xf32, #tpu.memory_space<vmem>>, vector<16xf32>,
    tpu.vector_store %arg7[%swap3A_38, %swap3A_39], %broadcast_in_dim3A_36 {strides = array<i32>} : memref<16x16xf32, #tpu.memory_space<vmem>>, vector<16xf32>,
    %broadcast_in_dim3A_41 = arith.constant 0.000000e+00 : f32
    %broadcast_in_dim3A_42 = vector.broadcast %broadcast_in_dim3A_41 : f32 to vector<16xf32>
    %swap3A_43 = arith.constant 6 : i32
    %swap3A_44 = arith.index_cast %swap3A_43 : i32 to index
    %swap3A_45 = arith.constant 0 : index
    %swap3A_46 = tpu.vector_load %arg7[%swap3A_44, %swap3A_45] {strides = array<i32>} : memref<16x16xf32, #tpu.memory_space<vmem>>, vector<16xf32>,
    tpu.vector_store %arg7[%swap3A_44, %swap3A_45], %broadcast_in_dim3A_42 {strides = array<i32>} : memref<16x16xf32, #tpu.memory_space<vmem>>, vector<16xf32>,
    %broadcast_in_dim3A_47 = arith.constant 0.000000e+00 : f32
    %broadcast_in_dim3A_48 = vector.broadcast %broadcast_in_dim3A_47 : f32 to vector<16xf32>
    %swap3A_49 = arith.constant 7 : i32
    %swap3A_50 = arith.index_cast %swap3A_49 : i32 to index
    %swap3A_51 = arith.constant 0 : index
    %swap3A_52 = tpu.vector_load %arg7[%swap3A_50, %swap3A_51] {strides = array<i32>} : memref<16x16xf32, #tpu.memory_space<vmem>>, vector<16xf32>,
    tpu.vector_store %arg7[%swap3A_50, %swap3A_51], %broadcast_in_dim3A_48 {strides = array<i32>} : memref<16x16xf32, #tpu.memory_space<vmem>>, vector<16xf32>,
    %broadcast_in_dim3A_53 = arith.constant 0.000000e+00 : f32
    %broadcast_in_dim3A_54 = vector.broadcast %broadcast_in_dim3A_53 : f32 to vector<16xf32>
    %swap3A_55 = arith.constant 8 : i32
    %swap3A_56 = arith.index_cast %swap3A_55 : i32 to index
    %swap3A_57 = arith.constant 0 : index
    %swap3A_58 = tpu.vector_load %arg7[%swap3A_56, %swap3A_57] {strides = array<i32>} : memref<16x16xf32, #tpu.memory_space<vmem>>, vector<16xf32>,
    tpu.vector_store %arg7[%swap3A_56, %swap3A_57], %broadcast_in_dim3A_54 {strides = array<i32>} : memref<16x16xf32, #tpu.memory_space<vmem>>, vector<16xf32>,
    %broadcast_in_dim3A_59 = arith.constant 0.000000e+00 : f32
    %broadcast_in_dim3A_60 = vector.broadcast %broadcast_in_dim3A_59 : f32 to vector<16xf32>
    %swap3A_61 = arith.constant 9 : i32
    %swap3A_62 = arith.index_cast %swap3A_61 : i32 to index
    %swap3A_63 = arith.constant 0 : index
    %swap3A_64 = tpu.vector_load %arg7[%swap3A_62, %swap3A_63] {strides = array<i32>} : memref<16x16xf32, #tpu.memory_space<vmem>>, vector<16xf32>,
    tpu.vector_store %arg7[%swap3A_62, %swap3A_63], %broadcast_in_dim3A_60 {strides = array<i32>} : memref<16x16xf32, #tpu.memory_space<vmem>>, vector<16xf32>,
    %broadcast_in_dim3A_65 = arith.constant 0.000000e+00 : f32
    %broadcast_in_dim3A_66 = vector.broadcast %broadcast_in_dim3A_65 : f32 to vector<16xf32>
    %swap3A_67 = arith.constant 10 : i32
    %swap3A_68 = arith.index_cast %swap3A_67 : i32 to index
    %swap3A_69 = arith.constant 0 : index
    %swap3A_70 = tpu.vector_load %arg7[%swap3A_68, %swap3A_69] {strides = array<i32>} : memref<16x16xf32, #tpu.memory_space<vmem>>, vector<16xf32>,
    tpu.vector_store %arg7[%swap3A_68, %swap3A_69], %broadcast_in_dim3A_66 {strides = array<i32>} : memref<16x16xf32, #tpu.memory_space<vmem>>, vector<16xf32>,
    %broadcast_in_dim3A_71 = arith.constant 0.000000e+00 : f32
    %broadcast_in_dim3A_72 = vector.broadcast %broadcast_in_dim3A_71 : f32 to vector<16xf32>
    %swap3A_73 = arith.constant 11 : i32
    %swap3A_74 = arith.index_cast %swap3A_73 : i32 to index
    %swap3A_75 = arith.constant 0 : index
    %swap3A_76 = tpu.vector_load %arg7[%swap3A_74, %swap3A_75] {strides = array<i32>} : memref<16x16xf32, #tpu.memory_space<vmem>>, vector<16xf32>,
    tpu.vector_store %arg7[%swap3A_74, %swap3A_75], %broadcast_in_dim3A_72 {strides = array<i32>} : memref<16x16xf32, #tpu.memory_space<vmem>>, vector<16xf32>,
    %broadcast_in_dim3A_77 = arith.constant 0.000000e+00 : f32
    %broadcast_in_dim3A_78 = vector.broadcast %broadcast_in_dim3A_77 : f32 to vector<16xf32>
    %swap3A_79 = arith.constant 12 : i32
    %swap3A_80 = arith.index_cast %swap3A_79 : i32 to index
    %swap3A_81 = arith.constant 0 : index
    %swap3A_82 = tpu.vector_load %arg7[%swap3A_80, %swap3A_81] {strides = array<i32>} : memref<16x16xf32, #tpu.memory_space<vmem>>, vector<16xf32>,
    tpu.vector_store %arg7[%swap3A_80, %swap3A_81], %broadcast_in_dim3A_78 {strides = array<i32>} : memref<16x16xf32, #tpu.memory_space<vmem>>, vector<16xf32>,
    %broadcast_in_dim3A_83 = arith.constant 0.000000e+00 : f32
    %broadcast_in_dim3A_84 = vector.broadcast %broadcast_in_dim3A_83 : f32 to vector<16xf32>
    %swap3A_85 = arith.constant 13 : i32
    %swap3A_86 = arith.index_cast %swap3A_85 : i32 to index
    %swap3A_87 = arith.constant 0 : index
    %swap3A_88 = tpu.vector_load %arg7[%swap3A_86, %swap3A_87] {strides = array<i32>} : memref<16x16xf32, #tpu.memory_space<vmem>>, vector<16xf32>,
    tpu.vector_store %arg7[%swap3A_86, %swap3A_87], %broadcast_in_dim3A_84 {strides = array<i32>} : memref<16x16xf32, #tpu.memory_space<vmem>>, vector<16xf32>,
    %broadcast_in_dim3A_89 = arith.constant 0.000000e+00 : f32
    %broadcast_in_dim3A_90 = vector.broadcast %broadcast_in_dim3A_89 : f32 to vector<16xf32>
    %swap3A_91 = arith.constant 14 : i32
    %swap3A_92 = arith.index_cast %swap3A_91 : i32 to index
    %swap3A_93 = arith.constant 0 : index
    %swap3A_94 = tpu.vector_load %arg7[%swap3A_92, %swap3A_93] {strides = array<i32>} : memref<16x16xf32, #tpu.memory_space<vmem>>, vector<16xf32>,
    tpu.vector_store %arg7[%swap3A_92, %swap3A_93], %broadcast_in_dim3A_90 {strides = array<i32>} : memref<16x16xf32, #tpu.memory_space<vmem>>, vector<16xf32>,
    %broadcast_in_dim3A_95 = arith.constant 0.000000e+00 : f32
    %broadcast_in_dim3A_96 = vector.broadcast %broadcast_in_dim3A_95 : f32 to vector<16xf32>
    %swap3A_97 = arith.constant 15 : i32
    %swap3A_98 = arith.index_cast %swap3A_97 : i32 to index
    %swap3A_99 = arith.constant 0 : index
    %swap3A_100 = tpu.vector_load %arg7[%swap3A_98, %swap3A_99] {strides = array<i32>} : memref<16x16xf32, #tpu.memory_space<vmem>>, vector<16xf32>,
    tpu.vector_store %arg7[%swap3A_98, %swap3A_99], %broadcast_in_dim3A_96 {strides = array<i32>} : memref<16x16xf32, #tpu.memory_space<vmem>>, vector<16xf32>,
    %scan3A_101 = arith.constant 0 : i32
    %scan3A_102 = arith.constant 0 : i32
    %scan3A_103 = arith.constant 25 : i32
    %scan3A_104 = arith.addi %scan3A_102, %scan3A_103 : i32
    %scan3A_105 = arith.constant 1 : i32
    %scan3A_106 = scf.for %scan3A_117 = %scan3A_102 to %scan3A_104 step %scan3A_105 iter_args(%scan3A_118 = %scan3A_101) -> (i32)  : i32 {
      %mul3A_119 = arith.constant 10000 : i32
      %mul3A_120 = arith.muli %add3A, %mul3A_119 : i32
      %mul3A_121 = arith.constant 400 : i32
      %mul3A_122 = arith.muli %scan3A_117, %mul3A_121 : i32
      %add3A_123 = arith.addi %mul3A_120, %mul3A_122 : i32
      "tpu.region"() ({
        %run_scoped3A = tpu.sem_alloc : memref<!tpu.dma_semaphore, #tpu.memory_space<semaphore_mem>>
        %dma_start3A = tpu.memref_slice %arg2[%add3A_123] : memref<320000xi32, #tpu.memory_space<hbm>> -> memref<400xi32, #tpu.memory_space<hbm>>
        %dma_start3A_132 = tpu.memref_slice %arg2[%add3A_123] : memref<320000xi32, #tpu.memory_space<hbm>> -> memref<400xi32, #tpu.memory_space<hbm>>
        tpu.enqueue_dma source(%dma_start3A_132 : memref<400xi32, #tpu.memory_space<hbm>>) target(%arg8 : memref<400xi32, #tpu.memory_space<vmem>>) target_semaphore(%run_scoped3A : memref<!tpu.dma_semaphore, #tpu.memory_space<semaphore_mem>>)
        %dma_wait3A = tpu.memref_slice %arg2[%add3A_123] : memref<320000xi32, #tpu.memory_space<hbm>> -> memref<400xi32, #tpu.memory_space<hbm>>
        %dma_wait3A_133 = tpu.memref_slice %arg2[%add3A_123] : memref<320000xi32, #tpu.memory_space<hbm>> -> memref<400xi32, #tpu.memory_space<hbm>>
        tpu.wait_dma2 semaphore(%run_scoped3A : memref<!tpu.dma_semaphore, #tpu.memory_space<semaphore_mem>>) src(%dma_wait3A_133 : memref<400xi32, #tpu.memory_space<hbm>>) dst(%arg8 : memref<400xi32, #tpu.memory_space<vmem>>)
        tpu.yield
      }) : () -> ()
      %scan3A_124 = arith.constant 0 : i32
      %scan3A_125 = arith.constant 0 : i32
      %scan3A_126 = arith.constant 25 : i32
      %scan3A_127 = arith.addi %scan3A_125, %scan3A_126 : i32
      %scan3A_128 = arith.constant 1 : i32
      %scan3A_129 = scf.for %scan3A_132 = %scan3A_125 to %scan3A_127 step %scan3A_128 iter_args(%scan3A_133 = %scan3A_124) -> (i32)  : i32 {
        %mul3A_134 = arith.constant 16 : i32
        %mul3A_135 = arith.muli %scan3A_132, %mul3A_134 : i32
        %get3A = arith.index_cast %mul3A_135 : i32 to index
        %get3A_136 = tpu.vector_load %arg8[%get3A] {strides = array<i32>} : memref<400xi32, #tpu.memory_space<vmem>>, vector<16xi32>,
        %iota3A = tpu.iota {dimensions = array<i32: 0>} : vector<16xi32>
        %masked_sort3A = arith.constant dense<true> : vector<16xi1>
        %masked_sort3A_137 = arith.constant -2147483648 : i32
        %masked_sort3A_138 = vector.broadcast %masked_sort3A_137 : i32 to vector<16xi32>
        %masked_sort3A_139 = arith.xori %get3A_136, %masked_sort3A_138 : vector<16xi32>
        %masked_sort3A_140, %masked_sort3A_141, %masked_sort3A_142 = tpu.sort %masked_sort3A_139, %get3A_136 masked %masked_sort3A : (vector<16xi32>, vector<16xi32>, vector<16xi1>) -> (vector<16xi1>, vector<16xi32>, vector<16xi32>)
        %masked_sort3A_143 = arith.xori %masked_sort3A_141, %masked_sort3A_138 : vector<16xi32>
        %swap3A_144 = arith.constant 0 : index
        %swap3A_145 = tpu.vector_load %arg10[%swap3A_144] {strides = array<i32>} : memref<16xi32, #tpu.memory_space<vmem>>, vector<16xi32>,
        tpu.vector_store %arg10[%swap3A_144], %masked_sort3A_143 {strides = array<i32>} : memref<16xi32, #tpu.memory_space<vmem>>, vector<16xi32>,
        %sub3A = arith.constant 1 : i32
        %sub3A_146 = vector.broadcast %sub3A : i32 to vector<16xi32>
        %sub3A_147 = arith.subi %iota3A, %sub3A_146 : vector<16xi32>
        %max3A = arith.constant 0 : i32
        %max3A_148 = vector.broadcast %max3A : i32 to vector<16xi32>
        %max3A_149 = arith.maxsi %sub3A_147, %max3A_148 : vector<16xi32>
        %gather3A = tpu.vector_load_idx %arg10[%max3A_149] : memref<16xi32, #tpu.memory_space<vmem>>[vector<16xi32>], vector<16xi32>,
        %add3A_150 = arith.constant 1 : i32
        %add3A_151 = vector.broadcast %add3A_150 : i32 to vector<16xi32>
        %add3A_152 = arith.addi %iota3A, %add3A_151 : vector<16xi32>
        %min3A = arith.constant 15 : i32
        %min3A_153 = vector.broadcast %min3A : i32 to vector<16xi32>
        %min3A_154 = arith.minsi %add3A_152, %min3A_153 : vector<16xi32>
        %gather3A_155 = tpu.vector_load_idx %arg10[%min3A_154] : memref<16xi32, #tpu.memory_space<vmem>>[vector<16xi32>], vector<16xi32>,
        %eq3A = arith.constant 0 : i32
        %eq3A_156 = vector.broadcast %eq3A : i32 to vector<16xi32>
        %eq3A_157 = arith.cmpi eq, %iota3A, %eq3A_156 : vector<16xi32>
        %ne3A = arith.cmpi ne, %masked_sort3A_143, %gather3A : vector<16xi32>
        %or3A = arith.ori %eq3A_157, %ne3A : vector<16xi1>
        %eq3A_158 = arith.constant 15 : i32
        %eq3A_159 = vector.broadcast %eq3A_158 : i32 to vector<16xi32>
        %eq3A_160 = arith.cmpi eq, %iota3A, %eq3A_159 : vector<16xi32>
        %ne3A_161 = arith.cmpi ne, %masked_sort3A_143, %gather3A_155 : vector<16xi32>
        %or3A_162 = arith.ori %eq3A_160, %ne3A_161 : vector<16xi1>
        %jit3A = arith.constant 0 : i32
        %broadcast_in_dim3A_163 = vector.broadcast %jit3A : i32 to vector<16xi32>
        %select_n3A = arith.select %or3A, %iota3A, %broadcast_in_dim3A_163 : vector<16xi1>, vector<16xi32>
        %broadcast_in_dim3A_164 = arith.constant true
        %broadcast_in_dim3A_165 = vector.broadcast %broadcast_in_dim3A_164 : i1 to vector<16xi1>
        %masked_cummax3A = arith.constant -2147483648 : i32
        %masked_cummax3A_166 = vector.broadcast %masked_cummax3A : i32 to vector<16xi32>
        %masked_cummax3A_167 = arith.xori %select_n3A, %masked_cummax3A_166 : vector<16xi32>
        %masked_cummax3A_168 = tpu.scan <max>, %masked_cummax3A_167 masked %broadcast_in_dim3A_165 : vector<16xi32>, vector<16xi1> -> vector<16xi32>
        %masked_cummax3A_169 = arith.xori %masked_cummax3A_168, %masked_cummax3A_166 : vector<16xi32>
        %sub3A_170 = arith.subi %iota3A, %masked_cummax3A_169 : vector<16xi32>
        %add3A_171 = arith.constant 1 : i32
        %add3A_172 = vector.broadcast %add3A_171 : i32 to vector<16xi32>
        %add3A_173 = arith.addi %sub3A_170, %add3A_172 : vector<16xi32>
        %convert_element_type3A = arith.sitofp %add3A_173 : vector<16xi32> to vector<16xf32>
        %jit3A_174 = arith.constant 16 : i32
        %div3A = vector.broadcast %jit3A_174 : i32 to vector<16xi32>
        %div3A_175 = arith.divsi %masked_sort3A_143, %div3A : vector<16xi32>
        %sign3A = arith.constant 0 : i32
        %sign3A_176 = vector.broadcast %sign3A : i32 to vector<16xi32>
        %sign3A_177 = arith.cmpi sgt, %masked_sort3A_143, %sign3A_176 : vector<16xi32>
        %sign3A_178 = arith.extui %sign3A_177 : vector<16xi1> to vector<16xi32>
        %sign3A_179 = arith.constant 0 : i32
        %sign3A_180 = vector.broadcast %sign3A_179 : i32 to vector<16xi32>
        %sign3A_181 = arith.cmpi slt, %masked_sort3A_143, %sign3A_180 : vector<16xi32>
        %sign3A_182 = arith.extui %sign3A_181 : vector<16xi1> to vector<16xi32>
        %sign3A_183 = arith.subi %sign3A_178, %sign3A_182 : vector<16xi32>
        %sign3A_184 = arith.constant 0 : i32
        %sign3A_185 = arith.cmpi sgt, %jit3A_174, %sign3A_184 : i32
        %sign3A_186 = arith.extui %sign3A_185 : i1 to i32
        %sign3A_187 = arith.constant 0 : i32
        %sign3A_188 = arith.cmpi slt, %jit3A_174, %sign3A_187 : i32
        %sign3A_189 = arith.extui %sign3A_188 : i1 to i32
        %sign3A_190 = arith.subi %sign3A_186, %sign3A_189 : i32
        %ne3A_191 = vector.broadcast %sign3A_190 : i32 to vector<16xi32>
        %ne3A_192 = arith.cmpi ne, %sign3A_183, %ne3A_191 : vector<16xi32>
        %rem3A = vector.broadcast %jit3A_174 : i32 to vector<16xi32>
        %rem3A_193 = arith.remsi %masked_sort3A_143, %rem3A : vector<16xi32>
        %ne3A_194 = arith.constant 0 : i32
        %ne3A_195 = vector.broadcast %ne3A_194 : i32 to vector<16xi32>
        %ne3A_196 = arith.cmpi ne, %rem3A_193, %ne3A_195 : vector<16xi32>
        %and3A = arith.andi %ne3A_192, %ne3A_196 : vector<16xi1>
        %sub3A_197 = arith.constant 1 : i32
        %sub3A_198 = vector.broadcast %sub3A_197 : i32 to vector<16xi32>
        %sub3A_199 = arith.subi %div3A_175, %sub3A_198 : vector<16xi32>
        %select_n3A_200 = arith.select %and3A, %sub3A_199, %div3A_175 : vector<16xi1>, vector<16xi32>
        %jit3A_201 = arith.constant 16 : i32
        %eq3A_202 = arith.constant 0 : i32
        %eq3A_203 = arith.cmpi eq, %jit3A_201, %eq3A_202 : i32
        %jit3A_204 = arith.constant 1 : i32
        %select_n3A_205 = arith.select %eq3A_203, %jit3A_204, %jit3A_201 : i32
        %rem3A_206 = vector.broadcast %select_n3A_205 : i32 to vector<16xi32>
        %rem3A_207 = arith.remsi %masked_sort3A_143, %rem3A_206 : vector<16xi32>
        %ne3A_208 = arith.constant 0 : i32
        %ne3A_209 = vector.broadcast %ne3A_208 : i32 to vector<16xi32>
        %ne3A_210 = arith.cmpi ne, %rem3A_207, %ne3A_209 : vector<16xi32>
        %lt3A = arith.constant 0 : i32
        %lt3A_211 = vector.broadcast %lt3A : i32 to vector<16xi32>
        %lt3A_212 = arith.cmpi slt, %rem3A_207, %lt3A_211 : vector<16xi32>
        %lt3A_213 = arith.constant 0 : i32
        %lt3A_214 = arith.cmpi slt, %select_n3A_205, %lt3A_213 : i32
        %ne3A_215 = vector.broadcast %lt3A_214 : i1 to vector<16xi1>
        %ne3A_216 = vector.broadcast %ne3A_215 : vector<16xi1> to vector<16xi1>
        %ne3A_217 = arith.xori %lt3A_212, %ne3A_216 : vector<16xi1>
        %and3A_218 = arith.andi %ne3A_217, %ne3A_210 : vector<16xi1>
        %add3A_219 = vector.broadcast %select_n3A_205 : i32 to vector<16xi32>
        %add3A_220 = arith.addi %rem3A_207, %add3A_219 : vector<16xi32>
        %select_n3A_221 = arith.select %and3A_218, %add3A_220, %rem3A_207 : vector<16xi1>, vector<16xi32>
        tpu.vector_store_idx %arg6[%select_n3A_200, %select_n3A_221], %convert_element_type3A masked %or3A_162 {add = true} : memref<640x16xf32, #tpu.memory_space<vmem>>[vector<16xi32>, vector<16xi32>], vector<16xf32>, vector<16xi1>
        %scan3A_222 = arith.constant 0 : i32
        scf.yield %scan3A_222 : i32
      }
      %scan3A_130 = arith.constant 25 : i32
      %scan3A_131 = arith.constant 0 : i32
      scf.yield %scan3A_131 : i32
    }
    %scan3A_107 = arith.constant 25 : i32
    %mul3A_108 = arith.constant 320 : i32
    %mul3A_109 = arith.muli %add3A, %mul3A_108 : i32
    "tpu.region"() ({
      %run_scoped3A = tpu.sem_alloc : memref<!tpu.dma_semaphore, #tpu.memory_space<semaphore_mem>>
      %dma_start3A = tpu.memref_slice %arg3[%mul3A_109] : memref<10240xi32, #tpu.memory_space<hbm>> -> memref<320xi32, #tpu.memory_space<hbm>>
      %dma_start3A_117 = tpu.memref_slice %arg3[%mul3A_109] : memref<10240xi32, #tpu.memory_space<hbm>> -> memref<320xi32, #tpu.memory_space<hbm>>
      tpu.enqueue_dma source(%dma_start3A_117 : memref<320xi32, #tpu.memory_space<hbm>>) target(%arg9 : memref<320xi32, #tpu.memory_space<vmem>>) target_semaphore(%run_scoped3A : memref<!tpu.dma_semaphore, #tpu.memory_space<semaphore_mem>>)
      %dma_wait3A = tpu.memref_slice %arg3[%mul3A_109] : memref<10240xi32, #tpu.memory_space<hbm>> -> memref<320xi32, #tpu.memory_space<hbm>>
      %dma_wait3A_118 = tpu.memref_slice %arg3[%mul3A_109] : memref<10240xi32, #tpu.memory_space<hbm>> -> memref<320xi32, #tpu.memory_space<hbm>>
      tpu.wait_dma2 semaphore(%run_scoped3A : memref<!tpu.dma_semaphore, #tpu.memory_space<semaphore_mem>>) src(%dma_wait3A_118 : memref<320xi32, #tpu.memory_space<hbm>>) dst(%arg9 : memref<320xi32, #tpu.memory_space<vmem>>)
      tpu.yield
    }) : () -> ()
    %scan3A_110 = arith.constant 0 : i32
    %scan3A_111 = arith.constant 0 : i32
    %scan3A_112 = arith.constant 20 : i32
    %scan3A_113 = arith.addi %scan3A_111, %scan3A_112 : i32
    %scan3A_114 = arith.constant 1 : i32
    %scan3A_115 = scf.for %scan3A_117 = %scan3A_111 to %scan3A_113 step %scan3A_114 iter_args(%scan3A_118 = %scan3A_110) -> (i32)  : i32 {
      %mul3A_119 = arith.constant 16 : i32
      %mul3A_120 = arith.muli %scan3A_117, %mul3A_119 : i32
      %get3A = arith.index_cast %mul3A_120 : i32 to index
      %get3A_121 = tpu.vector_load %arg9[%get3A] {strides = array<i32>} : memref<320xi32, #tpu.memory_space<vmem>>, vector<16xi32>,
      %iota3A = tpu.iota {dimensions = array<i32: 0>} : vector<16xi32>
      %masked_sort3A = arith.constant dense<true> : vector<16xi1>
      %masked_sort3A_122 = arith.constant -2147483648 : i32
      %masked_sort3A_123 = vector.broadcast %masked_sort3A_122 : i32 to vector<16xi32>
      %masked_sort3A_124 = arith.xori %get3A_121, %masked_sort3A_123 : vector<16xi32>
      %masked_sort3A_125, %masked_sort3A_126, %masked_sort3A_127 = tpu.sort %masked_sort3A_124, %get3A_121 masked %masked_sort3A : (vector<16xi32>, vector<16xi32>, vector<16xi1>) -> (vector<16xi1>, vector<16xi32>, vector<16xi32>)
      %masked_sort3A_128 = arith.xori %masked_sort3A_126, %masked_sort3A_123 : vector<16xi32>
      %swap3A_129 = arith.constant 0 : index
      %swap3A_130 = tpu.vector_load %arg10[%swap3A_129] {strides = array<i32>} : memref<16xi32, #tpu.memory_space<vmem>>, vector<16xi32>,
      tpu.vector_store %arg10[%swap3A_129], %masked_sort3A_128 {strides = array<i32>} : memref<16xi32, #tpu.memory_space<vmem>>, vector<16xi32>,
      %sub3A = arith.constant 1 : i32
      %sub3A_131 = vector.broadcast %sub3A : i32 to vector<16xi32>
      %sub3A_132 = arith.subi %iota3A, %sub3A_131 : vector<16xi32>
      %max3A = arith.constant 0 : i32
      %max3A_133 = vector.broadcast %max3A : i32 to vector<16xi32>
      %max3A_134 = arith.maxsi %sub3A_132, %max3A_133 : vector<16xi32>
      %gather3A = tpu.vector_load_idx %arg10[%max3A_134] : memref<16xi32, #tpu.memory_space<vmem>>[vector<16xi32>], vector<16xi32>,
      %add3A_135 = arith.constant 1 : i32
      %add3A_136 = vector.broadcast %add3A_135 : i32 to vector<16xi32>
      %add3A_137 = arith.addi %iota3A, %add3A_136 : vector<16xi32>
      %min3A = arith.constant 15 : i32
      %min3A_138 = vector.broadcast %min3A : i32 to vector<16xi32>
      %min3A_139 = arith.minsi %add3A_137, %min3A_138 : vector<16xi32>
      %gather3A_140 = tpu.vector_load_idx %arg10[%min3A_139] : memref<16xi32, #tpu.memory_space<vmem>>[vector<16xi32>], vector<16xi32>,
      %eq3A = arith.constant 0 : i32
      %eq3A_141 = vector.broadcast %eq3A : i32 to vector<16xi32>
      %eq3A_142 = arith.cmpi eq, %iota3A, %eq3A_141 : vector<16xi32>
      %ne3A = arith.cmpi ne, %masked_sort3A_128, %gather3A : vector<16xi32>
      %or3A = arith.ori %eq3A_142, %ne3A : vector<16xi1>
      %eq3A_143 = arith.constant 15 : i32
      %eq3A_144 = vector.broadcast %eq3A_143 : i32 to vector<16xi32>
      %eq3A_145 = arith.cmpi eq, %iota3A, %eq3A_144 : vector<16xi32>
      %ne3A_146 = arith.cmpi ne, %masked_sort3A_128, %gather3A_140 : vector<16xi32>
      %or3A_147 = arith.ori %eq3A_145, %ne3A_146 : vector<16xi1>
      %jit3A = arith.constant 0 : i32
      %broadcast_in_dim3A_148 = vector.broadcast %jit3A : i32 to vector<16xi32>
      %select_n3A = arith.select %or3A, %iota3A, %broadcast_in_dim3A_148 : vector<16xi1>, vector<16xi32>
      %broadcast_in_dim3A_149 = arith.constant true
      %broadcast_in_dim3A_150 = vector.broadcast %broadcast_in_dim3A_149 : i1 to vector<16xi1>
      %masked_cummax3A = arith.constant -2147483648 : i32
      %masked_cummax3A_151 = vector.broadcast %masked_cummax3A : i32 to vector<16xi32>
      %masked_cummax3A_152 = arith.xori %select_n3A, %masked_cummax3A_151 : vector<16xi32>
      %masked_cummax3A_153 = tpu.scan <max>, %masked_cummax3A_152 masked %broadcast_in_dim3A_150 : vector<16xi32>, vector<16xi1> -> vector<16xi32>
      %masked_cummax3A_154 = arith.xori %masked_cummax3A_153, %masked_cummax3A_151 : vector<16xi32>
      %sub3A_155 = arith.subi %iota3A, %masked_cummax3A_154 : vector<16xi32>
      %add3A_156 = arith.constant 1 : i32
      %add3A_157 = vector.broadcast %add3A_156 : i32 to vector<16xi32>
      %add3A_158 = arith.addi %sub3A_155, %add3A_157 : vector<16xi32>
      %convert_element_type3A = arith.sitofp %add3A_158 : vector<16xi32> to vector<16xf32>
      %jit3A_159 = arith.constant 16 : i32
      %div3A = vector.broadcast %jit3A_159 : i32 to vector<16xi32>
      %div3A_160 = arith.divsi %masked_sort3A_128, %div3A : vector<16xi32>
      %sign3A = arith.constant 0 : i32
      %sign3A_161 = vector.broadcast %sign3A : i32 to vector<16xi32>
      %sign3A_162 = arith.cmpi sgt, %masked_sort3A_128, %sign3A_161 : vector<16xi32>
      %sign3A_163 = arith.extui %sign3A_162 : vector<16xi1> to vector<16xi32>
      %sign3A_164 = arith.constant 0 : i32
      %sign3A_165 = vector.broadcast %sign3A_164 : i32 to vector<16xi32>
      %sign3A_166 = arith.cmpi slt, %masked_sort3A_128, %sign3A_165 : vector<16xi32>
      %sign3A_167 = arith.extui %sign3A_166 : vector<16xi1> to vector<16xi32>
      %sign3A_168 = arith.subi %sign3A_163, %sign3A_167 : vector<16xi32>
      %sign3A_169 = arith.constant 0 : i32
      %sign3A_170 = arith.cmpi sgt, %jit3A_159, %sign3A_169 : i32
      %sign3A_171 = arith.extui %sign3A_170 : i1 to i32
      %sign3A_172 = arith.constant 0 : i32
      %sign3A_173 = arith.cmpi slt, %jit3A_159, %sign3A_172 : i32
      %sign3A_174 = arith.extui %sign3A_173 : i1 to i32
      %sign3A_175 = arith.subi %sign3A_171, %sign3A_174 : i32
      %ne3A_176 = vector.broadcast %sign3A_175 : i32 to vector<16xi32>
      %ne3A_177 = arith.cmpi ne, %sign3A_168, %ne3A_176 : vector<16xi32>
      %rem3A = vector.broadcast %jit3A_159 : i32 to vector<16xi32>
      %rem3A_178 = arith.remsi %masked_sort3A_128, %rem3A : vector<16xi32>
      %ne3A_179 = arith.constant 0 : i32
      %ne3A_180 = vector.broadcast %ne3A_179 : i32 to vector<16xi32>
      %ne3A_181 = arith.cmpi ne, %rem3A_178, %ne3A_180 : vector<16xi32>
      %and3A = arith.andi %ne3A_177, %ne3A_181 : vector<16xi1>
      %sub3A_182 = arith.constant 1 : i32
      %sub3A_183 = vector.broadcast %sub3A_182 : i32 to vector<16xi32>
      %sub3A_184 = arith.subi %div3A_160, %sub3A_183 : vector<16xi32>
      %select_n3A_185 = arith.select %and3A, %sub3A_184, %div3A_160 : vector<16xi1>, vector<16xi32>
      %jit3A_186 = arith.constant 16 : i32
      %eq3A_187 = arith.constant 0 : i32
      %eq3A_188 = arith.cmpi eq, %jit3A_186, %eq3A_187 : i32
      %jit3A_189 = arith.constant 1 : i32
      %select_n3A_190 = arith.select %eq3A_188, %jit3A_189, %jit3A_186 : i32
      %rem3A_191 = vector.broadcast %select_n3A_190 : i32 to vector<16xi32>
      %rem3A_192 = arith.remsi %masked_sort3A_128, %rem3A_191 : vector<16xi32>
      %ne3A_193 = arith.constant 0 : i32
      %ne3A_194 = vector.broadcast %ne3A_193 : i32 to vector<16xi32>
      %ne3A_195 = arith.cmpi ne, %rem3A_192, %ne3A_194 : vector<16xi32>
      %lt3A = arith.constant 0 : i32
      %lt3A_196 = vector.broadcast %lt3A : i32 to vector<16xi32>
      %lt3A_197 = arith.cmpi slt, %rem3A_192, %lt3A_196 : vector<16xi32>
      %lt3A_198 = arith.constant 0 : i32
      %lt3A_199 = arith.cmpi slt, %select_n3A_190, %lt3A_198 : i32
      %ne3A_200 = vector.broadcast %lt3A_199 : i1 to vector<16xi1>
      %ne3A_201 = vector.broadcast %ne3A_200 : vector<16xi1> to vector<16xi1>
      %ne3A_202 = arith.xori %lt3A_197, %ne3A_201 : vector<16xi1>
      %and3A_203 = arith.andi %ne3A_202, %ne3A_195 : vector<16xi1>
      %add3A_204 = vector.broadcast %select_n3A_190 : i32 to vector<16xi32>
      %add3A_205 = arith.addi %rem3A_192, %add3A_204 : vector<16xi32>
      %select_n3A_206 = arith.select %and3A_203, %add3A_205, %rem3A_192 : vector<16xi1>, vector<16xi32>
      tpu.vector_store_idx %arg7[%select_n3A_185, %select_n3A_206], %convert_element_type3A masked %or3A_147 {add = true} : memref<16x16xf32, #tpu.memory_space<vmem>>[vector<16xi32>, vector<16xi32>], vector<16xf32>, vector<16xi1>
      %scan3A_207 = arith.constant 0 : i32
      scf.yield %scan3A_207 : i32
    }
    %scan3A_116 = arith.constant 20 : i32
    "tpu.region"() ({
      %run_scoped3A = tpu.sem_alloc : memref<!tpu.dma_semaphore, #tpu.memory_space<semaphore_mem>>
      %dma_start3A = arith.constant 0 : i32
      %dma_start3A_117 = arith.constant 0 : i32
      %dma_start3A_118 = tpu.memref_slice %arg4[%add3A, %dma_start3A, %dma_start3A_117] : memref<32x640x16xf32, #tpu.memory_space<hbm>> -> memref<1x640x16xf32, #tpu.memory_space<hbm>>
      %dma_start3A_119 = tpu.memref_squeeze %dma_start3A_118 : memref<1x640x16xf32, #tpu.memory_space<hbm>> -> memref<640x16xf32, #tpu.memory_space<hbm>>
      %dma_start3A_120 = arith.constant 0 : i32
      %dma_start3A_121 = arith.constant 0 : i32
      %dma_start3A_122 = tpu.memref_slice %arg4[%add3A, %dma_start3A_120, %dma_start3A_121] : memref<32x640x16xf32, #tpu.memory_space<hbm>> -> memref<1x640x16xf32, #tpu.memory_space<hbm>>
      %dma_start3A_123 = tpu.memref_squeeze %dma_start3A_122 : memref<1x640x16xf32, #tpu.memory_space<hbm>> -> memref<640x16xf32, #tpu.memory_space<hbm>>
      tpu.enqueue_dma source(%arg6 : memref<640x16xf32, #tpu.memory_space<vmem>>) target(%dma_start3A_123 : memref<640x16xf32, #tpu.memory_space<hbm>>) target_semaphore(%run_scoped3A : memref<!tpu.dma_semaphore, #tpu.memory_space<semaphore_mem>>)
      %dma_wait3A = arith.constant 0 : i32
      %dma_wait3A_124 = arith.constant 0 : i32
      %dma_wait3A_125 = tpu.memref_slice %arg4[%add3A, %dma_wait3A, %dma_wait3A_124] : memref<32x640x16xf32, #tpu.memory_space<hbm>> -> memref<1x640x16xf32, #tpu.memory_space<hbm>>
      %dma_wait3A_126 = tpu.memref_squeeze %dma_wait3A_125 : memref<1x640x16xf32, #tpu.memory_space<hbm>> -> memref<640x16xf32, #tpu.memory_space<hbm>>
      %dma_wait3A_127 = arith.constant 0 : i32
      %dma_wait3A_128 = arith.constant 0 : i32
      %dma_wait3A_129 = tpu.memref_slice %arg4[%add3A, %dma_wait3A_127, %dma_wait3A_128] : memref<32x640x16xf32, #tpu.memory_space<hbm>> -> memref<1x640x16xf32, #tpu.memory_space<hbm>>
      %dma_wait3A_130 = tpu.memref_squeeze %dma_wait3A_129 : memref<1x640x16xf32, #tpu.memory_space<hbm>> -> memref<640x16xf32, #tpu.memory_space<hbm>>
      tpu.wait_dma2 semaphore(%run_scoped3A : memref<!tpu.dma_semaphore, #tpu.memory_space<semaphore_mem>>) src(%arg6 : memref<640x16xf32, #tpu.memory_space<vmem>>) dst(%dma_wait3A_130 : memref<640x16xf32, #tpu.memory_space<hbm>>)
      tpu.yield
    }) : () -> ()
    "tpu.region"() ({
      %run_scoped3A = tpu.sem_alloc : memref<!tpu.dma_semaphore, #tpu.memory_space<semaphore_mem>>
      %dma_start3A = arith.constant 0 : i32
      %dma_start3A_117 = arith.constant 0 : i32
      %dma_start3A_118 = tpu.memref_slice %arg5[%add3A, %dma_start3A, %dma_start3A_117] : memref<32x16x16xf32, #tpu.memory_space<hbm>> -> memref<1x16x16xf32, #tpu.memory_space<hbm>>
      %dma_start3A_119 = tpu.memref_squeeze %dma_start3A_118 : memref<1x16x16xf32, #tpu.memory_space<hbm>> -> memref<16x16xf32, #tpu.memory_space<hbm>>
      %dma_start3A_120 = arith.constant 0 : i32
      %dma_start3A_121 = arith.constant 0 : i32
      %dma_start3A_122 = tpu.memref_slice %arg5[%add3A, %dma_start3A_120, %dma_start3A_121] : memref<32x16x16xf32, #tpu.memory_space<hbm>> -> memref<1x16x16xf32, #tpu.memory_space<hbm>>
      %dma_start3A_123 = tpu.memref_squeeze %dma_start3A_122 : memref<1x16x16xf32, #tpu.memory_space<hbm>> -> memref<16x16xf32, #tpu.memory_space<hbm>>
      tpu.enqueue_dma source(%arg7 : memref<16x16xf32, #tpu.memory_space<vmem>>) target(%dma_start3A_123 : memref<16x16xf32, #tpu.memory_space<hbm>>) target_semaphore(%run_scoped3A : memref<!tpu.dma_semaphore, #tpu.memory_space<semaphore_mem>>)
      %dma_wait3A = arith.constant 0 : i32
      %dma_wait3A_124 = arith.constant 0 : i32
      %dma_wait3A_125 = tpu.memref_slice %arg5[%add3A, %dma_wait3A, %dma_wait3A_124] : memref<32x16x16xf32, #tpu.memory_space<hbm>> -> memref<1x16x16xf32, #tpu.memory_space<hbm>>
      %dma_wait3A_126 = tpu.memref_squeeze %dma_wait3A_125 : memref<1x16x16xf32, #tpu.memory_space<hbm>> -> memref<16x16xf32, #tpu.memory_space<hbm>>
      %dma_wait3A_127 = arith.constant 0 : i32
      %dma_wait3A_128 = arith.constant 0 : i32
      %dma_wait3A_129 = tpu.memref_slice %arg5[%add3A, %dma_wait3A_127, %dma_wait3A_128] : memref<32x16x16xf32, #tpu.memory_space<hbm>> -> memref<1x16x16xf32, #tpu.memory_space<hbm>>
      %dma_wait3A_130 = tpu.memref_squeeze %dma_wait3A_129 : memref<1x16x16xf32, #tpu.memory_space<hbm>> -> memref<16x16xf32, #tpu.memory_space<hbm>>
      tpu.wait_dma2 semaphore(%run_scoped3A : memref<!tpu.dma_semaphore, #tpu.memory_space<semaphore_mem>>) src(%arg7 : memref<16x16xf32, #tpu.memory_space<vmem>>) dst(%dma_wait3A_130 : memref<16x16xf32, #tpu.memory_space<hbm>>)
      tpu.yield
    }) : () -> ()
    return
  }
}

#map = affine_map<(d0, d1) -> (0, 0)>
#map1 = affine_map<(d0, d1) -> (0)>
#map2 = affine_map<(d0, d1) -> (0, 0, 0)>
module attributes {stable_mosaic.version = 14 : i64} {
  func.func @agg(%arg0: i32, %arg1: i32, %arg2: memref<10000x128xf32, #tpu.memory_space<hbm>>, %arg3: memref<320000xi32, #tpu.memory_space<hbm>>, %arg4: memref<320000xi32, #tpu.memory_space<hbm>>, %arg5: memref<2x10240x128xf32, #tpu.memory_space<hbm>>, %arg6: memref<80x128xf32, #tpu.memory_space<vmem>>, %arg7: memref<80x128xf32, #tpu.memory_space<vmem>>, %arg8: memref<80x128xf32, #tpu.memory_space<vmem>>, %arg9: memref<80x128xf32, #tpu.memory_space<vmem>>, %arg10: memref<80xi32, #tpu.memory_space<vmem>>, %arg11: memref<80xi32, #tpu.memory_space<vmem>>, %arg12: memref<80xi32, #tpu.memory_space<vmem>>, %arg13: memref<80xi32, #tpu.memory_space<vmem>>, %arg14: memref<80xi32, #tpu.memory_space<vmem>>, %arg15: memref<80xi32, #tpu.memory_space<vmem>>, %arg16: memref<80xi32, #tpu.memory_space<vmem>>, %arg17: memref<80xi32, #tpu.memory_space<vmem>>, %arg18: memref<!tpu.dma_semaphore, #tpu.memory_space<semaphore_mem>>, %arg19: memref<!tpu.dma_semaphore, #tpu.memory_space<semaphore_mem>>, %arg20: memref<!tpu.dma_semaphore, #tpu.memory_space<semaphore_mem>>, %arg21: memref<!tpu.dma_semaphore, #tpu.memory_space<semaphore_mem>>, %arg22: memref<!tpu.dma_semaphore, #tpu.memory_space<semaphore_mem>>, %arg23: memref<!tpu.dma_semaphore, #tpu.memory_space<semaphore_mem>>, %arg24: memref<!tpu.dma_semaphore, #tpu.memory_space<semaphore_mem>>, %arg25: memref<!tpu.dma_semaphore, #tpu.memory_space<semaphore_mem>>, %arg26: memref<10240x128xf32, #tpu.memory_space<vmem_shared>>) attributes {dimension_semantics = [#tpu.dimension_semantics<core_parallel>, #tpu.dimension_semantics<subcore_parallel>], iteration_bounds = array<i64: 2, 16>, scalar_prefetch = 0 : i64, scratch_operands = 21 : i64, tpu.core_type = #tpu.core_type<sc_vector_subcore>, window_params = [{transform_indices = #map}, {transform_indices = #map1}, {transform_indices = #map1}, {transform_indices = #map2}]} {
    %mul3A = arith.constant 2 : i32
    %mul3A_0 = arith.muli %arg1, %mul3A : i32
    %add3A = arith.addi %mul3A_0, %arg0 : i32
    %scan3A = arith.constant 0 : i32
    %scan3A_1 = arith.constant 0 : i32
    %scan3A_2 = arith.constant 80 : i32
    %scan3A_3 = arith.addi %scan3A_1, %scan3A_2 : i32
    %scan3A_4 = arith.constant 1 : i32
    %scan3A_5 = scf.for %scan3A_108 = %scan3A_1 to %scan3A_3 step %scan3A_4 iter_args(%scan3A_109 = %scan3A) -> (i32)  : i32 {
      %broadcast_in_dim3A = arith.constant 0.000000e+00 : f32
      %broadcast_in_dim3A_110 = vector.broadcast %broadcast_in_dim3A : f32 to vector<16xf32>
      %swap3A = arith.index_cast %scan3A_108 : i32 to index
      %swap3A_111 = arith.constant 0 : index
      %swap3A_112 = tpu.vector_load %arg6[%swap3A, %swap3A_111] {strides = array<i32>} : memref<80x128xf32, #tpu.memory_space<vmem>>, vector<16xf32>,
      tpu.vector_store %arg6[%swap3A, %swap3A_111], %broadcast_in_dim3A_110 {strides = array<i32>} : memref<80x128xf32, #tpu.memory_space<vmem>>, vector<16xf32>,
      %broadcast_in_dim3A_113 = arith.constant 0.000000e+00 : f32
      %broadcast_in_dim3A_114 = vector.broadcast %broadcast_in_dim3A_113 : f32 to vector<16xf32>
      %swap3A_115 = arith.index_cast %scan3A_108 : i32 to index
      %swap3A_116 = arith.constant 16 : index
      %swap3A_117 = tpu.vector_load %arg6[%swap3A_115, %swap3A_116] {strides = array<i32>} : memref<80x128xf32, #tpu.memory_space<vmem>>, vector<16xf32>,
      tpu.vector_store %arg6[%swap3A_115, %swap3A_116], %broadcast_in_dim3A_114 {strides = array<i32>} : memref<80x128xf32, #tpu.memory_space<vmem>>, vector<16xf32>,
      %broadcast_in_dim3A_118 = arith.constant 0.000000e+00 : f32
      %broadcast_in_dim3A_119 = vector.broadcast %broadcast_in_dim3A_118 : f32 to vector<16xf32>
      %swap3A_120 = arith.index_cast %scan3A_108 : i32 to index
      %swap3A_121 = arith.constant 32 : index
      %swap3A_122 = tpu.vector_load %arg6[%swap3A_120, %swap3A_121] {strides = array<i32>} : memref<80x128xf32, #tpu.memory_space<vmem>>, vector<16xf32>,
      tpu.vector_store %arg6[%swap3A_120, %swap3A_121], %broadcast_in_dim3A_119 {strides = array<i32>} : memref<80x128xf32, #tpu.memory_space<vmem>>, vector<16xf32>,
      %broadcast_in_dim3A_123 = arith.constant 0.000000e+00 : f32
      %broadcast_in_dim3A_124 = vector.broadcast %broadcast_in_dim3A_123 : f32 to vector<16xf32>
      %swap3A_125 = arith.index_cast %scan3A_108 : i32 to index
      %swap3A_126 = arith.constant 48 : index
      %swap3A_127 = tpu.vector_load %arg6[%swap3A_125, %swap3A_126] {strides = array<i32>} : memref<80x128xf32, #tpu.memory_space<vmem>>, vector<16xf32>,
      tpu.vector_store %arg6[%swap3A_125, %swap3A_126], %broadcast_in_dim3A_124 {strides = array<i32>} : memref<80x128xf32, #tpu.memory_space<vmem>>, vector<16xf32>,
      %broadcast_in_dim3A_128 = arith.constant 0.000000e+00 : f32
      %broadcast_in_dim3A_129 = vector.broadcast %broadcast_in_dim3A_128 : f32 to vector<16xf32>
      %swap3A_130 = arith.index_cast %scan3A_108 : i32 to index
      %swap3A_131 = arith.constant 64 : index
      %swap3A_132 = tpu.vector_load %arg6[%swap3A_130, %swap3A_131] {strides = array<i32>} : memref<80x128xf32, #tpu.memory_space<vmem>>, vector<16xf32>,
      tpu.vector_store %arg6[%swap3A_130, %swap3A_131], %broadcast_in_dim3A_129 {strides = array<i32>} : memref<80x128xf32, #tpu.memory_space<vmem>>, vector<16xf32>,
      %broadcast_in_dim3A_133 = arith.constant 0.000000e+00 : f32
      %broadcast_in_dim3A_134 = vector.broadcast %broadcast_in_dim3A_133 : f32 to vector<16xf32>
      %swap3A_135 = arith.index_cast %scan3A_108 : i32 to index
      %swap3A_136 = arith.constant 80 : index
      %swap3A_137 = tpu.vector_load %arg6[%swap3A_135, %swap3A_136] {strides = array<i32>} : memref<80x128xf32, #tpu.memory_space<vmem>>, vector<16xf32>,
      tpu.vector_store %arg6[%swap3A_135, %swap3A_136], %broadcast_in_dim3A_134 {strides = array<i32>} : memref<80x128xf32, #tpu.memory_space<vmem>>, vector<16xf32>,
      %broadcast_in_dim3A_138 = arith.constant 0.000000e+00 : f32
      %broadcast_in_dim3A_139 = vector.broadcast %broadcast_in_dim3A_138 : f32 to vector<16xf32>
      %swap3A_140 = arith.index_cast %scan3A_108 : i32 to index
      %swap3A_141 = arith.constant 96 : index
      %swap3A_142 = tpu.vector_load %arg6[%swap3A_140, %swap3A_141] {strides = array<i32>} : memref<80x128xf32, #tpu.memory_space<vmem>>, vector<16xf32>,
      tpu.vector_store %arg6[%swap3A_140, %swap3A_141], %broadcast_in_dim3A_139 {strides = array<i32>} : memref<80x128xf32, #tpu.memory_space<vmem>>, vector<16xf32>,
      %broadcast_in_dim3A_143 = arith.constant 0.000000e+00 : f32
      %broadcast_in_dim3A_144 = vector.broadcast %broadcast_in_dim3A_143 : f32 to vector<16xf32>
      %swap3A_145 = arith.index_cast %scan3A_108 : i32 to index
      %swap3A_146 = arith.constant 112 : index
      %swap3A_147 = tpu.vector_load %arg6[%swap3A_145, %swap3A_146] {strides = array<i32>} : memref<80x128xf32, #tpu.memory_space<vmem>>, vector<16xf32>,
      tpu.vector_store %arg6[%swap3A_145, %swap3A_146], %broadcast_in_dim3A_144 {strides = array<i32>} : memref<80x128xf32, #tpu.memory_space<vmem>>, vector<16xf32>,
      %scan3A_148 = arith.constant 0 : i32
      scf.yield %scan3A_148 : i32
    }
    %scan3A_6 = arith.constant 80 : i32
    %mul3A_7 = arith.constant 640 : i32
    %mul3A_8 = arith.muli %arg1, %mul3A_7 : i32
    %add3A_9 = arith.constant 0 : i32
    %add3A_10 = arith.addi %mul3A_8, %add3A_9 : i32
    "tpu.region"() ({
      %run_scoped3A = tpu.sem_alloc : memref<!tpu.dma_semaphore, #tpu.memory_space<semaphore_mem>>
      %dma_start3A_108 = arith.constant 0 : i32
      %dma_start3A_109 = tpu.memref_slice %arg26[%add3A_10, %dma_start3A_108] : memref<10240x128xf32, #tpu.memory_space<vmem_shared>> -> memref<80x128xf32, #tpu.memory_space<vmem_shared>>
      %dma_start3A_110 = arith.constant 0 : i32
      %dma_start3A_111 = tpu.memref_slice %arg26[%add3A_10, %dma_start3A_110] : memref<10240x128xf32, #tpu.memory_space<vmem_shared>> -> memref<80x128xf32, #tpu.memory_space<vmem_shared>>
      tpu.enqueue_dma source(%arg6 : memref<80x128xf32, #tpu.memory_space<vmem>>) target(%dma_start3A_111 : memref<80x128xf32, #tpu.memory_space<vmem_shared>>) target_semaphore(%run_scoped3A : memref<!tpu.dma_semaphore, #tpu.memory_space<semaphore_mem>>)
      %dma_wait3A_112 = arith.constant 0 : i32
      %dma_wait3A_113 = tpu.memref_slice %arg26[%add3A_10, %dma_wait3A_112] : memref<10240x128xf32, #tpu.memory_space<vmem_shared>> -> memref<80x128xf32, #tpu.memory_space<vmem_shared>>
      %dma_wait3A_114 = arith.constant 0 : i32
      %dma_wait3A_115 = tpu.memref_slice %arg26[%add3A_10, %dma_wait3A_114] : memref<10240x128xf32, #tpu.memory_space<vmem_shared>> -> memref<80x128xf32, #tpu.memory_space<vmem_shared>>
      tpu.wait_dma2 semaphore(%run_scoped3A : memref<!tpu.dma_semaphore, #tpu.memory_space<semaphore_mem>>) src(%arg6 : memref<80x128xf32, #tpu.memory_space<vmem>>) dst(%dma_wait3A_115 : memref<80x128xf32, #tpu.memory_space<vmem_shared>>)
      tpu.yield
    }) : () -> ()
    %mul3A_11 = arith.constant 640 : i32
    %mul3A_12 = arith.muli %arg1, %mul3A_11 : i32
    %add3A_13 = arith.constant 80 : i32
    %add3A_14 = arith.addi %mul3A_12, %add3A_13 : i32
    "tpu.region"() ({
      %run_scoped3A = tpu.sem_alloc : memref<!tpu.dma_semaphore, #tpu.memory_space<semaphore_mem>>
      %dma_start3A_108 = arith.constant 0 : i32
      %dma_start3A_109 = tpu.memref_slice %arg26[%add3A_14, %dma_start3A_108] : memref<10240x128xf32, #tpu.memory_space<vmem_shared>> -> memref<80x128xf32, #tpu.memory_space<vmem_shared>>
      %dma_start3A_110 = arith.constant 0 : i32
      %dma_start3A_111 = tpu.memref_slice %arg26[%add3A_14, %dma_start3A_110] : memref<10240x128xf32, #tpu.memory_space<vmem_shared>> -> memref<80x128xf32, #tpu.memory_space<vmem_shared>>
      tpu.enqueue_dma source(%arg6 : memref<80x128xf32, #tpu.memory_space<vmem>>) target(%dma_start3A_111 : memref<80x128xf32, #tpu.memory_space<vmem_shared>>) target_semaphore(%run_scoped3A : memref<!tpu.dma_semaphore, #tpu.memory_space<semaphore_mem>>)
      %dma_wait3A_112 = arith.constant 0 : i32
      %dma_wait3A_113 = tpu.memref_slice %arg26[%add3A_14, %dma_wait3A_112] : memref<10240x128xf32, #tpu.memory_space<vmem_shared>> -> memref<80x128xf32, #tpu.memory_space<vmem_shared>>
      %dma_wait3A_114 = arith.constant 0 : i32
      %dma_wait3A_115 = tpu.memref_slice %arg26[%add3A_14, %dma_wait3A_114] : memref<10240x128xf32, #tpu.memory_space<vmem_shared>> -> memref<80x128xf32, #tpu.memory_space<vmem_shared>>
      tpu.wait_dma2 semaphore(%run_scoped3A : memref<!tpu.dma_semaphore, #tpu.memory_space<semaphore_mem>>) src(%arg6 : memref<80x128xf32, #tpu.memory_space<vmem>>) dst(%dma_wait3A_115 : memref<80x128xf32, #tpu.memory_space<vmem_shared>>)
      tpu.yield
    }) : () -> ()
    %mul3A_15 = arith.constant 640 : i32
    %mul3A_16 = arith.muli %arg1, %mul3A_15 : i32
    %add3A_17 = arith.constant 160 : i32
    %add3A_18 = arith.addi %mul3A_16, %add3A_17 : i32
    "tpu.region"() ({
      %run_scoped3A = tpu.sem_alloc : memref<!tpu.dma_semaphore, #tpu.memory_space<semaphore_mem>>
      %dma_start3A_108 = arith.constant 0 : i32
      %dma_start3A_109 = tpu.memref_slice %arg26[%add3A_18, %dma_start3A_108] : memref<10240x128xf32, #tpu.memory_space<vmem_shared>> -> memref<80x128xf32, #tpu.memory_space<vmem_shared>>
      %dma_start3A_110 = arith.constant 0 : i32
      %dma_start3A_111 = tpu.memref_slice %arg26[%add3A_18, %dma_start3A_110] : memref<10240x128xf32, #tpu.memory_space<vmem_shared>> -> memref<80x128xf32, #tpu.memory_space<vmem_shared>>
      tpu.enqueue_dma source(%arg6 : memref<80x128xf32, #tpu.memory_space<vmem>>) target(%dma_start3A_111 : memref<80x128xf32, #tpu.memory_space<vmem_shared>>) target_semaphore(%run_scoped3A : memref<!tpu.dma_semaphore, #tpu.memory_space<semaphore_mem>>)
      %dma_wait3A_112 = arith.constant 0 : i32
      %dma_wait3A_113 = tpu.memref_slice %arg26[%add3A_18, %dma_wait3A_112] : memref<10240x128xf32, #tpu.memory_space<vmem_shared>> -> memref<80x128xf32, #tpu.memory_space<vmem_shared>>
      %dma_wait3A_114 = arith.constant 0 : i32
      %dma_wait3A_115 = tpu.memref_slice %arg26[%add3A_18, %dma_wait3A_114] : memref<10240x128xf32, #tpu.memory_space<vmem_shared>> -> memref<80x128xf32, #tpu.memory_space<vmem_shared>>
      tpu.wait_dma2 semaphore(%run_scoped3A : memref<!tpu.dma_semaphore, #tpu.memory_space<semaphore_mem>>) src(%arg6 : memref<80x128xf32, #tpu.memory_space<vmem>>) dst(%dma_wait3A_115 : memref<80x128xf32, #tpu.memory_space<vmem_shared>>)
      tpu.yield
    }) : () -> ()
    %mul3A_19 = arith.constant 640 : i32
    %mul3A_20 = arith.muli %arg1, %mul3A_19 : i32
    %add3A_21 = arith.constant 240 : i32
    %add3A_22 = arith.addi %mul3A_20, %add3A_21 : i32
    "tpu.region"() ({
      %run_scoped3A = tpu.sem_alloc : memref<!tpu.dma_semaphore, #tpu.memory_space<semaphore_mem>>
      %dma_start3A_108 = arith.constant 0 : i32
      %dma_start3A_109 = tpu.memref_slice %arg26[%add3A_22, %dma_start3A_108] : memref<10240x128xf32, #tpu.memory_space<vmem_shared>> -> memref<80x128xf32, #tpu.memory_space<vmem_shared>>
      %dma_start3A_110 = arith.constant 0 : i32
      %dma_start3A_111 = tpu.memref_slice %arg26[%add3A_22, %dma_start3A_110] : memref<10240x128xf32, #tpu.memory_space<vmem_shared>> -> memref<80x128xf32, #tpu.memory_space<vmem_shared>>
      tpu.enqueue_dma source(%arg6 : memref<80x128xf32, #tpu.memory_space<vmem>>) target(%dma_start3A_111 : memref<80x128xf32, #tpu.memory_space<vmem_shared>>) target_semaphore(%run_scoped3A : memref<!tpu.dma_semaphore, #tpu.memory_space<semaphore_mem>>)
      %dma_wait3A_112 = arith.constant 0 : i32
      %dma_wait3A_113 = tpu.memref_slice %arg26[%add3A_22, %dma_wait3A_112] : memref<10240x128xf32, #tpu.memory_space<vmem_shared>> -> memref<80x128xf32, #tpu.memory_space<vmem_shared>>
      %dma_wait3A_114 = arith.constant 0 : i32
      %dma_wait3A_115 = tpu.memref_slice %arg26[%add3A_22, %dma_wait3A_114] : memref<10240x128xf32, #tpu.memory_space<vmem_shared>> -> memref<80x128xf32, #tpu.memory_space<vmem_shared>>
      tpu.wait_dma2 semaphore(%run_scoped3A : memref<!tpu.dma_semaphore, #tpu.memory_space<semaphore_mem>>) src(%arg6 : memref<80x128xf32, #tpu.memory_space<vmem>>) dst(%dma_wait3A_115 : memref<80x128xf32, #tpu.memory_space<vmem_shared>>)
      tpu.yield
    }) : () -> ()
    %mul3A_23 = arith.constant 640 : i32
    %mul3A_24 = arith.muli %arg1, %mul3A_23 : i32
    %add3A_25 = arith.constant 320 : i32
    %add3A_26 = arith.addi %mul3A_24, %add3A_25 : i32
    "tpu.region"() ({
      %run_scoped3A = tpu.sem_alloc : memref<!tpu.dma_semaphore, #tpu.memory_space<semaphore_mem>>
      %dma_start3A_108 = arith.constant 0 : i32
      %dma_start3A_109 = tpu.memref_slice %arg26[%add3A_26, %dma_start3A_108] : memref<10240x128xf32, #tpu.memory_space<vmem_shared>> -> memref<80x128xf32, #tpu.memory_space<vmem_shared>>
      %dma_start3A_110 = arith.constant 0 : i32
      %dma_start3A_111 = tpu.memref_slice %arg26[%add3A_26, %dma_start3A_110] : memref<10240x128xf32, #tpu.memory_space<vmem_shared>> -> memref<80x128xf32, #tpu.memory_space<vmem_shared>>
      tpu.enqueue_dma source(%arg6 : memref<80x128xf32, #tpu.memory_space<vmem>>) target(%dma_start3A_111 : memref<80x128xf32, #tpu.memory_space<vmem_shared>>) target_semaphore(%run_scoped3A : memref<!tpu.dma_semaphore, #tpu.memory_space<semaphore_mem>>)
      %dma_wait3A_112 = arith.constant 0 : i32
      %dma_wait3A_113 = tpu.memref_slice %arg26[%add3A_26, %dma_wait3A_112] : memref<10240x128xf32, #tpu.memory_space<vmem_shared>> -> memref<80x128xf32, #tpu.memory_space<vmem_shared>>
      %dma_wait3A_114 = arith.constant 0 : i32
      %dma_wait3A_115 = tpu.memref_slice %arg26[%add3A_26, %dma_wait3A_114] : memref<10240x128xf32, #tpu.memory_space<vmem_shared>> -> memref<80x128xf32, #tpu.memory_space<vmem_shared>>
      tpu.wait_dma2 semaphore(%run_scoped3A : memref<!tpu.dma_semaphore, #tpu.memory_space<semaphore_mem>>) src(%arg6 : memref<80x128xf32, #tpu.memory_space<vmem>>) dst(%dma_wait3A_115 : memref<80x128xf32, #tpu.memory_space<vmem_shared>>)
      tpu.yield
    }) : () -> ()
    %mul3A_27 = arith.constant 640 : i32
    %mul3A_28 = arith.muli %arg1, %mul3A_27 : i32
    %add3A_29 = arith.constant 400 : i32
    %add3A_30 = arith.addi %mul3A_28, %add3A_29 : i32
    "tpu.region"() ({
      %run_scoped3A = tpu.sem_alloc : memref<!tpu.dma_semaphore, #tpu.memory_space<semaphore_mem>>
      %dma_start3A_108 = arith.constant 0 : i32
      %dma_start3A_109 = tpu.memref_slice %arg26[%add3A_30, %dma_start3A_108] : memref<10240x128xf32, #tpu.memory_space<vmem_shared>> -> memref<80x128xf32, #tpu.memory_space<vmem_shared>>
      %dma_start3A_110 = arith.constant 0 : i32
      %dma_start3A_111 = tpu.memref_slice %arg26[%add3A_30, %dma_start3A_110] : memref<10240x128xf32, #tpu.memory_space<vmem_shared>> -> memref<80x128xf32, #tpu.memory_space<vmem_shared>>
      tpu.enqueue_dma source(%arg6 : memref<80x128xf32, #tpu.memory_space<vmem>>) target(%dma_start3A_111 : memref<80x128xf32, #tpu.memory_space<vmem_shared>>) target_semaphore(%run_scoped3A : memref<!tpu.dma_semaphore, #tpu.memory_space<semaphore_mem>>)
      %dma_wait3A_112 = arith.constant 0 : i32
      %dma_wait3A_113 = tpu.memref_slice %arg26[%add3A_30, %dma_wait3A_112] : memref<10240x128xf32, #tpu.memory_space<vmem_shared>> -> memref<80x128xf32, #tpu.memory_space<vmem_shared>>
      %dma_wait3A_114 = arith.constant 0 : i32
      %dma_wait3A_115 = tpu.memref_slice %arg26[%add3A_30, %dma_wait3A_114] : memref<10240x128xf32, #tpu.memory_space<vmem_shared>> -> memref<80x128xf32, #tpu.memory_space<vmem_shared>>
      tpu.wait_dma2 semaphore(%run_scoped3A : memref<!tpu.dma_semaphore, #tpu.memory_space<semaphore_mem>>) src(%arg6 : memref<80x128xf32, #tpu.memory_space<vmem>>) dst(%dma_wait3A_115 : memref<80x128xf32, #tpu.memory_space<vmem_shared>>)
      tpu.yield
    }) : () -> ()
    %mul3A_31 = arith.constant 640 : i32
    %mul3A_32 = arith.muli %arg1, %mul3A_31 : i32
    %add3A_33 = arith.constant 480 : i32
    %add3A_34 = arith.addi %mul3A_32, %add3A_33 : i32
    "tpu.region"() ({
      %run_scoped3A = tpu.sem_alloc : memref<!tpu.dma_semaphore, #tpu.memory_space<semaphore_mem>>
      %dma_start3A_108 = arith.constant 0 : i32
      %dma_start3A_109 = tpu.memref_slice %arg26[%add3A_34, %dma_start3A_108] : memref<10240x128xf32, #tpu.memory_space<vmem_shared>> -> memref<80x128xf32, #tpu.memory_space<vmem_shared>>
      %dma_start3A_110 = arith.constant 0 : i32
      %dma_start3A_111 = tpu.memref_slice %arg26[%add3A_34, %dma_start3A_110] : memref<10240x128xf32, #tpu.memory_space<vmem_shared>> -> memref<80x128xf32, #tpu.memory_space<vmem_shared>>
      tpu.enqueue_dma source(%arg6 : memref<80x128xf32, #tpu.memory_space<vmem>>) target(%dma_start3A_111 : memref<80x128xf32, #tpu.memory_space<vmem_shared>>) target_semaphore(%run_scoped3A : memref<!tpu.dma_semaphore, #tpu.memory_space<semaphore_mem>>)
      %dma_wait3A_112 = arith.constant 0 : i32
      %dma_wait3A_113 = tpu.memref_slice %arg26[%add3A_34, %dma_wait3A_112] : memref<10240x128xf32, #tpu.memory_space<vmem_shared>> -> memref<80x128xf32, #tpu.memory_space<vmem_shared>>
      %dma_wait3A_114 = arith.constant 0 : i32
      %dma_wait3A_115 = tpu.memref_slice %arg26[%add3A_34, %dma_wait3A_114] : memref<10240x128xf32, #tpu.memory_space<vmem_shared>> -> memref<80x128xf32, #tpu.memory_space<vmem_shared>>
      tpu.wait_dma2 semaphore(%run_scoped3A : memref<!tpu.dma_semaphore, #tpu.memory_space<semaphore_mem>>) src(%arg6 : memref<80x128xf32, #tpu.memory_space<vmem>>) dst(%dma_wait3A_115 : memref<80x128xf32, #tpu.memory_space<vmem_shared>>)
      tpu.yield
    }) : () -> ()
    %mul3A_35 = arith.constant 640 : i32
    %mul3A_36 = arith.muli %arg1, %mul3A_35 : i32
    %add3A_37 = arith.constant 560 : i32
    %add3A_38 = arith.addi %mul3A_36, %add3A_37 : i32
    "tpu.region"() ({
      %run_scoped3A = tpu.sem_alloc : memref<!tpu.dma_semaphore, #tpu.memory_space<semaphore_mem>>
      %dma_start3A_108 = arith.constant 0 : i32
      %dma_start3A_109 = tpu.memref_slice %arg26[%add3A_38, %dma_start3A_108] : memref<10240x128xf32, #tpu.memory_space<vmem_shared>> -> memref<80x128xf32, #tpu.memory_space<vmem_shared>>
      %dma_start3A_110 = arith.constant 0 : i32
      %dma_start3A_111 = tpu.memref_slice %arg26[%add3A_38, %dma_start3A_110] : memref<10240x128xf32, #tpu.memory_space<vmem_shared>> -> memref<80x128xf32, #tpu.memory_space<vmem_shared>>
      tpu.enqueue_dma source(%arg6 : memref<80x128xf32, #tpu.memory_space<vmem>>) target(%dma_start3A_111 : memref<80x128xf32, #tpu.memory_space<vmem_shared>>) target_semaphore(%run_scoped3A : memref<!tpu.dma_semaphore, #tpu.memory_space<semaphore_mem>>)
      %dma_wait3A_112 = arith.constant 0 : i32
      %dma_wait3A_113 = tpu.memref_slice %arg26[%add3A_38, %dma_wait3A_112] : memref<10240x128xf32, #tpu.memory_space<vmem_shared>> -> memref<80x128xf32, #tpu.memory_space<vmem_shared>>
      %dma_wait3A_114 = arith.constant 0 : i32
      %dma_wait3A_115 = tpu.memref_slice %arg26[%add3A_38, %dma_wait3A_114] : memref<10240x128xf32, #tpu.memory_space<vmem_shared>> -> memref<80x128xf32, #tpu.memory_space<vmem_shared>>
      tpu.wait_dma2 semaphore(%run_scoped3A : memref<!tpu.dma_semaphore, #tpu.memory_space<semaphore_mem>>) src(%arg6 : memref<80x128xf32, #tpu.memory_space<vmem>>) dst(%dma_wait3A_115 : memref<80x128xf32, #tpu.memory_space<vmem_shared>>)
      tpu.yield
    }) : () -> ()
    %barrier3A = arith.constant 0 : index
    tpu.barrier barrier_id(%barrier3A)
    %mul3A_39 = arith.constant 10000 : i32
    %mul3A_40 = arith.muli %add3A, %mul3A_39 : i32
    %add3A_41 = arith.constant 0 : i32
    %add3A_42 = arith.addi %mul3A_40, %add3A_41 : i32
    "tpu.region"() ({
      %run_scoped3A = tpu.sem_alloc : memref<!tpu.dma_semaphore, #tpu.memory_space<semaphore_mem>>
      %dma_start3A_108 = tpu.memref_slice %arg3[%add3A_42] : memref<320000xi32, #tpu.memory_space<hbm>> -> memref<80xi32, #tpu.memory_space<hbm>>
      %dma_start3A_109 = tpu.memref_slice %arg3[%add3A_42] : memref<320000xi32, #tpu.memory_space<hbm>> -> memref<80xi32, #tpu.memory_space<hbm>>
      tpu.enqueue_dma source(%dma_start3A_109 : memref<80xi32, #tpu.memory_space<hbm>>) target(%arg10 : memref<80xi32, #tpu.memory_space<vmem>>) target_semaphore(%run_scoped3A : memref<!tpu.dma_semaphore, #tpu.memory_space<semaphore_mem>>)
      %dma_wait3A_110 = tpu.memref_slice %arg3[%add3A_42] : memref<320000xi32, #tpu.memory_space<hbm>> -> memref<80xi32, #tpu.memory_space<hbm>>
      %dma_wait3A_111 = tpu.memref_slice %arg3[%add3A_42] : memref<320000xi32, #tpu.memory_space<hbm>> -> memref<80xi32, #tpu.memory_space<hbm>>
      tpu.wait_dma2 semaphore(%run_scoped3A : memref<!tpu.dma_semaphore, #tpu.memory_space<semaphore_mem>>) src(%dma_wait3A_111 : memref<80xi32, #tpu.memory_space<hbm>>) dst(%arg10 : memref<80xi32, #tpu.memory_space<vmem>>)
      tpu.yield
    }) : () -> ()
    %add3A_43 = arith.constant 0 : i32
    %add3A_44 = arith.addi %mul3A_40, %add3A_43 : i32
    "tpu.region"() ({
      %run_scoped3A = tpu.sem_alloc : memref<!tpu.dma_semaphore, #tpu.memory_space<semaphore_mem>>
      %dma_start3A_108 = tpu.memref_slice %arg4[%add3A_44] : memref<320000xi32, #tpu.memory_space<hbm>> -> memref<80xi32, #tpu.memory_space<hbm>>
      %dma_start3A_109 = tpu.memref_slice %arg4[%add3A_44] : memref<320000xi32, #tpu.memory_space<hbm>> -> memref<80xi32, #tpu.memory_space<hbm>>
      tpu.enqueue_dma source(%dma_start3A_109 : memref<80xi32, #tpu.memory_space<hbm>>) target(%arg14 : memref<80xi32, #tpu.memory_space<vmem>>) target_semaphore(%run_scoped3A : memref<!tpu.dma_semaphore, #tpu.memory_space<semaphore_mem>>)
      %dma_wait3A_110 = tpu.memref_slice %arg4[%add3A_44] : memref<320000xi32, #tpu.memory_space<hbm>> -> memref<80xi32, #tpu.memory_space<hbm>>
      %dma_wait3A_111 = tpu.memref_slice %arg4[%add3A_44] : memref<320000xi32, #tpu.memory_space<hbm>> -> memref<80xi32, #tpu.memory_space<hbm>>
      tpu.wait_dma2 semaphore(%run_scoped3A : memref<!tpu.dma_semaphore, #tpu.memory_space<semaphore_mem>>) src(%dma_wait3A_111 : memref<80xi32, #tpu.memory_space<hbm>>) dst(%arg14 : memref<80xi32, #tpu.memory_space<vmem>>)
      tpu.yield
    }) : () -> ()
    %dma_start3A = arith.constant 0 : i32
    %dma_start3A_45 = arith.constant 0 : i32
    %dma_start3A_46 = tpu.memref_slice %arg2[%dma_start3A, %dma_start3A_45] : memref<10000x128xf32, #tpu.memory_space<hbm>> -> memref<10000x128xf32, #tpu.memory_space<hbm>>
    tpu.enqueue_indirect_dma source(%dma_start3A_46 : memref<10000x128xf32, #tpu.memory_space<hbm>>) target(%arg6 : memref<80x128xf32, #tpu.memory_space<vmem>>) offsets(%arg10 : memref<80xi32, #tpu.memory_space<vmem>>) semaphore(%arg18 : memref<!tpu.dma_semaphore, #tpu.memory_space<semaphore_mem>>)
    %add3A_47 = arith.constant 80 : i32
    %add3A_48 = arith.addi %mul3A_40, %add3A_47 : i32
    "tpu.region"() ({
      %run_scoped3A = tpu.sem_alloc : memref<!tpu.dma_semaphore, #tpu.memory_space<semaphore_mem>>
      %dma_start3A_108 = tpu.memref_slice %arg3[%add3A_48] : memref<320000xi32, #tpu.memory_space<hbm>> -> memref<80xi32, #tpu.memory_space<hbm>>
      %dma_start3A_109 = tpu.memref_slice %arg3[%add3A_48] : memref<320000xi32, #tpu.memory_space<hbm>> -> memref<80xi32, #tpu.memory_space<hbm>>
      tpu.enqueue_dma source(%dma_start3A_109 : memref<80xi32, #tpu.memory_space<hbm>>) target(%arg11 : memref<80xi32, #tpu.memory_space<vmem>>) target_semaphore(%run_scoped3A : memref<!tpu.dma_semaphore, #tpu.memory_space<semaphore_mem>>)
      %dma_wait3A_110 = tpu.memref_slice %arg3[%add3A_48] : memref<320000xi32, #tpu.memory_space<hbm>> -> memref<80xi32, #tpu.memory_space<hbm>>
      %dma_wait3A_111 = tpu.memref_slice %arg3[%add3A_48] : memref<320000xi32, #tpu.memory_space<hbm>> -> memref<80xi32, #tpu.memory_space<hbm>>
      tpu.wait_dma2 semaphore(%run_scoped3A : memref<!tpu.dma_semaphore, #tpu.memory_space<semaphore_mem>>) src(%dma_wait3A_111 : memref<80xi32, #tpu.memory_space<hbm>>) dst(%arg11 : memref<80xi32, #tpu.memory_space<vmem>>)
      tpu.yield
    }) : () -> ()
    %add3A_49 = arith.constant 80 : i32
    %add3A_50 = arith.addi %mul3A_40, %add3A_49 : i32
    "tpu.region"() ({
      %run_scoped3A = tpu.sem_alloc : memref<!tpu.dma_semaphore, #tpu.memory_space<semaphore_mem>>
      %dma_start3A_108 = tpu.memref_slice %arg4[%add3A_50] : memref<320000xi32, #tpu.memory_space<hbm>> -> memref<80xi32, #tpu.memory_space<hbm>>
      %dma_start3A_109 = tpu.memref_slice %arg4[%add3A_50] : memref<320000xi32, #tpu.memory_space<hbm>> -> memref<80xi32, #tpu.memory_space<hbm>>
      tpu.enqueue_dma source(%dma_start3A_109 : memref<80xi32, #tpu.memory_space<hbm>>) target(%arg15 : memref<80xi32, #tpu.memory_space<vmem>>) target_semaphore(%run_scoped3A : memref<!tpu.dma_semaphore, #tpu.memory_space<semaphore_mem>>)
      %dma_wait3A_110 = tpu.memref_slice %arg4[%add3A_50] : memref<320000xi32, #tpu.memory_space<hbm>> -> memref<80xi32, #tpu.memory_space<hbm>>
      %dma_wait3A_111 = tpu.memref_slice %arg4[%add3A_50] : memref<320000xi32, #tpu.memory_space<hbm>> -> memref<80xi32, #tpu.memory_space<hbm>>
      tpu.wait_dma2 semaphore(%run_scoped3A : memref<!tpu.dma_semaphore, #tpu.memory_space<semaphore_mem>>) src(%dma_wait3A_111 : memref<80xi32, #tpu.memory_space<hbm>>) dst(%arg15 : memref<80xi32, #tpu.memory_space<vmem>>)
      tpu.yield
    }) : () -> ()
    %dma_start3A_51 = arith.constant 0 : i32
    %dma_start3A_52 = arith.constant 0 : i32
    %dma_start3A_53 = tpu.memref_slice %arg2[%dma_start3A_51, %dma_start3A_52] : memref<10000x128xf32, #tpu.memory_space<hbm>> -> memref<10000x128xf32, #tpu.memory_space<hbm>>
    tpu.enqueue_indirect_dma source(%dma_start3A_53 : memref<10000x128xf32, #tpu.memory_space<hbm>>) target(%arg7 : memref<80x128xf32, #tpu.memory_space<vmem>>) offsets(%arg11 : memref<80xi32, #tpu.memory_space<vmem>>) semaphore(%arg19 : memref<!tpu.dma_semaphore, #tpu.memory_space<semaphore_mem>>)
    %scan3A_54 = arith.constant 0 : i32
    %scan3A_55 = arith.constant 0 : i32
    %scan3A_56 = arith.constant 31 : i32
    %scan3A_57 = arith.addi %scan3A_55, %scan3A_56 : i32
    %scan3A_58 = arith.constant 1 : i32
    %scan3A_59 = scf.for %scan3A_108 = %scan3A_55 to %scan3A_57 step %scan3A_58 iter_args(%scan3A_109 = %scan3A_54) -> (i32)  : i32 {
      %mul3A_110 = arith.constant 4 : i32
      %mul3A_111 = arith.muli %scan3A_108, %mul3A_110 : i32
      %add3A_112 = arith.constant 0 : i32
      %add3A_113 = arith.addi %mul3A_111, %add3A_112 : i32
      %dma_wait3A_114 = arith.constant 0 : i32
      %dma_wait3A_115 = arith.constant 0 : i32
      %dma_wait3A_116 = tpu.memref_slice %arg2[%dma_wait3A_114, %dma_wait3A_115] : memref<10000x128xf32, #tpu.memory_space<hbm>> -> memref<10000x128xf32, #tpu.memory_space<hbm>>
      tpu.wait_indirect_dma semaphore(%arg18 : memref<!tpu.dma_semaphore, #tpu.memory_space<semaphore_mem>>) src(%dma_wait3A_116 : memref<10000x128xf32, #tpu.memory_space<hbm>>) dst(%arg6 : memref<80x128xf32, #tpu.memory_space<vmem>>)
      %dma_start3A_117 = arith.constant 0 : i32
      %dma_start3A_118 = arith.constant 0 : i32
      %dma_start3A_119 = tpu.memref_slice %arg26[%dma_start3A_117, %dma_start3A_118] : memref<10240x128xf32, #tpu.memory_space<vmem_shared>> -> memref<10240x128xf32, #tpu.memory_space<vmem_shared>>
      tpu.enqueue_indirect_dma source(%arg6 : memref<80x128xf32, #tpu.memory_space<vmem>>) target(%dma_start3A_119 : memref<10240x128xf32, #tpu.memory_space<vmem_shared>>) offsets(%arg14 : memref<80xi32, #tpu.memory_space<vmem>>) semaphore(%arg22 : memref<!tpu.dma_semaphore, #tpu.memory_space<semaphore_mem>>) {add = true}
      %ge3A = arith.constant 2 : i32
      %ge3A_120 = arith.cmpi sge, %add3A_113, %ge3A : i32
      %convert_element_type3A = arith.extui %ge3A_120 : i1 to i32
      %cond3A = arith.constant 0 : i32
      %cond3A_121 = arith.cmpi ne, %convert_element_type3A, %cond3A : i32
      scf.if %cond3A_121 {
        %dma_wait3A_181 = arith.constant 0 : i32
        %dma_wait3A_182 = arith.constant 0 : i32
        %dma_wait3A_183 = tpu.memref_slice %arg26[%dma_wait3A_181, %dma_wait3A_182] : memref<10240x128xf32, #tpu.memory_space<vmem_shared>> -> memref<10240x128xf32, #tpu.memory_space<vmem_shared>>
        tpu.wait_indirect_dma semaphore(%arg24 : memref<!tpu.dma_semaphore, #tpu.memory_space<semaphore_mem>>) src(%arg8 : memref<80x128xf32, #tpu.memory_space<vmem>>) dst(%dma_wait3A_183 : memref<10240x128xf32, #tpu.memory_space<vmem_shared>>)
      } else {
      }
      %le3A = arith.constant 122 : i32
      %le3A_122 = arith.cmpi sle, %add3A_113, %le3A : i32
      %convert_element_type3A_123 = arith.extui %le3A_122 : i1 to i32
      %cond3A_124 = arith.constant 0 : i32
      %cond3A_125 = arith.cmpi ne, %convert_element_type3A_123, %cond3A_124 : i32
      scf.if %cond3A_125 {
        %add3A_181 = arith.constant 2 : i32
        %add3A_182 = arith.addi %add3A_113, %add3A_181 : i32
        %mul3A_183 = arith.constant 80 : i32
        %mul3A_184 = arith.muli %add3A_182, %mul3A_183 : i32
        %add3A_185 = arith.addi %mul3A_40, %mul3A_184 : i32
        "tpu.region"() ({
          %run_scoped3A = tpu.sem_alloc : memref<!tpu.dma_semaphore, #tpu.memory_space<semaphore_mem>>
          %dma_start3A_192 = tpu.memref_slice %arg3[%add3A_185] : memref<320000xi32, #tpu.memory_space<hbm>> -> memref<80xi32, #tpu.memory_space<hbm>>
          %dma_start3A_193 = tpu.memref_slice %arg3[%add3A_185] : memref<320000xi32, #tpu.memory_space<hbm>> -> memref<80xi32, #tpu.memory_space<hbm>>
          tpu.enqueue_dma source(%dma_start3A_193 : memref<80xi32, #tpu.memory_space<hbm>>) target(%arg12 : memref<80xi32, #tpu.memory_space<vmem>>) target_semaphore(%run_scoped3A : memref<!tpu.dma_semaphore, #tpu.memory_space<semaphore_mem>>)
          %dma_wait3A_194 = tpu.memref_slice %arg3[%add3A_185] : memref<320000xi32, #tpu.memory_space<hbm>> -> memref<80xi32, #tpu.memory_space<hbm>>
          %dma_wait3A_195 = tpu.memref_slice %arg3[%add3A_185] : memref<320000xi32, #tpu.memory_space<hbm>> -> memref<80xi32, #tpu.memory_space<hbm>>
          tpu.wait_dma2 semaphore(%run_scoped3A : memref<!tpu.dma_semaphore, #tpu.memory_space<semaphore_mem>>) src(%dma_wait3A_195 : memref<80xi32, #tpu.memory_space<hbm>>) dst(%arg12 : memref<80xi32, #tpu.memory_space<vmem>>)
          tpu.yield
        }) : () -> ()
        %mul3A_186 = arith.constant 80 : i32
        %mul3A_187 = arith.muli %add3A_182, %mul3A_186 : i32
        %add3A_188 = arith.addi %mul3A_40, %mul3A_187 : i32
        "tpu.region"() ({
          %run_scoped3A = tpu.sem_alloc : memref<!tpu.dma_semaphore, #tpu.memory_space<semaphore_mem>>
          %dma_start3A_192 = tpu.memref_slice %arg4[%add3A_188] : memref<320000xi32, #tpu.memory_space<hbm>> -> memref<80xi32, #tpu.memory_space<hbm>>
          %dma_start3A_193 = tpu.memref_slice %arg4[%add3A_188] : memref<320000xi32, #tpu.memory_space<hbm>> -> memref<80xi32, #tpu.memory_space<hbm>>
          tpu.enqueue_dma source(%dma_start3A_193 : memref<80xi32, #tpu.memory_space<hbm>>) target(%arg16 : memref<80xi32, #tpu.memory_space<vmem>>) target_semaphore(%run_scoped3A : memref<!tpu.dma_semaphore, #tpu.memory_space<semaphore_mem>>)
          %dma_wait3A_194 = tpu.memref_slice %arg4[%add3A_188] : memref<320000xi32, #tpu.memory_space<hbm>> -> memref<80xi32, #tpu.memory_space<hbm>>
          %dma_wait3A_195 = tpu.memref_slice %arg4[%add3A_188] : memref<320000xi32, #tpu.memory_space<hbm>> -> memref<80xi32, #tpu.memory_space<hbm>>
          tpu.wait_dma2 semaphore(%run_scoped3A : memref<!tpu.dma_semaphore, #tpu.memory_space<semaphore_mem>>) src(%dma_wait3A_195 : memref<80xi32, #tpu.memory_space<hbm>>) dst(%arg16 : memref<80xi32, #tpu.memory_space<vmem>>)
          tpu.yield
        }) : () -> ()
        %dma_start3A_189 = arith.constant 0 : i32
        %dma_start3A_190 = arith.constant 0 : i32
        %dma_start3A_191 = tpu.memref_slice %arg2[%dma_start3A_189, %dma_start3A_190] : memref<10000x128xf32, #tpu.memory_space<hbm>> -> memref<10000x128xf32, #tpu.memory_space<hbm>>
        tpu.enqueue_indirect_dma source(%dma_start3A_191 : memref<10000x128xf32, #tpu.memory_space<hbm>>) target(%arg8 : memref<80x128xf32, #tpu.memory_space<vmem>>) offsets(%arg12 : memref<80xi32, #tpu.memory_space<vmem>>) semaphore(%arg20 : memref<!tpu.dma_semaphore, #tpu.memory_space<semaphore_mem>>)
      } else {
      }
      %add3A_126 = arith.constant 1 : i32
      %add3A_127 = arith.addi %mul3A_111, %add3A_126 : i32
      %dma_wait3A_128 = arith.constant 0 : i32
      %dma_wait3A_129 = arith.constant 0 : i32
      %dma_wait3A_130 = tpu.memref_slice %arg2[%dma_wait3A_128, %dma_wait3A_129] : memref<10000x128xf32, #tpu.memory_space<hbm>> -> memref<10000x128xf32, #tpu.memory_space<hbm>>
      tpu.wait_indirect_dma semaphore(%arg19 : memref<!tpu.dma_semaphore, #tpu.memory_space<semaphore_mem>>) src(%dma_wait3A_130 : memref<10000x128xf32, #tpu.memory_space<hbm>>) dst(%arg7 : memref<80x128xf32, #tpu.memory_space<vmem>>)
      %dma_start3A_131 = arith.constant 0 : i32
      %dma_start3A_132 = arith.constant 0 : i32
      %dma_start3A_133 = tpu.memref_slice %arg26[%dma_start3A_131, %dma_start3A_132] : memref<10240x128xf32, #tpu.memory_space<vmem_shared>> -> memref<10240x128xf32, #tpu.memory_space<vmem_shared>>
      tpu.enqueue_indirect_dma source(%arg7 : memref<80x128xf32, #tpu.memory_space<vmem>>) target(%dma_start3A_133 : memref<10240x128xf32, #tpu.memory_space<vmem_shared>>) offsets(%arg15 : memref<80xi32, #tpu.memory_space<vmem>>) semaphore(%arg23 : memref<!tpu.dma_semaphore, #tpu.memory_space<semaphore_mem>>) {add = true}
      %ge3A_134 = arith.constant 2 : i32
      %ge3A_135 = arith.cmpi sge, %add3A_127, %ge3A_134 : i32
      %convert_element_type3A_136 = arith.extui %ge3A_135 : i1 to i32
      %cond3A_137 = arith.constant 0 : i32
      %cond3A_138 = arith.cmpi ne, %convert_element_type3A_136, %cond3A_137 : i32
      scf.if %cond3A_138 {
        %dma_wait3A_181 = arith.constant 0 : i32
        %dma_wait3A_182 = arith.constant 0 : i32
        %dma_wait3A_183 = tpu.memref_slice %arg26[%dma_wait3A_181, %dma_wait3A_182] : memref<10240x128xf32, #tpu.memory_space<vmem_shared>> -> memref<10240x128xf32, #tpu.memory_space<vmem_shared>>
        tpu.wait_indirect_dma semaphore(%arg25 : memref<!tpu.dma_semaphore, #tpu.memory_space<semaphore_mem>>) src(%arg9 : memref<80x128xf32, #tpu.memory_space<vmem>>) dst(%dma_wait3A_183 : memref<10240x128xf32, #tpu.memory_space<vmem_shared>>)
      } else {
      }
      %le3A_139 = arith.constant 122 : i32
      %le3A_140 = arith.cmpi sle, %add3A_127, %le3A_139 : i32
      %convert_element_type3A_141 = arith.extui %le3A_140 : i1 to i32
      %cond3A_142 = arith.constant 0 : i32
      %cond3A_143 = arith.cmpi ne, %convert_element_type3A_141, %cond3A_142 : i32
      scf.if %cond3A_143 {
        %add3A_181 = arith.constant 2 : i32
        %add3A_182 = arith.addi %add3A_127, %add3A_181 : i32
        %mul3A_183 = arith.constant 80 : i32
        %mul3A_184 = arith.muli %add3A_182, %mul3A_183 : i32
        %add3A_185 = arith.addi %mul3A_40, %mul3A_184 : i32
        "tpu.region"() ({
          %run_scoped3A = tpu.sem_alloc : memref<!tpu.dma_semaphore, #tpu.memory_space<semaphore_mem>>
          %dma_start3A_192 = tpu.memref_slice %arg3[%add3A_185] : memref<320000xi32, #tpu.memory_space<hbm>> -> memref<80xi32, #tpu.memory_space<hbm>>
          %dma_start3A_193 = tpu.memref_slice %arg3[%add3A_185] : memref<320000xi32, #tpu.memory_space<hbm>> -> memref<80xi32, #tpu.memory_space<hbm>>
          tpu.enqueue_dma source(%dma_start3A_193 : memref<80xi32, #tpu.memory_space<hbm>>) target(%arg13 : memref<80xi32, #tpu.memory_space<vmem>>) target_semaphore(%run_scoped3A : memref<!tpu.dma_semaphore, #tpu.memory_space<semaphore_mem>>)
          %dma_wait3A_194 = tpu.memref_slice %arg3[%add3A_185] : memref<320000xi32, #tpu.memory_space<hbm>> -> memref<80xi32, #tpu.memory_space<hbm>>
          %dma_wait3A_195 = tpu.memref_slice %arg3[%add3A_185] : memref<320000xi32, #tpu.memory_space<hbm>> -> memref<80xi32, #tpu.memory_space<hbm>>
          tpu.wait_dma2 semaphore(%run_scoped3A : memref<!tpu.dma_semaphore, #tpu.memory_space<semaphore_mem>>) src(%dma_wait3A_195 : memref<80xi32, #tpu.memory_space<hbm>>) dst(%arg13 : memref<80xi32, #tpu.memory_space<vmem>>)
          tpu.yield
        }) : () -> ()
        %mul3A_186 = arith.constant 80 : i32
        %mul3A_187 = arith.muli %add3A_182, %mul3A_186 : i32
        %add3A_188 = arith.addi %mul3A_40, %mul3A_187 : i32
        "tpu.region"() ({
          %run_scoped3A = tpu.sem_alloc : memref<!tpu.dma_semaphore, #tpu.memory_space<semaphore_mem>>
          %dma_start3A_192 = tpu.memref_slice %arg4[%add3A_188] : memref<320000xi32, #tpu.memory_space<hbm>> -> memref<80xi32, #tpu.memory_space<hbm>>
          %dma_start3A_193 = tpu.memref_slice %arg4[%add3A_188] : memref<320000xi32, #tpu.memory_space<hbm>> -> memref<80xi32, #tpu.memory_space<hbm>>
          tpu.enqueue_dma source(%dma_start3A_193 : memref<80xi32, #tpu.memory_space<hbm>>) target(%arg17 : memref<80xi32, #tpu.memory_space<vmem>>) target_semaphore(%run_scoped3A : memref<!tpu.dma_semaphore, #tpu.memory_space<semaphore_mem>>)
          %dma_wait3A_194 = tpu.memref_slice %arg4[%add3A_188] : memref<320000xi32, #tpu.memory_space<hbm>> -> memref<80xi32, #tpu.memory_space<hbm>>
          %dma_wait3A_195 = tpu.memref_slice %arg4[%add3A_188] : memref<320000xi32, #tpu.memory_space<hbm>> -> memref<80xi32, #tpu.memory_space<hbm>>
          tpu.wait_dma2 semaphore(%run_scoped3A : memref<!tpu.dma_semaphore, #tpu.memory_space<semaphore_mem>>) src(%dma_wait3A_195 : memref<80xi32, #tpu.memory_space<hbm>>) dst(%arg17 : memref<80xi32, #tpu.memory_space<vmem>>)
          tpu.yield
        }) : () -> ()
        %dma_start3A_189 = arith.constant 0 : i32
        %dma_start3A_190 = arith.constant 0 : i32
        %dma_start3A_191 = tpu.memref_slice %arg2[%dma_start3A_189, %dma_start3A_190] : memref<10000x128xf32, #tpu.memory_space<hbm>> -> memref<10000x128xf32, #tpu.memory_space<hbm>>
        tpu.enqueue_indirect_dma source(%dma_start3A_191 : memref<10000x128xf32, #tpu.memory_space<hbm>>) target(%arg9 : memref<80x128xf32, #tpu.memory_space<vmem>>) offsets(%arg13 : memref<80xi32, #tpu.memory_space<vmem>>) semaphore(%arg21 : memref<!tpu.dma_semaphore, #tpu.memory_space<semaphore_mem>>)
      } else {
      }
      %add3A_144 = arith.constant 2 : i32
      %add3A_145 = arith.addi %mul3A_111, %add3A_144 : i32
      %dma_wait3A_146 = arith.constant 0 : i32
      %dma_wait3A_147 = arith.constant 0 : i32
      %dma_wait3A_148 = tpu.memref_slice %arg2[%dma_wait3A_146, %dma_wait3A_147] : memref<10000x128xf32, #tpu.memory_space<hbm>> -> memref<10000x128xf32, #tpu.memory_space<hbm>>
      tpu.wait_indirect_dma semaphore(%arg20 : memref<!tpu.dma_semaphore, #tpu.memory_space<semaphore_mem>>) src(%dma_wait3A_148 : memref<10000x128xf32, #tpu.memory_space<hbm>>) dst(%arg8 : memref<80x128xf32, #tpu.memory_space<vmem>>)
      %dma_start3A_149 = arith.constant 0 : i32
      %dma_start3A_150 = arith.constant 0 : i32
      %dma_start3A_151 = tpu.memref_slice %arg26[%dma_start3A_149, %dma_start3A_150] : memref<10240x128xf32, #tpu.memory_space<vmem_shared>> -> memref<10240x128xf32, #tpu.memory_space<vmem_shared>>
      tpu.enqueue_indirect_dma source(%arg8 : memref<80x128xf32, #tpu.memory_space<vmem>>) target(%dma_start3A_151 : memref<10240x128xf32, #tpu.memory_space<vmem_shared>>) offsets(%arg16 : memref<80xi32, #tpu.memory_space<vmem>>) semaphore(%arg24 : memref<!tpu.dma_semaphore, #tpu.memory_space<semaphore_mem>>) {add = true}
      %ge3A_152 = arith.constant 2 : i32
      %ge3A_153 = arith.cmpi sge, %add3A_145, %ge3A_152 : i32
      %convert_element_type3A_154 = arith.extui %ge3A_153 : i1 to i32
      %cond3A_155 = arith.constant 0 : i32
      %cond3A_156 = arith.cmpi ne, %convert_element_type3A_154, %cond3A_155 : i32
      scf.if %cond3A_156 {
        %dma_wait3A_181 = arith.constant 0 : i32
        %dma_wait3A_182 = arith.constant 0 : i32
        %dma_wait3A_183 = tpu.memref_slice %arg26[%dma_wait3A_181, %dma_wait3A_182] : memref<10240x128xf32, #tpu.memory_space<vmem_shared>> -> memref<10240x128xf32, #tpu.memory_space<vmem_shared>>
        tpu.wait_indirect_dma semaphore(%arg22 : memref<!tpu.dma_semaphore, #tpu.memory_space<semaphore_mem>>) src(%arg6 : memref<80x128xf32, #tpu.memory_space<vmem>>) dst(%dma_wait3A_183 : memref<10240x128xf32, #tpu.memory_space<vmem_shared>>)
      } else {
      }
      %le3A_157 = arith.constant 122 : i32
      %le3A_158 = arith.cmpi sle, %add3A_145, %le3A_157 : i32
      %convert_element_type3A_159 = arith.extui %le3A_158 : i1 to i32
      %cond3A_160 = arith.constant 0 : i32
      %cond3A_161 = arith.cmpi ne, %convert_element_type3A_159, %cond3A_160 : i32
      scf.if %cond3A_161 {
        %add3A_181 = arith.constant 2 : i32
        %add3A_182 = arith.addi %add3A_145, %add3A_181 : i32
        %mul3A_183 = arith.constant 80 : i32
        %mul3A_184 = arith.muli %add3A_182, %mul3A_183 : i32
        %add3A_185 = arith.addi %mul3A_40, %mul3A_184 : i32
        "tpu.region"() ({
          %run_scoped3A = tpu.sem_alloc : memref<!tpu.dma_semaphore, #tpu.memory_space<semaphore_mem>>
          %dma_start3A_192 = tpu.memref_slice %arg3[%add3A_185] : memref<320000xi32, #tpu.memory_space<hbm>> -> memref<80xi32, #tpu.memory_space<hbm>>
          %dma_start3A_193 = tpu.memref_slice %arg3[%add3A_185] : memref<320000xi32, #tpu.memory_space<hbm>> -> memref<80xi32, #tpu.memory_space<hbm>>
          tpu.enqueue_dma source(%dma_start3A_193 : memref<80xi32, #tpu.memory_space<hbm>>) target(%arg10 : memref<80xi32, #tpu.memory_space<vmem>>) target_semaphore(%run_scoped3A : memref<!tpu.dma_semaphore, #tpu.memory_space<semaphore_mem>>)
          %dma_wait3A_194 = tpu.memref_slice %arg3[%add3A_185] : memref<320000xi32, #tpu.memory_space<hbm>> -> memref<80xi32, #tpu.memory_space<hbm>>
          %dma_wait3A_195 = tpu.memref_slice %arg3[%add3A_185] : memref<320000xi32, #tpu.memory_space<hbm>> -> memref<80xi32, #tpu.memory_space<hbm>>
          tpu.wait_dma2 semaphore(%run_scoped3A : memref<!tpu.dma_semaphore, #tpu.memory_space<semaphore_mem>>) src(%dma_wait3A_195 : memref<80xi32, #tpu.memory_space<hbm>>) dst(%arg10 : memref<80xi32, #tpu.memory_space<vmem>>)
          tpu.yield
        }) : () -> ()
        %mul3A_186 = arith.constant 80 : i32
        %mul3A_187 = arith.muli %add3A_182, %mul3A_186 : i32
        %add3A_188 = arith.addi %mul3A_40, %mul3A_187 : i32
        "tpu.region"() ({
          %run_scoped3A = tpu.sem_alloc : memref<!tpu.dma_semaphore, #tpu.memory_space<semaphore_mem>>
          %dma_start3A_192 = tpu.memref_slice %arg4[%add3A_188] : memref<320000xi32, #tpu.memory_space<hbm>> -> memref<80xi32, #tpu.memory_space<hbm>>
          %dma_start3A_193 = tpu.memref_slice %arg4[%add3A_188] : memref<320000xi32, #tpu.memory_space<hbm>> -> memref<80xi32, #tpu.memory_space<hbm>>
          tpu.enqueue_dma source(%dma_start3A_193 : memref<80xi32, #tpu.memory_space<hbm>>) target(%arg14 : memref<80xi32, #tpu.memory_space<vmem>>) target_semaphore(%run_scoped3A : memref<!tpu.dma_semaphore, #tpu.memory_space<semaphore_mem>>)
          %dma_wait3A_194 = tpu.memref_slice %arg4[%add3A_188] : memref<320000xi32, #tpu.memory_space<hbm>> -> memref<80xi32, #tpu.memory_space<hbm>>
          %dma_wait3A_195 = tpu.memref_slice %arg4[%add3A_188] : memref<320000xi32, #tpu.memory_space<hbm>> -> memref<80xi32, #tpu.memory_space<hbm>>
          tpu.wait_dma2 semaphore(%run_scoped3A : memref<!tpu.dma_semaphore, #tpu.memory_space<semaphore_mem>>) src(%dma_wait3A_195 : memref<80xi32, #tpu.memory_space<hbm>>) dst(%arg14 : memref<80xi32, #tpu.memory_space<vmem>>)
          tpu.yield
        }) : () -> ()
        %dma_start3A_189 = arith.constant 0 : i32
        %dma_start3A_190 = arith.constant 0 : i32
        %dma_start3A_191 = tpu.memref_slice %arg2[%dma_start3A_189, %dma_start3A_190] : memref<10000x128xf32, #tpu.memory_space<hbm>> -> memref<10000x128xf32, #tpu.memory_space<hbm>>
        tpu.enqueue_indirect_dma source(%dma_start3A_191 : memref<10000x128xf32, #tpu.memory_space<hbm>>) target(%arg6 : memref<80x128xf32, #tpu.memory_space<vmem>>) offsets(%arg10 : memref<80xi32, #tpu.memory_space<vmem>>) semaphore(%arg18 : memref<!tpu.dma_semaphore, #tpu.memory_space<semaphore_mem>>)
      } else {
      }
      %add3A_162 = arith.constant 3 : i32
      %add3A_163 = arith.addi %mul3A_111, %add3A_162 : i32
      %dma_wait3A_164 = arith.constant 0 : i32
      %dma_wait3A_165 = arith.constant 0 : i32
      %dma_wait3A_166 = tpu.memref_slice %arg2[%dma_wait3A_164, %dma_wait3A_165] : memref<10000x128xf32, #tpu.memory_space<hbm>> -> memref<10000x128xf32, #tpu.memory_space<hbm>>
      tpu.wait_indirect_dma semaphore(%arg21 : memref<!tpu.dma_semaphore, #tpu.memory_space<semaphore_mem>>) src(%dma_wait3A_166 : memref<10000x128xf32, #tpu.memory_space<hbm>>) dst(%arg9 : memref<80x128xf32, #tpu.memory_space<vmem>>)
      %dma_start3A_167 = arith.constant 0 : i32
      %dma_start3A_168 = arith.constant 0 : i32
      %dma_start3A_169 = tpu.memref_slice %arg26[%dma_start3A_167, %dma_start3A_168] : memref<10240x128xf32, #tpu.memory_space<vmem_shared>> -> memref<10240x128xf32, #tpu.memory_space<vmem_shared>>
      tpu.enqueue_indirect_dma source(%arg9 : memref<80x128xf32, #tpu.memory_space<vmem>>) target(%dma_start3A_169 : memref<10240x128xf32, #tpu.memory_space<vmem_shared>>) offsets(%arg17 : memref<80xi32, #tpu.memory_space<vmem>>) semaphore(%arg25 : memref<!tpu.dma_semaphore, #tpu.memory_space<semaphore_mem>>) {add = true}
      %ge3A_170 = arith.constant 2 : i32
      %ge3A_171 = arith.cmpi sge, %add3A_163, %ge3A_170 : i32
      %convert_element_type3A_172 = arith.extui %ge3A_171 : i1 to i32
      %cond3A_173 = arith.constant 0 : i32
      %cond3A_174 = arith.cmpi ne, %convert_element_type3A_172, %cond3A_173 : i32
      scf.if %cond3A_174 {
        %dma_wait3A_181 = arith.constant 0 : i32
        %dma_wait3A_182 = arith.constant 0 : i32
        %dma_wait3A_183 = tpu.memref_slice %arg26[%dma_wait3A_181, %dma_wait3A_182] : memref<10240x128xf32, #tpu.memory_space<vmem_shared>> -> memref<10240x128xf32, #tpu.memory_space<vmem_shared>>
        tpu.wait_indirect_dma semaphore(%arg23 : memref<!tpu.dma_semaphore, #tpu.memory_space<semaphore_mem>>) src(%arg7 : memref<80x128xf32, #tpu.memory_space<vmem>>) dst(%dma_wait3A_183 : memref<10240x128xf32, #tpu.memory_space<vmem_shared>>)
      } else {
      }
      %le3A_175 = arith.constant 122 : i32
      %le3A_176 = arith.cmpi sle, %add3A_163, %le3A_175 : i32
      %convert_element_type3A_177 = arith.extui %le3A_176 : i1 to i32
      %cond3A_178 = arith.constant 0 : i32
      %cond3A_179 = arith.cmpi ne, %convert_element_type3A_177, %cond3A_178 : i32
      scf.if %cond3A_179 {
        %add3A_181 = arith.constant 2 : i32
        %add3A_182 = arith.addi %add3A_163, %add3A_181 : i32
        %mul3A_183 = arith.constant 80 : i32
        %mul3A_184 = arith.muli %add3A_182, %mul3A_183 : i32
        %add3A_185 = arith.addi %mul3A_40, %mul3A_184 : i32
        "tpu.region"() ({
          %run_scoped3A = tpu.sem_alloc : memref<!tpu.dma_semaphore, #tpu.memory_space<semaphore_mem>>
          %dma_start3A_192 = tpu.memref_slice %arg3[%add3A_185] : memref<320000xi32, #tpu.memory_space<hbm>> -> memref<80xi32, #tpu.memory_space<hbm>>
          %dma_start3A_193 = tpu.memref_slice %arg3[%add3A_185] : memref<320000xi32, #tpu.memory_space<hbm>> -> memref<80xi32, #tpu.memory_space<hbm>>
          tpu.enqueue_dma source(%dma_start3A_193 : memref<80xi32, #tpu.memory_space<hbm>>) target(%arg11 : memref<80xi32, #tpu.memory_space<vmem>>) target_semaphore(%run_scoped3A : memref<!tpu.dma_semaphore, #tpu.memory_space<semaphore_mem>>)
          %dma_wait3A_194 = tpu.memref_slice %arg3[%add3A_185] : memref<320000xi32, #tpu.memory_space<hbm>> -> memref<80xi32, #tpu.memory_space<hbm>>
          %dma_wait3A_195 = tpu.memref_slice %arg3[%add3A_185] : memref<320000xi32, #tpu.memory_space<hbm>> -> memref<80xi32, #tpu.memory_space<hbm>>
          tpu.wait_dma2 semaphore(%run_scoped3A : memref<!tpu.dma_semaphore, #tpu.memory_space<semaphore_mem>>) src(%dma_wait3A_195 : memref<80xi32, #tpu.memory_space<hbm>>) dst(%arg11 : memref<80xi32, #tpu.memory_space<vmem>>)
          tpu.yield
        }) : () -> ()
        %mul3A_186 = arith.constant 80 : i32
        %mul3A_187 = arith.muli %add3A_182, %mul3A_186 : i32
        %add3A_188 = arith.addi %mul3A_40, %mul3A_187 : i32
        "tpu.region"() ({
          %run_scoped3A = tpu.sem_alloc : memref<!tpu.dma_semaphore, #tpu.memory_space<semaphore_mem>>
          %dma_start3A_192 = tpu.memref_slice %arg4[%add3A_188] : memref<320000xi32, #tpu.memory_space<hbm>> -> memref<80xi32, #tpu.memory_space<hbm>>
          %dma_start3A_193 = tpu.memref_slice %arg4[%add3A_188] : memref<320000xi32, #tpu.memory_space<hbm>> -> memref<80xi32, #tpu.memory_space<hbm>>
          tpu.enqueue_dma source(%dma_start3A_193 : memref<80xi32, #tpu.memory_space<hbm>>) target(%arg15 : memref<80xi32, #tpu.memory_space<vmem>>) target_semaphore(%run_scoped3A : memref<!tpu.dma_semaphore, #tpu.memory_space<semaphore_mem>>)
          %dma_wait3A_194 = tpu.memref_slice %arg4[%add3A_188] : memref<320000xi32, #tpu.memory_space<hbm>> -> memref<80xi32, #tpu.memory_space<hbm>>
          %dma_wait3A_195 = tpu.memref_slice %arg4[%add3A_188] : memref<320000xi32, #tpu.memory_space<hbm>> -> memref<80xi32, #tpu.memory_space<hbm>>
          tpu.wait_dma2 semaphore(%run_scoped3A : memref<!tpu.dma_semaphore, #tpu.memory_space<semaphore_mem>>) src(%dma_wait3A_195 : memref<80xi32, #tpu.memory_space<hbm>>) dst(%arg15 : memref<80xi32, #tpu.memory_space<vmem>>)
          tpu.yield
        }) : () -> ()
        %dma_start3A_189 = arith.constant 0 : i32
        %dma_start3A_190 = arith.constant 0 : i32
        %dma_start3A_191 = tpu.memref_slice %arg2[%dma_start3A_189, %dma_start3A_190] : memref<10000x128xf32, #tpu.memory_space<hbm>> -> memref<10000x128xf32, #tpu.memory_space<hbm>>
        tpu.enqueue_indirect_dma source(%dma_start3A_191 : memref<10000x128xf32, #tpu.memory_space<hbm>>) target(%arg7 : memref<80x128xf32, #tpu.memory_space<vmem>>) offsets(%arg11 : memref<80xi32, #tpu.memory_space<vmem>>) semaphore(%arg19 : memref<!tpu.dma_semaphore, #tpu.memory_space<semaphore_mem>>)
      } else {
      }
      %scan3A_180 = arith.constant 0 : i32
      scf.yield %scan3A_180 : i32
    }
    %scan3A_60 = arith.constant 31 : i32
    %dma_wait3A = arith.constant 0 : i32
    %dma_wait3A_61 = arith.constant 0 : i32
    %dma_wait3A_62 = tpu.memref_slice %arg2[%dma_wait3A, %dma_wait3A_61] : memref<10000x128xf32, #tpu.memory_space<hbm>> -> memref<10000x128xf32, #tpu.memory_space<hbm>>
    tpu.wait_indirect_dma semaphore(%arg18 : memref<!tpu.dma_semaphore, #tpu.memory_space<semaphore_mem>>) src(%dma_wait3A_62 : memref<10000x128xf32, #tpu.memory_space<hbm>>) dst(%arg6 : memref<80x128xf32, #tpu.memory_space<vmem>>)
    %dma_start3A_63 = arith.constant 0 : i32
    %dma_start3A_64 = arith.constant 0 : i32
    %dma_start3A_65 = tpu.memref_slice %arg26[%dma_start3A_63, %dma_start3A_64] : memref<10240x128xf32, #tpu.memory_space<vmem_shared>> -> memref<10240x128xf32, #tpu.memory_space<vmem_shared>>
    tpu.enqueue_indirect_dma source(%arg6 : memref<80x128xf32, #tpu.memory_space<vmem>>) target(%dma_start3A_65 : memref<10240x128xf32, #tpu.memory_space<vmem_shared>>) offsets(%arg14 : memref<80xi32, #tpu.memory_space<vmem>>) semaphore(%arg22 : memref<!tpu.dma_semaphore, #tpu.memory_space<semaphore_mem>>) {add = true}
    %dma_wait3A_66 = arith.constant 0 : i32
    %dma_wait3A_67 = arith.constant 0 : i32
    %dma_wait3A_68 = tpu.memref_slice %arg26[%dma_wait3A_66, %dma_wait3A_67] : memref<10240x128xf32, #tpu.memory_space<vmem_shared>> -> memref<10240x128xf32, #tpu.memory_space<vmem_shared>>
    tpu.wait_indirect_dma semaphore(%arg24 : memref<!tpu.dma_semaphore, #tpu.memory_space<semaphore_mem>>) src(%arg8 : memref<80x128xf32, #tpu.memory_space<vmem>>) dst(%dma_wait3A_68 : memref<10240x128xf32, #tpu.memory_space<vmem_shared>>)
    %dma_wait3A_69 = arith.constant 0 : i32
    %dma_wait3A_70 = arith.constant 0 : i32
    %dma_wait3A_71 = tpu.memref_slice %arg26[%dma_wait3A_69, %dma_wait3A_70] : memref<10240x128xf32, #tpu.memory_space<vmem_shared>> -> memref<10240x128xf32, #tpu.memory_space<vmem_shared>>
    tpu.wait_indirect_dma semaphore(%arg25 : memref<!tpu.dma_semaphore, #tpu.memory_space<semaphore_mem>>) src(%arg9 : memref<80x128xf32, #tpu.memory_space<vmem>>) dst(%dma_wait3A_71 : memref<10240x128xf32, #tpu.memory_space<vmem_shared>>)
    %dma_wait3A_72 = arith.constant 0 : i32
    %dma_wait3A_73 = arith.constant 0 : i32
    %dma_wait3A_74 = tpu.memref_slice %arg26[%dma_wait3A_72, %dma_wait3A_73] : memref<10240x128xf32, #tpu.memory_space<vmem_shared>> -> memref<10240x128xf32, #tpu.memory_space<vmem_shared>>
    tpu.wait_indirect_dma semaphore(%arg22 : memref<!tpu.dma_semaphore, #tpu.memory_space<semaphore_mem>>) src(%arg6 : memref<80x128xf32, #tpu.memory_space<vmem>>) dst(%dma_wait3A_74 : memref<10240x128xf32, #tpu.memory_space<vmem_shared>>)
    %barrier3A_75 = arith.constant 0 : index
    tpu.barrier barrier_id(%barrier3A_75)
    %mul3A_76 = arith.constant 640 : i32
    %mul3A_77 = arith.muli %arg1, %mul3A_76 : i32
    %add3A_78 = arith.constant 0 : i32
    %add3A_79 = arith.addi %mul3A_77, %add3A_78 : i32
    "tpu.region"() ({
      %run_scoped3A = tpu.sem_alloc : memref<!tpu.dma_semaphore, #tpu.memory_space<semaphore_mem>>
      %dma_start3A_108 = arith.constant 0 : i32
      %dma_start3A_109 = tpu.memref_slice %arg5[%arg0, %add3A_79, %dma_start3A_108] : memref<2x10240x128xf32, #tpu.memory_space<hbm>> -> memref<1x80x128xf32, #tpu.memory_space<hbm>>
      %dma_start3A_110 = tpu.memref_squeeze %dma_start3A_109 : memref<1x80x128xf32, #tpu.memory_space<hbm>> -> memref<80x128xf32, #tpu.memory_space<hbm>>
      %dma_start3A_111 = arith.constant 0 : i32
      %dma_start3A_112 = tpu.memref_slice %arg26[%add3A_79, %dma_start3A_111] : memref<10240x128xf32, #tpu.memory_space<vmem_shared>> -> memref<80x128xf32, #tpu.memory_space<vmem_shared>>
      tpu.enqueue_dma source(%dma_start3A_112 : memref<80x128xf32, #tpu.memory_space<vmem_shared>>) target(%dma_start3A_110 : memref<80x128xf32, #tpu.memory_space<hbm>>) target_semaphore(%run_scoped3A : memref<!tpu.dma_semaphore, #tpu.memory_space<semaphore_mem>>)
      %dma_wait3A_113 = arith.constant 0 : i32
      %dma_wait3A_114 = tpu.memref_slice %arg5[%arg0, %add3A_79, %dma_wait3A_113] : memref<2x10240x128xf32, #tpu.memory_space<hbm>> -> memref<1x80x128xf32, #tpu.memory_space<hbm>>
      %dma_wait3A_115 = tpu.memref_squeeze %dma_wait3A_114 : memref<1x80x128xf32, #tpu.memory_space<hbm>> -> memref<80x128xf32, #tpu.memory_space<hbm>>
      %dma_wait3A_116 = arith.constant 0 : i32
      %dma_wait3A_117 = tpu.memref_slice %arg26[%add3A_79, %dma_wait3A_116] : memref<10240x128xf32, #tpu.memory_space<vmem_shared>> -> memref<80x128xf32, #tpu.memory_space<vmem_shared>>
      tpu.wait_dma2 semaphore(%run_scoped3A : memref<!tpu.dma_semaphore, #tpu.memory_space<semaphore_mem>>) src(%dma_wait3A_117 : memref<80x128xf32, #tpu.memory_space<vmem_shared>>) dst(%dma_wait3A_115 : memref<80x128xf32, #tpu.memory_space<hbm>>)
      tpu.yield
    }) : () -> ()
    %mul3A_80 = arith.constant 640 : i32
    %mul3A_81 = arith.muli %arg1, %mul3A_80 : i32
    %add3A_82 = arith.constant 80 : i32
    %add3A_83 = arith.addi %mul3A_81, %add3A_82 : i32
    "tpu.region"() ({
      %run_scoped3A = tpu.sem_alloc : memref<!tpu.dma_semaphore, #tpu.memory_space<semaphore_mem>>
      %dma_start3A_108 = arith.constant 0 : i32
      %dma_start3A_109 = tpu.memref_slice %arg5[%arg0, %add3A_83, %dma_start3A_108] : memref<2x10240x128xf32, #tpu.memory_space<hbm>> -> memref<1x80x128xf32, #tpu.memory_space<hbm>>
      %dma_start3A_110 = tpu.memref_squeeze %dma_start3A_109 : memref<1x80x128xf32, #tpu.memory_space<hbm>> -> memref<80x128xf32, #tpu.memory_space<hbm>>
      %dma_start3A_111 = arith.constant 0 : i32
      %dma_start3A_112 = tpu.memref_slice %arg26[%add3A_83, %dma_start3A_111] : memref<10240x128xf32, #tpu.memory_space<vmem_shared>> -> memref<80x128xf32, #tpu.memory_space<vmem_shared>>
      tpu.enqueue_dma source(%dma_start3A_112 : memref<80x128xf32, #tpu.memory_space<vmem_shared>>) target(%dma_start3A_110 : memref<80x128xf32, #tpu.memory_space<hbm>>) target_semaphore(%run_scoped3A : memref<!tpu.dma_semaphore, #tpu.memory_space<semaphore_mem>>)
      %dma_wait3A_113 = arith.constant 0 : i32
      %dma_wait3A_114 = tpu.memref_slice %arg5[%arg0, %add3A_83, %dma_wait3A_113] : memref<2x10240x128xf32, #tpu.memory_space<hbm>> -> memref<1x80x128xf32, #tpu.memory_space<hbm>>
      %dma_wait3A_115 = tpu.memref_squeeze %dma_wait3A_114 : memref<1x80x128xf32, #tpu.memory_space<hbm>> -> memref<80x128xf32, #tpu.memory_space<hbm>>
      %dma_wait3A_116 = arith.constant 0 : i32
      %dma_wait3A_117 = tpu.memref_slice %arg26[%add3A_83, %dma_wait3A_116] : memref<10240x128xf32, #tpu.memory_space<vmem_shared>> -> memref<80x128xf32, #tpu.memory_space<vmem_shared>>
      tpu.wait_dma2 semaphore(%run_scoped3A : memref<!tpu.dma_semaphore, #tpu.memory_space<semaphore_mem>>) src(%dma_wait3A_117 : memref<80x128xf32, #tpu.memory_space<vmem_shared>>) dst(%dma_wait3A_115 : memref<80x128xf32, #tpu.memory_space<hbm>>)
      tpu.yield
    }) : () -> ()
    %mul3A_84 = arith.constant 640 : i32
    %mul3A_85 = arith.muli %arg1, %mul3A_84 : i32
    %add3A_86 = arith.constant 160 : i32
    %add3A_87 = arith.addi %mul3A_85, %add3A_86 : i32
    "tpu.region"() ({
      %run_scoped3A = tpu.sem_alloc : memref<!tpu.dma_semaphore, #tpu.memory_space<semaphore_mem>>
      %dma_start3A_108 = arith.constant 0 : i32
      %dma_start3A_109 = tpu.memref_slice %arg5[%arg0, %add3A_87, %dma_start3A_108] : memref<2x10240x128xf32, #tpu.memory_space<hbm>> -> memref<1x80x128xf32, #tpu.memory_space<hbm>>
      %dma_start3A_110 = tpu.memref_squeeze %dma_start3A_109 : memref<1x80x128xf32, #tpu.memory_space<hbm>> -> memref<80x128xf32, #tpu.memory_space<hbm>>
      %dma_start3A_111 = arith.constant 0 : i32
      %dma_start3A_112 = tpu.memref_slice %arg26[%add3A_87, %dma_start3A_111] : memref<10240x128xf32, #tpu.memory_space<vmem_shared>> -> memref<80x128xf32, #tpu.memory_space<vmem_shared>>
      tpu.enqueue_dma source(%dma_start3A_112 : memref<80x128xf32, #tpu.memory_space<vmem_shared>>) target(%dma_start3A_110 : memref<80x128xf32, #tpu.memory_space<hbm>>) target_semaphore(%run_scoped3A : memref<!tpu.dma_semaphore, #tpu.memory_space<semaphore_mem>>)
      %dma_wait3A_113 = arith.constant 0 : i32
      %dma_wait3A_114 = tpu.memref_slice %arg5[%arg0, %add3A_87, %dma_wait3A_113] : memref<2x10240x128xf32, #tpu.memory_space<hbm>> -> memref<1x80x128xf32, #tpu.memory_space<hbm>>
      %dma_wait3A_115 = tpu.memref_squeeze %dma_wait3A_114 : memref<1x80x128xf32, #tpu.memory_space<hbm>> -> memref<80x128xf32, #tpu.memory_space<hbm>>
      %dma_wait3A_116 = arith.constant 0 : i32
      %dma_wait3A_117 = tpu.memref_slice %arg26[%add3A_87, %dma_wait3A_116] : memref<10240x128xf32, #tpu.memory_space<vmem_shared>> -> memref<80x128xf32, #tpu.memory_space<vmem_shared>>
      tpu.wait_dma2 semaphore(%run_scoped3A : memref<!tpu.dma_semaphore, #tpu.memory_space<semaphore_mem>>) src(%dma_wait3A_117 : memref<80x128xf32, #tpu.memory_space<vmem_shared>>) dst(%dma_wait3A_115 : memref<80x128xf32, #tpu.memory_space<hbm>>)
      tpu.yield
    }) : () -> ()
    %mul3A_88 = arith.constant 640 : i32
    %mul3A_89 = arith.muli %arg1, %mul3A_88 : i32
    %add3A_90 = arith.constant 240 : i32
    %add3A_91 = arith.addi %mul3A_89, %add3A_90 : i32
    "tpu.region"() ({
      %run_scoped3A = tpu.sem_alloc : memref<!tpu.dma_semaphore, #tpu.memory_space<semaphore_mem>>
      %dma_start3A_108 = arith.constant 0 : i32
      %dma_start3A_109 = tpu.memref_slice %arg5[%arg0, %add3A_91, %dma_start3A_108] : memref<2x10240x128xf32, #tpu.memory_space<hbm>> -> memref<1x80x128xf32, #tpu.memory_space<hbm>>
      %dma_start3A_110 = tpu.memref_squeeze %dma_start3A_109 : memref<1x80x128xf32, #tpu.memory_space<hbm>> -> memref<80x128xf32, #tpu.memory_space<hbm>>
      %dma_start3A_111 = arith.constant 0 : i32
      %dma_start3A_112 = tpu.memref_slice %arg26[%add3A_91, %dma_start3A_111] : memref<10240x128xf32, #tpu.memory_space<vmem_shared>> -> memref<80x128xf32, #tpu.memory_space<vmem_shared>>
      tpu.enqueue_dma source(%dma_start3A_112 : memref<80x128xf32, #tpu.memory_space<vmem_shared>>) target(%dma_start3A_110 : memref<80x128xf32, #tpu.memory_space<hbm>>) target_semaphore(%run_scoped3A : memref<!tpu.dma_semaphore, #tpu.memory_space<semaphore_mem>>)
      %dma_wait3A_113 = arith.constant 0 : i32
      %dma_wait3A_114 = tpu.memref_slice %arg5[%arg0, %add3A_91, %dma_wait3A_113] : memref<2x10240x128xf32, #tpu.memory_space<hbm>> -> memref<1x80x128xf32, #tpu.memory_space<hbm>>
      %dma_wait3A_115 = tpu.memref_squeeze %dma_wait3A_114 : memref<1x80x128xf32, #tpu.memory_space<hbm>> -> memref<80x128xf32, #tpu.memory_space<hbm>>
      %dma_wait3A_116 = arith.constant 0 : i32
      %dma_wait3A_117 = tpu.memref_slice %arg26[%add3A_91, %dma_wait3A_116] : memref<10240x128xf32, #tpu.memory_space<vmem_shared>> -> memref<80x128xf32, #tpu.memory_space<vmem_shared>>
      tpu.wait_dma2 semaphore(%run_scoped3A : memref<!tpu.dma_semaphore, #tpu.memory_space<semaphore_mem>>) src(%dma_wait3A_117 : memref<80x128xf32, #tpu.memory_space<vmem_shared>>) dst(%dma_wait3A_115 : memref<80x128xf32, #tpu.memory_space<hbm>>)
      tpu.yield
    }) : () -> ()
    %mul3A_92 = arith.constant 640 : i32
    %mul3A_93 = arith.muli %arg1, %mul3A_92 : i32
    %add3A_94 = arith.constant 320 : i32
    %add3A_95 = arith.addi %mul3A_93, %add3A_94 : i32
    "tpu.region"() ({
      %run_scoped3A = tpu.sem_alloc : memref<!tpu.dma_semaphore, #tpu.memory_space<semaphore_mem>>
      %dma_start3A_108 = arith.constant 0 : i32
      %dma_start3A_109 = tpu.memref_slice %arg5[%arg0, %add3A_95, %dma_start3A_108] : memref<2x10240x128xf32, #tpu.memory_space<hbm>> -> memref<1x80x128xf32, #tpu.memory_space<hbm>>
      %dma_start3A_110 = tpu.memref_squeeze %dma_start3A_109 : memref<1x80x128xf32, #tpu.memory_space<hbm>> -> memref<80x128xf32, #tpu.memory_space<hbm>>
      %dma_start3A_111 = arith.constant 0 : i32
      %dma_start3A_112 = tpu.memref_slice %arg26[%add3A_95, %dma_start3A_111] : memref<10240x128xf32, #tpu.memory_space<vmem_shared>> -> memref<80x128xf32, #tpu.memory_space<vmem_shared>>
      tpu.enqueue_dma source(%dma_start3A_112 : memref<80x128xf32, #tpu.memory_space<vmem_shared>>) target(%dma_start3A_110 : memref<80x128xf32, #tpu.memory_space<hbm>>) target_semaphore(%run_scoped3A : memref<!tpu.dma_semaphore, #tpu.memory_space<semaphore_mem>>)
      %dma_wait3A_113 = arith.constant 0 : i32
      %dma_wait3A_114 = tpu.memref_slice %arg5[%arg0, %add3A_95, %dma_wait3A_113] : memref<2x10240x128xf32, #tpu.memory_space<hbm>> -> memref<1x80x128xf32, #tpu.memory_space<hbm>>
      %dma_wait3A_115 = tpu.memref_squeeze %dma_wait3A_114 : memref<1x80x128xf32, #tpu.memory_space<hbm>> -> memref<80x128xf32, #tpu.memory_space<hbm>>
      %dma_wait3A_116 = arith.constant 0 : i32
      %dma_wait3A_117 = tpu.memref_slice %arg26[%add3A_95, %dma_wait3A_116] : memref<10240x128xf32, #tpu.memory_space<vmem_shared>> -> memref<80x128xf32, #tpu.memory_space<vmem_shared>>
      tpu.wait_dma2 semaphore(%run_scoped3A : memref<!tpu.dma_semaphore, #tpu.memory_space<semaphore_mem>>) src(%dma_wait3A_117 : memref<80x128xf32, #tpu.memory_space<vmem_shared>>) dst(%dma_wait3A_115 : memref<80x128xf32, #tpu.memory_space<hbm>>)
      tpu.yield
    }) : () -> ()
    %mul3A_96 = arith.constant 640 : i32
    %mul3A_97 = arith.muli %arg1, %mul3A_96 : i32
    %add3A_98 = arith.constant 400 : i32
    %add3A_99 = arith.addi %mul3A_97, %add3A_98 : i32
    "tpu.region"() ({
      %run_scoped3A = tpu.sem_alloc : memref<!tpu.dma_semaphore, #tpu.memory_space<semaphore_mem>>
      %dma_start3A_108 = arith.constant 0 : i32
      %dma_start3A_109 = tpu.memref_slice %arg5[%arg0, %add3A_99, %dma_start3A_108] : memref<2x10240x128xf32, #tpu.memory_space<hbm>> -> memref<1x80x128xf32, #tpu.memory_space<hbm>>
      %dma_start3A_110 = tpu.memref_squeeze %dma_start3A_109 : memref<1x80x128xf32, #tpu.memory_space<hbm>> -> memref<80x128xf32, #tpu.memory_space<hbm>>
      %dma_start3A_111 = arith.constant 0 : i32
      %dma_start3A_112 = tpu.memref_slice %arg26[%add3A_99, %dma_start3A_111] : memref<10240x128xf32, #tpu.memory_space<vmem_shared>> -> memref<80x128xf32, #tpu.memory_space<vmem_shared>>
      tpu.enqueue_dma source(%dma_start3A_112 : memref<80x128xf32, #tpu.memory_space<vmem_shared>>) target(%dma_start3A_110 : memref<80x128xf32, #tpu.memory_space<hbm>>) target_semaphore(%run_scoped3A : memref<!tpu.dma_semaphore, #tpu.memory_space<semaphore_mem>>)
      %dma_wait3A_113 = arith.constant 0 : i32
      %dma_wait3A_114 = tpu.memref_slice %arg5[%arg0, %add3A_99, %dma_wait3A_113] : memref<2x10240x128xf32, #tpu.memory_space<hbm>> -> memref<1x80x128xf32, #tpu.memory_space<hbm>>
      %dma_wait3A_115 = tpu.memref_squeeze %dma_wait3A_114 : memref<1x80x128xf32, #tpu.memory_space<hbm>> -> memref<80x128xf32, #tpu.memory_space<hbm>>
      %dma_wait3A_116 = arith.constant 0 : i32
      %dma_wait3A_117 = tpu.memref_slice %arg26[%add3A_99, %dma_wait3A_116] : memref<10240x128xf32, #tpu.memory_space<vmem_shared>> -> memref<80x128xf32, #tpu.memory_space<vmem_shared>>
      tpu.wait_dma2 semaphore(%run_scoped3A : memref<!tpu.dma_semaphore, #tpu.memory_space<semaphore_mem>>) src(%dma_wait3A_117 : memref<80x128xf32, #tpu.memory_space<vmem_shared>>) dst(%dma_wait3A_115 : memref<80x128xf32, #tpu.memory_space<hbm>>)
      tpu.yield
    }) : () -> ()
    %mul3A_100 = arith.constant 640 : i32
    %mul3A_101 = arith.muli %arg1, %mul3A_100 : i32
    %add3A_102 = arith.constant 480 : i32
    %add3A_103 = arith.addi %mul3A_101, %add3A_102 : i32
    "tpu.region"() ({
      %run_scoped3A = tpu.sem_alloc : memref<!tpu.dma_semaphore, #tpu.memory_space<semaphore_mem>>
      %dma_start3A_108 = arith.constant 0 : i32
      %dma_start3A_109 = tpu.memref_slice %arg5[%arg0, %add3A_103, %dma_start3A_108] : memref<2x10240x128xf32, #tpu.memory_space<hbm>> -> memref<1x80x128xf32, #tpu.memory_space<hbm>>
      %dma_start3A_110 = tpu.memref_squeeze %dma_start3A_109 : memref<1x80x128xf32, #tpu.memory_space<hbm>> -> memref<80x128xf32, #tpu.memory_space<hbm>>
      %dma_start3A_111 = arith.constant 0 : i32
      %dma_start3A_112 = tpu.memref_slice %arg26[%add3A_103, %dma_start3A_111] : memref<10240x128xf32, #tpu.memory_space<vmem_shared>> -> memref<80x128xf32, #tpu.memory_space<vmem_shared>>
      tpu.enqueue_dma source(%dma_start3A_112 : memref<80x128xf32, #tpu.memory_space<vmem_shared>>) target(%dma_start3A_110 : memref<80x128xf32, #tpu.memory_space<hbm>>) target_semaphore(%run_scoped3A : memref<!tpu.dma_semaphore, #tpu.memory_space<semaphore_mem>>)
      %dma_wait3A_113 = arith.constant 0 : i32
      %dma_wait3A_114 = tpu.memref_slice %arg5[%arg0, %add3A_103, %dma_wait3A_113] : memref<2x10240x128xf32, #tpu.memory_space<hbm>> -> memref<1x80x128xf32, #tpu.memory_space<hbm>>
      %dma_wait3A_115 = tpu.memref_squeeze %dma_wait3A_114 : memref<1x80x128xf32, #tpu.memory_space<hbm>> -> memref<80x128xf32, #tpu.memory_space<hbm>>
      %dma_wait3A_116 = arith.constant 0 : i32
      %dma_wait3A_117 = tpu.memref_slice %arg26[%add3A_103, %dma_wait3A_116] : memref<10240x128xf32, #tpu.memory_space<vmem_shared>> -> memref<80x128xf32, #tpu.memory_space<vmem_shared>>
      tpu.wait_dma2 semaphore(%run_scoped3A : memref<!tpu.dma_semaphore, #tpu.memory_space<semaphore_mem>>) src(%dma_wait3A_117 : memref<80x128xf32, #tpu.memory_space<vmem_shared>>) dst(%dma_wait3A_115 : memref<80x128xf32, #tpu.memory_space<hbm>>)
      tpu.yield
    }) : () -> ()
    %mul3A_104 = arith.constant 640 : i32
    %mul3A_105 = arith.muli %arg1, %mul3A_104 : i32
    %add3A_106 = arith.constant 560 : i32
    %add3A_107 = arith.addi %mul3A_105, %add3A_106 : i32
    "tpu.region"() ({
      %run_scoped3A = tpu.sem_alloc : memref<!tpu.dma_semaphore, #tpu.memory_space<semaphore_mem>>
      %dma_start3A_108 = arith.constant 0 : i32
      %dma_start3A_109 = tpu.memref_slice %arg5[%arg0, %add3A_107, %dma_start3A_108] : memref<2x10240x128xf32, #tpu.memory_space<hbm>> -> memref<1x80x128xf32, #tpu.memory_space<hbm>>
      %dma_start3A_110 = tpu.memref_squeeze %dma_start3A_109 : memref<1x80x128xf32, #tpu.memory_space<hbm>> -> memref<80x128xf32, #tpu.memory_space<hbm>>
      %dma_start3A_111 = arith.constant 0 : i32
      %dma_start3A_112 = tpu.memref_slice %arg26[%add3A_107, %dma_start3A_111] : memref<10240x128xf32, #tpu.memory_space<vmem_shared>> -> memref<80x128xf32, #tpu.memory_space<vmem_shared>>
      tpu.enqueue_dma source(%dma_start3A_112 : memref<80x128xf32, #tpu.memory_space<vmem_shared>>) target(%dma_start3A_110 : memref<80x128xf32, #tpu.memory_space<hbm>>) target_semaphore(%run_scoped3A : memref<!tpu.dma_semaphore, #tpu.memory_space<semaphore_mem>>)
      %dma_wait3A_113 = arith.constant 0 : i32
      %dma_wait3A_114 = tpu.memref_slice %arg5[%arg0, %add3A_107, %dma_wait3A_113] : memref<2x10240x128xf32, #tpu.memory_space<hbm>> -> memref<1x80x128xf32, #tpu.memory_space<hbm>>
      %dma_wait3A_115 = tpu.memref_squeeze %dma_wait3A_114 : memref<1x80x128xf32, #tpu.memory_space<hbm>> -> memref<80x128xf32, #tpu.memory_space<hbm>>
      %dma_wait3A_116 = arith.constant 0 : i32
      %dma_wait3A_117 = tpu.memref_slice %arg26[%add3A_107, %dma_wait3A_116] : memref<10240x128xf32, #tpu.memory_space<vmem_shared>> -> memref<80x128xf32, #tpu.memory_space<vmem_shared>>
      tpu.wait_dma2 semaphore(%run_scoped3A : memref<!tpu.dma_semaphore, #tpu.memory_space<semaphore_mem>>) src(%dma_wait3A_117 : memref<80x128xf32, #tpu.memory_space<vmem_shared>>) dst(%dma_wait3A_115 : memref<80x128xf32, #tpu.memory_space<hbm>>)
      tpu.yield
    }) : () -> ()
    return
  }
}

#map = affine_map<(d0, d1) -> (0, 0)>
#map1 = affine_map<(d0, d1) -> (0)>
module attributes {stable_mosaic.version = 14 : i64} {
  func.func @qgather(%arg0: i32, %arg1: i32, %arg2: memref<20480x128xf32, #tpu.memory_space<hbm>>, %arg3: memref<10000x128xf32, #tpu.memory_space<hbm>>, %arg4: memref<10240xf32, #tpu.memory_space<hbm>>, %arg5: memref<200xi32, #tpu.memory_space<hbm>>, %arg6: memref<200xi32, #tpu.memory_space<hbm>>, %arg7: memref<128xf32, #tpu.memory_space<hbm>>, %arg8: memref<200x128xf32, #tpu.memory_space<hbm>>, %arg9: memref<10240xf32, #tpu.memory_space<vmem>>, %arg10: memref<128xf32, #tpu.memory_space<vmem>>, %arg11: memref<8xi32, #tpu.memory_space<vmem>>, %arg12: memref<8xi32, #tpu.memory_space<vmem>>, %arg13: memref<16xf32, #tpu.memory_space<vmem>>, %arg14: memref<8x128xf32, #tpu.memory_space<vmem>>, %arg15: memref<8x128xf32, #tpu.memory_space<vmem>>, %arg16: memref<8x128xf32, #tpu.memory_space<vmem>>, %arg17: memref<8x128xf32, #tpu.memory_space<vmem>>) attributes {dimension_semantics = [#tpu.dimension_semantics<core_parallel>, #tpu.dimension_semantics<subcore_parallel>], iteration_bounds = array<i64: 2, 16>, scalar_prefetch = 0 : i64, scratch_operands = 9 : i64, tpu.core_type = #tpu.core_type<sc_vector_subcore>, window_params = [{transform_indices = #map}, {transform_indices = #map}, {transform_indices = #map1}, {transform_indices = #map1}, {transform_indices = #map1}, {transform_indices = #map1}, {transform_indices = #map}]} {
    %mul3A = arith.constant 2 : i32
    %mul3A_0 = arith.muli %arg1, %mul3A : i32
    %add3A = arith.addi %mul3A_0, %arg0 : i32
    %lt3A = arith.constant 25 : i32
    %lt3A_1 = arith.cmpi slt, %add3A, %lt3A : i32
    %convert_element_type3A = arith.extui %lt3A_1 : i1 to i32
    %cond3A = arith.constant 0 : i32
    %cond3A_2 = arith.cmpi ne, %convert_element_type3A, %cond3A : i32
    scf.if %cond3A_2 {
      "tpu.region"() ({
        %run_scoped3A = tpu.sem_alloc : memref<!tpu.dma_semaphore, #tpu.memory_space<semaphore_mem>>
        tpu.enqueue_dma source(%arg4 : memref<10240xf32, #tpu.memory_space<hbm>>) target(%arg9 : memref<10240xf32, #tpu.memory_space<vmem>>) target_semaphore(%run_scoped3A : memref<!tpu.dma_semaphore, #tpu.memory_space<semaphore_mem>>)
        tpu.wait_dma2 semaphore(%run_scoped3A : memref<!tpu.dma_semaphore, #tpu.memory_space<semaphore_mem>>) src(%arg4 : memref<10240xf32, #tpu.memory_space<hbm>>) dst(%arg9 : memref<10240xf32, #tpu.memory_space<vmem>>)
        tpu.yield
      }) : () -> ()
      "tpu.region"() ({
        %run_scoped3A = tpu.sem_alloc : memref<!tpu.dma_semaphore, #tpu.memory_space<semaphore_mem>>
        tpu.enqueue_dma source(%arg7 : memref<128xf32, #tpu.memory_space<hbm>>) target(%arg10 : memref<128xf32, #tpu.memory_space<vmem>>) target_semaphore(%run_scoped3A : memref<!tpu.dma_semaphore, #tpu.memory_space<semaphore_mem>>)
        tpu.wait_dma2 semaphore(%run_scoped3A : memref<!tpu.dma_semaphore, #tpu.memory_space<semaphore_mem>>) src(%arg7 : memref<128xf32, #tpu.memory_space<hbm>>) dst(%arg10 : memref<128xf32, #tpu.memory_space<vmem>>)
        tpu.yield
      }) : () -> ()
      %mul3A_3 = arith.constant 8 : i32
      %mul3A_4 = arith.muli %add3A, %mul3A_3 : i32
      "tpu.region"() ({
        %run_scoped3A = tpu.sem_alloc : memref<!tpu.dma_semaphore, #tpu.memory_space<semaphore_mem>>
        %dma_start3A = tpu.memref_slice %arg5[%mul3A_4] : memref<200xi32, #tpu.memory_space<hbm>> -> memref<8xi32, #tpu.memory_space<hbm>>
        %dma_start3A_1498 = tpu.memref_slice %arg5[%mul3A_4] : memref<200xi32, #tpu.memory_space<hbm>> -> memref<8xi32, #tpu.memory_space<hbm>>
        tpu.enqueue_dma source(%dma_start3A_1498 : memref<8xi32, #tpu.memory_space<hbm>>) target(%arg11 : memref<8xi32, #tpu.memory_space<vmem>>) target_semaphore(%run_scoped3A : memref<!tpu.dma_semaphore, #tpu.memory_space<semaphore_mem>>)
        %dma_wait3A = tpu.memref_slice %arg5[%mul3A_4] : memref<200xi32, #tpu.memory_space<hbm>> -> memref<8xi32, #tpu.memory_space<hbm>>
        %dma_wait3A_1499 = tpu.memref_slice %arg5[%mul3A_4] : memref<200xi32, #tpu.memory_space<hbm>> -> memref<8xi32, #tpu.memory_space<hbm>>
        tpu.wait_dma2 semaphore(%run_scoped3A : memref<!tpu.dma_semaphore, #tpu.memory_space<semaphore_mem>>) src(%dma_wait3A_1499 : memref<8xi32, #tpu.memory_space<hbm>>) dst(%arg11 : memref<8xi32, #tpu.memory_space<vmem>>)
        tpu.yield
      }) : () -> ()
      %mul3A_5 = arith.constant 8 : i32
      %mul3A_6 = arith.muli %add3A, %mul3A_5 : i32
      "tpu.region"() ({
        %run_scoped3A = tpu.sem_alloc : memref<!tpu.dma_semaphore, #tpu.memory_space<semaphore_mem>>
        %dma_start3A = tpu.memref_slice %arg6[%mul3A_6] : memref<200xi32, #tpu.memory_space<hbm>> -> memref<8xi32, #tpu.memory_space<hbm>>
        %dma_start3A_1498 = tpu.memref_slice %arg6[%mul3A_6] : memref<200xi32, #tpu.memory_space<hbm>> -> memref<8xi32, #tpu.memory_space<hbm>>
        tpu.enqueue_dma source(%dma_start3A_1498 : memref<8xi32, #tpu.memory_space<hbm>>) target(%arg12 : memref<8xi32, #tpu.memory_space<vmem>>) target_semaphore(%run_scoped3A : memref<!tpu.dma_semaphore, #tpu.memory_space<semaphore_mem>>)
        %dma_wait3A = tpu.memref_slice %arg6[%mul3A_6] : memref<200xi32, #tpu.memory_space<hbm>> -> memref<8xi32, #tpu.memory_space<hbm>>
        %dma_wait3A_1499 = tpu.memref_slice %arg6[%mul3A_6] : memref<200xi32, #tpu.memory_space<hbm>> -> memref<8xi32, #tpu.memory_space<hbm>>
        tpu.wait_dma2 semaphore(%run_scoped3A : memref<!tpu.dma_semaphore, #tpu.memory_space<semaphore_mem>>) src(%dma_wait3A_1499 : memref<8xi32, #tpu.memory_space<hbm>>) dst(%arg12 : memref<8xi32, #tpu.memory_space<vmem>>)
        tpu.yield
      }) : () -> ()
      %iota3A = tpu.iota {dimensions = array<i32: 0>} : vector<16xi32>
      %min3A = arith.constant 7 : i32
      %min3A_7 = vector.broadcast %min3A : i32 to vector<16xi32>
      %min3A_8 = arith.minsi %iota3A, %min3A_7 : vector<16xi32>
      %gather3A = tpu.vector_load_idx %arg11[%min3A_8] : memref<8xi32, #tpu.memory_space<vmem>>[vector<16xi32>], vector<16xi32>,
      %gather3A_9 = tpu.vector_load_idx %arg9[%gather3A] : memref<10240xf32, #tpu.memory_space<vmem>>[vector<16xi32>], vector<16xf32>,
      %swap3A = arith.constant 0 : index
      %swap3A_10 = tpu.vector_load %arg13[%swap3A] {strides = array<i32>} : memref<16xf32, #tpu.memory_space<vmem>>, vector<16xf32>,
      tpu.vector_store %arg13[%swap3A], %gather3A_9 {strides = array<i32>} : memref<16xf32, #tpu.memory_space<vmem>>, vector<16xf32>,
      "tpu.region"() ({
        %run_scoped3A = tpu.sem_alloc : memref<!tpu.dma_semaphore, #tpu.memory_space<semaphore_mem>>
        %dma_start3A = arith.constant 0 : i32
        %dma_start3A_1498 = arith.constant 0 : i32
        %dma_start3A_1499 = tpu.memref_slice %arg2[%dma_start3A, %dma_start3A_1498] : memref<20480x128xf32, #tpu.memory_space<hbm>> -> memref<20480x128xf32, #tpu.memory_space<hbm>>
        tpu.enqueue_indirect_dma source(%dma_start3A_1499 : memref<20480x128xf32, #tpu.memory_space<hbm>>) target(%arg14 : memref<8x128xf32, #tpu.memory_space<vmem>>) offsets(%arg11 : memref<8xi32, #tpu.memory_space<vmem>>) semaphore(%run_scoped3A : memref<!tpu.dma_semaphore, #tpu.memory_space<semaphore_mem>>)
        %dma_wait3A = arith.constant 0 : i32
        %dma_wait3A_1500 = arith.constant 0 : i32
        %dma_wait3A_1501 = tpu.memref_slice %arg2[%dma_wait3A, %dma_wait3A_1500] : memref<20480x128xf32, #tpu.memory_space<hbm>> -> memref<20480x128xf32, #tpu.memory_space<hbm>>
        tpu.wait_indirect_dma semaphore(%run_scoped3A : memref<!tpu.dma_semaphore, #tpu.memory_space<semaphore_mem>>) src(%dma_wait3A_1501 : memref<20480x128xf32, #tpu.memory_space<hbm>>) dst(%arg14 : memref<8x128xf32, #tpu.memory_space<vmem>>)
        tpu.yield
      }) : () -> ()
      "tpu.region"() ({
        %run_scoped3A = tpu.sem_alloc : memref<!tpu.dma_semaphore, #tpu.memory_space<semaphore_mem>>
        %dma_start3A = arith.constant 0 : i32
        %dma_start3A_1498 = arith.constant 0 : i32
        %dma_start3A_1499 = tpu.memref_slice %arg2[%dma_start3A, %dma_start3A_1498] : memref<20480x128xf32, #tpu.memory_space<hbm>> -> memref<20480x128xf32, #tpu.memory_space<hbm>>
        tpu.enqueue_indirect_dma source(%dma_start3A_1499 : memref<20480x128xf32, #tpu.memory_space<hbm>>) target(%arg15 : memref<8x128xf32, #tpu.memory_space<vmem>>) offsets(%arg12 : memref<8xi32, #tpu.memory_space<vmem>>) semaphore(%run_scoped3A : memref<!tpu.dma_semaphore, #tpu.memory_space<semaphore_mem>>)
        %dma_wait3A = arith.constant 0 : i32
        %dma_wait3A_1500 = arith.constant 0 : i32
        %dma_wait3A_1501 = tpu.memref_slice %arg2[%dma_wait3A, %dma_wait3A_1500] : memref<20480x128xf32, #tpu.memory_space<hbm>> -> memref<20480x128xf32, #tpu.memory_space<hbm>>
        tpu.wait_indirect_dma semaphore(%run_scoped3A : memref<!tpu.dma_semaphore, #tpu.memory_space<semaphore_mem>>) src(%dma_wait3A_1501 : memref<20480x128xf32, #tpu.memory_space<hbm>>) dst(%arg15 : memref<8x128xf32, #tpu.memory_space<vmem>>)
        tpu.yield
      }) : () -> ()
      "tpu.region"() ({
        %run_scoped3A = tpu.sem_alloc : memref<!tpu.dma_semaphore, #tpu.memory_space<semaphore_mem>>
        %dma_start3A = arith.constant 0 : i32
        %dma_start3A_1498 = arith.constant 0 : i32
        %dma_start3A_1499 = tpu.memref_slice %arg3[%dma_start3A, %dma_start3A_1498] : memref<10000x128xf32, #tpu.memory_space<hbm>> -> memref<10000x128xf32, #tpu.memory_space<hbm>>
        tpu.enqueue_indirect_dma source(%dma_start3A_1499 : memref<10000x128xf32, #tpu.memory_space<hbm>>) target(%arg16 : memref<8x128xf32, #tpu.memory_space<vmem>>) offsets(%arg11 : memref<8xi32, #tpu.memory_space<vmem>>) semaphore(%run_scoped3A : memref<!tpu.dma_semaphore, #tpu.memory_space<semaphore_mem>>)
        %dma_wait3A = arith.constant 0 : i32
        %dma_wait3A_1500 = arith.constant 0 : i32
        %dma_wait3A_1501 = tpu.memref_slice %arg3[%dma_wait3A, %dma_wait3A_1500] : memref<10000x128xf32, #tpu.memory_space<hbm>> -> memref<10000x128xf32, #tpu.memory_space<hbm>>
        tpu.wait_indirect_dma semaphore(%run_scoped3A : memref<!tpu.dma_semaphore, #tpu.memory_space<semaphore_mem>>) src(%dma_wait3A_1501 : memref<10000x128xf32, #tpu.memory_space<hbm>>) dst(%arg16 : memref<8x128xf32, #tpu.memory_space<vmem>>)
        tpu.yield
      }) : () -> ()
      %slice3A = vector.extract_strided_slice %gather3A_9 {offsets = [0], sizes = [1], strides = [1]} : vector<16xf32> to vector<1xf32>
      %squeeze3A = vector.extract %slice3A[0] : f32 from vector<1xf32>
      %get3A = arith.constant 0 : i32
      %get3A_11 = arith.index_cast %get3A : i32 to index
      %get3A_12 = arith.constant 0 : index
      %get3A_13 = tpu.vector_load %arg14[%get3A_11, %get3A_12] {strides = array<i32>} : memref<8x128xf32, #tpu.memory_space<vmem>>, vector<16xf32>,
      %get3A_14 = arith.constant 0 : i32
      %get3A_15 = arith.index_cast %get3A_14 : i32 to index
      %get3A_16 = arith.constant 0 : index
      %get3A_17 = tpu.vector_load %arg15[%get3A_15, %get3A_16] {strides = array<i32>} : memref<8x128xf32, #tpu.memory_space<vmem>>, vector<16xf32>,
      %add3A_18 = arith.addf %get3A_13, %get3A_17 : vector<16xf32>
      %get3A_19 = arith.constant 0 : i32
      %get3A_20 = arith.index_cast %get3A_19 : i32 to index
      %get3A_21 = arith.constant 0 : index
      %get3A_22 = tpu.vector_load %arg16[%get3A_20, %get3A_21] {strides = array<i32>} : memref<8x128xf32, #tpu.memory_space<vmem>>, vector<16xf32>,
      %add3A_23 = arith.addf %add3A_18, %get3A_22 : vector<16xf32>
      %mul3A_24 = vector.broadcast %squeeze3A : f32 to vector<16xf32>
      %mul3A_25 = arith.mulf %mul3A_24, %add3A_23 : vector<16xf32>
      %get3A_26 = arith.constant 0 : index
      %get3A_27 = tpu.vector_load %arg10[%get3A_26] {strides = array<i32>} : memref<128xf32, #tpu.memory_space<vmem>>, vector<16xf32>,
      %add3A_28 = arith.addf %mul3A_25, %get3A_27 : vector<16xf32>
      %swap3A_29 = arith.constant 0 : i32
      %swap3A_30 = arith.index_cast %swap3A_29 : i32 to index
      %swap3A_31 = arith.constant 0 : index
      %swap3A_32 = tpu.vector_load %arg17[%swap3A_30, %swap3A_31] {strides = array<i32>} : memref<8x128xf32, #tpu.memory_space<vmem>>, vector<16xf32>,
      tpu.vector_store %arg17[%swap3A_30, %swap3A_31], %add3A_28 {strides = array<i32>} : memref<8x128xf32, #tpu.memory_space<vmem>>, vector<16xf32>,
      %get3A_33 = arith.constant 0 : i32
      %get3A_34 = arith.index_cast %get3A_33 : i32 to index
      %get3A_35 = arith.constant 16 : index
      %get3A_36 = tpu.vector_load %arg14[%get3A_34, %get3A_35] {strides = array<i32>} : memref<8x128xf32, #tpu.memory_space<vmem>>, vector<16xf32>,
      %get3A_37 = arith.constant 0 : i32
      %get3A_38 = arith.index_cast %get3A_37 : i32 to index
      %get3A_39 = arith.constant 16 : index
      %get3A_40 = tpu.vector_load %arg15[%get3A_38, %get3A_39] {strides = array<i32>} : memref<8x128xf32, #tpu.memory_space<vmem>>, vector<16xf32>,
      %add3A_41 = arith.addf %get3A_36, %get3A_40 : vector<16xf32>
      %get3A_42 = arith.constant 0 : i32
      %get3A_43 = arith.index_cast %get3A_42 : i32 to index
      %get3A_44 = arith.constant 16 : index
      %get3A_45 = tpu.vector_load %arg16[%get3A_43, %get3A_44] {strides = array<i32>} : memref<8x128xf32, #tpu.memory_space<vmem>>, vector<16xf32>,
      %add3A_46 = arith.addf %add3A_41, %get3A_45 : vector<16xf32>
      %mul3A_47 = vector.broadcast %squeeze3A : f32 to vector<16xf32>
      %mul3A_48 = arith.mulf %mul3A_47, %add3A_46 : vector<16xf32>
      %get3A_49 = arith.constant 16 : index
      %get3A_50 = tpu.vector_load %arg10[%get3A_49] {strides = array<i32>} : memref<128xf32, #tpu.memory_space<vmem>>, vector<16xf32>,
      %add3A_51 = arith.addf %mul3A_48, %get3A_50 : vector<16xf32>
      %swap3A_52 = arith.constant 0 : i32
      %swap3A_53 = arith.index_cast %swap3A_52 : i32 to index
      %swap3A_54 = arith.constant 16 : index
      %swap3A_55 = tpu.vector_load %arg17[%swap3A_53, %swap3A_54] {strides = array<i32>} : memref<8x128xf32, #tpu.memory_space<vmem>>, vector<16xf32>,
      tpu.vector_store %arg17[%swap3A_53, %swap3A_54], %add3A_51 {strides = array<i32>} : memref<8x128xf32, #tpu.memory_space<vmem>>, vector<16xf32>,
      %get3A_56 = arith.constant 0 : i32
      %get3A_57 = arith.index_cast %get3A_56 : i32 to index
      %get3A_58 = arith.constant 32 : index
      %get3A_59 = tpu.vector_load %arg14[%get3A_57, %get3A_58] {strides = array<i32>} : memref<8x128xf32, #tpu.memory_space<vmem>>, vector<16xf32>,
      %get3A_60 = arith.constant 0 : i32
      %get3A_61 = arith.index_cast %get3A_60 : i32 to index
      %get3A_62 = arith.constant 32 : index
      %get3A_63 = tpu.vector_load %arg15[%get3A_61, %get3A_62] {strides = array<i32>} : memref<8x128xf32, #tpu.memory_space<vmem>>, vector<16xf32>,
      %add3A_64 = arith.addf %get3A_59, %get3A_63 : vector<16xf32>
      %get3A_65 = arith.constant 0 : i32
      %get3A_66 = arith.index_cast %get3A_65 : i32 to index
      %get3A_67 = arith.constant 32 : index
      %get3A_68 = tpu.vector_load %arg16[%get3A_66, %get3A_67] {strides = array<i32>} : memref<8x128xf32, #tpu.memory_space<vmem>>, vector<16xf32>,
      %add3A_69 = arith.addf %add3A_64, %get3A_68 : vector<16xf32>
      %mul3A_70 = vector.broadcast %squeeze3A : f32 to vector<16xf32>
      %mul3A_71 = arith.mulf %mul3A_70, %add3A_69 : vector<16xf32>
      %get3A_72 = arith.constant 32 : index
      %get3A_73 = tpu.vector_load %arg10[%get3A_72] {strides = array<i32>} : memref<128xf32, #tpu.memory_space<vmem>>, vector<16xf32>,
      %add3A_74 = arith.addf %mul3A_71, %get3A_73 : vector<16xf32>
      %swap3A_75 = arith.constant 0 : i32
      %swap3A_76 = arith.index_cast %swap3A_75 : i32 to index
      %swap3A_77 = arith.constant 32 : index
      %swap3A_78 = tpu.vector_load %arg17[%swap3A_76, %swap3A_77] {strides = array<i32>} : memref<8x128xf32, #tpu.memory_space<vmem>>, vector<16xf32>,
      tpu.vector_store %arg17[%swap3A_76, %swap3A_77], %add3A_74 {strides = array<i32>} : memref<8x128xf32, #tpu.memory_space<vmem>>, vector<16xf32>,
      %get3A_79 = arith.constant 0 : i32
      %get3A_80 = arith.index_cast %get3A_79 : i32 to index
      %get3A_81 = arith.constant 48 : index
      %get3A_82 = tpu.vector_load %arg14[%get3A_80, %get3A_81] {strides = array<i32>} : memref<8x128xf32, #tpu.memory_space<vmem>>, vector<16xf32>,
      %get3A_83 = arith.constant 0 : i32
      %get3A_84 = arith.index_cast %get3A_83 : i32 to index
      %get3A_85 = arith.constant 48 : index
      %get3A_86 = tpu.vector_load %arg15[%get3A_84, %get3A_85] {strides = array<i32>} : memref<8x128xf32, #tpu.memory_space<vmem>>, vector<16xf32>,
      %add3A_87 = arith.addf %get3A_82, %get3A_86 : vector<16xf32>
      %get3A_88 = arith.constant 0 : i32
      %get3A_89 = arith.index_cast %get3A_88 : i32 to index
      %get3A_90 = arith.constant 48 : index
      %get3A_91 = tpu.vector_load %arg16[%get3A_89, %get3A_90] {strides = array<i32>} : memref<8x128xf32, #tpu.memory_space<vmem>>, vector<16xf32>,
      %add3A_92 = arith.addf %add3A_87, %get3A_91 : vector<16xf32>
      %mul3A_93 = vector.broadcast %squeeze3A : f32 to vector<16xf32>
      %mul3A_94 = arith.mulf %mul3A_93, %add3A_92 : vector<16xf32>
      %get3A_95 = arith.constant 48 : index
      %get3A_96 = tpu.vector_load %arg10[%get3A_95] {strides = array<i32>} : memref<128xf32, #tpu.memory_space<vmem>>, vector<16xf32>,
      %add3A_97 = arith.addf %mul3A_94, %get3A_96 : vector<16xf32>
      %swap3A_98 = arith.constant 0 : i32
      %swap3A_99 = arith.index_cast %swap3A_98 : i32 to index
      %swap3A_100 = arith.constant 48 : index
      %swap3A_101 = tpu.vector_load %arg17[%swap3A_99, %swap3A_100] {strides = array<i32>} : memref<8x128xf32, #tpu.memory_space<vmem>>, vector<16xf32>,
      tpu.vector_store %arg17[%swap3A_99, %swap3A_100], %add3A_97 {strides = array<i32>} : memref<8x128xf32, #tpu.memory_space<vmem>>, vector<16xf32>,
      %get3A_102 = arith.constant 0 : i32
      %get3A_103 = arith.index_cast %get3A_102 : i32 to index
      %get3A_104 = arith.constant 64 : index
      %get3A_105 = tpu.vector_load %arg14[%get3A_103, %get3A_104] {strides = array<i32>} : memref<8x128xf32, #tpu.memory_space<vmem>>, vector<16xf32>,
      %get3A_106 = arith.constant 0 : i32
      %get3A_107 = arith.index_cast %get3A_106 : i32 to index
      %get3A_108 = arith.constant 64 : index
      %get3A_109 = tpu.vector_load %arg15[%get3A_107, %get3A_108] {strides = array<i32>} : memref<8x128xf32, #tpu.memory_space<vmem>>, vector<16xf32>,
      %add3A_110 = arith.addf %get3A_105, %get3A_109 : vector<16xf32>
      %get3A_111 = arith.constant 0 : i32
      %get3A_112 = arith.index_cast %get3A_111 : i32 to index
      %get3A_113 = arith.constant 64 : index
      %get3A_114 = tpu.vector_load %arg16[%get3A_112, %get3A_113] {strides = array<i32>} : memref<8x128xf32, #tpu.memory_space<vmem>>, vector<16xf32>,
      %add3A_115 = arith.addf %add3A_110, %get3A_114 : vector<16xf32>
      %mul3A_116 = vector.broadcast %squeeze3A : f32 to vector<16xf32>
      %mul3A_117 = arith.mulf %mul3A_116, %add3A_115 : vector<16xf32>
      %get3A_118 = arith.constant 64 : index
      %get3A_119 = tpu.vector_load %arg10[%get3A_118] {strides = array<i32>} : memref<128xf32, #tpu.memory_space<vmem>>, vector<16xf32>,
      %add3A_120 = arith.addf %mul3A_117, %get3A_119 : vector<16xf32>
      %swap3A_121 = arith.constant 0 : i32
      %swap3A_122 = arith.index_cast %swap3A_121 : i32 to index
      %swap3A_123 = arith.constant 64 : index
      %swap3A_124 = tpu.vector_load %arg17[%swap3A_122, %swap3A_123] {strides = array<i32>} : memref<8x128xf32, #tpu.memory_space<vmem>>, vector<16xf32>,
      tpu.vector_store %arg17[%swap3A_122, %swap3A_123], %add3A_120 {strides = array<i32>} : memref<8x128xf32, #tpu.memory_space<vmem>>, vector<16xf32>,
      %get3A_125 = arith.constant 0 : i32
      %get3A_126 = arith.index_cast %get3A_125 : i32 to index
      %get3A_127 = arith.constant 80 : index
      %get3A_128 = tpu.vector_load %arg14[%get3A_126, %get3A_127] {strides = array<i32>} : memref<8x128xf32, #tpu.memory_space<vmem>>, vector<16xf32>,
      %get3A_129 = arith.constant 0 : i32
      %get3A_130 = arith.index_cast %get3A_129 : i32 to index
      %get3A_131 = arith.constant 80 : index
      %get3A_132 = tpu.vector_load %arg15[%get3A_130, %get3A_131] {strides = array<i32>} : memref<8x128xf32, #tpu.memory_space<vmem>>, vector<16xf32>,
      %add3A_133 = arith.addf %get3A_128, %get3A_132 : vector<16xf32>
      %get3A_134 = arith.constant 0 : i32
      %get3A_135 = arith.index_cast %get3A_134 : i32 to index
      %get3A_136 = arith.constant 80 : index
      %get3A_137 = tpu.vector_load %arg16[%get3A_135, %get3A_136] {strides = array<i32>} : memref<8x128xf32, #tpu.memory_space<vmem>>, vector<16xf32>,
      %add3A_138 = arith.addf %add3A_133, %get3A_137 : vector<16xf32>
      %mul3A_139 = vector.broadcast %squeeze3A : f32 to vector<16xf32>
      %mul3A_140 = arith.mulf %mul3A_139, %add3A_138 : vector<16xf32>
      %get3A_141 = arith.constant 80 : index
      %get3A_142 = tpu.vector_load %arg10[%get3A_141] {strides = array<i32>} : memref<128xf32, #tpu.memory_space<vmem>>, vector<16xf32>,
      %add3A_143 = arith.addf %mul3A_140, %get3A_142 : vector<16xf32>
      %swap3A_144 = arith.constant 0 : i32
      %swap3A_145 = arith.index_cast %swap3A_144 : i32 to index
      %swap3A_146 = arith.constant 80 : index
      %swap3A_147 = tpu.vector_load %arg17[%swap3A_145, %swap3A_146] {strides = array<i32>} : memref<8x128xf32, #tpu.memory_space<vmem>>, vector<16xf32>,
      tpu.vector_store %arg17[%swap3A_145, %swap3A_146], %add3A_143 {strides = array<i32>} : memref<8x128xf32, #tpu.memory_space<vmem>>, vector<16xf32>,
      %get3A_148 = arith.constant 0 : i32
      %get3A_149 = arith.index_cast %get3A_148 : i32 to index
      %get3A_150 = arith.constant 96 : index
      %get3A_151 = tpu.vector_load %arg14[%get3A_149, %get3A_150] {strides = array<i32>} : memref<8x128xf32, #tpu.memory_space<vmem>>, vector<16xf32>,
      %get3A_152 = arith.constant 0 : i32
      %get3A_153 = arith.index_cast %get3A_152 : i32 to index
      %get3A_154 = arith.constant 96 : index
      %get3A_155 = tpu.vector_load %arg15[%get3A_153, %get3A_154] {strides = array<i32>} : memref<8x128xf32, #tpu.memory_space<vmem>>, vector<16xf32>,
      %add3A_156 = arith.addf %get3A_151, %get3A_155 : vector<16xf32>
      %get3A_157 = arith.constant 0 : i32
      %get3A_158 = arith.index_cast %get3A_157 : i32 to index
      %get3A_159 = arith.constant 96 : index
      %get3A_160 = tpu.vector_load %arg16[%get3A_158, %get3A_159] {strides = array<i32>} : memref<8x128xf32, #tpu.memory_space<vmem>>, vector<16xf32>,
      %add3A_161 = arith.addf %add3A_156, %get3A_160 : vector<16xf32>
      %mul3A_162 = vector.broadcast %squeeze3A : f32 to vector<16xf32>
      %mul3A_163 = arith.mulf %mul3A_162, %add3A_161 : vector<16xf32>
      %get3A_164 = arith.constant 96 : index
      %get3A_165 = tpu.vector_load %arg10[%get3A_164] {strides = array<i32>} : memref<128xf32, #tpu.memory_space<vmem>>, vector<16xf32>,
      %add3A_166 = arith.addf %mul3A_163, %get3A_165 : vector<16xf32>
      %swap3A_167 = arith.constant 0 : i32
      %swap3A_168 = arith.index_cast %swap3A_167 : i32 to index
      %swap3A_169 = arith.constant 96 : index
      %swap3A_170 = tpu.vector_load %arg17[%swap3A_168, %swap3A_169] {strides = array<i32>} : memref<8x128xf32, #tpu.memory_space<vmem>>, vector<16xf32>,
      tpu.vector_store %arg17[%swap3A_168, %swap3A_169], %add3A_166 {strides = array<i32>} : memref<8x128xf32, #tpu.memory_space<vmem>>, vector<16xf32>,
      %get3A_171 = arith.constant 0 : i32
      %get3A_172 = arith.index_cast %get3A_171 : i32 to index
      %get3A_173 = arith.constant 112 : index
      %get3A_174 = tpu.vector_load %arg14[%get3A_172, %get3A_173] {strides = array<i32>} : memref<8x128xf32, #tpu.memory_space<vmem>>, vector<16xf32>,
      %get3A_175 = arith.constant 0 : i32
      %get3A_176 = arith.index_cast %get3A_175 : i32 to index
      %get3A_177 = arith.constant 112 : index
      %get3A_178 = tpu.vector_load %arg15[%get3A_176, %get3A_177] {strides = array<i32>} : memref<8x128xf32, #tpu.memory_space<vmem>>, vector<16xf32>,
      %add3A_179 = arith.addf %get3A_174, %get3A_178 : vector<16xf32>
      %get3A_180 = arith.constant 0 : i32
      %get3A_181 = arith.index_cast %get3A_180 : i32 to index
      %get3A_182 = arith.constant 112 : index
      %get3A_183 = tpu.vector_load %arg16[%get3A_181, %get3A_182] {strides = array<i32>} : memref<8x128xf32, #tpu.memory_space<vmem>>, vector<16xf32>,
      %add3A_184 = arith.addf %add3A_179, %get3A_183 : vector<16xf32>
      %mul3A_185 = vector.broadcast %squeeze3A : f32 to vector<16xf32>
      %mul3A_186 = arith.mulf %mul3A_185, %add3A_184 : vector<16xf32>
      %get3A_187 = arith.constant 112 : index
      %get3A_188 = tpu.vector_load %arg10[%get3A_187] {strides = array<i32>} : memref<128xf32, #tpu.memory_space<vmem>>, vector<16xf32>,
      %add3A_189 = arith.addf %mul3A_186, %get3A_188 : vector<16xf32>
      %swap3A_190 = arith.constant 0 : i32
      %swap3A_191 = arith.index_cast %swap3A_190 : i32 to index
      %swap3A_192 = arith.constant 112 : index
      %swap3A_193 = tpu.vector_load %arg17[%swap3A_191, %swap3A_192] {strides = array<i32>} : memref<8x128xf32, #tpu.memory_space<vmem>>, vector<16xf32>,
      tpu.vector_store %arg17[%swap3A_191, %swap3A_192], %add3A_189 {strides = array<i32>} : memref<8x128xf32, #tpu.memory_space<vmem>>, vector<16xf32>,
      %slice3A_194 = vector.extract_strided_slice %gather3A_9 {offsets = [1], sizes = [1], strides = [1]} : vector<16xf32> to vector<1xf32>
      %squeeze3A_195 = vector.extract %slice3A_194[0] : f32 from vector<1xf32>
      %get3A_196 = arith.constant 1 : i32
      %get3A_197 = arith.index_cast %get3A_196 : i32 to index
      %get3A_198 = arith.constant 0 : index
      %get3A_199 = tpu.vector_load %arg14[%get3A_197, %get3A_198] {strides = array<i32>} : memref<8x128xf32, #tpu.memory_space<vmem>>, vector<16xf32>,
      %get3A_200 = arith.constant 1 : i32
      %get3A_201 = arith.index_cast %get3A_200 : i32 to index
      %get3A_202 = arith.constant 0 : index
      %get3A_203 = tpu.vector_load %arg15[%get3A_201, %get3A_202] {strides = array<i32>} : memref<8x128xf32, #tpu.memory_space<vmem>>, vector<16xf32>,
      %add3A_204 = arith.addf %get3A_199, %get3A_203 : vector<16xf32>
      %get3A_205 = arith.constant 1 : i32
      %get3A_206 = arith.index_cast %get3A_205 : i32 to index
      %get3A_207 = arith.constant 0 : index
      %get3A_208 = tpu.vector_load %arg16[%get3A_206, %get3A_207] {strides = array<i32>} : memref<8x128xf32, #tpu.memory_space<vmem>>, vector<16xf32>,
      %add3A_209 = arith.addf %add3A_204, %get3A_208 : vector<16xf32>
      %mul3A_210 = vector.broadcast %squeeze3A_195 : f32 to vector<16xf32>
      %mul3A_211 = arith.mulf %mul3A_210, %add3A_209 : vector<16xf32>
      %get3A_212 = arith.constant 0 : index
      %get3A_213 = tpu.vector_load %arg10[%get3A_212] {strides = array<i32>} : memref<128xf32, #tpu.memory_space<vmem>>, vector<16xf32>,
      %add3A_214 = arith.addf %mul3A_211, %get3A_213 : vector<16xf32>
      %swap3A_215 = arith.constant 1 : i32
      %swap3A_216 = arith.index_cast %swap3A_215 : i32 to index
      %swap3A_217 = arith.constant 0 : index
      %swap3A_218 = tpu.vector_load %arg17[%swap3A_216, %swap3A_217] {strides = array<i32>} : memref<8x128xf32, #tpu.memory_space<vmem>>, vector<16xf32>,
      tpu.vector_store %arg17[%swap3A_216, %swap3A_217], %add3A_214 {strides = array<i32>} : memref<8x128xf32, #tpu.memory_space<vmem>>, vector<16xf32>,
      %get3A_219 = arith.constant 1 : i32
      %get3A_220 = arith.index_cast %get3A_219 : i32 to index
      %get3A_221 = arith.constant 16 : index
      %get3A_222 = tpu.vector_load %arg14[%get3A_220, %get3A_221] {strides = array<i32>} : memref<8x128xf32, #tpu.memory_space<vmem>>, vector<16xf32>,
      %get3A_223 = arith.constant 1 : i32
      %get3A_224 = arith.index_cast %get3A_223 : i32 to index
      %get3A_225 = arith.constant 16 : index
      %get3A_226 = tpu.vector_load %arg15[%get3A_224, %get3A_225] {strides = array<i32>} : memref<8x128xf32, #tpu.memory_space<vmem>>, vector<16xf32>,
      %add3A_227 = arith.addf %get3A_222, %get3A_226 : vector<16xf32>
      %get3A_228 = arith.constant 1 : i32
      %get3A_229 = arith.index_cast %get3A_228 : i32 to index
      %get3A_230 = arith.constant 16 : index
      %get3A_231 = tpu.vector_load %arg16[%get3A_229, %get3A_230] {strides = array<i32>} : memref<8x128xf32, #tpu.memory_space<vmem>>, vector<16xf32>,
      %add3A_232 = arith.addf %add3A_227, %get3A_231 : vector<16xf32>
      %mul3A_233 = vector.broadcast %squeeze3A_195 : f32 to vector<16xf32>
      %mul3A_234 = arith.mulf %mul3A_233, %add3A_232 : vector<16xf32>
      %get3A_235 = arith.constant 16 : index
      %get3A_236 = tpu.vector_load %arg10[%get3A_235] {strides = array<i32>} : memref<128xf32, #tpu.memory_space<vmem>>, vector<16xf32>,
      %add3A_237 = arith.addf %mul3A_234, %get3A_236 : vector<16xf32>
      %swap3A_238 = arith.constant 1 : i32
      %swap3A_239 = arith.index_cast %swap3A_238 : i32 to index
      %swap3A_240 = arith.constant 16 : index
      %swap3A_241 = tpu.vector_load %arg17[%swap3A_239, %swap3A_240] {strides = array<i32>} : memref<8x128xf32, #tpu.memory_space<vmem>>, vector<16xf32>,
      tpu.vector_store %arg17[%swap3A_239, %swap3A_240], %add3A_237 {strides = array<i32>} : memref<8x128xf32, #tpu.memory_space<vmem>>, vector<16xf32>,
      %get3A_242 = arith.constant 1 : i32
      %get3A_243 = arith.index_cast %get3A_242 : i32 to index
      %get3A_244 = arith.constant 32 : index
      %get3A_245 = tpu.vector_load %arg14[%get3A_243, %get3A_244] {strides = array<i32>} : memref<8x128xf32, #tpu.memory_space<vmem>>, vector<16xf32>,
      %get3A_246 = arith.constant 1 : i32
      %get3A_247 = arith.index_cast %get3A_246 : i32 to index
      %get3A_248 = arith.constant 32 : index
      %get3A_249 = tpu.vector_load %arg15[%get3A_247, %get3A_248] {strides = array<i32>} : memref<8x128xf32, #tpu.memory_space<vmem>>, vector<16xf32>,
      %add3A_250 = arith.addf %get3A_245, %get3A_249 : vector<16xf32>
      %get3A_251 = arith.constant 1 : i32
      %get3A_252 = arith.index_cast %get3A_251 : i32 to index
      %get3A_253 = arith.constant 32 : index
      %get3A_254 = tpu.vector_load %arg16[%get3A_252, %get3A_253] {strides = array<i32>} : memref<8x128xf32, #tpu.memory_space<vmem>>, vector<16xf32>,
      %add3A_255 = arith.addf %add3A_250, %get3A_254 : vector<16xf32>
      %mul3A_256 = vector.broadcast %squeeze3A_195 : f32 to vector<16xf32>
      %mul3A_257 = arith.mulf %mul3A_256, %add3A_255 : vector<16xf32>
      %get3A_258 = arith.constant 32 : index
      %get3A_259 = tpu.vector_load %arg10[%get3A_258] {strides = array<i32>} : memref<128xf32, #tpu.memory_space<vmem>>, vector<16xf32>,
      %add3A_260 = arith.addf %mul3A_257, %get3A_259 : vector<16xf32>
      %swap3A_261 = arith.constant 1 : i32
      %swap3A_262 = arith.index_cast %swap3A_261 : i32 to index
      %swap3A_263 = arith.constant 32 : index
      %swap3A_264 = tpu.vector_load %arg17[%swap3A_262, %swap3A_263] {strides = array<i32>} : memref<8x128xf32, #tpu.memory_space<vmem>>, vector<16xf32>,
      tpu.vector_store %arg17[%swap3A_262, %swap3A_263], %add3A_260 {strides = array<i32>} : memref<8x128xf32, #tpu.memory_space<vmem>>, vector<16xf32>,
      %get3A_265 = arith.constant 1 : i32
      %get3A_266 = arith.index_cast %get3A_265 : i32 to index
      %get3A_267 = arith.constant 48 : index
      %get3A_268 = tpu.vector_load %arg14[%get3A_266, %get3A_267] {strides = array<i32>} : memref<8x128xf32, #tpu.memory_space<vmem>>, vector<16xf32>,
      %get3A_269 = arith.constant 1 : i32
      %get3A_270 = arith.index_cast %get3A_269 : i32 to index
      %get3A_271 = arith.constant 48 : index
      %get3A_272 = tpu.vector_load %arg15[%get3A_270, %get3A_271] {strides = array<i32>} : memref<8x128xf32, #tpu.memory_space<vmem>>, vector<16xf32>,
      %add3A_273 = arith.addf %get3A_268, %get3A_272 : vector<16xf32>
      %get3A_274 = arith.constant 1 : i32
      %get3A_275 = arith.index_cast %get3A_274 : i32 to index
      %get3A_276 = arith.constant 48 : index
      %get3A_277 = tpu.vector_load %arg16[%get3A_275, %get3A_276] {strides = array<i32>} : memref<8x128xf32, #tpu.memory_space<vmem>>, vector<16xf32>,
      %add3A_278 = arith.addf %add3A_273, %get3A_277 : vector<16xf32>
      %mul3A_279 = vector.broadcast %squeeze3A_195 : f32 to vector<16xf32>
      %mul3A_280 = arith.mulf %mul3A_279, %add3A_278 : vector<16xf32>
      %get3A_281 = arith.constant 48 : index
      %get3A_282 = tpu.vector_load %arg10[%get3A_281] {strides = array<i32>} : memref<128xf32, #tpu.memory_space<vmem>>, vector<16xf32>,
      %add3A_283 = arith.addf %mul3A_280, %get3A_282 : vector<16xf32>
      %swap3A_284 = arith.constant 1 : i32
      %swap3A_285 = arith.index_cast %swap3A_284 : i32 to index
      %swap3A_286 = arith.constant 48 : index
      %swap3A_287 = tpu.vector_load %arg17[%swap3A_285, %swap3A_286] {strides = array<i32>} : memref<8x128xf32, #tpu.memory_space<vmem>>, vector<16xf32>,
      tpu.vector_store %arg17[%swap3A_285, %swap3A_286], %add3A_283 {strides = array<i32>} : memref<8x128xf32, #tpu.memory_space<vmem>>, vector<16xf32>,
      %get3A_288 = arith.constant 1 : i32
      %get3A_289 = arith.index_cast %get3A_288 : i32 to index
      %get3A_290 = arith.constant 64 : index
      %get3A_291 = tpu.vector_load %arg14[%get3A_289, %get3A_290] {strides = array<i32>} : memref<8x128xf32, #tpu.memory_space<vmem>>, vector<16xf32>,
      %get3A_292 = arith.constant 1 : i32
      %get3A_293 = arith.index_cast %get3A_292 : i32 to index
      %get3A_294 = arith.constant 64 : index
      %get3A_295 = tpu.vector_load %arg15[%get3A_293, %get3A_294] {strides = array<i32>} : memref<8x128xf32, #tpu.memory_space<vmem>>, vector<16xf32>,
      %add3A_296 = arith.addf %get3A_291, %get3A_295 : vector<16xf32>
      %get3A_297 = arith.constant 1 : i32
      %get3A_298 = arith.index_cast %get3A_297 : i32 to index
      %get3A_299 = arith.constant 64 : index
      %get3A_300 = tpu.vector_load %arg16[%get3A_298, %get3A_299] {strides = array<i32>} : memref<8x128xf32, #tpu.memory_space<vmem>>, vector<16xf32>,
      %add3A_301 = arith.addf %add3A_296, %get3A_300 : vector<16xf32>
      %mul3A_302 = vector.broadcast %squeeze3A_195 : f32 to vector<16xf32>
      %mul3A_303 = arith.mulf %mul3A_302, %add3A_301 : vector<16xf32>
      %get3A_304 = arith.constant 64 : index
      %get3A_305 = tpu.vector_load %arg10[%get3A_304] {strides = array<i32>} : memref<128xf32, #tpu.memory_space<vmem>>, vector<16xf32>,
      %add3A_306 = arith.addf %mul3A_303, %get3A_305 : vector<16xf32>
      %swap3A_307 = arith.constant 1 : i32
      %swap3A_308 = arith.index_cast %swap3A_307 : i32 to index
      %swap3A_309 = arith.constant 64 : index
      %swap3A_310 = tpu.vector_load %arg17[%swap3A_308, %swap3A_309] {strides = array<i32>} : memref<8x128xf32, #tpu.memory_space<vmem>>, vector<16xf32>,
      tpu.vector_store %arg17[%swap3A_308, %swap3A_309], %add3A_306 {strides = array<i32>} : memref<8x128xf32, #tpu.memory_space<vmem>>, vector<16xf32>,
      %get3A_311 = arith.constant 1 : i32
      %get3A_312 = arith.index_cast %get3A_311 : i32 to index
      %get3A_313 = arith.constant 80 : index
      %get3A_314 = tpu.vector_load %arg14[%get3A_312, %get3A_313] {strides = array<i32>} : memref<8x128xf32, #tpu.memory_space<vmem>>, vector<16xf32>,
      %get3A_315 = arith.constant 1 : i32
      %get3A_316 = arith.index_cast %get3A_315 : i32 to index
      %get3A_317 = arith.constant 80 : index
      %get3A_318 = tpu.vector_load %arg15[%get3A_316, %get3A_317] {strides = array<i32>} : memref<8x128xf32, #tpu.memory_space<vmem>>, vector<16xf32>,
      %add3A_319 = arith.addf %get3A_314, %get3A_318 : vector<16xf32>
      %get3A_320 = arith.constant 1 : i32
      %get3A_321 = arith.index_cast %get3A_320 : i32 to index
      %get3A_322 = arith.constant 80 : index
      %get3A_323 = tpu.vector_load %arg16[%get3A_321, %get3A_322] {strides = array<i32>} : memref<8x128xf32, #tpu.memory_space<vmem>>, vector<16xf32>,
      %add3A_324 = arith.addf %add3A_319, %get3A_323 : vector<16xf32>
      %mul3A_325 = vector.broadcast %squeeze3A_195 : f32 to vector<16xf32>
      %mul3A_326 = arith.mulf %mul3A_325, %add3A_324 : vector<16xf32>
      %get3A_327 = arith.constant 80 : index
      %get3A_328 = tpu.vector_load %arg10[%get3A_327] {strides = array<i32>} : memref<128xf32, #tpu.memory_space<vmem>>, vector<16xf32>,
      %add3A_329 = arith.addf %mul3A_326, %get3A_328 : vector<16xf32>
      %swap3A_330 = arith.constant 1 : i32
      %swap3A_331 = arith.index_cast %swap3A_330 : i32 to index
      %swap3A_332 = arith.constant 80 : index
      %swap3A_333 = tpu.vector_load %arg17[%swap3A_331, %swap3A_332] {strides = array<i32>} : memref<8x128xf32, #tpu.memory_space<vmem>>, vector<16xf32>,
      tpu.vector_store %arg17[%swap3A_331, %swap3A_332], %add3A_329 {strides = array<i32>} : memref<8x128xf32, #tpu.memory_space<vmem>>, vector<16xf32>,
      %get3A_334 = arith.constant 1 : i32
      %get3A_335 = arith.index_cast %get3A_334 : i32 to index
      %get3A_336 = arith.constant 96 : index
      %get3A_337 = tpu.vector_load %arg14[%get3A_335, %get3A_336] {strides = array<i32>} : memref<8x128xf32, #tpu.memory_space<vmem>>, vector<16xf32>,
      %get3A_338 = arith.constant 1 : i32
      %get3A_339 = arith.index_cast %get3A_338 : i32 to index
      %get3A_340 = arith.constant 96 : index
      %get3A_341 = tpu.vector_load %arg15[%get3A_339, %get3A_340] {strides = array<i32>} : memref<8x128xf32, #tpu.memory_space<vmem>>, vector<16xf32>,
      %add3A_342 = arith.addf %get3A_337, %get3A_341 : vector<16xf32>
      %get3A_343 = arith.constant 1 : i32
      %get3A_344 = arith.index_cast %get3A_343 : i32 to index
      %get3A_345 = arith.constant 96 : index
      %get3A_346 = tpu.vector_load %arg16[%get3A_344, %get3A_345] {strides = array<i32>} : memref<8x128xf32, #tpu.memory_space<vmem>>, vector<16xf32>,
      %add3A_347 = arith.addf %add3A_342, %get3A_346 : vector<16xf32>
      %mul3A_348 = vector.broadcast %squeeze3A_195 : f32 to vector<16xf32>
      %mul3A_349 = arith.mulf %mul3A_348, %add3A_347 : vector<16xf32>
      %get3A_350 = arith.constant 96 : index
      %get3A_351 = tpu.vector_load %arg10[%get3A_350] {strides = array<i32>} : memref<128xf32, #tpu.memory_space<vmem>>, vector<16xf32>,
      %add3A_352 = arith.addf %mul3A_349, %get3A_351 : vector<16xf32>
      %swap3A_353 = arith.constant 1 : i32
      %swap3A_354 = arith.index_cast %swap3A_353 : i32 to index
      %swap3A_355 = arith.constant 96 : index
      %swap3A_356 = tpu.vector_load %arg17[%swap3A_354, %swap3A_355] {strides = array<i32>} : memref<8x128xf32, #tpu.memory_space<vmem>>, vector<16xf32>,
      tpu.vector_store %arg17[%swap3A_354, %swap3A_355], %add3A_352 {strides = array<i32>} : memref<8x128xf32, #tpu.memory_space<vmem>>, vector<16xf32>,
      %get3A_357 = arith.constant 1 : i32
      %get3A_358 = arith.index_cast %get3A_357 : i32 to index
      %get3A_359 = arith.constant 112 : index
      %get3A_360 = tpu.vector_load %arg14[%get3A_358, %get3A_359] {strides = array<i32>} : memref<8x128xf32, #tpu.memory_space<vmem>>, vector<16xf32>,
      %get3A_361 = arith.constant 1 : i32
      %get3A_362 = arith.index_cast %get3A_361 : i32 to index
      %get3A_363 = arith.constant 112 : index
      %get3A_364 = tpu.vector_load %arg15[%get3A_362, %get3A_363] {strides = array<i32>} : memref<8x128xf32, #tpu.memory_space<vmem>>, vector<16xf32>,
      %add3A_365 = arith.addf %get3A_360, %get3A_364 : vector<16xf32>
      %get3A_366 = arith.constant 1 : i32
      %get3A_367 = arith.index_cast %get3A_366 : i32 to index
      %get3A_368 = arith.constant 112 : index
      %get3A_369 = tpu.vector_load %arg16[%get3A_367, %get3A_368] {strides = array<i32>} : memref<8x128xf32, #tpu.memory_space<vmem>>, vector<16xf32>,
      %add3A_370 = arith.addf %add3A_365, %get3A_369 : vector<16xf32>
      %mul3A_371 = vector.broadcast %squeeze3A_195 : f32 to vector<16xf32>
      %mul3A_372 = arith.mulf %mul3A_371, %add3A_370 : vector<16xf32>
      %get3A_373 = arith.constant 112 : index
      %get3A_374 = tpu.vector_load %arg10[%get3A_373] {strides = array<i32>} : memref<128xf32, #tpu.memory_space<vmem>>, vector<16xf32>,
      %add3A_375 = arith.addf %mul3A_372, %get3A_374 : vector<16xf32>
      %swap3A_376 = arith.constant 1 : i32
      %swap3A_377 = arith.index_cast %swap3A_376 : i32 to index
      %swap3A_378 = arith.constant 112 : index
      %swap3A_379 = tpu.vector_load %arg17[%swap3A_377, %swap3A_378] {strides = array<i32>} : memref<8x128xf32, #tpu.memory_space<vmem>>, vector<16xf32>,
      tpu.vector_store %arg17[%swap3A_377, %swap3A_378], %add3A_375 {strides = array<i32>} : memref<8x128xf32, #tpu.memory_space<vmem>>, vector<16xf32>,
      %slice3A_380 = vector.extract_strided_slice %gather3A_9 {offsets = [2], sizes = [1], strides = [1]} : vector<16xf32> to vector<1xf32>
      %squeeze3A_381 = vector.extract %slice3A_380[0] : f32 from vector<1xf32>
      %get3A_382 = arith.constant 2 : i32
      %get3A_383 = arith.index_cast %get3A_382 : i32 to index
      %get3A_384 = arith.constant 0 : index
      %get3A_385 = tpu.vector_load %arg14[%get3A_383, %get3A_384] {strides = array<i32>} : memref<8x128xf32, #tpu.memory_space<vmem>>, vector<16xf32>,
      %get3A_386 = arith.constant 2 : i32
      %get3A_387 = arith.index_cast %get3A_386 : i32 to index
      %get3A_388 = arith.constant 0 : index
      %get3A_389 = tpu.vector_load %arg15[%get3A_387, %get3A_388] {strides = array<i32>} : memref<8x128xf32, #tpu.memory_space<vmem>>, vector<16xf32>,
      %add3A_390 = arith.addf %get3A_385, %get3A_389 : vector<16xf32>
      %get3A_391 = arith.constant 2 : i32
      %get3A_392 = arith.index_cast %get3A_391 : i32 to index
      %get3A_393 = arith.constant 0 : index
      %get3A_394 = tpu.vector_load %arg16[%get3A_392, %get3A_393] {strides = array<i32>} : memref<8x128xf32, #tpu.memory_space<vmem>>, vector<16xf32>,
      %add3A_395 = arith.addf %add3A_390, %get3A_394 : vector<16xf32>
      %mul3A_396 = vector.broadcast %squeeze3A_381 : f32 to vector<16xf32>
      %mul3A_397 = arith.mulf %mul3A_396, %add3A_395 : vector<16xf32>
      %get3A_398 = arith.constant 0 : index
      %get3A_399 = tpu.vector_load %arg10[%get3A_398] {strides = array<i32>} : memref<128xf32, #tpu.memory_space<vmem>>, vector<16xf32>,
      %add3A_400 = arith.addf %mul3A_397, %get3A_399 : vector<16xf32>
      %swap3A_401 = arith.constant 2 : i32
      %swap3A_402 = arith.index_cast %swap3A_401 : i32 to index
      %swap3A_403 = arith.constant 0 : index
      %swap3A_404 = tpu.vector_load %arg17[%swap3A_402, %swap3A_403] {strides = array<i32>} : memref<8x128xf32, #tpu.memory_space<vmem>>, vector<16xf32>,
      tpu.vector_store %arg17[%swap3A_402, %swap3A_403], %add3A_400 {strides = array<i32>} : memref<8x128xf32, #tpu.memory_space<vmem>>, vector<16xf32>,
      %get3A_405 = arith.constant 2 : i32
      %get3A_406 = arith.index_cast %get3A_405 : i32 to index
      %get3A_407 = arith.constant 16 : index
      %get3A_408 = tpu.vector_load %arg14[%get3A_406, %get3A_407] {strides = array<i32>} : memref<8x128xf32, #tpu.memory_space<vmem>>, vector<16xf32>,
      %get3A_409 = arith.constant 2 : i32
      %get3A_410 = arith.index_cast %get3A_409 : i32 to index
      %get3A_411 = arith.constant 16 : index
      %get3A_412 = tpu.vector_load %arg15[%get3A_410, %get3A_411] {strides = array<i32>} : memref<8x128xf32, #tpu.memory_space<vmem>>, vector<16xf32>,
      %add3A_413 = arith.addf %get3A_408, %get3A_412 : vector<16xf32>
      %get3A_414 = arith.constant 2 : i32
      %get3A_415 = arith.index_cast %get3A_414 : i32 to index
      %get3A_416 = arith.constant 16 : index
      %get3A_417 = tpu.vector_load %arg16[%get3A_415, %get3A_416] {strides = array<i32>} : memref<8x128xf32, #tpu.memory_space<vmem>>, vector<16xf32>,
      %add3A_418 = arith.addf %add3A_413, %get3A_417 : vector<16xf32>
      %mul3A_419 = vector.broadcast %squeeze3A_381 : f32 to vector<16xf32>
      %mul3A_420 = arith.mulf %mul3A_419, %add3A_418 : vector<16xf32>
      %get3A_421 = arith.constant 16 : index
      %get3A_422 = tpu.vector_load %arg10[%get3A_421] {strides = array<i32>} : memref<128xf32, #tpu.memory_space<vmem>>, vector<16xf32>,
      %add3A_423 = arith.addf %mul3A_420, %get3A_422 : vector<16xf32>
      %swap3A_424 = arith.constant 2 : i32
      %swap3A_425 = arith.index_cast %swap3A_424 : i32 to index
      %swap3A_426 = arith.constant 16 : index
      %swap3A_427 = tpu.vector_load %arg17[%swap3A_425, %swap3A_426] {strides = array<i32>} : memref<8x128xf32, #tpu.memory_space<vmem>>, vector<16xf32>,
      tpu.vector_store %arg17[%swap3A_425, %swap3A_426], %add3A_423 {strides = array<i32>} : memref<8x128xf32, #tpu.memory_space<vmem>>, vector<16xf32>,
      %get3A_428 = arith.constant 2 : i32
      %get3A_429 = arith.index_cast %get3A_428 : i32 to index
      %get3A_430 = arith.constant 32 : index
      %get3A_431 = tpu.vector_load %arg14[%get3A_429, %get3A_430] {strides = array<i32>} : memref<8x128xf32, #tpu.memory_space<vmem>>, vector<16xf32>,
      %get3A_432 = arith.constant 2 : i32
      %get3A_433 = arith.index_cast %get3A_432 : i32 to index
      %get3A_434 = arith.constant 32 : index
      %get3A_435 = tpu.vector_load %arg15[%get3A_433, %get3A_434] {strides = array<i32>} : memref<8x128xf32, #tpu.memory_space<vmem>>, vector<16xf32>,
      %add3A_436 = arith.addf %get3A_431, %get3A_435 : vector<16xf32>
      %get3A_437 = arith.constant 2 : i32
      %get3A_438 = arith.index_cast %get3A_437 : i32 to index
      %get3A_439 = arith.constant 32 : index
      %get3A_440 = tpu.vector_load %arg16[%get3A_438, %get3A_439] {strides = array<i32>} : memref<8x128xf32, #tpu.memory_space<vmem>>, vector<16xf32>,
      %add3A_441 = arith.addf %add3A_436, %get3A_440 : vector<16xf32>
      %mul3A_442 = vector.broadcast %squeeze3A_381 : f32 to vector<16xf32>
      %mul3A_443 = arith.mulf %mul3A_442, %add3A_441 : vector<16xf32>
      %get3A_444 = arith.constant 32 : index
      %get3A_445 = tpu.vector_load %arg10[%get3A_444] {strides = array<i32>} : memref<128xf32, #tpu.memory_space<vmem>>, vector<16xf32>,
      %add3A_446 = arith.addf %mul3A_443, %get3A_445 : vector<16xf32>
      %swap3A_447 = arith.constant 2 : i32
      %swap3A_448 = arith.index_cast %swap3A_447 : i32 to index
      %swap3A_449 = arith.constant 32 : index
      %swap3A_450 = tpu.vector_load %arg17[%swap3A_448, %swap3A_449] {strides = array<i32>} : memref<8x128xf32, #tpu.memory_space<vmem>>, vector<16xf32>,
      tpu.vector_store %arg17[%swap3A_448, %swap3A_449], %add3A_446 {strides = array<i32>} : memref<8x128xf32, #tpu.memory_space<vmem>>, vector<16xf32>,
      %get3A_451 = arith.constant 2 : i32
      %get3A_452 = arith.index_cast %get3A_451 : i32 to index
      %get3A_453 = arith.constant 48 : index
      %get3A_454 = tpu.vector_load %arg14[%get3A_452, %get3A_453] {strides = array<i32>} : memref<8x128xf32, #tpu.memory_space<vmem>>, vector<16xf32>,
      %get3A_455 = arith.constant 2 : i32
      %get3A_456 = arith.index_cast %get3A_455 : i32 to index
      %get3A_457 = arith.constant 48 : index
      %get3A_458 = tpu.vector_load %arg15[%get3A_456, %get3A_457] {strides = array<i32>} : memref<8x128xf32, #tpu.memory_space<vmem>>, vector<16xf32>,
      %add3A_459 = arith.addf %get3A_454, %get3A_458 : vector<16xf32>
      %get3A_460 = arith.constant 2 : i32
      %get3A_461 = arith.index_cast %get3A_460 : i32 to index
      %get3A_462 = arith.constant 48 : index
      %get3A_463 = tpu.vector_load %arg16[%get3A_461, %get3A_462] {strides = array<i32>} : memref<8x128xf32, #tpu.memory_space<vmem>>, vector<16xf32>,
      %add3A_464 = arith.addf %add3A_459, %get3A_463 : vector<16xf32>
      %mul3A_465 = vector.broadcast %squeeze3A_381 : f32 to vector<16xf32>
      %mul3A_466 = arith.mulf %mul3A_465, %add3A_464 : vector<16xf32>
      %get3A_467 = arith.constant 48 : index
      %get3A_468 = tpu.vector_load %arg10[%get3A_467] {strides = array<i32>} : memref<128xf32, #tpu.memory_space<vmem>>, vector<16xf32>,
      %add3A_469 = arith.addf %mul3A_466, %get3A_468 : vector<16xf32>
      %swap3A_470 = arith.constant 2 : i32
      %swap3A_471 = arith.index_cast %swap3A_470 : i32 to index
      %swap3A_472 = arith.constant 48 : index
      %swap3A_473 = tpu.vector_load %arg17[%swap3A_471, %swap3A_472] {strides = array<i32>} : memref<8x128xf32, #tpu.memory_space<vmem>>, vector<16xf32>,
      tpu.vector_store %arg17[%swap3A_471, %swap3A_472], %add3A_469 {strides = array<i32>} : memref<8x128xf32, #tpu.memory_space<vmem>>, vector<16xf32>,
      %get3A_474 = arith.constant 2 : i32
      %get3A_475 = arith.index_cast %get3A_474 : i32 to index
      %get3A_476 = arith.constant 64 : index
      %get3A_477 = tpu.vector_load %arg14[%get3A_475, %get3A_476] {strides = array<i32>} : memref<8x128xf32, #tpu.memory_space<vmem>>, vector<16xf32>,
      %get3A_478 = arith.constant 2 : i32
      %get3A_479 = arith.index_cast %get3A_478 : i32 to index
      %get3A_480 = arith.constant 64 : index
      %get3A_481 = tpu.vector_load %arg15[%get3A_479, %get3A_480] {strides = array<i32>} : memref<8x128xf32, #tpu.memory_space<vmem>>, vector<16xf32>,
      %add3A_482 = arith.addf %get3A_477, %get3A_481 : vector<16xf32>
      %get3A_483 = arith.constant 2 : i32
      %get3A_484 = arith.index_cast %get3A_483 : i32 to index
      %get3A_485 = arith.constant 64 : index
      %get3A_486 = tpu.vector_load %arg16[%get3A_484, %get3A_485] {strides = array<i32>} : memref<8x128xf32, #tpu.memory_space<vmem>>, vector<16xf32>,
      %add3A_487 = arith.addf %add3A_482, %get3A_486 : vector<16xf32>
      %mul3A_488 = vector.broadcast %squeeze3A_381 : f32 to vector<16xf32>
      %mul3A_489 = arith.mulf %mul3A_488, %add3A_487 : vector<16xf32>
      %get3A_490 = arith.constant 64 : index
      %get3A_491 = tpu.vector_load %arg10[%get3A_490] {strides = array<i32>} : memref<128xf32, #tpu.memory_space<vmem>>, vector<16xf32>,
      %add3A_492 = arith.addf %mul3A_489, %get3A_491 : vector<16xf32>
      %swap3A_493 = arith.constant 2 : i32
      %swap3A_494 = arith.index_cast %swap3A_493 : i32 to index
      %swap3A_495 = arith.constant 64 : index
      %swap3A_496 = tpu.vector_load %arg17[%swap3A_494, %swap3A_495] {strides = array<i32>} : memref<8x128xf32, #tpu.memory_space<vmem>>, vector<16xf32>,
      tpu.vector_store %arg17[%swap3A_494, %swap3A_495], %add3A_492 {strides = array<i32>} : memref<8x128xf32, #tpu.memory_space<vmem>>, vector<16xf32>,
      %get3A_497 = arith.constant 2 : i32
      %get3A_498 = arith.index_cast %get3A_497 : i32 to index
      %get3A_499 = arith.constant 80 : index
      %get3A_500 = tpu.vector_load %arg14[%get3A_498, %get3A_499] {strides = array<i32>} : memref<8x128xf32, #tpu.memory_space<vmem>>, vector<16xf32>,
      %get3A_501 = arith.constant 2 : i32
      %get3A_502 = arith.index_cast %get3A_501 : i32 to index
      %get3A_503 = arith.constant 80 : index
      %get3A_504 = tpu.vector_load %arg15[%get3A_502, %get3A_503] {strides = array<i32>} : memref<8x128xf32, #tpu.memory_space<vmem>>, vector<16xf32>,
      %add3A_505 = arith.addf %get3A_500, %get3A_504 : vector<16xf32>
      %get3A_506 = arith.constant 2 : i32
      %get3A_507 = arith.index_cast %get3A_506 : i32 to index
      %get3A_508 = arith.constant 80 : index
      %get3A_509 = tpu.vector_load %arg16[%get3A_507, %get3A_508] {strides = array<i32>} : memref<8x128xf32, #tpu.memory_space<vmem>>, vector<16xf32>,
      %add3A_510 = arith.addf %add3A_505, %get3A_509 : vector<16xf32>
      %mul3A_511 = vector.broadcast %squeeze3A_381 : f32 to vector<16xf32>
      %mul3A_512 = arith.mulf %mul3A_511, %add3A_510 : vector<16xf32>
      %get3A_513 = arith.constant 80 : index
      %get3A_514 = tpu.vector_load %arg10[%get3A_513] {strides = array<i32>} : memref<128xf32, #tpu.memory_space<vmem>>, vector<16xf32>,
      %add3A_515 = arith.addf %mul3A_512, %get3A_514 : vector<16xf32>
      %swap3A_516 = arith.constant 2 : i32
      %swap3A_517 = arith.index_cast %swap3A_516 : i32 to index
      %swap3A_518 = arith.constant 80 : index
      %swap3A_519 = tpu.vector_load %arg17[%swap3A_517, %swap3A_518] {strides = array<i32>} : memref<8x128xf32, #tpu.memory_space<vmem>>, vector<16xf32>,
      tpu.vector_store %arg17[%swap3A_517, %swap3A_518], %add3A_515 {strides = array<i32>} : memref<8x128xf32, #tpu.memory_space<vmem>>, vector<16xf32>,
      %get3A_520 = arith.constant 2 : i32
      %get3A_521 = arith.index_cast %get3A_520 : i32 to index
      %get3A_522 = arith.constant 96 : index
      %get3A_523 = tpu.vector_load %arg14[%get3A_521, %get3A_522] {strides = array<i32>} : memref<8x128xf32, #tpu.memory_space<vmem>>, vector<16xf32>,
      %get3A_524 = arith.constant 2 : i32
      %get3A_525 = arith.index_cast %get3A_524 : i32 to index
      %get3A_526 = arith.constant 96 : index
      %get3A_527 = tpu.vector_load %arg15[%get3A_525, %get3A_526] {strides = array<i32>} : memref<8x128xf32, #tpu.memory_space<vmem>>, vector<16xf32>,
      %add3A_528 = arith.addf %get3A_523, %get3A_527 : vector<16xf32>
      %get3A_529 = arith.constant 2 : i32
      %get3A_530 = arith.index_cast %get3A_529 : i32 to index
      %get3A_531 = arith.constant 96 : index
      %get3A_532 = tpu.vector_load %arg16[%get3A_530, %get3A_531] {strides = array<i32>} : memref<8x128xf32, #tpu.memory_space<vmem>>, vector<16xf32>,
      %add3A_533 = arith.addf %add3A_528, %get3A_532 : vector<16xf32>
      %mul3A_534 = vector.broadcast %squeeze3A_381 : f32 to vector<16xf32>
      %mul3A_535 = arith.mulf %mul3A_534, %add3A_533 : vector<16xf32>
      %get3A_536 = arith.constant 96 : index
      %get3A_537 = tpu.vector_load %arg10[%get3A_536] {strides = array<i32>} : memref<128xf32, #tpu.memory_space<vmem>>, vector<16xf32>,
      %add3A_538 = arith.addf %mul3A_535, %get3A_537 : vector<16xf32>
      %swap3A_539 = arith.constant 2 : i32
      %swap3A_540 = arith.index_cast %swap3A_539 : i32 to index
      %swap3A_541 = arith.constant 96 : index
      %swap3A_542 = tpu.vector_load %arg17[%swap3A_540, %swap3A_541] {strides = array<i32>} : memref<8x128xf32, #tpu.memory_space<vmem>>, vector<16xf32>,
      tpu.vector_store %arg17[%swap3A_540, %swap3A_541], %add3A_538 {strides = array<i32>} : memref<8x128xf32, #tpu.memory_space<vmem>>, vector<16xf32>,
      %get3A_543 = arith.constant 2 : i32
      %get3A_544 = arith.index_cast %get3A_543 : i32 to index
      %get3A_545 = arith.constant 112 : index
      %get3A_546 = tpu.vector_load %arg14[%get3A_544, %get3A_545] {strides = array<i32>} : memref<8x128xf32, #tpu.memory_space<vmem>>, vector<16xf32>,
      %get3A_547 = arith.constant 2 : i32
      %get3A_548 = arith.index_cast %get3A_547 : i32 to index
      %get3A_549 = arith.constant 112 : index
      %get3A_550 = tpu.vector_load %arg15[%get3A_548, %get3A_549] {strides = array<i32>} : memref<8x128xf32, #tpu.memory_space<vmem>>, vector<16xf32>,
      %add3A_551 = arith.addf %get3A_546, %get3A_550 : vector<16xf32>
      %get3A_552 = arith.constant 2 : i32
      %get3A_553 = arith.index_cast %get3A_552 : i32 to index
      %get3A_554 = arith.constant 112 : index
      %get3A_555 = tpu.vector_load %arg16[%get3A_553, %get3A_554] {strides = array<i32>} : memref<8x128xf32, #tpu.memory_space<vmem>>, vector<16xf32>,
      %add3A_556 = arith.addf %add3A_551, %get3A_555 : vector<16xf32>
      %mul3A_557 = vector.broadcast %squeeze3A_381 : f32 to vector<16xf32>
      %mul3A_558 = arith.mulf %mul3A_557, %add3A_556 : vector<16xf32>
      %get3A_559 = arith.constant 112 : index
      %get3A_560 = tpu.vector_load %arg10[%get3A_559] {strides = array<i32>} : memref<128xf32, #tpu.memory_space<vmem>>, vector<16xf32>,
      %add3A_561 = arith.addf %mul3A_558, %get3A_560 : vector<16xf32>
      %swap3A_562 = arith.constant 2 : i32
      %swap3A_563 = arith.index_cast %swap3A_562 : i32 to index
      %swap3A_564 = arith.constant 112 : index
      %swap3A_565 = tpu.vector_load %arg17[%swap3A_563, %swap3A_564] {strides = array<i32>} : memref<8x128xf32, #tpu.memory_space<vmem>>, vector<16xf32>,
      tpu.vector_store %arg17[%swap3A_563, %swap3A_564], %add3A_561 {strides = array<i32>} : memref<8x128xf32, #tpu.memory_space<vmem>>, vector<16xf32>,
      %slice3A_566 = vector.extract_strided_slice %gather3A_9 {offsets = [3], sizes = [1], strides = [1]} : vector<16xf32> to vector<1xf32>
      %squeeze3A_567 = vector.extract %slice3A_566[0] : f32 from vector<1xf32>
      %get3A_568 = arith.constant 3 : i32
      %get3A_569 = arith.index_cast %get3A_568 : i32 to index
      %get3A_570 = arith.constant 0 : index
      %get3A_571 = tpu.vector_load %arg14[%get3A_569, %get3A_570] {strides = array<i32>} : memref<8x128xf32, #tpu.memory_space<vmem>>, vector<16xf32>,
      %get3A_572 = arith.constant 3 : i32
      %get3A_573 = arith.index_cast %get3A_572 : i32 to index
      %get3A_574 = arith.constant 0 : index
      %get3A_575 = tpu.vector_load %arg15[%get3A_573, %get3A_574] {strides = array<i32>} : memref<8x128xf32, #tpu.memory_space<vmem>>, vector<16xf32>,
      %add3A_576 = arith.addf %get3A_571, %get3A_575 : vector<16xf32>
      %get3A_577 = arith.constant 3 : i32
      %get3A_578 = arith.index_cast %get3A_577 : i32 to index
      %get3A_579 = arith.constant 0 : index
      %get3A_580 = tpu.vector_load %arg16[%get3A_578, %get3A_579] {strides = array<i32>} : memref<8x128xf32, #tpu.memory_space<vmem>>, vector<16xf32>,
      %add3A_581 = arith.addf %add3A_576, %get3A_580 : vector<16xf32>
      %mul3A_582 = vector.broadcast %squeeze3A_567 : f32 to vector<16xf32>
      %mul3A_583 = arith.mulf %mul3A_582, %add3A_581 : vector<16xf32>
      %get3A_584 = arith.constant 0 : index
      %get3A_585 = tpu.vector_load %arg10[%get3A_584] {strides = array<i32>} : memref<128xf32, #tpu.memory_space<vmem>>, vector<16xf32>,
      %add3A_586 = arith.addf %mul3A_583, %get3A_585 : vector<16xf32>
      %swap3A_587 = arith.constant 3 : i32
      %swap3A_588 = arith.index_cast %swap3A_587 : i32 to index
      %swap3A_589 = arith.constant 0 : index
      %swap3A_590 = tpu.vector_load %arg17[%swap3A_588, %swap3A_589] {strides = array<i32>} : memref<8x128xf32, #tpu.memory_space<vmem>>, vector<16xf32>,
      tpu.vector_store %arg17[%swap3A_588, %swap3A_589], %add3A_586 {strides = array<i32>} : memref<8x128xf32, #tpu.memory_space<vmem>>, vector<16xf32>,
      %get3A_591 = arith.constant 3 : i32
      %get3A_592 = arith.index_cast %get3A_591 : i32 to index
      %get3A_593 = arith.constant 16 : index
      %get3A_594 = tpu.vector_load %arg14[%get3A_592, %get3A_593] {strides = array<i32>} : memref<8x128xf32, #tpu.memory_space<vmem>>, vector<16xf32>,
      %get3A_595 = arith.constant 3 : i32
      %get3A_596 = arith.index_cast %get3A_595 : i32 to index
      %get3A_597 = arith.constant 16 : index
      %get3A_598 = tpu.vector_load %arg15[%get3A_596, %get3A_597] {strides = array<i32>} : memref<8x128xf32, #tpu.memory_space<vmem>>, vector<16xf32>,
      %add3A_599 = arith.addf %get3A_594, %get3A_598 : vector<16xf32>
      %get3A_600 = arith.constant 3 : i32
      %get3A_601 = arith.index_cast %get3A_600 : i32 to index
      %get3A_602 = arith.constant 16 : index
      %get3A_603 = tpu.vector_load %arg16[%get3A_601, %get3A_602] {strides = array<i32>} : memref<8x128xf32, #tpu.memory_space<vmem>>, vector<16xf32>,
      %add3A_604 = arith.addf %add3A_599, %get3A_603 : vector<16xf32>
      %mul3A_605 = vector.broadcast %squeeze3A_567 : f32 to vector<16xf32>
      %mul3A_606 = arith.mulf %mul3A_605, %add3A_604 : vector<16xf32>
      %get3A_607 = arith.constant 16 : index
      %get3A_608 = tpu.vector_load %arg10[%get3A_607] {strides = array<i32>} : memref<128xf32, #tpu.memory_space<vmem>>, vector<16xf32>,
      %add3A_609 = arith.addf %mul3A_606, %get3A_608 : vector<16xf32>
      %swap3A_610 = arith.constant 3 : i32
      %swap3A_611 = arith.index_cast %swap3A_610 : i32 to index
      %swap3A_612 = arith.constant 16 : index
      %swap3A_613 = tpu.vector_load %arg17[%swap3A_611, %swap3A_612] {strides = array<i32>} : memref<8x128xf32, #tpu.memory_space<vmem>>, vector<16xf32>,
      tpu.vector_store %arg17[%swap3A_611, %swap3A_612], %add3A_609 {strides = array<i32>} : memref<8x128xf32, #tpu.memory_space<vmem>>, vector<16xf32>,
      %get3A_614 = arith.constant 3 : i32
      %get3A_615 = arith.index_cast %get3A_614 : i32 to index
      %get3A_616 = arith.constant 32 : index
      %get3A_617 = tpu.vector_load %arg14[%get3A_615, %get3A_616] {strides = array<i32>} : memref<8x128xf32, #tpu.memory_space<vmem>>, vector<16xf32>,
      %get3A_618 = arith.constant 3 : i32
      %get3A_619 = arith.index_cast %get3A_618 : i32 to index
      %get3A_620 = arith.constant 32 : index
      %get3A_621 = tpu.vector_load %arg15[%get3A_619, %get3A_620] {strides = array<i32>} : memref<8x128xf32, #tpu.memory_space<vmem>>, vector<16xf32>,
      %add3A_622 = arith.addf %get3A_617, %get3A_621 : vector<16xf32>
      %get3A_623 = arith.constant 3 : i32
      %get3A_624 = arith.index_cast %get3A_623 : i32 to index
      %get3A_625 = arith.constant 32 : index
      %get3A_626 = tpu.vector_load %arg16[%get3A_624, %get3A_625] {strides = array<i32>} : memref<8x128xf32, #tpu.memory_space<vmem>>, vector<16xf32>,
      %add3A_627 = arith.addf %add3A_622, %get3A_626 : vector<16xf32>
      %mul3A_628 = vector.broadcast %squeeze3A_567 : f32 to vector<16xf32>
      %mul3A_629 = arith.mulf %mul3A_628, %add3A_627 : vector<16xf32>
      %get3A_630 = arith.constant 32 : index
      %get3A_631 = tpu.vector_load %arg10[%get3A_630] {strides = array<i32>} : memref<128xf32, #tpu.memory_space<vmem>>, vector<16xf32>,
      %add3A_632 = arith.addf %mul3A_629, %get3A_631 : vector<16xf32>
      %swap3A_633 = arith.constant 3 : i32
      %swap3A_634 = arith.index_cast %swap3A_633 : i32 to index
      %swap3A_635 = arith.constant 32 : index
      %swap3A_636 = tpu.vector_load %arg17[%swap3A_634, %swap3A_635] {strides = array<i32>} : memref<8x128xf32, #tpu.memory_space<vmem>>, vector<16xf32>,
      tpu.vector_store %arg17[%swap3A_634, %swap3A_635], %add3A_632 {strides = array<i32>} : memref<8x128xf32, #tpu.memory_space<vmem>>, vector<16xf32>,
      %get3A_637 = arith.constant 3 : i32
      %get3A_638 = arith.index_cast %get3A_637 : i32 to index
      %get3A_639 = arith.constant 48 : index
      %get3A_640 = tpu.vector_load %arg14[%get3A_638, %get3A_639] {strides = array<i32>} : memref<8x128xf32, #tpu.memory_space<vmem>>, vector<16xf32>,
      %get3A_641 = arith.constant 3 : i32
      %get3A_642 = arith.index_cast %get3A_641 : i32 to index
      %get3A_643 = arith.constant 48 : index
      %get3A_644 = tpu.vector_load %arg15[%get3A_642, %get3A_643] {strides = array<i32>} : memref<8x128xf32, #tpu.memory_space<vmem>>, vector<16xf32>,
      %add3A_645 = arith.addf %get3A_640, %get3A_644 : vector<16xf32>
      %get3A_646 = arith.constant 3 : i32
      %get3A_647 = arith.index_cast %get3A_646 : i32 to index
      %get3A_648 = arith.constant 48 : index
      %get3A_649 = tpu.vector_load %arg16[%get3A_647, %get3A_648] {strides = array<i32>} : memref<8x128xf32, #tpu.memory_space<vmem>>, vector<16xf32>,
      %add3A_650 = arith.addf %add3A_645, %get3A_649 : vector<16xf32>
      %mul3A_651 = vector.broadcast %squeeze3A_567 : f32 to vector<16xf32>
      %mul3A_652 = arith.mulf %mul3A_651, %add3A_650 : vector<16xf32>
      %get3A_653 = arith.constant 48 : index
      %get3A_654 = tpu.vector_load %arg10[%get3A_653] {strides = array<i32>} : memref<128xf32, #tpu.memory_space<vmem>>, vector<16xf32>,
      %add3A_655 = arith.addf %mul3A_652, %get3A_654 : vector<16xf32>
      %swap3A_656 = arith.constant 3 : i32
      %swap3A_657 = arith.index_cast %swap3A_656 : i32 to index
      %swap3A_658 = arith.constant 48 : index
      %swap3A_659 = tpu.vector_load %arg17[%swap3A_657, %swap3A_658] {strides = array<i32>} : memref<8x128xf32, #tpu.memory_space<vmem>>, vector<16xf32>,
      tpu.vector_store %arg17[%swap3A_657, %swap3A_658], %add3A_655 {strides = array<i32>} : memref<8x128xf32, #tpu.memory_space<vmem>>, vector<16xf32>,
      %get3A_660 = arith.constant 3 : i32
      %get3A_661 = arith.index_cast %get3A_660 : i32 to index
      %get3A_662 = arith.constant 64 : index
      %get3A_663 = tpu.vector_load %arg14[%get3A_661, %get3A_662] {strides = array<i32>} : memref<8x128xf32, #tpu.memory_space<vmem>>, vector<16xf32>,
      %get3A_664 = arith.constant 3 : i32
      %get3A_665 = arith.index_cast %get3A_664 : i32 to index
      %get3A_666 = arith.constant 64 : index
      %get3A_667 = tpu.vector_load %arg15[%get3A_665, %get3A_666] {strides = array<i32>} : memref<8x128xf32, #tpu.memory_space<vmem>>, vector<16xf32>,
      %add3A_668 = arith.addf %get3A_663, %get3A_667 : vector<16xf32>
      %get3A_669 = arith.constant 3 : i32
      %get3A_670 = arith.index_cast %get3A_669 : i32 to index
      %get3A_671 = arith.constant 64 : index
      %get3A_672 = tpu.vector_load %arg16[%get3A_670, %get3A_671] {strides = array<i32>} : memref<8x128xf32, #tpu.memory_space<vmem>>, vector<16xf32>,
      %add3A_673 = arith.addf %add3A_668, %get3A_672 : vector<16xf32>
      %mul3A_674 = vector.broadcast %squeeze3A_567 : f32 to vector<16xf32>
      %mul3A_675 = arith.mulf %mul3A_674, %add3A_673 : vector<16xf32>
      %get3A_676 = arith.constant 64 : index
      %get3A_677 = tpu.vector_load %arg10[%get3A_676] {strides = array<i32>} : memref<128xf32, #tpu.memory_space<vmem>>, vector<16xf32>,
      %add3A_678 = arith.addf %mul3A_675, %get3A_677 : vector<16xf32>
      %swap3A_679 = arith.constant 3 : i32
      %swap3A_680 = arith.index_cast %swap3A_679 : i32 to index
      %swap3A_681 = arith.constant 64 : index
      %swap3A_682 = tpu.vector_load %arg17[%swap3A_680, %swap3A_681] {strides = array<i32>} : memref<8x128xf32, #tpu.memory_space<vmem>>, vector<16xf32>,
      tpu.vector_store %arg17[%swap3A_680, %swap3A_681], %add3A_678 {strides = array<i32>} : memref<8x128xf32, #tpu.memory_space<vmem>>, vector<16xf32>,
      %get3A_683 = arith.constant 3 : i32
      %get3A_684 = arith.index_cast %get3A_683 : i32 to index
      %get3A_685 = arith.constant 80 : index
      %get3A_686 = tpu.vector_load %arg14[%get3A_684, %get3A_685] {strides = array<i32>} : memref<8x128xf32, #tpu.memory_space<vmem>>, vector<16xf32>,
      %get3A_687 = arith.constant 3 : i32
      %get3A_688 = arith.index_cast %get3A_687 : i32 to index
      %get3A_689 = arith.constant 80 : index
      %get3A_690 = tpu.vector_load %arg15[%get3A_688, %get3A_689] {strides = array<i32>} : memref<8x128xf32, #tpu.memory_space<vmem>>, vector<16xf32>,
      %add3A_691 = arith.addf %get3A_686, %get3A_690 : vector<16xf32>
      %get3A_692 = arith.constant 3 : i32
      %get3A_693 = arith.index_cast %get3A_692 : i32 to index
      %get3A_694 = arith.constant 80 : index
      %get3A_695 = tpu.vector_load %arg16[%get3A_693, %get3A_694] {strides = array<i32>} : memref<8x128xf32, #tpu.memory_space<vmem>>, vector<16xf32>,
      %add3A_696 = arith.addf %add3A_691, %get3A_695 : vector<16xf32>
      %mul3A_697 = vector.broadcast %squeeze3A_567 : f32 to vector<16xf32>
      %mul3A_698 = arith.mulf %mul3A_697, %add3A_696 : vector<16xf32>
      %get3A_699 = arith.constant 80 : index
      %get3A_700 = tpu.vector_load %arg10[%get3A_699] {strides = array<i32>} : memref<128xf32, #tpu.memory_space<vmem>>, vector<16xf32>,
      %add3A_701 = arith.addf %mul3A_698, %get3A_700 : vector<16xf32>
      %swap3A_702 = arith.constant 3 : i32
      %swap3A_703 = arith.index_cast %swap3A_702 : i32 to index
      %swap3A_704 = arith.constant 80 : index
      %swap3A_705 = tpu.vector_load %arg17[%swap3A_703, %swap3A_704] {strides = array<i32>} : memref<8x128xf32, #tpu.memory_space<vmem>>, vector<16xf32>,
      tpu.vector_store %arg17[%swap3A_703, %swap3A_704], %add3A_701 {strides = array<i32>} : memref<8x128xf32, #tpu.memory_space<vmem>>, vector<16xf32>,
      %get3A_706 = arith.constant 3 : i32
      %get3A_707 = arith.index_cast %get3A_706 : i32 to index
      %get3A_708 = arith.constant 96 : index
      %get3A_709 = tpu.vector_load %arg14[%get3A_707, %get3A_708] {strides = array<i32>} : memref<8x128xf32, #tpu.memory_space<vmem>>, vector<16xf32>,
      %get3A_710 = arith.constant 3 : i32
      %get3A_711 = arith.index_cast %get3A_710 : i32 to index
      %get3A_712 = arith.constant 96 : index
      %get3A_713 = tpu.vector_load %arg15[%get3A_711, %get3A_712] {strides = array<i32>} : memref<8x128xf32, #tpu.memory_space<vmem>>, vector<16xf32>,
      %add3A_714 = arith.addf %get3A_709, %get3A_713 : vector<16xf32>
      %get3A_715 = arith.constant 3 : i32
      %get3A_716 = arith.index_cast %get3A_715 : i32 to index
      %get3A_717 = arith.constant 96 : index
      %get3A_718 = tpu.vector_load %arg16[%get3A_716, %get3A_717] {strides = array<i32>} : memref<8x128xf32, #tpu.memory_space<vmem>>, vector<16xf32>,
      %add3A_719 = arith.addf %add3A_714, %get3A_718 : vector<16xf32>
      %mul3A_720 = vector.broadcast %squeeze3A_567 : f32 to vector<16xf32>
      %mul3A_721 = arith.mulf %mul3A_720, %add3A_719 : vector<16xf32>
      %get3A_722 = arith.constant 96 : index
      %get3A_723 = tpu.vector_load %arg10[%get3A_722] {strides = array<i32>} : memref<128xf32, #tpu.memory_space<vmem>>, vector<16xf32>,
      %add3A_724 = arith.addf %mul3A_721, %get3A_723 : vector<16xf32>
      %swap3A_725 = arith.constant 3 : i32
      %swap3A_726 = arith.index_cast %swap3A_725 : i32 to index
      %swap3A_727 = arith.constant 96 : index
      %swap3A_728 = tpu.vector_load %arg17[%swap3A_726, %swap3A_727] {strides = array<i32>} : memref<8x128xf32, #tpu.memory_space<vmem>>, vector<16xf32>,
      tpu.vector_store %arg17[%swap3A_726, %swap3A_727], %add3A_724 {strides = array<i32>} : memref<8x128xf32, #tpu.memory_space<vmem>>, vector<16xf32>,
      %get3A_729 = arith.constant 3 : i32
      %get3A_730 = arith.index_cast %get3A_729 : i32 to index
      %get3A_731 = arith.constant 112 : index
      %get3A_732 = tpu.vector_load %arg14[%get3A_730, %get3A_731] {strides = array<i32>} : memref<8x128xf32, #tpu.memory_space<vmem>>, vector<16xf32>,
      %get3A_733 = arith.constant 3 : i32
      %get3A_734 = arith.index_cast %get3A_733 : i32 to index
      %get3A_735 = arith.constant 112 : index
      %get3A_736 = tpu.vector_load %arg15[%get3A_734, %get3A_735] {strides = array<i32>} : memref<8x128xf32, #tpu.memory_space<vmem>>, vector<16xf32>,
      %add3A_737 = arith.addf %get3A_732, %get3A_736 : vector<16xf32>
      %get3A_738 = arith.constant 3 : i32
      %get3A_739 = arith.index_cast %get3A_738 : i32 to index
      %get3A_740 = arith.constant 112 : index
      %get3A_741 = tpu.vector_load %arg16[%get3A_739, %get3A_740] {strides = array<i32>} : memref<8x128xf32, #tpu.memory_space<vmem>>, vector<16xf32>,
      %add3A_742 = arith.addf %add3A_737, %get3A_741 : vector<16xf32>
      %mul3A_743 = vector.broadcast %squeeze3A_567 : f32 to vector<16xf32>
      %mul3A_744 = arith.mulf %mul3A_743, %add3A_742 : vector<16xf32>
      %get3A_745 = arith.constant 112 : index
      %get3A_746 = tpu.vector_load %arg10[%get3A_745] {strides = array<i32>} : memref<128xf32, #tpu.memory_space<vmem>>, vector<16xf32>,
      %add3A_747 = arith.addf %mul3A_744, %get3A_746 : vector<16xf32>
      %swap3A_748 = arith.constant 3 : i32
      %swap3A_749 = arith.index_cast %swap3A_748 : i32 to index
      %swap3A_750 = arith.constant 112 : index
      %swap3A_751 = tpu.vector_load %arg17[%swap3A_749, %swap3A_750] {strides = array<i32>} : memref<8x128xf32, #tpu.memory_space<vmem>>, vector<16xf32>,
      tpu.vector_store %arg17[%swap3A_749, %swap3A_750], %add3A_747 {strides = array<i32>} : memref<8x128xf32, #tpu.memory_space<vmem>>, vector<16xf32>,
      %slice3A_752 = vector.extract_strided_slice %gather3A_9 {offsets = [4], sizes = [1], strides = [1]} : vector<16xf32> to vector<1xf32>
      %squeeze3A_753 = vector.extract %slice3A_752[0] : f32 from vector<1xf32>
      %get3A_754 = arith.constant 4 : i32
      %get3A_755 = arith.index_cast %get3A_754 : i32 to index
      %get3A_756 = arith.constant 0 : index
      %get3A_757 = tpu.vector_load %arg14[%get3A_755, %get3A_756] {strides = array<i32>} : memref<8x128xf32, #tpu.memory_space<vmem>>, vector<16xf32>,
      %get3A_758 = arith.constant 4 : i32
      %get3A_759 = arith.index_cast %get3A_758 : i32 to index
      %get3A_760 = arith.constant 0 : index
      %get3A_761 = tpu.vector_load %arg15[%get3A_759, %get3A_760] {strides = array<i32>} : memref<8x128xf32, #tpu.memory_space<vmem>>, vector<16xf32>,
      %add3A_762 = arith.addf %get3A_757, %get3A_761 : vector<16xf32>
      %get3A_763 = arith.constant 4 : i32
      %get3A_764 = arith.index_cast %get3A_763 : i32 to index
      %get3A_765 = arith.constant 0 : index
      %get3A_766 = tpu.vector_load %arg16[%get3A_764, %get3A_765] {strides = array<i32>} : memref<8x128xf32, #tpu.memory_space<vmem>>, vector<16xf32>,
      %add3A_767 = arith.addf %add3A_762, %get3A_766 : vector<16xf32>
      %mul3A_768 = vector.broadcast %squeeze3A_753 : f32 to vector<16xf32>
      %mul3A_769 = arith.mulf %mul3A_768, %add3A_767 : vector<16xf32>
      %get3A_770 = arith.constant 0 : index
      %get3A_771 = tpu.vector_load %arg10[%get3A_770] {strides = array<i32>} : memref<128xf32, #tpu.memory_space<vmem>>, vector<16xf32>,
      %add3A_772 = arith.addf %mul3A_769, %get3A_771 : vector<16xf32>
      %swap3A_773 = arith.constant 4 : i32
      %swap3A_774 = arith.index_cast %swap3A_773 : i32 to index
      %swap3A_775 = arith.constant 0 : index
      %swap3A_776 = tpu.vector_load %arg17[%swap3A_774, %swap3A_775] {strides = array<i32>} : memref<8x128xf32, #tpu.memory_space<vmem>>, vector<16xf32>,
      tpu.vector_store %arg17[%swap3A_774, %swap3A_775], %add3A_772 {strides = array<i32>} : memref<8x128xf32, #tpu.memory_space<vmem>>, vector<16xf32>,
      %get3A_777 = arith.constant 4 : i32
      %get3A_778 = arith.index_cast %get3A_777 : i32 to index
      %get3A_779 = arith.constant 16 : index
      %get3A_780 = tpu.vector_load %arg14[%get3A_778, %get3A_779] {strides = array<i32>} : memref<8x128xf32, #tpu.memory_space<vmem>>, vector<16xf32>,
      %get3A_781 = arith.constant 4 : i32
      %get3A_782 = arith.index_cast %get3A_781 : i32 to index
      %get3A_783 = arith.constant 16 : index
      %get3A_784 = tpu.vector_load %arg15[%get3A_782, %get3A_783] {strides = array<i32>} : memref<8x128xf32, #tpu.memory_space<vmem>>, vector<16xf32>,
      %add3A_785 = arith.addf %get3A_780, %get3A_784 : vector<16xf32>
      %get3A_786 = arith.constant 4 : i32
      %get3A_787 = arith.index_cast %get3A_786 : i32 to index
      %get3A_788 = arith.constant 16 : index
      %get3A_789 = tpu.vector_load %arg16[%get3A_787, %get3A_788] {strides = array<i32>} : memref<8x128xf32, #tpu.memory_space<vmem>>, vector<16xf32>,
      %add3A_790 = arith.addf %add3A_785, %get3A_789 : vector<16xf32>
      %mul3A_791 = vector.broadcast %squeeze3A_753 : f32 to vector<16xf32>
      %mul3A_792 = arith.mulf %mul3A_791, %add3A_790 : vector<16xf32>
      %get3A_793 = arith.constant 16 : index
      %get3A_794 = tpu.vector_load %arg10[%get3A_793] {strides = array<i32>} : memref<128xf32, #tpu.memory_space<vmem>>, vector<16xf32>,
      %add3A_795 = arith.addf %mul3A_792, %get3A_794 : vector<16xf32>
      %swap3A_796 = arith.constant 4 : i32
      %swap3A_797 = arith.index_cast %swap3A_796 : i32 to index
      %swap3A_798 = arith.constant 16 : index
      %swap3A_799 = tpu.vector_load %arg17[%swap3A_797, %swap3A_798] {strides = array<i32>} : memref<8x128xf32, #tpu.memory_space<vmem>>, vector<16xf32>,
      tpu.vector_store %arg17[%swap3A_797, %swap3A_798], %add3A_795 {strides = array<i32>} : memref<8x128xf32, #tpu.memory_space<vmem>>, vector<16xf32>,
      %get3A_800 = arith.constant 4 : i32
      %get3A_801 = arith.index_cast %get3A_800 : i32 to index
      %get3A_802 = arith.constant 32 : index
      %get3A_803 = tpu.vector_load %arg14[%get3A_801, %get3A_802] {strides = array<i32>} : memref<8x128xf32, #tpu.memory_space<vmem>>, vector<16xf32>,
      %get3A_804 = arith.constant 4 : i32
      %get3A_805 = arith.index_cast %get3A_804 : i32 to index
      %get3A_806 = arith.constant 32 : index
      %get3A_807 = tpu.vector_load %arg15[%get3A_805, %get3A_806] {strides = array<i32>} : memref<8x128xf32, #tpu.memory_space<vmem>>, vector<16xf32>,
      %add3A_808 = arith.addf %get3A_803, %get3A_807 : vector<16xf32>
      %get3A_809 = arith.constant 4 : i32
      %get3A_810 = arith.index_cast %get3A_809 : i32 to index
      %get3A_811 = arith.constant 32 : index
      %get3A_812 = tpu.vector_load %arg16[%get3A_810, %get3A_811] {strides = array<i32>} : memref<8x128xf32, #tpu.memory_space<vmem>>, vector<16xf32>,
      %add3A_813 = arith.addf %add3A_808, %get3A_812 : vector<16xf32>
      %mul3A_814 = vector.broadcast %squeeze3A_753 : f32 to vector<16xf32>
      %mul3A_815 = arith.mulf %mul3A_814, %add3A_813 : vector<16xf32>
      %get3A_816 = arith.constant 32 : index
      %get3A_817 = tpu.vector_load %arg10[%get3A_816] {strides = array<i32>} : memref<128xf32, #tpu.memory_space<vmem>>, vector<16xf32>,
      %add3A_818 = arith.addf %mul3A_815, %get3A_817 : vector<16xf32>
      %swap3A_819 = arith.constant 4 : i32
      %swap3A_820 = arith.index_cast %swap3A_819 : i32 to index
      %swap3A_821 = arith.constant 32 : index
      %swap3A_822 = tpu.vector_load %arg17[%swap3A_820, %swap3A_821] {strides = array<i32>} : memref<8x128xf32, #tpu.memory_space<vmem>>, vector<16xf32>,
      tpu.vector_store %arg17[%swap3A_820, %swap3A_821], %add3A_818 {strides = array<i32>} : memref<8x128xf32, #tpu.memory_space<vmem>>, vector<16xf32>,
      %get3A_823 = arith.constant 4 : i32
      %get3A_824 = arith.index_cast %get3A_823 : i32 to index
      %get3A_825 = arith.constant 48 : index
      %get3A_826 = tpu.vector_load %arg14[%get3A_824, %get3A_825] {strides = array<i32>} : memref<8x128xf32, #tpu.memory_space<vmem>>, vector<16xf32>,
      %get3A_827 = arith.constant 4 : i32
      %get3A_828 = arith.index_cast %get3A_827 : i32 to index
      %get3A_829 = arith.constant 48 : index
      %get3A_830 = tpu.vector_load %arg15[%get3A_828, %get3A_829] {strides = array<i32>} : memref<8x128xf32, #tpu.memory_space<vmem>>, vector<16xf32>,
      %add3A_831 = arith.addf %get3A_826, %get3A_830 : vector<16xf32>
      %get3A_832 = arith.constant 4 : i32
      %get3A_833 = arith.index_cast %get3A_832 : i32 to index
      %get3A_834 = arith.constant 48 : index
      %get3A_835 = tpu.vector_load %arg16[%get3A_833, %get3A_834] {strides = array<i32>} : memref<8x128xf32, #tpu.memory_space<vmem>>, vector<16xf32>,
      %add3A_836 = arith.addf %add3A_831, %get3A_835 : vector<16xf32>
      %mul3A_837 = vector.broadcast %squeeze3A_753 : f32 to vector<16xf32>
      %mul3A_838 = arith.mulf %mul3A_837, %add3A_836 : vector<16xf32>
      %get3A_839 = arith.constant 48 : index
      %get3A_840 = tpu.vector_load %arg10[%get3A_839] {strides = array<i32>} : memref<128xf32, #tpu.memory_space<vmem>>, vector<16xf32>,
      %add3A_841 = arith.addf %mul3A_838, %get3A_840 : vector<16xf32>
      %swap3A_842 = arith.constant 4 : i32
      %swap3A_843 = arith.index_cast %swap3A_842 : i32 to index
      %swap3A_844 = arith.constant 48 : index
      %swap3A_845 = tpu.vector_load %arg17[%swap3A_843, %swap3A_844] {strides = array<i32>} : memref<8x128xf32, #tpu.memory_space<vmem>>, vector<16xf32>,
      tpu.vector_store %arg17[%swap3A_843, %swap3A_844], %add3A_841 {strides = array<i32>} : memref<8x128xf32, #tpu.memory_space<vmem>>, vector<16xf32>,
      %get3A_846 = arith.constant 4 : i32
      %get3A_847 = arith.index_cast %get3A_846 : i32 to index
      %get3A_848 = arith.constant 64 : index
      %get3A_849 = tpu.vector_load %arg14[%get3A_847, %get3A_848] {strides = array<i32>} : memref<8x128xf32, #tpu.memory_space<vmem>>, vector<16xf32>,
      %get3A_850 = arith.constant 4 : i32
      %get3A_851 = arith.index_cast %get3A_850 : i32 to index
      %get3A_852 = arith.constant 64 : index
      %get3A_853 = tpu.vector_load %arg15[%get3A_851, %get3A_852] {strides = array<i32>} : memref<8x128xf32, #tpu.memory_space<vmem>>, vector<16xf32>,
      %add3A_854 = arith.addf %get3A_849, %get3A_853 : vector<16xf32>
      %get3A_855 = arith.constant 4 : i32
      %get3A_856 = arith.index_cast %get3A_855 : i32 to index
      %get3A_857 = arith.constant 64 : index
      %get3A_858 = tpu.vector_load %arg16[%get3A_856, %get3A_857] {strides = array<i32>} : memref<8x128xf32, #tpu.memory_space<vmem>>, vector<16xf32>,
      %add3A_859 = arith.addf %add3A_854, %get3A_858 : vector<16xf32>
      %mul3A_860 = vector.broadcast %squeeze3A_753 : f32 to vector<16xf32>
      %mul3A_861 = arith.mulf %mul3A_860, %add3A_859 : vector<16xf32>
      %get3A_862 = arith.constant 64 : index
      %get3A_863 = tpu.vector_load %arg10[%get3A_862] {strides = array<i32>} : memref<128xf32, #tpu.memory_space<vmem>>, vector<16xf32>,
      %add3A_864 = arith.addf %mul3A_861, %get3A_863 : vector<16xf32>
      %swap3A_865 = arith.constant 4 : i32
      %swap3A_866 = arith.index_cast %swap3A_865 : i32 to index
      %swap3A_867 = arith.constant 64 : index
      %swap3A_868 = tpu.vector_load %arg17[%swap3A_866, %swap3A_867] {strides = array<i32>} : memref<8x128xf32, #tpu.memory_space<vmem>>, vector<16xf32>,
      tpu.vector_store %arg17[%swap3A_866, %swap3A_867], %add3A_864 {strides = array<i32>} : memref<8x128xf32, #tpu.memory_space<vmem>>, vector<16xf32>,
      %get3A_869 = arith.constant 4 : i32
      %get3A_870 = arith.index_cast %get3A_869 : i32 to index
      %get3A_871 = arith.constant 80 : index
      %get3A_872 = tpu.vector_load %arg14[%get3A_870, %get3A_871] {strides = array<i32>} : memref<8x128xf32, #tpu.memory_space<vmem>>, vector<16xf32>,
      %get3A_873 = arith.constant 4 : i32
      %get3A_874 = arith.index_cast %get3A_873 : i32 to index
      %get3A_875 = arith.constant 80 : index
      %get3A_876 = tpu.vector_load %arg15[%get3A_874, %get3A_875] {strides = array<i32>} : memref<8x128xf32, #tpu.memory_space<vmem>>, vector<16xf32>,
      %add3A_877 = arith.addf %get3A_872, %get3A_876 : vector<16xf32>
      %get3A_878 = arith.constant 4 : i32
      %get3A_879 = arith.index_cast %get3A_878 : i32 to index
      %get3A_880 = arith.constant 80 : index
      %get3A_881 = tpu.vector_load %arg16[%get3A_879, %get3A_880] {strides = array<i32>} : memref<8x128xf32, #tpu.memory_space<vmem>>, vector<16xf32>,
      %add3A_882 = arith.addf %add3A_877, %get3A_881 : vector<16xf32>
      %mul3A_883 = vector.broadcast %squeeze3A_753 : f32 to vector<16xf32>
      %mul3A_884 = arith.mulf %mul3A_883, %add3A_882 : vector<16xf32>
      %get3A_885 = arith.constant 80 : index
      %get3A_886 = tpu.vector_load %arg10[%get3A_885] {strides = array<i32>} : memref<128xf32, #tpu.memory_space<vmem>>, vector<16xf32>,
      %add3A_887 = arith.addf %mul3A_884, %get3A_886 : vector<16xf32>
      %swap3A_888 = arith.constant 4 : i32
      %swap3A_889 = arith.index_cast %swap3A_888 : i32 to index
      %swap3A_890 = arith.constant 80 : index
      %swap3A_891 = tpu.vector_load %arg17[%swap3A_889, %swap3A_890] {strides = array<i32>} : memref<8x128xf32, #tpu.memory_space<vmem>>, vector<16xf32>,
      tpu.vector_store %arg17[%swap3A_889, %swap3A_890], %add3A_887 {strides = array<i32>} : memref<8x128xf32, #tpu.memory_space<vmem>>, vector<16xf32>,
      %get3A_892 = arith.constant 4 : i32
      %get3A_893 = arith.index_cast %get3A_892 : i32 to index
      %get3A_894 = arith.constant 96 : index
      %get3A_895 = tpu.vector_load %arg14[%get3A_893, %get3A_894] {strides = array<i32>} : memref<8x128xf32, #tpu.memory_space<vmem>>, vector<16xf32>,
      %get3A_896 = arith.constant 4 : i32
      %get3A_897 = arith.index_cast %get3A_896 : i32 to index
      %get3A_898 = arith.constant 96 : index
      %get3A_899 = tpu.vector_load %arg15[%get3A_897, %get3A_898] {strides = array<i32>} : memref<8x128xf32, #tpu.memory_space<vmem>>, vector<16xf32>,
      %add3A_900 = arith.addf %get3A_895, %get3A_899 : vector<16xf32>
      %get3A_901 = arith.constant 4 : i32
      %get3A_902 = arith.index_cast %get3A_901 : i32 to index
      %get3A_903 = arith.constant 96 : index
      %get3A_904 = tpu.vector_load %arg16[%get3A_902, %get3A_903] {strides = array<i32>} : memref<8x128xf32, #tpu.memory_space<vmem>>, vector<16xf32>,
      %add3A_905 = arith.addf %add3A_900, %get3A_904 : vector<16xf32>
      %mul3A_906 = vector.broadcast %squeeze3A_753 : f32 to vector<16xf32>
      %mul3A_907 = arith.mulf %mul3A_906, %add3A_905 : vector<16xf32>
      %get3A_908 = arith.constant 96 : index
      %get3A_909 = tpu.vector_load %arg10[%get3A_908] {strides = array<i32>} : memref<128xf32, #tpu.memory_space<vmem>>, vector<16xf32>,
      %add3A_910 = arith.addf %mul3A_907, %get3A_909 : vector<16xf32>
      %swap3A_911 = arith.constant 4 : i32
      %swap3A_912 = arith.index_cast %swap3A_911 : i32 to index
      %swap3A_913 = arith.constant 96 : index
      %swap3A_914 = tpu.vector_load %arg17[%swap3A_912, %swap3A_913] {strides = array<i32>} : memref<8x128xf32, #tpu.memory_space<vmem>>, vector<16xf32>,
      tpu.vector_store %arg17[%swap3A_912, %swap3A_913], %add3A_910 {strides = array<i32>} : memref<8x128xf32, #tpu.memory_space<vmem>>, vector<16xf32>,
      %get3A_915 = arith.constant 4 : i32
      %get3A_916 = arith.index_cast %get3A_915 : i32 to index
      %get3A_917 = arith.constant 112 : index
      %get3A_918 = tpu.vector_load %arg14[%get3A_916, %get3A_917] {strides = array<i32>} : memref<8x128xf32, #tpu.memory_space<vmem>>, vector<16xf32>,
      %get3A_919 = arith.constant 4 : i32
      %get3A_920 = arith.index_cast %get3A_919 : i32 to index
      %get3A_921 = arith.constant 112 : index
      %get3A_922 = tpu.vector_load %arg15[%get3A_920, %get3A_921] {strides = array<i32>} : memref<8x128xf32, #tpu.memory_space<vmem>>, vector<16xf32>,
      %add3A_923 = arith.addf %get3A_918, %get3A_922 : vector<16xf32>
      %get3A_924 = arith.constant 4 : i32
      %get3A_925 = arith.index_cast %get3A_924 : i32 to index
      %get3A_926 = arith.constant 112 : index
      %get3A_927 = tpu.vector_load %arg16[%get3A_925, %get3A_926] {strides = array<i32>} : memref<8x128xf32, #tpu.memory_space<vmem>>, vector<16xf32>,
      %add3A_928 = arith.addf %add3A_923, %get3A_927 : vector<16xf32>
      %mul3A_929 = vector.broadcast %squeeze3A_753 : f32 to vector<16xf32>
      %mul3A_930 = arith.mulf %mul3A_929, %add3A_928 : vector<16xf32>
      %get3A_931 = arith.constant 112 : index
      %get3A_932 = tpu.vector_load %arg10[%get3A_931] {strides = array<i32>} : memref<128xf32, #tpu.memory_space<vmem>>, vector<16xf32>,
      %add3A_933 = arith.addf %mul3A_930, %get3A_932 : vector<16xf32>
      %swap3A_934 = arith.constant 4 : i32
      %swap3A_935 = arith.index_cast %swap3A_934 : i32 to index
      %swap3A_936 = arith.constant 112 : index
      %swap3A_937 = tpu.vector_load %arg17[%swap3A_935, %swap3A_936] {strides = array<i32>} : memref<8x128xf32, #tpu.memory_space<vmem>>, vector<16xf32>,
      tpu.vector_store %arg17[%swap3A_935, %swap3A_936], %add3A_933 {strides = array<i32>} : memref<8x128xf32, #tpu.memory_space<vmem>>, vector<16xf32>,
      %slice3A_938 = vector.extract_strided_slice %gather3A_9 {offsets = [5], sizes = [1], strides = [1]} : vector<16xf32> to vector<1xf32>
      %squeeze3A_939 = vector.extract %slice3A_938[0] : f32 from vector<1xf32>
      %get3A_940 = arith.constant 5 : i32
      %get3A_941 = arith.index_cast %get3A_940 : i32 to index
      %get3A_942 = arith.constant 0 : index
      %get3A_943 = tpu.vector_load %arg14[%get3A_941, %get3A_942] {strides = array<i32>} : memref<8x128xf32, #tpu.memory_space<vmem>>, vector<16xf32>,
      %get3A_944 = arith.constant 5 : i32
      %get3A_945 = arith.index_cast %get3A_944 : i32 to index
      %get3A_946 = arith.constant 0 : index
      %get3A_947 = tpu.vector_load %arg15[%get3A_945, %get3A_946] {strides = array<i32>} : memref<8x128xf32, #tpu.memory_space<vmem>>, vector<16xf32>,
      %add3A_948 = arith.addf %get3A_943, %get3A_947 : vector<16xf32>
      %get3A_949 = arith.constant 5 : i32
      %get3A_950 = arith.index_cast %get3A_949 : i32 to index
      %get3A_951 = arith.constant 0 : index
      %get3A_952 = tpu.vector_load %arg16[%get3A_950, %get3A_951] {strides = array<i32>} : memref<8x128xf32, #tpu.memory_space<vmem>>, vector<16xf32>,
      %add3A_953 = arith.addf %add3A_948, %get3A_952 : vector<16xf32>
      %mul3A_954 = vector.broadcast %squeeze3A_939 : f32 to vector<16xf32>
      %mul3A_955 = arith.mulf %mul3A_954, %add3A_953 : vector<16xf32>
      %get3A_956 = arith.constant 0 : index
      %get3A_957 = tpu.vector_load %arg10[%get3A_956] {strides = array<i32>} : memref<128xf32, #tpu.memory_space<vmem>>, vector<16xf32>,
      %add3A_958 = arith.addf %mul3A_955, %get3A_957 : vector<16xf32>
      %swap3A_959 = arith.constant 5 : i32
      %swap3A_960 = arith.index_cast %swap3A_959 : i32 to index
      %swap3A_961 = arith.constant 0 : index
      %swap3A_962 = tpu.vector_load %arg17[%swap3A_960, %swap3A_961] {strides = array<i32>} : memref<8x128xf32, #tpu.memory_space<vmem>>, vector<16xf32>,
      tpu.vector_store %arg17[%swap3A_960, %swap3A_961], %add3A_958 {strides = array<i32>} : memref<8x128xf32, #tpu.memory_space<vmem>>, vector<16xf32>,
      %get3A_963 = arith.constant 5 : i32
      %get3A_964 = arith.index_cast %get3A_963 : i32 to index
      %get3A_965 = arith.constant 16 : index
      %get3A_966 = tpu.vector_load %arg14[%get3A_964, %get3A_965] {strides = array<i32>} : memref<8x128xf32, #tpu.memory_space<vmem>>, vector<16xf32>,
      %get3A_967 = arith.constant 5 : i32
      %get3A_968 = arith.index_cast %get3A_967 : i32 to index
      %get3A_969 = arith.constant 16 : index
      %get3A_970 = tpu.vector_load %arg15[%get3A_968, %get3A_969] {strides = array<i32>} : memref<8x128xf32, #tpu.memory_space<vmem>>, vector<16xf32>,
      %add3A_971 = arith.addf %get3A_966, %get3A_970 : vector<16xf32>
      %get3A_972 = arith.constant 5 : i32
      %get3A_973 = arith.index_cast %get3A_972 : i32 to index
      %get3A_974 = arith.constant 16 : index
      %get3A_975 = tpu.vector_load %arg16[%get3A_973, %get3A_974] {strides = array<i32>} : memref<8x128xf32, #tpu.memory_space<vmem>>, vector<16xf32>,
      %add3A_976 = arith.addf %add3A_971, %get3A_975 : vector<16xf32>
      %mul3A_977 = vector.broadcast %squeeze3A_939 : f32 to vector<16xf32>
      %mul3A_978 = arith.mulf %mul3A_977, %add3A_976 : vector<16xf32>
      %get3A_979 = arith.constant 16 : index
      %get3A_980 = tpu.vector_load %arg10[%get3A_979] {strides = array<i32>} : memref<128xf32, #tpu.memory_space<vmem>>, vector<16xf32>,
      %add3A_981 = arith.addf %mul3A_978, %get3A_980 : vector<16xf32>
      %swap3A_982 = arith.constant 5 : i32
      %swap3A_983 = arith.index_cast %swap3A_982 : i32 to index
      %swap3A_984 = arith.constant 16 : index
      %swap3A_985 = tpu.vector_load %arg17[%swap3A_983, %swap3A_984] {strides = array<i32>} : memref<8x128xf32, #tpu.memory_space<vmem>>, vector<16xf32>,
      tpu.vector_store %arg17[%swap3A_983, %swap3A_984], %add3A_981 {strides = array<i32>} : memref<8x128xf32, #tpu.memory_space<vmem>>, vector<16xf32>,
      %get3A_986 = arith.constant 5 : i32
      %get3A_987 = arith.index_cast %get3A_986 : i32 to index
      %get3A_988 = arith.constant 32 : index
      %get3A_989 = tpu.vector_load %arg14[%get3A_987, %get3A_988] {strides = array<i32>} : memref<8x128xf32, #tpu.memory_space<vmem>>, vector<16xf32>,
      %get3A_990 = arith.constant 5 : i32
      %get3A_991 = arith.index_cast %get3A_990 : i32 to index
      %get3A_992 = arith.constant 32 : index
      %get3A_993 = tpu.vector_load %arg15[%get3A_991, %get3A_992] {strides = array<i32>} : memref<8x128xf32, #tpu.memory_space<vmem>>, vector<16xf32>,
      %add3A_994 = arith.addf %get3A_989, %get3A_993 : vector<16xf32>
      %get3A_995 = arith.constant 5 : i32
      %get3A_996 = arith.index_cast %get3A_995 : i32 to index
      %get3A_997 = arith.constant 32 : index
      %get3A_998 = tpu.vector_load %arg16[%get3A_996, %get3A_997] {strides = array<i32>} : memref<8x128xf32, #tpu.memory_space<vmem>>, vector<16xf32>,
      %add3A_999 = arith.addf %add3A_994, %get3A_998 : vector<16xf32>
      %mul3A_1000 = vector.broadcast %squeeze3A_939 : f32 to vector<16xf32>
      %mul3A_1001 = arith.mulf %mul3A_1000, %add3A_999 : vector<16xf32>
      %get3A_1002 = arith.constant 32 : index
      %get3A_1003 = tpu.vector_load %arg10[%get3A_1002] {strides = array<i32>} : memref<128xf32, #tpu.memory_space<vmem>>, vector<16xf32>,
      %add3A_1004 = arith.addf %mul3A_1001, %get3A_1003 : vector<16xf32>
      %swap3A_1005 = arith.constant 5 : i32
      %swap3A_1006 = arith.index_cast %swap3A_1005 : i32 to index
      %swap3A_1007 = arith.constant 32 : index
      %swap3A_1008 = tpu.vector_load %arg17[%swap3A_1006, %swap3A_1007] {strides = array<i32>} : memref<8x128xf32, #tpu.memory_space<vmem>>, vector<16xf32>,
      tpu.vector_store %arg17[%swap3A_1006, %swap3A_1007], %add3A_1004 {strides = array<i32>} : memref<8x128xf32, #tpu.memory_space<vmem>>, vector<16xf32>,
      %get3A_1009 = arith.constant 5 : i32
      %get3A_1010 = arith.index_cast %get3A_1009 : i32 to index
      %get3A_1011 = arith.constant 48 : index
      %get3A_1012 = tpu.vector_load %arg14[%get3A_1010, %get3A_1011] {strides = array<i32>} : memref<8x128xf32, #tpu.memory_space<vmem>>, vector<16xf32>,
      %get3A_1013 = arith.constant 5 : i32
      %get3A_1014 = arith.index_cast %get3A_1013 : i32 to index
      %get3A_1015 = arith.constant 48 : index
      %get3A_1016 = tpu.vector_load %arg15[%get3A_1014, %get3A_1015] {strides = array<i32>} : memref<8x128xf32, #tpu.memory_space<vmem>>, vector<16xf32>,
      %add3A_1017 = arith.addf %get3A_1012, %get3A_1016 : vector<16xf32>
      %get3A_1018 = arith.constant 5 : i32
      %get3A_1019 = arith.index_cast %get3A_1018 : i32 to index
      %get3A_1020 = arith.constant 48 : index
      %get3A_1021 = tpu.vector_load %arg16[%get3A_1019, %get3A_1020] {strides = array<i32>} : memref<8x128xf32, #tpu.memory_space<vmem>>, vector<16xf32>,
      %add3A_1022 = arith.addf %add3A_1017, %get3A_1021 : vector<16xf32>
      %mul3A_1023 = vector.broadcast %squeeze3A_939 : f32 to vector<16xf32>
      %mul3A_1024 = arith.mulf %mul3A_1023, %add3A_1022 : vector<16xf32>
      %get3A_1025 = arith.constant 48 : index
      %get3A_1026 = tpu.vector_load %arg10[%get3A_1025] {strides = array<i32>} : memref<128xf32, #tpu.memory_space<vmem>>, vector<16xf32>,
      %add3A_1027 = arith.addf %mul3A_1024, %get3A_1026 : vector<16xf32>
      %swap3A_1028 = arith.constant 5 : i32
      %swap3A_1029 = arith.index_cast %swap3A_1028 : i32 to index
      %swap3A_1030 = arith.constant 48 : index
      %swap3A_1031 = tpu.vector_load %arg17[%swap3A_1029, %swap3A_1030] {strides = array<i32>} : memref<8x128xf32, #tpu.memory_space<vmem>>, vector<16xf32>,
      tpu.vector_store %arg17[%swap3A_1029, %swap3A_1030], %add3A_1027 {strides = array<i32>} : memref<8x128xf32, #tpu.memory_space<vmem>>, vector<16xf32>,
      %get3A_1032 = arith.constant 5 : i32
      %get3A_1033 = arith.index_cast %get3A_1032 : i32 to index
      %get3A_1034 = arith.constant 64 : index
      %get3A_1035 = tpu.vector_load %arg14[%get3A_1033, %get3A_1034] {strides = array<i32>} : memref<8x128xf32, #tpu.memory_space<vmem>>, vector<16xf32>,
      %get3A_1036 = arith.constant 5 : i32
      %get3A_1037 = arith.index_cast %get3A_1036 : i32 to index
      %get3A_1038 = arith.constant 64 : index
      %get3A_1039 = tpu.vector_load %arg15[%get3A_1037, %get3A_1038] {strides = array<i32>} : memref<8x128xf32, #tpu.memory_space<vmem>>, vector<16xf32>,
      %add3A_1040 = arith.addf %get3A_1035, %get3A_1039 : vector<16xf32>
      %get3A_1041 = arith.constant 5 : i32
      %get3A_1042 = arith.index_cast %get3A_1041 : i32 to index
      %get3A_1043 = arith.constant 64 : index
      %get3A_1044 = tpu.vector_load %arg16[%get3A_1042, %get3A_1043] {strides = array<i32>} : memref<8x128xf32, #tpu.memory_space<vmem>>, vector<16xf32>,
      %add3A_1045 = arith.addf %add3A_1040, %get3A_1044 : vector<16xf32>
      %mul3A_1046 = vector.broadcast %squeeze3A_939 : f32 to vector<16xf32>
      %mul3A_1047 = arith.mulf %mul3A_1046, %add3A_1045 : vector<16xf32>
      %get3A_1048 = arith.constant 64 : index
      %get3A_1049 = tpu.vector_load %arg10[%get3A_1048] {strides = array<i32>} : memref<128xf32, #tpu.memory_space<vmem>>, vector<16xf32>,
      %add3A_1050 = arith.addf %mul3A_1047, %get3A_1049 : vector<16xf32>
      %swap3A_1051 = arith.constant 5 : i32
      %swap3A_1052 = arith.index_cast %swap3A_1051 : i32 to index
      %swap3A_1053 = arith.constant 64 : index
      %swap3A_1054 = tpu.vector_load %arg17[%swap3A_1052, %swap3A_1053] {strides = array<i32>} : memref<8x128xf32, #tpu.memory_space<vmem>>, vector<16xf32>,
      tpu.vector_store %arg17[%swap3A_1052, %swap3A_1053], %add3A_1050 {strides = array<i32>} : memref<8x128xf32, #tpu.memory_space<vmem>>, vector<16xf32>,
      %get3A_1055 = arith.constant 5 : i32
      %get3A_1056 = arith.index_cast %get3A_1055 : i32 to index
      %get3A_1057 = arith.constant 80 : index
      %get3A_1058 = tpu.vector_load %arg14[%get3A_1056, %get3A_1057] {strides = array<i32>} : memref<8x128xf32, #tpu.memory_space<vmem>>, vector<16xf32>,
      %get3A_1059 = arith.constant 5 : i32
      %get3A_1060 = arith.index_cast %get3A_1059 : i32 to index
      %get3A_1061 = arith.constant 80 : index
      %get3A_1062 = tpu.vector_load %arg15[%get3A_1060, %get3A_1061] {strides = array<i32>} : memref<8x128xf32, #tpu.memory_space<vmem>>, vector<16xf32>,
      %add3A_1063 = arith.addf %get3A_1058, %get3A_1062 : vector<16xf32>
      %get3A_1064 = arith.constant 5 : i32
      %get3A_1065 = arith.index_cast %get3A_1064 : i32 to index
      %get3A_1066 = arith.constant 80 : index
      %get3A_1067 = tpu.vector_load %arg16[%get3A_1065, %get3A_1066] {strides = array<i32>} : memref<8x128xf32, #tpu.memory_space<vmem>>, vector<16xf32>,
      %add3A_1068 = arith.addf %add3A_1063, %get3A_1067 : vector<16xf32>
      %mul3A_1069 = vector.broadcast %squeeze3A_939 : f32 to vector<16xf32>
      %mul3A_1070 = arith.mulf %mul3A_1069, %add3A_1068 : vector<16xf32>
      %get3A_1071 = arith.constant 80 : index
      %get3A_1072 = tpu.vector_load %arg10[%get3A_1071] {strides = array<i32>} : memref<128xf32, #tpu.memory_space<vmem>>, vector<16xf32>,
      %add3A_1073 = arith.addf %mul3A_1070, %get3A_1072 : vector<16xf32>
      %swap3A_1074 = arith.constant 5 : i32
      %swap3A_1075 = arith.index_cast %swap3A_1074 : i32 to index
      %swap3A_1076 = arith.constant 80 : index
      %swap3A_1077 = tpu.vector_load %arg17[%swap3A_1075, %swap3A_1076] {strides = array<i32>} : memref<8x128xf32, #tpu.memory_space<vmem>>, vector<16xf32>,
      tpu.vector_store %arg17[%swap3A_1075, %swap3A_1076], %add3A_1073 {strides = array<i32>} : memref<8x128xf32, #tpu.memory_space<vmem>>, vector<16xf32>,
      %get3A_1078 = arith.constant 5 : i32
      %get3A_1079 = arith.index_cast %get3A_1078 : i32 to index
      %get3A_1080 = arith.constant 96 : index
      %get3A_1081 = tpu.vector_load %arg14[%get3A_1079, %get3A_1080] {strides = array<i32>} : memref<8x128xf32, #tpu.memory_space<vmem>>, vector<16xf32>,
      %get3A_1082 = arith.constant 5 : i32
      %get3A_1083 = arith.index_cast %get3A_1082 : i32 to index
      %get3A_1084 = arith.constant 96 : index
      %get3A_1085 = tpu.vector_load %arg15[%get3A_1083, %get3A_1084] {strides = array<i32>} : memref<8x128xf32, #tpu.memory_space<vmem>>, vector<16xf32>,
      %add3A_1086 = arith.addf %get3A_1081, %get3A_1085 : vector<16xf32>
      %get3A_1087 = arith.constant 5 : i32
      %get3A_1088 = arith.index_cast %get3A_1087 : i32 to index
      %get3A_1089 = arith.constant 96 : index
      %get3A_1090 = tpu.vector_load %arg16[%get3A_1088, %get3A_1089] {strides = array<i32>} : memref<8x128xf32, #tpu.memory_space<vmem>>, vector<16xf32>,
      %add3A_1091 = arith.addf %add3A_1086, %get3A_1090 : vector<16xf32>
      %mul3A_1092 = vector.broadcast %squeeze3A_939 : f32 to vector<16xf32>
      %mul3A_1093 = arith.mulf %mul3A_1092, %add3A_1091 : vector<16xf32>
      %get3A_1094 = arith.constant 96 : index
      %get3A_1095 = tpu.vector_load %arg10[%get3A_1094] {strides = array<i32>} : memref<128xf32, #tpu.memory_space<vmem>>, vector<16xf32>,
      %add3A_1096 = arith.addf %mul3A_1093, %get3A_1095 : vector<16xf32>
      %swap3A_1097 = arith.constant 5 : i32
      %swap3A_1098 = arith.index_cast %swap3A_1097 : i32 to index
      %swap3A_1099 = arith.constant 96 : index
      %swap3A_1100 = tpu.vector_load %arg17[%swap3A_1098, %swap3A_1099] {strides = array<i32>} : memref<8x128xf32, #tpu.memory_space<vmem>>, vector<16xf32>,
      tpu.vector_store %arg17[%swap3A_1098, %swap3A_1099], %add3A_1096 {strides = array<i32>} : memref<8x128xf32, #tpu.memory_space<vmem>>, vector<16xf32>,
      %get3A_1101 = arith.constant 5 : i32
      %get3A_1102 = arith.index_cast %get3A_1101 : i32 to index
      %get3A_1103 = arith.constant 112 : index
      %get3A_1104 = tpu.vector_load %arg14[%get3A_1102, %get3A_1103] {strides = array<i32>} : memref<8x128xf32, #tpu.memory_space<vmem>>, vector<16xf32>,
      %get3A_1105 = arith.constant 5 : i32
      %get3A_1106 = arith.index_cast %get3A_1105 : i32 to index
      %get3A_1107 = arith.constant 112 : index
      %get3A_1108 = tpu.vector_load %arg15[%get3A_1106, %get3A_1107] {strides = array<i32>} : memref<8x128xf32, #tpu.memory_space<vmem>>, vector<16xf32>,
      %add3A_1109 = arith.addf %get3A_1104, %get3A_1108 : vector<16xf32>
      %get3A_1110 = arith.constant 5 : i32
      %get3A_1111 = arith.index_cast %get3A_1110 : i32 to index
      %get3A_1112 = arith.constant 112 : index
      %get3A_1113 = tpu.vector_load %arg16[%get3A_1111, %get3A_1112] {strides = array<i32>} : memref<8x128xf32, #tpu.memory_space<vmem>>, vector<16xf32>,
      %add3A_1114 = arith.addf %add3A_1109, %get3A_1113 : vector<16xf32>
      %mul3A_1115 = vector.broadcast %squeeze3A_939 : f32 to vector<16xf32>
      %mul3A_1116 = arith.mulf %mul3A_1115, %add3A_1114 : vector<16xf32>
      %get3A_1117 = arith.constant 112 : index
      %get3A_1118 = tpu.vector_load %arg10[%get3A_1117] {strides = array<i32>} : memref<128xf32, #tpu.memory_space<vmem>>, vector<16xf32>,
      %add3A_1119 = arith.addf %mul3A_1116, %get3A_1118 : vector<16xf32>
      %swap3A_1120 = arith.constant 5 : i32
      %swap3A_1121 = arith.index_cast %swap3A_1120 : i32 to index
      %swap3A_1122 = arith.constant 112 : index
      %swap3A_1123 = tpu.vector_load %arg17[%swap3A_1121, %swap3A_1122] {strides = array<i32>} : memref<8x128xf32, #tpu.memory_space<vmem>>, vector<16xf32>,
      tpu.vector_store %arg17[%swap3A_1121, %swap3A_1122], %add3A_1119 {strides = array<i32>} : memref<8x128xf32, #tpu.memory_space<vmem>>, vector<16xf32>,
      %slice3A_1124 = vector.extract_strided_slice %gather3A_9 {offsets = [6], sizes = [1], strides = [1]} : vector<16xf32> to vector<1xf32>
      %squeeze3A_1125 = vector.extract %slice3A_1124[0] : f32 from vector<1xf32>
      %get3A_1126 = arith.constant 6 : i32
      %get3A_1127 = arith.index_cast %get3A_1126 : i32 to index
      %get3A_1128 = arith.constant 0 : index
      %get3A_1129 = tpu.vector_load %arg14[%get3A_1127, %get3A_1128] {strides = array<i32>} : memref<8x128xf32, #tpu.memory_space<vmem>>, vector<16xf32>,
      %get3A_1130 = arith.constant 6 : i32
      %get3A_1131 = arith.index_cast %get3A_1130 : i32 to index
      %get3A_1132 = arith.constant 0 : index
      %get3A_1133 = tpu.vector_load %arg15[%get3A_1131, %get3A_1132] {strides = array<i32>} : memref<8x128xf32, #tpu.memory_space<vmem>>, vector<16xf32>,
      %add3A_1134 = arith.addf %get3A_1129, %get3A_1133 : vector<16xf32>
      %get3A_1135 = arith.constant 6 : i32
      %get3A_1136 = arith.index_cast %get3A_1135 : i32 to index
      %get3A_1137 = arith.constant 0 : index
      %get3A_1138 = tpu.vector_load %arg16[%get3A_1136, %get3A_1137] {strides = array<i32>} : memref<8x128xf32, #tpu.memory_space<vmem>>, vector<16xf32>,
      %add3A_1139 = arith.addf %add3A_1134, %get3A_1138 : vector<16xf32>
      %mul3A_1140 = vector.broadcast %squeeze3A_1125 : f32 to vector<16xf32>
      %mul3A_1141 = arith.mulf %mul3A_1140, %add3A_1139 : vector<16xf32>
      %get3A_1142 = arith.constant 0 : index
      %get3A_1143 = tpu.vector_load %arg10[%get3A_1142] {strides = array<i32>} : memref<128xf32, #tpu.memory_space<vmem>>, vector<16xf32>,
      %add3A_1144 = arith.addf %mul3A_1141, %get3A_1143 : vector<16xf32>
      %swap3A_1145 = arith.constant 6 : i32
      %swap3A_1146 = arith.index_cast %swap3A_1145 : i32 to index
      %swap3A_1147 = arith.constant 0 : index
      %swap3A_1148 = tpu.vector_load %arg17[%swap3A_1146, %swap3A_1147] {strides = array<i32>} : memref<8x128xf32, #tpu.memory_space<vmem>>, vector<16xf32>,
      tpu.vector_store %arg17[%swap3A_1146, %swap3A_1147], %add3A_1144 {strides = array<i32>} : memref<8x128xf32, #tpu.memory_space<vmem>>, vector<16xf32>,
      %get3A_1149 = arith.constant 6 : i32
      %get3A_1150 = arith.index_cast %get3A_1149 : i32 to index
      %get3A_1151 = arith.constant 16 : index
      %get3A_1152 = tpu.vector_load %arg14[%get3A_1150, %get3A_1151] {strides = array<i32>} : memref<8x128xf32, #tpu.memory_space<vmem>>, vector<16xf32>,
      %get3A_1153 = arith.constant 6 : i32
      %get3A_1154 = arith.index_cast %get3A_1153 : i32 to index
      %get3A_1155 = arith.constant 16 : index
      %get3A_1156 = tpu.vector_load %arg15[%get3A_1154, %get3A_1155] {strides = array<i32>} : memref<8x128xf32, #tpu.memory_space<vmem>>, vector<16xf32>,
      %add3A_1157 = arith.addf %get3A_1152, %get3A_1156 : vector<16xf32>
      %get3A_1158 = arith.constant 6 : i32
      %get3A_1159 = arith.index_cast %get3A_1158 : i32 to index
      %get3A_1160 = arith.constant 16 : index
      %get3A_1161 = tpu.vector_load %arg16[%get3A_1159, %get3A_1160] {strides = array<i32>} : memref<8x128xf32, #tpu.memory_space<vmem>>, vector<16xf32>,
      %add3A_1162 = arith.addf %add3A_1157, %get3A_1161 : vector<16xf32>
      %mul3A_1163 = vector.broadcast %squeeze3A_1125 : f32 to vector<16xf32>
      %mul3A_1164 = arith.mulf %mul3A_1163, %add3A_1162 : vector<16xf32>
      %get3A_1165 = arith.constant 16 : index
      %get3A_1166 = tpu.vector_load %arg10[%get3A_1165] {strides = array<i32>} : memref<128xf32, #tpu.memory_space<vmem>>, vector<16xf32>,
      %add3A_1167 = arith.addf %mul3A_1164, %get3A_1166 : vector<16xf32>
      %swap3A_1168 = arith.constant 6 : i32
      %swap3A_1169 = arith.index_cast %swap3A_1168 : i32 to index
      %swap3A_1170 = arith.constant 16 : index
      %swap3A_1171 = tpu.vector_load %arg17[%swap3A_1169, %swap3A_1170] {strides = array<i32>} : memref<8x128xf32, #tpu.memory_space<vmem>>, vector<16xf32>,
      tpu.vector_store %arg17[%swap3A_1169, %swap3A_1170], %add3A_1167 {strides = array<i32>} : memref<8x128xf32, #tpu.memory_space<vmem>>, vector<16xf32>,
      %get3A_1172 = arith.constant 6 : i32
      %get3A_1173 = arith.index_cast %get3A_1172 : i32 to index
      %get3A_1174 = arith.constant 32 : index
      %get3A_1175 = tpu.vector_load %arg14[%get3A_1173, %get3A_1174] {strides = array<i32>} : memref<8x128xf32, #tpu.memory_space<vmem>>, vector<16xf32>,
      %get3A_1176 = arith.constant 6 : i32
      %get3A_1177 = arith.index_cast %get3A_1176 : i32 to index
      %get3A_1178 = arith.constant 32 : index
      %get3A_1179 = tpu.vector_load %arg15[%get3A_1177, %get3A_1178] {strides = array<i32>} : memref<8x128xf32, #tpu.memory_space<vmem>>, vector<16xf32>,
      %add3A_1180 = arith.addf %get3A_1175, %get3A_1179 : vector<16xf32>
      %get3A_1181 = arith.constant 6 : i32
      %get3A_1182 = arith.index_cast %get3A_1181 : i32 to index
      %get3A_1183 = arith.constant 32 : index
      %get3A_1184 = tpu.vector_load %arg16[%get3A_1182, %get3A_1183] {strides = array<i32>} : memref<8x128xf32, #tpu.memory_space<vmem>>, vector<16xf32>,
      %add3A_1185 = arith.addf %add3A_1180, %get3A_1184 : vector<16xf32>
      %mul3A_1186 = vector.broadcast %squeeze3A_1125 : f32 to vector<16xf32>
      %mul3A_1187 = arith.mulf %mul3A_1186, %add3A_1185 : vector<16xf32>
      %get3A_1188 = arith.constant 32 : index
      %get3A_1189 = tpu.vector_load %arg10[%get3A_1188] {strides = array<i32>} : memref<128xf32, #tpu.memory_space<vmem>>, vector<16xf32>,
      %add3A_1190 = arith.addf %mul3A_1187, %get3A_1189 : vector<16xf32>
      %swap3A_1191 = arith.constant 6 : i32
      %swap3A_1192 = arith.index_cast %swap3A_1191 : i32 to index
      %swap3A_1193 = arith.constant 32 : index
      %swap3A_1194 = tpu.vector_load %arg17[%swap3A_1192, %swap3A_1193] {strides = array<i32>} : memref<8x128xf32, #tpu.memory_space<vmem>>, vector<16xf32>,
      tpu.vector_store %arg17[%swap3A_1192, %swap3A_1193], %add3A_1190 {strides = array<i32>} : memref<8x128xf32, #tpu.memory_space<vmem>>, vector<16xf32>,
      %get3A_1195 = arith.constant 6 : i32
      %get3A_1196 = arith.index_cast %get3A_1195 : i32 to index
      %get3A_1197 = arith.constant 48 : index
      %get3A_1198 = tpu.vector_load %arg14[%get3A_1196, %get3A_1197] {strides = array<i32>} : memref<8x128xf32, #tpu.memory_space<vmem>>, vector<16xf32>,
      %get3A_1199 = arith.constant 6 : i32
      %get3A_1200 = arith.index_cast %get3A_1199 : i32 to index
      %get3A_1201 = arith.constant 48 : index
      %get3A_1202 = tpu.vector_load %arg15[%get3A_1200, %get3A_1201] {strides = array<i32>} : memref<8x128xf32, #tpu.memory_space<vmem>>, vector<16xf32>,
      %add3A_1203 = arith.addf %get3A_1198, %get3A_1202 : vector<16xf32>
      %get3A_1204 = arith.constant 6 : i32
      %get3A_1205 = arith.index_cast %get3A_1204 : i32 to index
      %get3A_1206 = arith.constant 48 : index
      %get3A_1207 = tpu.vector_load %arg16[%get3A_1205, %get3A_1206] {strides = array<i32>} : memref<8x128xf32, #tpu.memory_space<vmem>>, vector<16xf32>,
      %add3A_1208 = arith.addf %add3A_1203, %get3A_1207 : vector<16xf32>
      %mul3A_1209 = vector.broadcast %squeeze3A_1125 : f32 to vector<16xf32>
      %mul3A_1210 = arith.mulf %mul3A_1209, %add3A_1208 : vector<16xf32>
      %get3A_1211 = arith.constant 48 : index
      %get3A_1212 = tpu.vector_load %arg10[%get3A_1211] {strides = array<i32>} : memref<128xf32, #tpu.memory_space<vmem>>, vector<16xf32>,
      %add3A_1213 = arith.addf %mul3A_1210, %get3A_1212 : vector<16xf32>
      %swap3A_1214 = arith.constant 6 : i32
      %swap3A_1215 = arith.index_cast %swap3A_1214 : i32 to index
      %swap3A_1216 = arith.constant 48 : index
      %swap3A_1217 = tpu.vector_load %arg17[%swap3A_1215, %swap3A_1216] {strides = array<i32>} : memref<8x128xf32, #tpu.memory_space<vmem>>, vector<16xf32>,
      tpu.vector_store %arg17[%swap3A_1215, %swap3A_1216], %add3A_1213 {strides = array<i32>} : memref<8x128xf32, #tpu.memory_space<vmem>>, vector<16xf32>,
      %get3A_1218 = arith.constant 6 : i32
      %get3A_1219 = arith.index_cast %get3A_1218 : i32 to index
      %get3A_1220 = arith.constant 64 : index
      %get3A_1221 = tpu.vector_load %arg14[%get3A_1219, %get3A_1220] {strides = array<i32>} : memref<8x128xf32, #tpu.memory_space<vmem>>, vector<16xf32>,
      %get3A_1222 = arith.constant 6 : i32
      %get3A_1223 = arith.index_cast %get3A_1222 : i32 to index
      %get3A_1224 = arith.constant 64 : index
      %get3A_1225 = tpu.vector_load %arg15[%get3A_1223, %get3A_1224] {strides = array<i32>} : memref<8x128xf32, #tpu.memory_space<vmem>>, vector<16xf32>,
      %add3A_1226 = arith.addf %get3A_1221, %get3A_1225 : vector<16xf32>
      %get3A_1227 = arith.constant 6 : i32
      %get3A_1228 = arith.index_cast %get3A_1227 : i32 to index
      %get3A_1229 = arith.constant 64 : index
      %get3A_1230 = tpu.vector_load %arg16[%get3A_1228, %get3A_1229] {strides = array<i32>} : memref<8x128xf32, #tpu.memory_space<vmem>>, vector<16xf32>,
      %add3A_1231 = arith.addf %add3A_1226, %get3A_1230 : vector<16xf32>
      %mul3A_1232 = vector.broadcast %squeeze3A_1125 : f32 to vector<16xf32>
      %mul3A_1233 = arith.mulf %mul3A_1232, %add3A_1231 : vector<16xf32>
      %get3A_1234 = arith.constant 64 : index
      %get3A_1235 = tpu.vector_load %arg10[%get3A_1234] {strides = array<i32>} : memref<128xf32, #tpu.memory_space<vmem>>, vector<16xf32>,
      %add3A_1236 = arith.addf %mul3A_1233, %get3A_1235 : vector<16xf32>
      %swap3A_1237 = arith.constant 6 : i32
      %swap3A_1238 = arith.index_cast %swap3A_1237 : i32 to index
      %swap3A_1239 = arith.constant 64 : index
      %swap3A_1240 = tpu.vector_load %arg17[%swap3A_1238, %swap3A_1239] {strides = array<i32>} : memref<8x128xf32, #tpu.memory_space<vmem>>, vector<16xf32>,
      tpu.vector_store %arg17[%swap3A_1238, %swap3A_1239], %add3A_1236 {strides = array<i32>} : memref<8x128xf32, #tpu.memory_space<vmem>>, vector<16xf32>,
      %get3A_1241 = arith.constant 6 : i32
      %get3A_1242 = arith.index_cast %get3A_1241 : i32 to index
      %get3A_1243 = arith.constant 80 : index
      %get3A_1244 = tpu.vector_load %arg14[%get3A_1242, %get3A_1243] {strides = array<i32>} : memref<8x128xf32, #tpu.memory_space<vmem>>, vector<16xf32>,
      %get3A_1245 = arith.constant 6 : i32
      %get3A_1246 = arith.index_cast %get3A_1245 : i32 to index
      %get3A_1247 = arith.constant 80 : index
      %get3A_1248 = tpu.vector_load %arg15[%get3A_1246, %get3A_1247] {strides = array<i32>} : memref<8x128xf32, #tpu.memory_space<vmem>>, vector<16xf32>,
      %add3A_1249 = arith.addf %get3A_1244, %get3A_1248 : vector<16xf32>
      %get3A_1250 = arith.constant 6 : i32
      %get3A_1251 = arith.index_cast %get3A_1250 : i32 to index
      %get3A_1252 = arith.constant 80 : index
      %get3A_1253 = tpu.vector_load %arg16[%get3A_1251, %get3A_1252] {strides = array<i32>} : memref<8x128xf32, #tpu.memory_space<vmem>>, vector<16xf32>,
      %add3A_1254 = arith.addf %add3A_1249, %get3A_1253 : vector<16xf32>
      %mul3A_1255 = vector.broadcast %squeeze3A_1125 : f32 to vector<16xf32>
      %mul3A_1256 = arith.mulf %mul3A_1255, %add3A_1254 : vector<16xf32>
      %get3A_1257 = arith.constant 80 : index
      %get3A_1258 = tpu.vector_load %arg10[%get3A_1257] {strides = array<i32>} : memref<128xf32, #tpu.memory_space<vmem>>, vector<16xf32>,
      %add3A_1259 = arith.addf %mul3A_1256, %get3A_1258 : vector<16xf32>
      %swap3A_1260 = arith.constant 6 : i32
      %swap3A_1261 = arith.index_cast %swap3A_1260 : i32 to index
      %swap3A_1262 = arith.constant 80 : index
      %swap3A_1263 = tpu.vector_load %arg17[%swap3A_1261, %swap3A_1262] {strides = array<i32>} : memref<8x128xf32, #tpu.memory_space<vmem>>, vector<16xf32>,
      tpu.vector_store %arg17[%swap3A_1261, %swap3A_1262], %add3A_1259 {strides = array<i32>} : memref<8x128xf32, #tpu.memory_space<vmem>>, vector<16xf32>,
      %get3A_1264 = arith.constant 6 : i32
      %get3A_1265 = arith.index_cast %get3A_1264 : i32 to index
      %get3A_1266 = arith.constant 96 : index
      %get3A_1267 = tpu.vector_load %arg14[%get3A_1265, %get3A_1266] {strides = array<i32>} : memref<8x128xf32, #tpu.memory_space<vmem>>, vector<16xf32>,
      %get3A_1268 = arith.constant 6 : i32
      %get3A_1269 = arith.index_cast %get3A_1268 : i32 to index
      %get3A_1270 = arith.constant 96 : index
      %get3A_1271 = tpu.vector_load %arg15[%get3A_1269, %get3A_1270] {strides = array<i32>} : memref<8x128xf32, #tpu.memory_space<vmem>>, vector<16xf32>,
      %add3A_1272 = arith.addf %get3A_1267, %get3A_1271 : vector<16xf32>
      %get3A_1273 = arith.constant 6 : i32
      %get3A_1274 = arith.index_cast %get3A_1273 : i32 to index
      %get3A_1275 = arith.constant 96 : index
      %get3A_1276 = tpu.vector_load %arg16[%get3A_1274, %get3A_1275] {strides = array<i32>} : memref<8x128xf32, #tpu.memory_space<vmem>>, vector<16xf32>,
      %add3A_1277 = arith.addf %add3A_1272, %get3A_1276 : vector<16xf32>
      %mul3A_1278 = vector.broadcast %squeeze3A_1125 : f32 to vector<16xf32>
      %mul3A_1279 = arith.mulf %mul3A_1278, %add3A_1277 : vector<16xf32>
      %get3A_1280 = arith.constant 96 : index
      %get3A_1281 = tpu.vector_load %arg10[%get3A_1280] {strides = array<i32>} : memref<128xf32, #tpu.memory_space<vmem>>, vector<16xf32>,
      %add3A_1282 = arith.addf %mul3A_1279, %get3A_1281 : vector<16xf32>
      %swap3A_1283 = arith.constant 6 : i32
      %swap3A_1284 = arith.index_cast %swap3A_1283 : i32 to index
      %swap3A_1285 = arith.constant 96 : index
      %swap3A_1286 = tpu.vector_load %arg17[%swap3A_1284, %swap3A_1285] {strides = array<i32>} : memref<8x128xf32, #tpu.memory_space<vmem>>, vector<16xf32>,
      tpu.vector_store %arg17[%swap3A_1284, %swap3A_1285], %add3A_1282 {strides = array<i32>} : memref<8x128xf32, #tpu.memory_space<vmem>>, vector<16xf32>,
      %get3A_1287 = arith.constant 6 : i32
      %get3A_1288 = arith.index_cast %get3A_1287 : i32 to index
      %get3A_1289 = arith.constant 112 : index
      %get3A_1290 = tpu.vector_load %arg14[%get3A_1288, %get3A_1289] {strides = array<i32>} : memref<8x128xf32, #tpu.memory_space<vmem>>, vector<16xf32>,
      %get3A_1291 = arith.constant 6 : i32
      %get3A_1292 = arith.index_cast %get3A_1291 : i32 to index
      %get3A_1293 = arith.constant 112 : index
      %get3A_1294 = tpu.vector_load %arg15[%get3A_1292, %get3A_1293] {strides = array<i32>} : memref<8x128xf32, #tpu.memory_space<vmem>>, vector<16xf32>,
      %add3A_1295 = arith.addf %get3A_1290, %get3A_1294 : vector<16xf32>
      %get3A_1296 = arith.constant 6 : i32
      %get3A_1297 = arith.index_cast %get3A_1296 : i32 to index
      %get3A_1298 = arith.constant 112 : index
      %get3A_1299 = tpu.vector_load %arg16[%get3A_1297, %get3A_1298] {strides = array<i32>} : memref<8x128xf32, #tpu.memory_space<vmem>>, vector<16xf32>,
      %add3A_1300 = arith.addf %add3A_1295, %get3A_1299 : vector<16xf32>
      %mul3A_1301 = vector.broadcast %squeeze3A_1125 : f32 to vector<16xf32>
      %mul3A_1302 = arith.mulf %mul3A_1301, %add3A_1300 : vector<16xf32>
      %get3A_1303 = arith.constant 112 : index
      %get3A_1304 = tpu.vector_load %arg10[%get3A_1303] {strides = array<i32>} : memref<128xf32, #tpu.memory_space<vmem>>, vector<16xf32>,
      %add3A_1305 = arith.addf %mul3A_1302, %get3A_1304 : vector<16xf32>
      %swap3A_1306 = arith.constant 6 : i32
      %swap3A_1307 = arith.index_cast %swap3A_1306 : i32 to index
      %swap3A_1308 = arith.constant 112 : index
      %swap3A_1309 = tpu.vector_load %arg17[%swap3A_1307, %swap3A_1308] {strides = array<i32>} : memref<8x128xf32, #tpu.memory_space<vmem>>, vector<16xf32>,
      tpu.vector_store %arg17[%swap3A_1307, %swap3A_1308], %add3A_1305 {strides = array<i32>} : memref<8x128xf32, #tpu.memory_space<vmem>>, vector<16xf32>,
      %slice3A_1310 = vector.extract_strided_slice %gather3A_9 {offsets = [7], sizes = [1], strides = [1]} : vector<16xf32> to vector<1xf32>
      %squeeze3A_1311 = vector.extract %slice3A_1310[0] : f32 from vector<1xf32>
      %get3A_1312 = arith.constant 7 : i32
      %get3A_1313 = arith.index_cast %get3A_1312 : i32 to index
      %get3A_1314 = arith.constant 0 : index
      %get3A_1315 = tpu.vector_load %arg14[%get3A_1313, %get3A_1314] {strides = array<i32>} : memref<8x128xf32, #tpu.memory_space<vmem>>, vector<16xf32>,
      %get3A_1316 = arith.constant 7 : i32
      %get3A_1317 = arith.index_cast %get3A_1316 : i32 to index
      %get3A_1318 = arith.constant 0 : index
      %get3A_1319 = tpu.vector_load %arg15[%get3A_1317, %get3A_1318] {strides = array<i32>} : memref<8x128xf32, #tpu.memory_space<vmem>>, vector<16xf32>,
      %add3A_1320 = arith.addf %get3A_1315, %get3A_1319 : vector<16xf32>
      %get3A_1321 = arith.constant 7 : i32
      %get3A_1322 = arith.index_cast %get3A_1321 : i32 to index
      %get3A_1323 = arith.constant 0 : index
      %get3A_1324 = tpu.vector_load %arg16[%get3A_1322, %get3A_1323] {strides = array<i32>} : memref<8x128xf32, #tpu.memory_space<vmem>>, vector<16xf32>,
      %add3A_1325 = arith.addf %add3A_1320, %get3A_1324 : vector<16xf32>
      %mul3A_1326 = vector.broadcast %squeeze3A_1311 : f32 to vector<16xf32>
      %mul3A_1327 = arith.mulf %mul3A_1326, %add3A_1325 : vector<16xf32>
      %get3A_1328 = arith.constant 0 : index
      %get3A_1329 = tpu.vector_load %arg10[%get3A_1328] {strides = array<i32>} : memref<128xf32, #tpu.memory_space<vmem>>, vector<16xf32>,
      %add3A_1330 = arith.addf %mul3A_1327, %get3A_1329 : vector<16xf32>
      %swap3A_1331 = arith.constant 7 : i32
      %swap3A_1332 = arith.index_cast %swap3A_1331 : i32 to index
      %swap3A_1333 = arith.constant 0 : index
      %swap3A_1334 = tpu.vector_load %arg17[%swap3A_1332, %swap3A_1333] {strides = array<i32>} : memref<8x128xf32, #tpu.memory_space<vmem>>, vector<16xf32>,
      tpu.vector_store %arg17[%swap3A_1332, %swap3A_1333], %add3A_1330 {strides = array<i32>} : memref<8x128xf32, #tpu.memory_space<vmem>>, vector<16xf32>,
      %get3A_1335 = arith.constant 7 : i32
      %get3A_1336 = arith.index_cast %get3A_1335 : i32 to index
      %get3A_1337 = arith.constant 16 : index
      %get3A_1338 = tpu.vector_load %arg14[%get3A_1336, %get3A_1337] {strides = array<i32>} : memref<8x128xf32, #tpu.memory_space<vmem>>, vector<16xf32>,
      %get3A_1339 = arith.constant 7 : i32
      %get3A_1340 = arith.index_cast %get3A_1339 : i32 to index
      %get3A_1341 = arith.constant 16 : index
      %get3A_1342 = tpu.vector_load %arg15[%get3A_1340, %get3A_1341] {strides = array<i32>} : memref<8x128xf32, #tpu.memory_space<vmem>>, vector<16xf32>,
      %add3A_1343 = arith.addf %get3A_1338, %get3A_1342 : vector<16xf32>
      %get3A_1344 = arith.constant 7 : i32
      %get3A_1345 = arith.index_cast %get3A_1344 : i32 to index
      %get3A_1346 = arith.constant 16 : index
      %get3A_1347 = tpu.vector_load %arg16[%get3A_1345, %get3A_1346] {strides = array<i32>} : memref<8x128xf32, #tpu.memory_space<vmem>>, vector<16xf32>,
      %add3A_1348 = arith.addf %add3A_1343, %get3A_1347 : vector<16xf32>
      %mul3A_1349 = vector.broadcast %squeeze3A_1311 : f32 to vector<16xf32>
      %mul3A_1350 = arith.mulf %mul3A_1349, %add3A_1348 : vector<16xf32>
      %get3A_1351 = arith.constant 16 : index
      %get3A_1352 = tpu.vector_load %arg10[%get3A_1351] {strides = array<i32>} : memref<128xf32, #tpu.memory_space<vmem>>, vector<16xf32>,
      %add3A_1353 = arith.addf %mul3A_1350, %get3A_1352 : vector<16xf32>
      %swap3A_1354 = arith.constant 7 : i32
      %swap3A_1355 = arith.index_cast %swap3A_1354 : i32 to index
      %swap3A_1356 = arith.constant 16 : index
      %swap3A_1357 = tpu.vector_load %arg17[%swap3A_1355, %swap3A_1356] {strides = array<i32>} : memref<8x128xf32, #tpu.memory_space<vmem>>, vector<16xf32>,
      tpu.vector_store %arg17[%swap3A_1355, %swap3A_1356], %add3A_1353 {strides = array<i32>} : memref<8x128xf32, #tpu.memory_space<vmem>>, vector<16xf32>,
      %get3A_1358 = arith.constant 7 : i32
      %get3A_1359 = arith.index_cast %get3A_1358 : i32 to index
      %get3A_1360 = arith.constant 32 : index
      %get3A_1361 = tpu.vector_load %arg14[%get3A_1359, %get3A_1360] {strides = array<i32>} : memref<8x128xf32, #tpu.memory_space<vmem>>, vector<16xf32>,
      %get3A_1362 = arith.constant 7 : i32
      %get3A_1363 = arith.index_cast %get3A_1362 : i32 to index
      %get3A_1364 = arith.constant 32 : index
      %get3A_1365 = tpu.vector_load %arg15[%get3A_1363, %get3A_1364] {strides = array<i32>} : memref<8x128xf32, #tpu.memory_space<vmem>>, vector<16xf32>,
      %add3A_1366 = arith.addf %get3A_1361, %get3A_1365 : vector<16xf32>
      %get3A_1367 = arith.constant 7 : i32
      %get3A_1368 = arith.index_cast %get3A_1367 : i32 to index
      %get3A_1369 = arith.constant 32 : index
      %get3A_1370 = tpu.vector_load %arg16[%get3A_1368, %get3A_1369] {strides = array<i32>} : memref<8x128xf32, #tpu.memory_space<vmem>>, vector<16xf32>,
      %add3A_1371 = arith.addf %add3A_1366, %get3A_1370 : vector<16xf32>
      %mul3A_1372 = vector.broadcast %squeeze3A_1311 : f32 to vector<16xf32>
      %mul3A_1373 = arith.mulf %mul3A_1372, %add3A_1371 : vector<16xf32>
      %get3A_1374 = arith.constant 32 : index
      %get3A_1375 = tpu.vector_load %arg10[%get3A_1374] {strides = array<i32>} : memref<128xf32, #tpu.memory_space<vmem>>, vector<16xf32>,
      %add3A_1376 = arith.addf %mul3A_1373, %get3A_1375 : vector<16xf32>
      %swap3A_1377 = arith.constant 7 : i32
      %swap3A_1378 = arith.index_cast %swap3A_1377 : i32 to index
      %swap3A_1379 = arith.constant 32 : index
      %swap3A_1380 = tpu.vector_load %arg17[%swap3A_1378, %swap3A_1379] {strides = array<i32>} : memref<8x128xf32, #tpu.memory_space<vmem>>, vector<16xf32>,
      tpu.vector_store %arg17[%swap3A_1378, %swap3A_1379], %add3A_1376 {strides = array<i32>} : memref<8x128xf32, #tpu.memory_space<vmem>>, vector<16xf32>,
      %get3A_1381 = arith.constant 7 : i32
      %get3A_1382 = arith.index_cast %get3A_1381 : i32 to index
      %get3A_1383 = arith.constant 48 : index
      %get3A_1384 = tpu.vector_load %arg14[%get3A_1382, %get3A_1383] {strides = array<i32>} : memref<8x128xf32, #tpu.memory_space<vmem>>, vector<16xf32>,
      %get3A_1385 = arith.constant 7 : i32
      %get3A_1386 = arith.index_cast %get3A_1385 : i32 to index
      %get3A_1387 = arith.constant 48 : index
      %get3A_1388 = tpu.vector_load %arg15[%get3A_1386, %get3A_1387] {strides = array<i32>} : memref<8x128xf32, #tpu.memory_space<vmem>>, vector<16xf32>,
      %add3A_1389 = arith.addf %get3A_1384, %get3A_1388 : vector<16xf32>
      %get3A_1390 = arith.constant 7 : i32
      %get3A_1391 = arith.index_cast %get3A_1390 : i32 to index
      %get3A_1392 = arith.constant 48 : index
      %get3A_1393 = tpu.vector_load %arg16[%get3A_1391, %get3A_1392] {strides = array<i32>} : memref<8x128xf32, #tpu.memory_space<vmem>>, vector<16xf32>,
      %add3A_1394 = arith.addf %add3A_1389, %get3A_1393 : vector<16xf32>
      %mul3A_1395 = vector.broadcast %squeeze3A_1311 : f32 to vector<16xf32>
      %mul3A_1396 = arith.mulf %mul3A_1395, %add3A_1394 : vector<16xf32>
      %get3A_1397 = arith.constant 48 : index
      %get3A_1398 = tpu.vector_load %arg10[%get3A_1397] {strides = array<i32>} : memref<128xf32, #tpu.memory_space<vmem>>, vector<16xf32>,
      %add3A_1399 = arith.addf %mul3A_1396, %get3A_1398 : vector<16xf32>
      %swap3A_1400 = arith.constant 7 : i32
      %swap3A_1401 = arith.index_cast %swap3A_1400 : i32 to index
      %swap3A_1402 = arith.constant 48 : index
      %swap3A_1403 = tpu.vector_load %arg17[%swap3A_1401, %swap3A_1402] {strides = array<i32>} : memref<8x128xf32, #tpu.memory_space<vmem>>, vector<16xf32>,
      tpu.vector_store %arg17[%swap3A_1401, %swap3A_1402], %add3A_1399 {strides = array<i32>} : memref<8x128xf32, #tpu.memory_space<vmem>>, vector<16xf32>,
      %get3A_1404 = arith.constant 7 : i32
      %get3A_1405 = arith.index_cast %get3A_1404 : i32 to index
      %get3A_1406 = arith.constant 64 : index
      %get3A_1407 = tpu.vector_load %arg14[%get3A_1405, %get3A_1406] {strides = array<i32>} : memref<8x128xf32, #tpu.memory_space<vmem>>, vector<16xf32>,
      %get3A_1408 = arith.constant 7 : i32
      %get3A_1409 = arith.index_cast %get3A_1408 : i32 to index
      %get3A_1410 = arith.constant 64 : index
      %get3A_1411 = tpu.vector_load %arg15[%get3A_1409, %get3A_1410] {strides = array<i32>} : memref<8x128xf32, #tpu.memory_space<vmem>>, vector<16xf32>,
      %add3A_1412 = arith.addf %get3A_1407, %get3A_1411 : vector<16xf32>
      %get3A_1413 = arith.constant 7 : i32
      %get3A_1414 = arith.index_cast %get3A_1413 : i32 to index
      %get3A_1415 = arith.constant 64 : index
      %get3A_1416 = tpu.vector_load %arg16[%get3A_1414, %get3A_1415] {strides = array<i32>} : memref<8x128xf32, #tpu.memory_space<vmem>>, vector<16xf32>,
      %add3A_1417 = arith.addf %add3A_1412, %get3A_1416 : vector<16xf32>
      %mul3A_1418 = vector.broadcast %squeeze3A_1311 : f32 to vector<16xf32>
      %mul3A_1419 = arith.mulf %mul3A_1418, %add3A_1417 : vector<16xf32>
      %get3A_1420 = arith.constant 64 : index
      %get3A_1421 = tpu.vector_load %arg10[%get3A_1420] {strides = array<i32>} : memref<128xf32, #tpu.memory_space<vmem>>, vector<16xf32>,
      %add3A_1422 = arith.addf %mul3A_1419, %get3A_1421 : vector<16xf32>
      %swap3A_1423 = arith.constant 7 : i32
      %swap3A_1424 = arith.index_cast %swap3A_1423 : i32 to index
      %swap3A_1425 = arith.constant 64 : index
      %swap3A_1426 = tpu.vector_load %arg17[%swap3A_1424, %swap3A_1425] {strides = array<i32>} : memref<8x128xf32, #tpu.memory_space<vmem>>, vector<16xf32>,
      tpu.vector_store %arg17[%swap3A_1424, %swap3A_1425], %add3A_1422 {strides = array<i32>} : memref<8x128xf32, #tpu.memory_space<vmem>>, vector<16xf32>,
      %get3A_1427 = arith.constant 7 : i32
      %get3A_1428 = arith.index_cast %get3A_1427 : i32 to index
      %get3A_1429 = arith.constant 80 : index
      %get3A_1430 = tpu.vector_load %arg14[%get3A_1428, %get3A_1429] {strides = array<i32>} : memref<8x128xf32, #tpu.memory_space<vmem>>, vector<16xf32>,
      %get3A_1431 = arith.constant 7 : i32
      %get3A_1432 = arith.index_cast %get3A_1431 : i32 to index
      %get3A_1433 = arith.constant 80 : index
      %get3A_1434 = tpu.vector_load %arg15[%get3A_1432, %get3A_1433] {strides = array<i32>} : memref<8x128xf32, #tpu.memory_space<vmem>>, vector<16xf32>,
      %add3A_1435 = arith.addf %get3A_1430, %get3A_1434 : vector<16xf32>
      %get3A_1436 = arith.constant 7 : i32
      %get3A_1437 = arith.index_cast %get3A_1436 : i32 to index
      %get3A_1438 = arith.constant 80 : index
      %get3A_1439 = tpu.vector_load %arg16[%get3A_1437, %get3A_1438] {strides = array<i32>} : memref<8x128xf32, #tpu.memory_space<vmem>>, vector<16xf32>,
      %add3A_1440 = arith.addf %add3A_1435, %get3A_1439 : vector<16xf32>
      %mul3A_1441 = vector.broadcast %squeeze3A_1311 : f32 to vector<16xf32>
      %mul3A_1442 = arith.mulf %mul3A_1441, %add3A_1440 : vector<16xf32>
      %get3A_1443 = arith.constant 80 : index
      %get3A_1444 = tpu.vector_load %arg10[%get3A_1443] {strides = array<i32>} : memref<128xf32, #tpu.memory_space<vmem>>, vector<16xf32>,
      %add3A_1445 = arith.addf %mul3A_1442, %get3A_1444 : vector<16xf32>
      %swap3A_1446 = arith.constant 7 : i32
      %swap3A_1447 = arith.index_cast %swap3A_1446 : i32 to index
      %swap3A_1448 = arith.constant 80 : index
      %swap3A_1449 = tpu.vector_load %arg17[%swap3A_1447, %swap3A_1448] {strides = array<i32>} : memref<8x128xf32, #tpu.memory_space<vmem>>, vector<16xf32>,
      tpu.vector_store %arg17[%swap3A_1447, %swap3A_1448], %add3A_1445 {strides = array<i32>} : memref<8x128xf32, #tpu.memory_space<vmem>>, vector<16xf32>,
      %get3A_1450 = arith.constant 7 : i32
      %get3A_1451 = arith.index_cast %get3A_1450 : i32 to index
      %get3A_1452 = arith.constant 96 : index
      %get3A_1453 = tpu.vector_load %arg14[%get3A_1451, %get3A_1452] {strides = array<i32>} : memref<8x128xf32, #tpu.memory_space<vmem>>, vector<16xf32>,
      %get3A_1454 = arith.constant 7 : i32
      %get3A_1455 = arith.index_cast %get3A_1454 : i32 to index
      %get3A_1456 = arith.constant 96 : index
      %get3A_1457 = tpu.vector_load %arg15[%get3A_1455, %get3A_1456] {strides = array<i32>} : memref<8x128xf32, #tpu.memory_space<vmem>>, vector<16xf32>,
      %add3A_1458 = arith.addf %get3A_1453, %get3A_1457 : vector<16xf32>
      %get3A_1459 = arith.constant 7 : i32
      %get3A_1460 = arith.index_cast %get3A_1459 : i32 to index
      %get3A_1461 = arith.constant 96 : index
      %get3A_1462 = tpu.vector_load %arg16[%get3A_1460, %get3A_1461] {strides = array<i32>} : memref<8x128xf32, #tpu.memory_space<vmem>>, vector<16xf32>,
      %add3A_1463 = arith.addf %add3A_1458, %get3A_1462 : vector<16xf32>
      %mul3A_1464 = vector.broadcast %squeeze3A_1311 : f32 to vector<16xf32>
      %mul3A_1465 = arith.mulf %mul3A_1464, %add3A_1463 : vector<16xf32>
      %get3A_1466 = arith.constant 96 : index
      %get3A_1467 = tpu.vector_load %arg10[%get3A_1466] {strides = array<i32>} : memref<128xf32, #tpu.memory_space<vmem>>, vector<16xf32>,
      %add3A_1468 = arith.addf %mul3A_1465, %get3A_1467 : vector<16xf32>
      %swap3A_1469 = arith.constant 7 : i32
      %swap3A_1470 = arith.index_cast %swap3A_1469 : i32 to index
      %swap3A_1471 = arith.constant 96 : index
      %swap3A_1472 = tpu.vector_load %arg17[%swap3A_1470, %swap3A_1471] {strides = array<i32>} : memref<8x128xf32, #tpu.memory_space<vmem>>, vector<16xf32>,
      tpu.vector_store %arg17[%swap3A_1470, %swap3A_1471], %add3A_1468 {strides = array<i32>} : memref<8x128xf32, #tpu.memory_space<vmem>>, vector<16xf32>,
      %get3A_1473 = arith.constant 7 : i32
      %get3A_1474 = arith.index_cast %get3A_1473 : i32 to index
      %get3A_1475 = arith.constant 112 : index
      %get3A_1476 = tpu.vector_load %arg14[%get3A_1474, %get3A_1475] {strides = array<i32>} : memref<8x128xf32, #tpu.memory_space<vmem>>, vector<16xf32>,
      %get3A_1477 = arith.constant 7 : i32
      %get3A_1478 = arith.index_cast %get3A_1477 : i32 to index
      %get3A_1479 = arith.constant 112 : index
      %get3A_1480 = tpu.vector_load %arg15[%get3A_1478, %get3A_1479] {strides = array<i32>} : memref<8x128xf32, #tpu.memory_space<vmem>>, vector<16xf32>,
      %add3A_1481 = arith.addf %get3A_1476, %get3A_1480 : vector<16xf32>
      %get3A_1482 = arith.constant 7 : i32
      %get3A_1483 = arith.index_cast %get3A_1482 : i32 to index
      %get3A_1484 = arith.constant 112 : index
      %get3A_1485 = tpu.vector_load %arg16[%get3A_1483, %get3A_1484] {strides = array<i32>} : memref<8x128xf32, #tpu.memory_space<vmem>>, vector<16xf32>,
      %add3A_1486 = arith.addf %add3A_1481, %get3A_1485 : vector<16xf32>
      %mul3A_1487 = vector.broadcast %squeeze3A_1311 : f32 to vector<16xf32>
      %mul3A_1488 = arith.mulf %mul3A_1487, %add3A_1486 : vector<16xf32>
      %get3A_1489 = arith.constant 112 : index
      %get3A_1490 = tpu.vector_load %arg10[%get3A_1489] {strides = array<i32>} : memref<128xf32, #tpu.memory_space<vmem>>, vector<16xf32>,
      %add3A_1491 = arith.addf %mul3A_1488, %get3A_1490 : vector<16xf32>
      %swap3A_1492 = arith.constant 7 : i32
      %swap3A_1493 = arith.index_cast %swap3A_1492 : i32 to index
      %swap3A_1494 = arith.constant 112 : index
      %swap3A_1495 = tpu.vector_load %arg17[%swap3A_1493, %swap3A_1494] {strides = array<i32>} : memref<8x128xf32, #tpu.memory_space<vmem>>, vector<16xf32>,
      tpu.vector_store %arg17[%swap3A_1493, %swap3A_1494], %add3A_1491 {strides = array<i32>} : memref<8x128xf32, #tpu.memory_space<vmem>>, vector<16xf32>,
      %mul3A_1496 = arith.constant 8 : i32
      %mul3A_1497 = arith.muli %add3A, %mul3A_1496 : i32
      "tpu.region"() ({
        %run_scoped3A = tpu.sem_alloc : memref<!tpu.dma_semaphore, #tpu.memory_space<semaphore_mem>>
        %dma_start3A = arith.constant 0 : i32
        %dma_start3A_1498 = tpu.memref_slice %arg8[%mul3A_1497, %dma_start3A] : memref<200x128xf32, #tpu.memory_space<hbm>> -> memref<8x128xf32, #tpu.memory_space<hbm>>
        %dma_start3A_1499 = arith.constant 0 : i32
        %dma_start3A_1500 = tpu.memref_slice %arg8[%mul3A_1497, %dma_start3A_1499] : memref<200x128xf32, #tpu.memory_space<hbm>> -> memref<8x128xf32, #tpu.memory_space<hbm>>
        tpu.enqueue_dma source(%arg17 : memref<8x128xf32, #tpu.memory_space<vmem>>) target(%dma_start3A_1500 : memref<8x128xf32, #tpu.memory_space<hbm>>) target_semaphore(%run_scoped3A : memref<!tpu.dma_semaphore, #tpu.memory_space<semaphore_mem>>)
        %dma_wait3A = arith.constant 0 : i32
        %dma_wait3A_1501 = tpu.memref_slice %arg8[%mul3A_1497, %dma_wait3A] : memref<200x128xf32, #tpu.memory_space<hbm>> -> memref<8x128xf32, #tpu.memory_space<hbm>>
        %dma_wait3A_1502 = arith.constant 0 : i32
        %dma_wait3A_1503 = tpu.memref_slice %arg8[%mul3A_1497, %dma_wait3A_1502] : memref<200x128xf32, #tpu.memory_space<hbm>> -> memref<8x128xf32, #tpu.memory_space<hbm>>
        tpu.wait_dma2 semaphore(%run_scoped3A : memref<!tpu.dma_semaphore, #tpu.memory_space<semaphore_mem>>) src(%arg17 : memref<8x128xf32, #tpu.memory_space<vmem>>) dst(%dma_wait3A_1503 : memref<8x128xf32, #tpu.memory_space<hbm>>)
        tpu.yield
      }) : () -> ()
    } else {
    }
    return
  }
}

#map = affine_map<(d0, d1) -> (0, 0)>
#map1 = affine_map<(d0, d1) -> (0)>
#map2 = affine_map<(d0, d1) -> (0, 0, 0)>
module attributes {stable_mosaic.version = 14 : i64} {
  func.func @agg(%arg0: i32, %arg1: i32, %arg2: memref<10000x128xf32, #tpu.memory_space<hbm>>, %arg3: memref<320000xi32, #tpu.memory_space<hbm>>, %arg4: memref<320000xi32, #tpu.memory_space<hbm>>, %arg5: memref<2x10240x128xf32, #tpu.memory_space<hbm>>, %arg6: memref<80x128xf32, #tpu.memory_space<vmem>>, %arg7: memref<80x128xf32, #tpu.memory_space<vmem>>, %arg8: memref<80x128xf32, #tpu.memory_space<vmem>>, %arg9: memref<80x128xf32, #tpu.memory_space<vmem>>, %arg10: memref<80xi32, #tpu.memory_space<vmem>>, %arg11: memref<80xi32, #tpu.memory_space<vmem>>, %arg12: memref<80xi32, #tpu.memory_space<vmem>>, %arg13: memref<80xi32, #tpu.memory_space<vmem>>, %arg14: memref<80xi32, #tpu.memory_space<vmem>>, %arg15: memref<80xi32, #tpu.memory_space<vmem>>, %arg16: memref<80xi32, #tpu.memory_space<vmem>>, %arg17: memref<80xi32, #tpu.memory_space<vmem>>, %arg18: memref<!tpu.dma_semaphore, #tpu.memory_space<semaphore_mem>>, %arg19: memref<!tpu.dma_semaphore, #tpu.memory_space<semaphore_mem>>, %arg20: memref<!tpu.dma_semaphore, #tpu.memory_space<semaphore_mem>>, %arg21: memref<!tpu.dma_semaphore, #tpu.memory_space<semaphore_mem>>, %arg22: memref<!tpu.dma_semaphore, #tpu.memory_space<semaphore_mem>>, %arg23: memref<!tpu.dma_semaphore, #tpu.memory_space<semaphore_mem>>, %arg24: memref<!tpu.dma_semaphore, #tpu.memory_space<semaphore_mem>>, %arg25: memref<!tpu.dma_semaphore, #tpu.memory_space<semaphore_mem>>, %arg26: memref<10240x128xf32, #tpu.memory_space<vmem_shared>>) attributes {dimension_semantics = [#tpu.dimension_semantics<core_parallel>, #tpu.dimension_semantics<subcore_parallel>], iteration_bounds = array<i64: 2, 16>, scalar_prefetch = 0 : i64, scratch_operands = 21 : i64, tpu.core_type = #tpu.core_type<sc_vector_subcore>, window_params = [{transform_indices = #map}, {transform_indices = #map1}, {transform_indices = #map1}, {transform_indices = #map2}]} {
    %mul3A = arith.constant 2 : i32
    %mul3A_0 = arith.muli %arg1, %mul3A : i32
    %add3A = arith.addi %mul3A_0, %arg0 : i32
    %scan3A = arith.constant 0 : i32
    %scan3A_1 = arith.constant 0 : i32
    %scan3A_2 = arith.constant 80 : i32
    %scan3A_3 = arith.addi %scan3A_1, %scan3A_2 : i32
    %scan3A_4 = arith.constant 1 : i32
    %scan3A_5 = scf.for %scan3A_108 = %scan3A_1 to %scan3A_3 step %scan3A_4 iter_args(%scan3A_109 = %scan3A) -> (i32)  : i32 {
      %broadcast_in_dim3A = arith.constant 0.000000e+00 : f32
      %broadcast_in_dim3A_110 = vector.broadcast %broadcast_in_dim3A : f32 to vector<16xf32>
      %swap3A = arith.index_cast %scan3A_108 : i32 to index
      %swap3A_111 = arith.constant 0 : index
      %swap3A_112 = tpu.vector_load %arg6[%swap3A, %swap3A_111] {strides = array<i32>} : memref<80x128xf32, #tpu.memory_space<vmem>>, vector<16xf32>,
      tpu.vector_store %arg6[%swap3A, %swap3A_111], %broadcast_in_dim3A_110 {strides = array<i32>} : memref<80x128xf32, #tpu.memory_space<vmem>>, vector<16xf32>,
      %broadcast_in_dim3A_113 = arith.constant 0.000000e+00 : f32
      %broadcast_in_dim3A_114 = vector.broadcast %broadcast_in_dim3A_113 : f32 to vector<16xf32>
      %swap3A_115 = arith.index_cast %scan3A_108 : i32 to index
      %swap3A_116 = arith.constant 16 : index
      %swap3A_117 = tpu.vector_load %arg6[%swap3A_115, %swap3A_116] {strides = array<i32>} : memref<80x128xf32, #tpu.memory_space<vmem>>, vector<16xf32>,
      tpu.vector_store %arg6[%swap3A_115, %swap3A_116], %broadcast_in_dim3A_114 {strides = array<i32>} : memref<80x128xf32, #tpu.memory_space<vmem>>, vector<16xf32>,
      %broadcast_in_dim3A_118 = arith.constant 0.000000e+00 : f32
      %broadcast_in_dim3A_119 = vector.broadcast %broadcast_in_dim3A_118 : f32 to vector<16xf32>
      %swap3A_120 = arith.index_cast %scan3A_108 : i32 to index
      %swap3A_121 = arith.constant 32 : index
      %swap3A_122 = tpu.vector_load %arg6[%swap3A_120, %swap3A_121] {strides = array<i32>} : memref<80x128xf32, #tpu.memory_space<vmem>>, vector<16xf32>,
      tpu.vector_store %arg6[%swap3A_120, %swap3A_121], %broadcast_in_dim3A_119 {strides = array<i32>} : memref<80x128xf32, #tpu.memory_space<vmem>>, vector<16xf32>,
      %broadcast_in_dim3A_123 = arith.constant 0.000000e+00 : f32
      %broadcast_in_dim3A_124 = vector.broadcast %broadcast_in_dim3A_123 : f32 to vector<16xf32>
      %swap3A_125 = arith.index_cast %scan3A_108 : i32 to index
      %swap3A_126 = arith.constant 48 : index
      %swap3A_127 = tpu.vector_load %arg6[%swap3A_125, %swap3A_126] {strides = array<i32>} : memref<80x128xf32, #tpu.memory_space<vmem>>, vector<16xf32>,
      tpu.vector_store %arg6[%swap3A_125, %swap3A_126], %broadcast_in_dim3A_124 {strides = array<i32>} : memref<80x128xf32, #tpu.memory_space<vmem>>, vector<16xf32>,
      %broadcast_in_dim3A_128 = arith.constant 0.000000e+00 : f32
      %broadcast_in_dim3A_129 = vector.broadcast %broadcast_in_dim3A_128 : f32 to vector<16xf32>
      %swap3A_130 = arith.index_cast %scan3A_108 : i32 to index
      %swap3A_131 = arith.constant 64 : index
      %swap3A_132 = tpu.vector_load %arg6[%swap3A_130, %swap3A_131] {strides = array<i32>} : memref<80x128xf32, #tpu.memory_space<vmem>>, vector<16xf32>,
      tpu.vector_store %arg6[%swap3A_130, %swap3A_131], %broadcast_in_dim3A_129 {strides = array<i32>} : memref<80x128xf32, #tpu.memory_space<vmem>>, vector<16xf32>,
      %broadcast_in_dim3A_133 = arith.constant 0.000000e+00 : f32
      %broadcast_in_dim3A_134 = vector.broadcast %broadcast_in_dim3A_133 : f32 to vector<16xf32>
      %swap3A_135 = arith.index_cast %scan3A_108 : i32 to index
      %swap3A_136 = arith.constant 80 : index
      %swap3A_137 = tpu.vector_load %arg6[%swap3A_135, %swap3A_136] {strides = array<i32>} : memref<80x128xf32, #tpu.memory_space<vmem>>, vector<16xf32>,
      tpu.vector_store %arg6[%swap3A_135, %swap3A_136], %broadcast_in_dim3A_134 {strides = array<i32>} : memref<80x128xf32, #tpu.memory_space<vmem>>, vector<16xf32>,
      %broadcast_in_dim3A_138 = arith.constant 0.000000e+00 : f32
      %broadcast_in_dim3A_139 = vector.broadcast %broadcast_in_dim3A_138 : f32 to vector<16xf32>
      %swap3A_140 = arith.index_cast %scan3A_108 : i32 to index
      %swap3A_141 = arith.constant 96 : index
      %swap3A_142 = tpu.vector_load %arg6[%swap3A_140, %swap3A_141] {strides = array<i32>} : memref<80x128xf32, #tpu.memory_space<vmem>>, vector<16xf32>,
      tpu.vector_store %arg6[%swap3A_140, %swap3A_141], %broadcast_in_dim3A_139 {strides = array<i32>} : memref<80x128xf32, #tpu.memory_space<vmem>>, vector<16xf32>,
      %broadcast_in_dim3A_143 = arith.constant 0.000000e+00 : f32
      %broadcast_in_dim3A_144 = vector.broadcast %broadcast_in_dim3A_143 : f32 to vector<16xf32>
      %swap3A_145 = arith.index_cast %scan3A_108 : i32 to index
      %swap3A_146 = arith.constant 112 : index
      %swap3A_147 = tpu.vector_load %arg6[%swap3A_145, %swap3A_146] {strides = array<i32>} : memref<80x128xf32, #tpu.memory_space<vmem>>, vector<16xf32>,
      tpu.vector_store %arg6[%swap3A_145, %swap3A_146], %broadcast_in_dim3A_144 {strides = array<i32>} : memref<80x128xf32, #tpu.memory_space<vmem>>, vector<16xf32>,
      %scan3A_148 = arith.constant 0 : i32
      scf.yield %scan3A_148 : i32
    }
    %scan3A_6 = arith.constant 80 : i32
    %mul3A_7 = arith.constant 640 : i32
    %mul3A_8 = arith.muli %arg1, %mul3A_7 : i32
    %add3A_9 = arith.constant 0 : i32
    %add3A_10 = arith.addi %mul3A_8, %add3A_9 : i32
    "tpu.region"() ({
      %run_scoped3A = tpu.sem_alloc : memref<!tpu.dma_semaphore, #tpu.memory_space<semaphore_mem>>
      %dma_start3A_108 = arith.constant 0 : i32
      %dma_start3A_109 = tpu.memref_slice %arg26[%add3A_10, %dma_start3A_108] : memref<10240x128xf32, #tpu.memory_space<vmem_shared>> -> memref<80x128xf32, #tpu.memory_space<vmem_shared>>
      %dma_start3A_110 = arith.constant 0 : i32
      %dma_start3A_111 = tpu.memref_slice %arg26[%add3A_10, %dma_start3A_110] : memref<10240x128xf32, #tpu.memory_space<vmem_shared>> -> memref<80x128xf32, #tpu.memory_space<vmem_shared>>
      tpu.enqueue_dma source(%arg6 : memref<80x128xf32, #tpu.memory_space<vmem>>) target(%dma_start3A_111 : memref<80x128xf32, #tpu.memory_space<vmem_shared>>) target_semaphore(%run_scoped3A : memref<!tpu.dma_semaphore, #tpu.memory_space<semaphore_mem>>)
      %dma_wait3A_112 = arith.constant 0 : i32
      %dma_wait3A_113 = tpu.memref_slice %arg26[%add3A_10, %dma_wait3A_112] : memref<10240x128xf32, #tpu.memory_space<vmem_shared>> -> memref<80x128xf32, #tpu.memory_space<vmem_shared>>
      %dma_wait3A_114 = arith.constant 0 : i32
      %dma_wait3A_115 = tpu.memref_slice %arg26[%add3A_10, %dma_wait3A_114] : memref<10240x128xf32, #tpu.memory_space<vmem_shared>> -> memref<80x128xf32, #tpu.memory_space<vmem_shared>>
      tpu.wait_dma2 semaphore(%run_scoped3A : memref<!tpu.dma_semaphore, #tpu.memory_space<semaphore_mem>>) src(%arg6 : memref<80x128xf32, #tpu.memory_space<vmem>>) dst(%dma_wait3A_115 : memref<80x128xf32, #tpu.memory_space<vmem_shared>>)
      tpu.yield
    }) : () -> ()
    %mul3A_11 = arith.constant 640 : i32
    %mul3A_12 = arith.muli %arg1, %mul3A_11 : i32
    %add3A_13 = arith.constant 80 : i32
    %add3A_14 = arith.addi %mul3A_12, %add3A_13 : i32
    "tpu.region"() ({
      %run_scoped3A = tpu.sem_alloc : memref<!tpu.dma_semaphore, #tpu.memory_space<semaphore_mem>>
      %dma_start3A_108 = arith.constant 0 : i32
      %dma_start3A_109 = tpu.memref_slice %arg26[%add3A_14, %dma_start3A_108] : memref<10240x128xf32, #tpu.memory_space<vmem_shared>> -> memref<80x128xf32, #tpu.memory_space<vmem_shared>>
      %dma_start3A_110 = arith.constant 0 : i32
      %dma_start3A_111 = tpu.memref_slice %arg26[%add3A_14, %dma_start3A_110] : memref<10240x128xf32, #tpu.memory_space<vmem_shared>> -> memref<80x128xf32, #tpu.memory_space<vmem_shared>>
      tpu.enqueue_dma source(%arg6 : memref<80x128xf32, #tpu.memory_space<vmem>>) target(%dma_start3A_111 : memref<80x128xf32, #tpu.memory_space<vmem_shared>>) target_semaphore(%run_scoped3A : memref<!tpu.dma_semaphore, #tpu.memory_space<semaphore_mem>>)
      %dma_wait3A_112 = arith.constant 0 : i32
      %dma_wait3A_113 = tpu.memref_slice %arg26[%add3A_14, %dma_wait3A_112] : memref<10240x128xf32, #tpu.memory_space<vmem_shared>> -> memref<80x128xf32, #tpu.memory_space<vmem_shared>>
      %dma_wait3A_114 = arith.constant 0 : i32
      %dma_wait3A_115 = tpu.memref_slice %arg26[%add3A_14, %dma_wait3A_114] : memref<10240x128xf32, #tpu.memory_space<vmem_shared>> -> memref<80x128xf32, #tpu.memory_space<vmem_shared>>
      tpu.wait_dma2 semaphore(%run_scoped3A : memref<!tpu.dma_semaphore, #tpu.memory_space<semaphore_mem>>) src(%arg6 : memref<80x128xf32, #tpu.memory_space<vmem>>) dst(%dma_wait3A_115 : memref<80x128xf32, #tpu.memory_space<vmem_shared>>)
      tpu.yield
    }) : () -> ()
    %mul3A_15 = arith.constant 640 : i32
    %mul3A_16 = arith.muli %arg1, %mul3A_15 : i32
    %add3A_17 = arith.constant 160 : i32
    %add3A_18 = arith.addi %mul3A_16, %add3A_17 : i32
    "tpu.region"() ({
      %run_scoped3A = tpu.sem_alloc : memref<!tpu.dma_semaphore, #tpu.memory_space<semaphore_mem>>
      %dma_start3A_108 = arith.constant 0 : i32
      %dma_start3A_109 = tpu.memref_slice %arg26[%add3A_18, %dma_start3A_108] : memref<10240x128xf32, #tpu.memory_space<vmem_shared>> -> memref<80x128xf32, #tpu.memory_space<vmem_shared>>
      %dma_start3A_110 = arith.constant 0 : i32
      %dma_start3A_111 = tpu.memref_slice %arg26[%add3A_18, %dma_start3A_110] : memref<10240x128xf32, #tpu.memory_space<vmem_shared>> -> memref<80x128xf32, #tpu.memory_space<vmem_shared>>
      tpu.enqueue_dma source(%arg6 : memref<80x128xf32, #tpu.memory_space<vmem>>) target(%dma_start3A_111 : memref<80x128xf32, #tpu.memory_space<vmem_shared>>) target_semaphore(%run_scoped3A : memref<!tpu.dma_semaphore, #tpu.memory_space<semaphore_mem>>)
      %dma_wait3A_112 = arith.constant 0 : i32
      %dma_wait3A_113 = tpu.memref_slice %arg26[%add3A_18, %dma_wait3A_112] : memref<10240x128xf32, #tpu.memory_space<vmem_shared>> -> memref<80x128xf32, #tpu.memory_space<vmem_shared>>
      %dma_wait3A_114 = arith.constant 0 : i32
      %dma_wait3A_115 = tpu.memref_slice %arg26[%add3A_18, %dma_wait3A_114] : memref<10240x128xf32, #tpu.memory_space<vmem_shared>> -> memref<80x128xf32, #tpu.memory_space<vmem_shared>>
      tpu.wait_dma2 semaphore(%run_scoped3A : memref<!tpu.dma_semaphore, #tpu.memory_space<semaphore_mem>>) src(%arg6 : memref<80x128xf32, #tpu.memory_space<vmem>>) dst(%dma_wait3A_115 : memref<80x128xf32, #tpu.memory_space<vmem_shared>>)
      tpu.yield
    }) : () -> ()
    %mul3A_19 = arith.constant 640 : i32
    %mul3A_20 = arith.muli %arg1, %mul3A_19 : i32
    %add3A_21 = arith.constant 240 : i32
    %add3A_22 = arith.addi %mul3A_20, %add3A_21 : i32
    "tpu.region"() ({
      %run_scoped3A = tpu.sem_alloc : memref<!tpu.dma_semaphore, #tpu.memory_space<semaphore_mem>>
      %dma_start3A_108 = arith.constant 0 : i32
      %dma_start3A_109 = tpu.memref_slice %arg26[%add3A_22, %dma_start3A_108] : memref<10240x128xf32, #tpu.memory_space<vmem_shared>> -> memref<80x128xf32, #tpu.memory_space<vmem_shared>>
      %dma_start3A_110 = arith.constant 0 : i32
      %dma_start3A_111 = tpu.memref_slice %arg26[%add3A_22, %dma_start3A_110] : memref<10240x128xf32, #tpu.memory_space<vmem_shared>> -> memref<80x128xf32, #tpu.memory_space<vmem_shared>>
      tpu.enqueue_dma source(%arg6 : memref<80x128xf32, #tpu.memory_space<vmem>>) target(%dma_start3A_111 : memref<80x128xf32, #tpu.memory_space<vmem_shared>>) target_semaphore(%run_scoped3A : memref<!tpu.dma_semaphore, #tpu.memory_space<semaphore_mem>>)
      %dma_wait3A_112 = arith.constant 0 : i32
      %dma_wait3A_113 = tpu.memref_slice %arg26[%add3A_22, %dma_wait3A_112] : memref<10240x128xf32, #tpu.memory_space<vmem_shared>> -> memref<80x128xf32, #tpu.memory_space<vmem_shared>>
      %dma_wait3A_114 = arith.constant 0 : i32
      %dma_wait3A_115 = tpu.memref_slice %arg26[%add3A_22, %dma_wait3A_114] : memref<10240x128xf32, #tpu.memory_space<vmem_shared>> -> memref<80x128xf32, #tpu.memory_space<vmem_shared>>
      tpu.wait_dma2 semaphore(%run_scoped3A : memref<!tpu.dma_semaphore, #tpu.memory_space<semaphore_mem>>) src(%arg6 : memref<80x128xf32, #tpu.memory_space<vmem>>) dst(%dma_wait3A_115 : memref<80x128xf32, #tpu.memory_space<vmem_shared>>)
      tpu.yield
    }) : () -> ()
    %mul3A_23 = arith.constant 640 : i32
    %mul3A_24 = arith.muli %arg1, %mul3A_23 : i32
    %add3A_25 = arith.constant 320 : i32
    %add3A_26 = arith.addi %mul3A_24, %add3A_25 : i32
    "tpu.region"() ({
      %run_scoped3A = tpu.sem_alloc : memref<!tpu.dma_semaphore, #tpu.memory_space<semaphore_mem>>
      %dma_start3A_108 = arith.constant 0 : i32
      %dma_start3A_109 = tpu.memref_slice %arg26[%add3A_26, %dma_start3A_108] : memref<10240x128xf32, #tpu.memory_space<vmem_shared>> -> memref<80x128xf32, #tpu.memory_space<vmem_shared>>
      %dma_start3A_110 = arith.constant 0 : i32
      %dma_start3A_111 = tpu.memref_slice %arg26[%add3A_26, %dma_start3A_110] : memref<10240x128xf32, #tpu.memory_space<vmem_shared>> -> memref<80x128xf32, #tpu.memory_space<vmem_shared>>
      tpu.enqueue_dma source(%arg6 : memref<80x128xf32, #tpu.memory_space<vmem>>) target(%dma_start3A_111 : memref<80x128xf32, #tpu.memory_space<vmem_shared>>) target_semaphore(%run_scoped3A : memref<!tpu.dma_semaphore, #tpu.memory_space<semaphore_mem>>)
      %dma_wait3A_112 = arith.constant 0 : i32
      %dma_wait3A_113 = tpu.memref_slice %arg26[%add3A_26, %dma_wait3A_112] : memref<10240x128xf32, #tpu.memory_space<vmem_shared>> -> memref<80x128xf32, #tpu.memory_space<vmem_shared>>
      %dma_wait3A_114 = arith.constant 0 : i32
      %dma_wait3A_115 = tpu.memref_slice %arg26[%add3A_26, %dma_wait3A_114] : memref<10240x128xf32, #tpu.memory_space<vmem_shared>> -> memref<80x128xf32, #tpu.memory_space<vmem_shared>>
      tpu.wait_dma2 semaphore(%run_scoped3A : memref<!tpu.dma_semaphore, #tpu.memory_space<semaphore_mem>>) src(%arg6 : memref<80x128xf32, #tpu.memory_space<vmem>>) dst(%dma_wait3A_115 : memref<80x128xf32, #tpu.memory_space<vmem_shared>>)
      tpu.yield
    }) : () -> ()
    %mul3A_27 = arith.constant 640 : i32
    %mul3A_28 = arith.muli %arg1, %mul3A_27 : i32
    %add3A_29 = arith.constant 400 : i32
    %add3A_30 = arith.addi %mul3A_28, %add3A_29 : i32
    "tpu.region"() ({
      %run_scoped3A = tpu.sem_alloc : memref<!tpu.dma_semaphore, #tpu.memory_space<semaphore_mem>>
      %dma_start3A_108 = arith.constant 0 : i32
      %dma_start3A_109 = tpu.memref_slice %arg26[%add3A_30, %dma_start3A_108] : memref<10240x128xf32, #tpu.memory_space<vmem_shared>> -> memref<80x128xf32, #tpu.memory_space<vmem_shared>>
      %dma_start3A_110 = arith.constant 0 : i32
      %dma_start3A_111 = tpu.memref_slice %arg26[%add3A_30, %dma_start3A_110] : memref<10240x128xf32, #tpu.memory_space<vmem_shared>> -> memref<80x128xf32, #tpu.memory_space<vmem_shared>>
      tpu.enqueue_dma source(%arg6 : memref<80x128xf32, #tpu.memory_space<vmem>>) target(%dma_start3A_111 : memref<80x128xf32, #tpu.memory_space<vmem_shared>>) target_semaphore(%run_scoped3A : memref<!tpu.dma_semaphore, #tpu.memory_space<semaphore_mem>>)
      %dma_wait3A_112 = arith.constant 0 : i32
      %dma_wait3A_113 = tpu.memref_slice %arg26[%add3A_30, %dma_wait3A_112] : memref<10240x128xf32, #tpu.memory_space<vmem_shared>> -> memref<80x128xf32, #tpu.memory_space<vmem_shared>>
      %dma_wait3A_114 = arith.constant 0 : i32
      %dma_wait3A_115 = tpu.memref_slice %arg26[%add3A_30, %dma_wait3A_114] : memref<10240x128xf32, #tpu.memory_space<vmem_shared>> -> memref<80x128xf32, #tpu.memory_space<vmem_shared>>
      tpu.wait_dma2 semaphore(%run_scoped3A : memref<!tpu.dma_semaphore, #tpu.memory_space<semaphore_mem>>) src(%arg6 : memref<80x128xf32, #tpu.memory_space<vmem>>) dst(%dma_wait3A_115 : memref<80x128xf32, #tpu.memory_space<vmem_shared>>)
      tpu.yield
    }) : () -> ()
    %mul3A_31 = arith.constant 640 : i32
    %mul3A_32 = arith.muli %arg1, %mul3A_31 : i32
    %add3A_33 = arith.constant 480 : i32
    %add3A_34 = arith.addi %mul3A_32, %add3A_33 : i32
    "tpu.region"() ({
      %run_scoped3A = tpu.sem_alloc : memref<!tpu.dma_semaphore, #tpu.memory_space<semaphore_mem>>
      %dma_start3A_108 = arith.constant 0 : i32
      %dma_start3A_109 = tpu.memref_slice %arg26[%add3A_34, %dma_start3A_108] : memref<10240x128xf32, #tpu.memory_space<vmem_shared>> -> memref<80x128xf32, #tpu.memory_space<vmem_shared>>
      %dma_start3A_110 = arith.constant 0 : i32
      %dma_start3A_111 = tpu.memref_slice %arg26[%add3A_34, %dma_start3A_110] : memref<10240x128xf32, #tpu.memory_space<vmem_shared>> -> memref<80x128xf32, #tpu.memory_space<vmem_shared>>
      tpu.enqueue_dma source(%arg6 : memref<80x128xf32, #tpu.memory_space<vmem>>) target(%dma_start3A_111 : memref<80x128xf32, #tpu.memory_space<vmem_shared>>) target_semaphore(%run_scoped3A : memref<!tpu.dma_semaphore, #tpu.memory_space<semaphore_mem>>)
      %dma_wait3A_112 = arith.constant 0 : i32
      %dma_wait3A_113 = tpu.memref_slice %arg26[%add3A_34, %dma_wait3A_112] : memref<10240x128xf32, #tpu.memory_space<vmem_shared>> -> memref<80x128xf32, #tpu.memory_space<vmem_shared>>
      %dma_wait3A_114 = arith.constant 0 : i32
      %dma_wait3A_115 = tpu.memref_slice %arg26[%add3A_34, %dma_wait3A_114] : memref<10240x128xf32, #tpu.memory_space<vmem_shared>> -> memref<80x128xf32, #tpu.memory_space<vmem_shared>>
      tpu.wait_dma2 semaphore(%run_scoped3A : memref<!tpu.dma_semaphore, #tpu.memory_space<semaphore_mem>>) src(%arg6 : memref<80x128xf32, #tpu.memory_space<vmem>>) dst(%dma_wait3A_115 : memref<80x128xf32, #tpu.memory_space<vmem_shared>>)
      tpu.yield
    }) : () -> ()
    %mul3A_35 = arith.constant 640 : i32
    %mul3A_36 = arith.muli %arg1, %mul3A_35 : i32
    %add3A_37 = arith.constant 560 : i32
    %add3A_38 = arith.addi %mul3A_36, %add3A_37 : i32
    "tpu.region"() ({
      %run_scoped3A = tpu.sem_alloc : memref<!tpu.dma_semaphore, #tpu.memory_space<semaphore_mem>>
      %dma_start3A_108 = arith.constant 0 : i32
      %dma_start3A_109 = tpu.memref_slice %arg26[%add3A_38, %dma_start3A_108] : memref<10240x128xf32, #tpu.memory_space<vmem_shared>> -> memref<80x128xf32, #tpu.memory_space<vmem_shared>>
      %dma_start3A_110 = arith.constant 0 : i32
      %dma_start3A_111 = tpu.memref_slice %arg26[%add3A_38, %dma_start3A_110] : memref<10240x128xf32, #tpu.memory_space<vmem_shared>> -> memref<80x128xf32, #tpu.memory_space<vmem_shared>>
      tpu.enqueue_dma source(%arg6 : memref<80x128xf32, #tpu.memory_space<vmem>>) target(%dma_start3A_111 : memref<80x128xf32, #tpu.memory_space<vmem_shared>>) target_semaphore(%run_scoped3A : memref<!tpu.dma_semaphore, #tpu.memory_space<semaphore_mem>>)
      %dma_wait3A_112 = arith.constant 0 : i32
      %dma_wait3A_113 = tpu.memref_slice %arg26[%add3A_38, %dma_wait3A_112] : memref<10240x128xf32, #tpu.memory_space<vmem_shared>> -> memref<80x128xf32, #tpu.memory_space<vmem_shared>>
      %dma_wait3A_114 = arith.constant 0 : i32
      %dma_wait3A_115 = tpu.memref_slice %arg26[%add3A_38, %dma_wait3A_114] : memref<10240x128xf32, #tpu.memory_space<vmem_shared>> -> memref<80x128xf32, #tpu.memory_space<vmem_shared>>
      tpu.wait_dma2 semaphore(%run_scoped3A : memref<!tpu.dma_semaphore, #tpu.memory_space<semaphore_mem>>) src(%arg6 : memref<80x128xf32, #tpu.memory_space<vmem>>) dst(%dma_wait3A_115 : memref<80x128xf32, #tpu.memory_space<vmem_shared>>)
      tpu.yield
    }) : () -> ()
    %barrier3A = arith.constant 0 : index
    tpu.barrier barrier_id(%barrier3A)
    %mul3A_39 = arith.constant 10000 : i32
    %mul3A_40 = arith.muli %add3A, %mul3A_39 : i32
    %add3A_41 = arith.constant 0 : i32
    %add3A_42 = arith.addi %mul3A_40, %add3A_41 : i32
    "tpu.region"() ({
      %run_scoped3A = tpu.sem_alloc : memref<!tpu.dma_semaphore, #tpu.memory_space<semaphore_mem>>
      %dma_start3A_108 = tpu.memref_slice %arg3[%add3A_42] : memref<320000xi32, #tpu.memory_space<hbm>> -> memref<80xi32, #tpu.memory_space<hbm>>
      %dma_start3A_109 = tpu.memref_slice %arg3[%add3A_42] : memref<320000xi32, #tpu.memory_space<hbm>> -> memref<80xi32, #tpu.memory_space<hbm>>
      tpu.enqueue_dma source(%dma_start3A_109 : memref<80xi32, #tpu.memory_space<hbm>>) target(%arg10 : memref<80xi32, #tpu.memory_space<vmem>>) target_semaphore(%run_scoped3A : memref<!tpu.dma_semaphore, #tpu.memory_space<semaphore_mem>>)
      %dma_wait3A_110 = tpu.memref_slice %arg3[%add3A_42] : memref<320000xi32, #tpu.memory_space<hbm>> -> memref<80xi32, #tpu.memory_space<hbm>>
      %dma_wait3A_111 = tpu.memref_slice %arg3[%add3A_42] : memref<320000xi32, #tpu.memory_space<hbm>> -> memref<80xi32, #tpu.memory_space<hbm>>
      tpu.wait_dma2 semaphore(%run_scoped3A : memref<!tpu.dma_semaphore, #tpu.memory_space<semaphore_mem>>) src(%dma_wait3A_111 : memref<80xi32, #tpu.memory_space<hbm>>) dst(%arg10 : memref<80xi32, #tpu.memory_space<vmem>>)
      tpu.yield
    }) : () -> ()
    %add3A_43 = arith.constant 0 : i32
    %add3A_44 = arith.addi %mul3A_40, %add3A_43 : i32
    "tpu.region"() ({
      %run_scoped3A = tpu.sem_alloc : memref<!tpu.dma_semaphore, #tpu.memory_space<semaphore_mem>>
      %dma_start3A_108 = tpu.memref_slice %arg4[%add3A_44] : memref<320000xi32, #tpu.memory_space<hbm>> -> memref<80xi32, #tpu.memory_space<hbm>>
      %dma_start3A_109 = tpu.memref_slice %arg4[%add3A_44] : memref<320000xi32, #tpu.memory_space<hbm>> -> memref<80xi32, #tpu.memory_space<hbm>>
      tpu.enqueue_dma source(%dma_start3A_109 : memref<80xi32, #tpu.memory_space<hbm>>) target(%arg14 : memref<80xi32, #tpu.memory_space<vmem>>) target_semaphore(%run_scoped3A : memref<!tpu.dma_semaphore, #tpu.memory_space<semaphore_mem>>)
      %dma_wait3A_110 = tpu.memref_slice %arg4[%add3A_44] : memref<320000xi32, #tpu.memory_space<hbm>> -> memref<80xi32, #tpu.memory_space<hbm>>
      %dma_wait3A_111 = tpu.memref_slice %arg4[%add3A_44] : memref<320000xi32, #tpu.memory_space<hbm>> -> memref<80xi32, #tpu.memory_space<hbm>>
      tpu.wait_dma2 semaphore(%run_scoped3A : memref<!tpu.dma_semaphore, #tpu.memory_space<semaphore_mem>>) src(%dma_wait3A_111 : memref<80xi32, #tpu.memory_space<hbm>>) dst(%arg14 : memref<80xi32, #tpu.memory_space<vmem>>)
      tpu.yield
    }) : () -> ()
    %dma_start3A = arith.constant 0 : i32
    %dma_start3A_45 = arith.constant 0 : i32
    %dma_start3A_46 = tpu.memref_slice %arg2[%dma_start3A, %dma_start3A_45] : memref<10000x128xf32, #tpu.memory_space<hbm>> -> memref<10000x128xf32, #tpu.memory_space<hbm>>
    tpu.enqueue_indirect_dma source(%dma_start3A_46 : memref<10000x128xf32, #tpu.memory_space<hbm>>) target(%arg6 : memref<80x128xf32, #tpu.memory_space<vmem>>) offsets(%arg10 : memref<80xi32, #tpu.memory_space<vmem>>) semaphore(%arg18 : memref<!tpu.dma_semaphore, #tpu.memory_space<semaphore_mem>>)
    %add3A_47 = arith.constant 80 : i32
    %add3A_48 = arith.addi %mul3A_40, %add3A_47 : i32
    "tpu.region"() ({
      %run_scoped3A = tpu.sem_alloc : memref<!tpu.dma_semaphore, #tpu.memory_space<semaphore_mem>>
      %dma_start3A_108 = tpu.memref_slice %arg3[%add3A_48] : memref<320000xi32, #tpu.memory_space<hbm>> -> memref<80xi32, #tpu.memory_space<hbm>>
      %dma_start3A_109 = tpu.memref_slice %arg3[%add3A_48] : memref<320000xi32, #tpu.memory_space<hbm>> -> memref<80xi32, #tpu.memory_space<hbm>>
      tpu.enqueue_dma source(%dma_start3A_109 : memref<80xi32, #tpu.memory_space<hbm>>) target(%arg11 : memref<80xi32, #tpu.memory_space<vmem>>) target_semaphore(%run_scoped3A : memref<!tpu.dma_semaphore, #tpu.memory_space<semaphore_mem>>)
      %dma_wait3A_110 = tpu.memref_slice %arg3[%add3A_48] : memref<320000xi32, #tpu.memory_space<hbm>> -> memref<80xi32, #tpu.memory_space<hbm>>
      %dma_wait3A_111 = tpu.memref_slice %arg3[%add3A_48] : memref<320000xi32, #tpu.memory_space<hbm>> -> memref<80xi32, #tpu.memory_space<hbm>>
      tpu.wait_dma2 semaphore(%run_scoped3A : memref<!tpu.dma_semaphore, #tpu.memory_space<semaphore_mem>>) src(%dma_wait3A_111 : memref<80xi32, #tpu.memory_space<hbm>>) dst(%arg11 : memref<80xi32, #tpu.memory_space<vmem>>)
      tpu.yield
    }) : () -> ()
    %add3A_49 = arith.constant 80 : i32
    %add3A_50 = arith.addi %mul3A_40, %add3A_49 : i32
    "tpu.region"() ({
      %run_scoped3A = tpu.sem_alloc : memref<!tpu.dma_semaphore, #tpu.memory_space<semaphore_mem>>
      %dma_start3A_108 = tpu.memref_slice %arg4[%add3A_50] : memref<320000xi32, #tpu.memory_space<hbm>> -> memref<80xi32, #tpu.memory_space<hbm>>
      %dma_start3A_109 = tpu.memref_slice %arg4[%add3A_50] : memref<320000xi32, #tpu.memory_space<hbm>> -> memref<80xi32, #tpu.memory_space<hbm>>
      tpu.enqueue_dma source(%dma_start3A_109 : memref<80xi32, #tpu.memory_space<hbm>>) target(%arg15 : memref<80xi32, #tpu.memory_space<vmem>>) target_semaphore(%run_scoped3A : memref<!tpu.dma_semaphore, #tpu.memory_space<semaphore_mem>>)
      %dma_wait3A_110 = tpu.memref_slice %arg4[%add3A_50] : memref<320000xi32, #tpu.memory_space<hbm>> -> memref<80xi32, #tpu.memory_space<hbm>>
      %dma_wait3A_111 = tpu.memref_slice %arg4[%add3A_50] : memref<320000xi32, #tpu.memory_space<hbm>> -> memref<80xi32, #tpu.memory_space<hbm>>
      tpu.wait_dma2 semaphore(%run_scoped3A : memref<!tpu.dma_semaphore, #tpu.memory_space<semaphore_mem>>) src(%dma_wait3A_111 : memref<80xi32, #tpu.memory_space<hbm>>) dst(%arg15 : memref<80xi32, #tpu.memory_space<vmem>>)
      tpu.yield
    }) : () -> ()
    %dma_start3A_51 = arith.constant 0 : i32
    %dma_start3A_52 = arith.constant 0 : i32
    %dma_start3A_53 = tpu.memref_slice %arg2[%dma_start3A_51, %dma_start3A_52] : memref<10000x128xf32, #tpu.memory_space<hbm>> -> memref<10000x128xf32, #tpu.memory_space<hbm>>
    tpu.enqueue_indirect_dma source(%dma_start3A_53 : memref<10000x128xf32, #tpu.memory_space<hbm>>) target(%arg7 : memref<80x128xf32, #tpu.memory_space<vmem>>) offsets(%arg11 : memref<80xi32, #tpu.memory_space<vmem>>) semaphore(%arg19 : memref<!tpu.dma_semaphore, #tpu.memory_space<semaphore_mem>>)
    %scan3A_54 = arith.constant 0 : i32
    %scan3A_55 = arith.constant 0 : i32
    %scan3A_56 = arith.constant 31 : i32
    %scan3A_57 = arith.addi %scan3A_55, %scan3A_56 : i32
    %scan3A_58 = arith.constant 1 : i32
    %scan3A_59 = scf.for %scan3A_108 = %scan3A_55 to %scan3A_57 step %scan3A_58 iter_args(%scan3A_109 = %scan3A_54) -> (i32)  : i32 {
      %mul3A_110 = arith.constant 4 : i32
      %mul3A_111 = arith.muli %scan3A_108, %mul3A_110 : i32
      %add3A_112 = arith.constant 0 : i32
      %add3A_113 = arith.addi %mul3A_111, %add3A_112 : i32
      %dma_wait3A_114 = arith.constant 0 : i32
      %dma_wait3A_115 = arith.constant 0 : i32
      %dma_wait3A_116 = tpu.memref_slice %arg2[%dma_wait3A_114, %dma_wait3A_115] : memref<10000x128xf32, #tpu.memory_space<hbm>> -> memref<10000x128xf32, #tpu.memory_space<hbm>>
      tpu.wait_indirect_dma semaphore(%arg18 : memref<!tpu.dma_semaphore, #tpu.memory_space<semaphore_mem>>) src(%dma_wait3A_116 : memref<10000x128xf32, #tpu.memory_space<hbm>>) dst(%arg6 : memref<80x128xf32, #tpu.memory_space<vmem>>)
      %dma_start3A_117 = arith.constant 0 : i32
      %dma_start3A_118 = arith.constant 0 : i32
      %dma_start3A_119 = tpu.memref_slice %arg26[%dma_start3A_117, %dma_start3A_118] : memref<10240x128xf32, #tpu.memory_space<vmem_shared>> -> memref<10240x128xf32, #tpu.memory_space<vmem_shared>>
      tpu.enqueue_indirect_dma source(%arg6 : memref<80x128xf32, #tpu.memory_space<vmem>>) target(%dma_start3A_119 : memref<10240x128xf32, #tpu.memory_space<vmem_shared>>) offsets(%arg14 : memref<80xi32, #tpu.memory_space<vmem>>) semaphore(%arg22 : memref<!tpu.dma_semaphore, #tpu.memory_space<semaphore_mem>>) {add = true}
      %ge3A = arith.constant 2 : i32
      %ge3A_120 = arith.cmpi sge, %add3A_113, %ge3A : i32
      %convert_element_type3A = arith.extui %ge3A_120 : i1 to i32
      %cond3A = arith.constant 0 : i32
      %cond3A_121 = arith.cmpi ne, %convert_element_type3A, %cond3A : i32
      scf.if %cond3A_121 {
        %dma_wait3A_181 = arith.constant 0 : i32
        %dma_wait3A_182 = arith.constant 0 : i32
        %dma_wait3A_183 = tpu.memref_slice %arg26[%dma_wait3A_181, %dma_wait3A_182] : memref<10240x128xf32, #tpu.memory_space<vmem_shared>> -> memref<10240x128xf32, #tpu.memory_space<vmem_shared>>
        tpu.wait_indirect_dma semaphore(%arg24 : memref<!tpu.dma_semaphore, #tpu.memory_space<semaphore_mem>>) src(%arg8 : memref<80x128xf32, #tpu.memory_space<vmem>>) dst(%dma_wait3A_183 : memref<10240x128xf32, #tpu.memory_space<vmem_shared>>)
      } else {
      }
      %le3A = arith.constant 122 : i32
      %le3A_122 = arith.cmpi sle, %add3A_113, %le3A : i32
      %convert_element_type3A_123 = arith.extui %le3A_122 : i1 to i32
      %cond3A_124 = arith.constant 0 : i32
      %cond3A_125 = arith.cmpi ne, %convert_element_type3A_123, %cond3A_124 : i32
      scf.if %cond3A_125 {
        %add3A_181 = arith.constant 2 : i32
        %add3A_182 = arith.addi %add3A_113, %add3A_181 : i32
        %mul3A_183 = arith.constant 80 : i32
        %mul3A_184 = arith.muli %add3A_182, %mul3A_183 : i32
        %add3A_185 = arith.addi %mul3A_40, %mul3A_184 : i32
        "tpu.region"() ({
          %run_scoped3A = tpu.sem_alloc : memref<!tpu.dma_semaphore, #tpu.memory_space<semaphore_mem>>
          %dma_start3A_192 = tpu.memref_slice %arg3[%add3A_185] : memref<320000xi32, #tpu.memory_space<hbm>> -> memref<80xi32, #tpu.memory_space<hbm>>
          %dma_start3A_193 = tpu.memref_slice %arg3[%add3A_185] : memref<320000xi32, #tpu.memory_space<hbm>> -> memref<80xi32, #tpu.memory_space<hbm>>
          tpu.enqueue_dma source(%dma_start3A_193 : memref<80xi32, #tpu.memory_space<hbm>>) target(%arg12 : memref<80xi32, #tpu.memory_space<vmem>>) target_semaphore(%run_scoped3A : memref<!tpu.dma_semaphore, #tpu.memory_space<semaphore_mem>>)
          %dma_wait3A_194 = tpu.memref_slice %arg3[%add3A_185] : memref<320000xi32, #tpu.memory_space<hbm>> -> memref<80xi32, #tpu.memory_space<hbm>>
          %dma_wait3A_195 = tpu.memref_slice %arg3[%add3A_185] : memref<320000xi32, #tpu.memory_space<hbm>> -> memref<80xi32, #tpu.memory_space<hbm>>
          tpu.wait_dma2 semaphore(%run_scoped3A : memref<!tpu.dma_semaphore, #tpu.memory_space<semaphore_mem>>) src(%dma_wait3A_195 : memref<80xi32, #tpu.memory_space<hbm>>) dst(%arg12 : memref<80xi32, #tpu.memory_space<vmem>>)
          tpu.yield
        }) : () -> ()
        %mul3A_186 = arith.constant 80 : i32
        %mul3A_187 = arith.muli %add3A_182, %mul3A_186 : i32
        %add3A_188 = arith.addi %mul3A_40, %mul3A_187 : i32
        "tpu.region"() ({
          %run_scoped3A = tpu.sem_alloc : memref<!tpu.dma_semaphore, #tpu.memory_space<semaphore_mem>>
          %dma_start3A_192 = tpu.memref_slice %arg4[%add3A_188] : memref<320000xi32, #tpu.memory_space<hbm>> -> memref<80xi32, #tpu.memory_space<hbm>>
          %dma_start3A_193 = tpu.memref_slice %arg4[%add3A_188] : memref<320000xi32, #tpu.memory_space<hbm>> -> memref<80xi32, #tpu.memory_space<hbm>>
          tpu.enqueue_dma source(%dma_start3A_193 : memref<80xi32, #tpu.memory_space<hbm>>) target(%arg16 : memref<80xi32, #tpu.memory_space<vmem>>) target_semaphore(%run_scoped3A : memref<!tpu.dma_semaphore, #tpu.memory_space<semaphore_mem>>)
          %dma_wait3A_194 = tpu.memref_slice %arg4[%add3A_188] : memref<320000xi32, #tpu.memory_space<hbm>> -> memref<80xi32, #tpu.memory_space<hbm>>
          %dma_wait3A_195 = tpu.memref_slice %arg4[%add3A_188] : memref<320000xi32, #tpu.memory_space<hbm>> -> memref<80xi32, #tpu.memory_space<hbm>>
          tpu.wait_dma2 semaphore(%run_scoped3A : memref<!tpu.dma_semaphore, #tpu.memory_space<semaphore_mem>>) src(%dma_wait3A_195 : memref<80xi32, #tpu.memory_space<hbm>>) dst(%arg16 : memref<80xi32, #tpu.memory_space<vmem>>)
          tpu.yield
        }) : () -> ()
        %dma_start3A_189 = arith.constant 0 : i32
        %dma_start3A_190 = arith.constant 0 : i32
        %dma_start3A_191 = tpu.memref_slice %arg2[%dma_start3A_189, %dma_start3A_190] : memref<10000x128xf32, #tpu.memory_space<hbm>> -> memref<10000x128xf32, #tpu.memory_space<hbm>>
        tpu.enqueue_indirect_dma source(%dma_start3A_191 : memref<10000x128xf32, #tpu.memory_space<hbm>>) target(%arg8 : memref<80x128xf32, #tpu.memory_space<vmem>>) offsets(%arg12 : memref<80xi32, #tpu.memory_space<vmem>>) semaphore(%arg20 : memref<!tpu.dma_semaphore, #tpu.memory_space<semaphore_mem>>)
      } else {
      }
      %add3A_126 = arith.constant 1 : i32
      %add3A_127 = arith.addi %mul3A_111, %add3A_126 : i32
      %dma_wait3A_128 = arith.constant 0 : i32
      %dma_wait3A_129 = arith.constant 0 : i32
      %dma_wait3A_130 = tpu.memref_slice %arg2[%dma_wait3A_128, %dma_wait3A_129] : memref<10000x128xf32, #tpu.memory_space<hbm>> -> memref<10000x128xf32, #tpu.memory_space<hbm>>
      tpu.wait_indirect_dma semaphore(%arg19 : memref<!tpu.dma_semaphore, #tpu.memory_space<semaphore_mem>>) src(%dma_wait3A_130 : memref<10000x128xf32, #tpu.memory_space<hbm>>) dst(%arg7 : memref<80x128xf32, #tpu.memory_space<vmem>>)
      %dma_start3A_131 = arith.constant 0 : i32
      %dma_start3A_132 = arith.constant 0 : i32
      %dma_start3A_133 = tpu.memref_slice %arg26[%dma_start3A_131, %dma_start3A_132] : memref<10240x128xf32, #tpu.memory_space<vmem_shared>> -> memref<10240x128xf32, #tpu.memory_space<vmem_shared>>
      tpu.enqueue_indirect_dma source(%arg7 : memref<80x128xf32, #tpu.memory_space<vmem>>) target(%dma_start3A_133 : memref<10240x128xf32, #tpu.memory_space<vmem_shared>>) offsets(%arg15 : memref<80xi32, #tpu.memory_space<vmem>>) semaphore(%arg23 : memref<!tpu.dma_semaphore, #tpu.memory_space<semaphore_mem>>) {add = true}
      %ge3A_134 = arith.constant 2 : i32
      %ge3A_135 = arith.cmpi sge, %add3A_127, %ge3A_134 : i32
      %convert_element_type3A_136 = arith.extui %ge3A_135 : i1 to i32
      %cond3A_137 = arith.constant 0 : i32
      %cond3A_138 = arith.cmpi ne, %convert_element_type3A_136, %cond3A_137 : i32
      scf.if %cond3A_138 {
        %dma_wait3A_181 = arith.constant 0 : i32
        %dma_wait3A_182 = arith.constant 0 : i32
        %dma_wait3A_183 = tpu.memref_slice %arg26[%dma_wait3A_181, %dma_wait3A_182] : memref<10240x128xf32, #tpu.memory_space<vmem_shared>> -> memref<10240x128xf32, #tpu.memory_space<vmem_shared>>
        tpu.wait_indirect_dma semaphore(%arg25 : memref<!tpu.dma_semaphore, #tpu.memory_space<semaphore_mem>>) src(%arg9 : memref<80x128xf32, #tpu.memory_space<vmem>>) dst(%dma_wait3A_183 : memref<10240x128xf32, #tpu.memory_space<vmem_shared>>)
      } else {
      }
      %le3A_139 = arith.constant 122 : i32
      %le3A_140 = arith.cmpi sle, %add3A_127, %le3A_139 : i32
      %convert_element_type3A_141 = arith.extui %le3A_140 : i1 to i32
      %cond3A_142 = arith.constant 0 : i32
      %cond3A_143 = arith.cmpi ne, %convert_element_type3A_141, %cond3A_142 : i32
      scf.if %cond3A_143 {
        %add3A_181 = arith.constant 2 : i32
        %add3A_182 = arith.addi %add3A_127, %add3A_181 : i32
        %mul3A_183 = arith.constant 80 : i32
        %mul3A_184 = arith.muli %add3A_182, %mul3A_183 : i32
        %add3A_185 = arith.addi %mul3A_40, %mul3A_184 : i32
        "tpu.region"() ({
          %run_scoped3A = tpu.sem_alloc : memref<!tpu.dma_semaphore, #tpu.memory_space<semaphore_mem>>
          %dma_start3A_192 = tpu.memref_slice %arg3[%add3A_185] : memref<320000xi32, #tpu.memory_space<hbm>> -> memref<80xi32, #tpu.memory_space<hbm>>
          %dma_start3A_193 = tpu.memref_slice %arg3[%add3A_185] : memref<320000xi32, #tpu.memory_space<hbm>> -> memref<80xi32, #tpu.memory_space<hbm>>
          tpu.enqueue_dma source(%dma_start3A_193 : memref<80xi32, #tpu.memory_space<hbm>>) target(%arg13 : memref<80xi32, #tpu.memory_space<vmem>>) target_semaphore(%run_scoped3A : memref<!tpu.dma_semaphore, #tpu.memory_space<semaphore_mem>>)
          %dma_wait3A_194 = tpu.memref_slice %arg3[%add3A_185] : memref<320000xi32, #tpu.memory_space<hbm>> -> memref<80xi32, #tpu.memory_space<hbm>>
          %dma_wait3A_195 = tpu.memref_slice %arg3[%add3A_185] : memref<320000xi32, #tpu.memory_space<hbm>> -> memref<80xi32, #tpu.memory_space<hbm>>
          tpu.wait_dma2 semaphore(%run_scoped3A : memref<!tpu.dma_semaphore, #tpu.memory_space<semaphore_mem>>) src(%dma_wait3A_195 : memref<80xi32, #tpu.memory_space<hbm>>) dst(%arg13 : memref<80xi32, #tpu.memory_space<vmem>>)
          tpu.yield
        }) : () -> ()
        %mul3A_186 = arith.constant 80 : i32
        %mul3A_187 = arith.muli %add3A_182, %mul3A_186 : i32
        %add3A_188 = arith.addi %mul3A_40, %mul3A_187 : i32
        "tpu.region"() ({
          %run_scoped3A = tpu.sem_alloc : memref<!tpu.dma_semaphore, #tpu.memory_space<semaphore_mem>>
          %dma_start3A_192 = tpu.memref_slice %arg4[%add3A_188] : memref<320000xi32, #tpu.memory_space<hbm>> -> memref<80xi32, #tpu.memory_space<hbm>>
          %dma_start3A_193 = tpu.memref_slice %arg4[%add3A_188] : memref<320000xi32, #tpu.memory_space<hbm>> -> memref<80xi32, #tpu.memory_space<hbm>>
          tpu.enqueue_dma source(%dma_start3A_193 : memref<80xi32, #tpu.memory_space<hbm>>) target(%arg17 : memref<80xi32, #tpu.memory_space<vmem>>) target_semaphore(%run_scoped3A : memref<!tpu.dma_semaphore, #tpu.memory_space<semaphore_mem>>)
          %dma_wait3A_194 = tpu.memref_slice %arg4[%add3A_188] : memref<320000xi32, #tpu.memory_space<hbm>> -> memref<80xi32, #tpu.memory_space<hbm>>
          %dma_wait3A_195 = tpu.memref_slice %arg4[%add3A_188] : memref<320000xi32, #tpu.memory_space<hbm>> -> memref<80xi32, #tpu.memory_space<hbm>>
          tpu.wait_dma2 semaphore(%run_scoped3A : memref<!tpu.dma_semaphore, #tpu.memory_space<semaphore_mem>>) src(%dma_wait3A_195 : memref<80xi32, #tpu.memory_space<hbm>>) dst(%arg17 : memref<80xi32, #tpu.memory_space<vmem>>)
          tpu.yield
        }) : () -> ()
        %dma_start3A_189 = arith.constant 0 : i32
        %dma_start3A_190 = arith.constant 0 : i32
        %dma_start3A_191 = tpu.memref_slice %arg2[%dma_start3A_189, %dma_start3A_190] : memref<10000x128xf32, #tpu.memory_space<hbm>> -> memref<10000x128xf32, #tpu.memory_space<hbm>>
        tpu.enqueue_indirect_dma source(%dma_start3A_191 : memref<10000x128xf32, #tpu.memory_space<hbm>>) target(%arg9 : memref<80x128xf32, #tpu.memory_space<vmem>>) offsets(%arg13 : memref<80xi32, #tpu.memory_space<vmem>>) semaphore(%arg21 : memref<!tpu.dma_semaphore, #tpu.memory_space<semaphore_mem>>)
      } else {
      }
      %add3A_144 = arith.constant 2 : i32
      %add3A_145 = arith.addi %mul3A_111, %add3A_144 : i32
      %dma_wait3A_146 = arith.constant 0 : i32
      %dma_wait3A_147 = arith.constant 0 : i32
      %dma_wait3A_148 = tpu.memref_slice %arg2[%dma_wait3A_146, %dma_wait3A_147] : memref<10000x128xf32, #tpu.memory_space<hbm>> -> memref<10000x128xf32, #tpu.memory_space<hbm>>
      tpu.wait_indirect_dma semaphore(%arg20 : memref<!tpu.dma_semaphore, #tpu.memory_space<semaphore_mem>>) src(%dma_wait3A_148 : memref<10000x128xf32, #tpu.memory_space<hbm>>) dst(%arg8 : memref<80x128xf32, #tpu.memory_space<vmem>>)
      %dma_start3A_149 = arith.constant 0 : i32
      %dma_start3A_150 = arith.constant 0 : i32
      %dma_start3A_151 = tpu.memref_slice %arg26[%dma_start3A_149, %dma_start3A_150] : memref<10240x128xf32, #tpu.memory_space<vmem_shared>> -> memref<10240x128xf32, #tpu.memory_space<vmem_shared>>
      tpu.enqueue_indirect_dma source(%arg8 : memref<80x128xf32, #tpu.memory_space<vmem>>) target(%dma_start3A_151 : memref<10240x128xf32, #tpu.memory_space<vmem_shared>>) offsets(%arg16 : memref<80xi32, #tpu.memory_space<vmem>>) semaphore(%arg24 : memref<!tpu.dma_semaphore, #tpu.memory_space<semaphore_mem>>) {add = true}
      %ge3A_152 = arith.constant 2 : i32
      %ge3A_153 = arith.cmpi sge, %add3A_145, %ge3A_152 : i32
      %convert_element_type3A_154 = arith.extui %ge3A_153 : i1 to i32
      %cond3A_155 = arith.constant 0 : i32
      %cond3A_156 = arith.cmpi ne, %convert_element_type3A_154, %cond3A_155 : i32
      scf.if %cond3A_156 {
        %dma_wait3A_181 = arith.constant 0 : i32
        %dma_wait3A_182 = arith.constant 0 : i32
        %dma_wait3A_183 = tpu.memref_slice %arg26[%dma_wait3A_181, %dma_wait3A_182] : memref<10240x128xf32, #tpu.memory_space<vmem_shared>> -> memref<10240x128xf32, #tpu.memory_space<vmem_shared>>
        tpu.wait_indirect_dma semaphore(%arg22 : memref<!tpu.dma_semaphore, #tpu.memory_space<semaphore_mem>>) src(%arg6 : memref<80x128xf32, #tpu.memory_space<vmem>>) dst(%dma_wait3A_183 : memref<10240x128xf32, #tpu.memory_space<vmem_shared>>)
      } else {
      }
      %le3A_157 = arith.constant 122 : i32
      %le3A_158 = arith.cmpi sle, %add3A_145, %le3A_157 : i32
      %convert_element_type3A_159 = arith.extui %le3A_158 : i1 to i32
      %cond3A_160 = arith.constant 0 : i32
      %cond3A_161 = arith.cmpi ne, %convert_element_type3A_159, %cond3A_160 : i32
      scf.if %cond3A_161 {
        %add3A_181 = arith.constant 2 : i32
        %add3A_182 = arith.addi %add3A_145, %add3A_181 : i32
        %mul3A_183 = arith.constant 80 : i32
        %mul3A_184 = arith.muli %add3A_182, %mul3A_183 : i32
        %add3A_185 = arith.addi %mul3A_40, %mul3A_184 : i32
        "tpu.region"() ({
          %run_scoped3A = tpu.sem_alloc : memref<!tpu.dma_semaphore, #tpu.memory_space<semaphore_mem>>
          %dma_start3A_192 = tpu.memref_slice %arg3[%add3A_185] : memref<320000xi32, #tpu.memory_space<hbm>> -> memref<80xi32, #tpu.memory_space<hbm>>
          %dma_start3A_193 = tpu.memref_slice %arg3[%add3A_185] : memref<320000xi32, #tpu.memory_space<hbm>> -> memref<80xi32, #tpu.memory_space<hbm>>
          tpu.enqueue_dma source(%dma_start3A_193 : memref<80xi32, #tpu.memory_space<hbm>>) target(%arg10 : memref<80xi32, #tpu.memory_space<vmem>>) target_semaphore(%run_scoped3A : memref<!tpu.dma_semaphore, #tpu.memory_space<semaphore_mem>>)
          %dma_wait3A_194 = tpu.memref_slice %arg3[%add3A_185] : memref<320000xi32, #tpu.memory_space<hbm>> -> memref<80xi32, #tpu.memory_space<hbm>>
          %dma_wait3A_195 = tpu.memref_slice %arg3[%add3A_185] : memref<320000xi32, #tpu.memory_space<hbm>> -> memref<80xi32, #tpu.memory_space<hbm>>
          tpu.wait_dma2 semaphore(%run_scoped3A : memref<!tpu.dma_semaphore, #tpu.memory_space<semaphore_mem>>) src(%dma_wait3A_195 : memref<80xi32, #tpu.memory_space<hbm>>) dst(%arg10 : memref<80xi32, #tpu.memory_space<vmem>>)
          tpu.yield
        }) : () -> ()
        %mul3A_186 = arith.constant 80 : i32
        %mul3A_187 = arith.muli %add3A_182, %mul3A_186 : i32
        %add3A_188 = arith.addi %mul3A_40, %mul3A_187 : i32
        "tpu.region"() ({
          %run_scoped3A = tpu.sem_alloc : memref<!tpu.dma_semaphore, #tpu.memory_space<semaphore_mem>>
          %dma_start3A_192 = tpu.memref_slice %arg4[%add3A_188] : memref<320000xi32, #tpu.memory_space<hbm>> -> memref<80xi32, #tpu.memory_space<hbm>>
          %dma_start3A_193 = tpu.memref_slice %arg4[%add3A_188] : memref<320000xi32, #tpu.memory_space<hbm>> -> memref<80xi32, #tpu.memory_space<hbm>>
          tpu.enqueue_dma source(%dma_start3A_193 : memref<80xi32, #tpu.memory_space<hbm>>) target(%arg14 : memref<80xi32, #tpu.memory_space<vmem>>) target_semaphore(%run_scoped3A : memref<!tpu.dma_semaphore, #tpu.memory_space<semaphore_mem>>)
          %dma_wait3A_194 = tpu.memref_slice %arg4[%add3A_188] : memref<320000xi32, #tpu.memory_space<hbm>> -> memref<80xi32, #tpu.memory_space<hbm>>
          %dma_wait3A_195 = tpu.memref_slice %arg4[%add3A_188] : memref<320000xi32, #tpu.memory_space<hbm>> -> memref<80xi32, #tpu.memory_space<hbm>>
          tpu.wait_dma2 semaphore(%run_scoped3A : memref<!tpu.dma_semaphore, #tpu.memory_space<semaphore_mem>>) src(%dma_wait3A_195 : memref<80xi32, #tpu.memory_space<hbm>>) dst(%arg14 : memref<80xi32, #tpu.memory_space<vmem>>)
          tpu.yield
        }) : () -> ()
        %dma_start3A_189 = arith.constant 0 : i32
        %dma_start3A_190 = arith.constant 0 : i32
        %dma_start3A_191 = tpu.memref_slice %arg2[%dma_start3A_189, %dma_start3A_190] : memref<10000x128xf32, #tpu.memory_space<hbm>> -> memref<10000x128xf32, #tpu.memory_space<hbm>>
        tpu.enqueue_indirect_dma source(%dma_start3A_191 : memref<10000x128xf32, #tpu.memory_space<hbm>>) target(%arg6 : memref<80x128xf32, #tpu.memory_space<vmem>>) offsets(%arg10 : memref<80xi32, #tpu.memory_space<vmem>>) semaphore(%arg18 : memref<!tpu.dma_semaphore, #tpu.memory_space<semaphore_mem>>)
      } else {
      }
      %add3A_162 = arith.constant 3 : i32
      %add3A_163 = arith.addi %mul3A_111, %add3A_162 : i32
      %dma_wait3A_164 = arith.constant 0 : i32
      %dma_wait3A_165 = arith.constant 0 : i32
      %dma_wait3A_166 = tpu.memref_slice %arg2[%dma_wait3A_164, %dma_wait3A_165] : memref<10000x128xf32, #tpu.memory_space<hbm>> -> memref<10000x128xf32, #tpu.memory_space<hbm>>
      tpu.wait_indirect_dma semaphore(%arg21 : memref<!tpu.dma_semaphore, #tpu.memory_space<semaphore_mem>>) src(%dma_wait3A_166 : memref<10000x128xf32, #tpu.memory_space<hbm>>) dst(%arg9 : memref<80x128xf32, #tpu.memory_space<vmem>>)
      %dma_start3A_167 = arith.constant 0 : i32
      %dma_start3A_168 = arith.constant 0 : i32
      %dma_start3A_169 = tpu.memref_slice %arg26[%dma_start3A_167, %dma_start3A_168] : memref<10240x128xf32, #tpu.memory_space<vmem_shared>> -> memref<10240x128xf32, #tpu.memory_space<vmem_shared>>
      tpu.enqueue_indirect_dma source(%arg9 : memref<80x128xf32, #tpu.memory_space<vmem>>) target(%dma_start3A_169 : memref<10240x128xf32, #tpu.memory_space<vmem_shared>>) offsets(%arg17 : memref<80xi32, #tpu.memory_space<vmem>>) semaphore(%arg25 : memref<!tpu.dma_semaphore, #tpu.memory_space<semaphore_mem>>) {add = true}
      %ge3A_170 = arith.constant 2 : i32
      %ge3A_171 = arith.cmpi sge, %add3A_163, %ge3A_170 : i32
      %convert_element_type3A_172 = arith.extui %ge3A_171 : i1 to i32
      %cond3A_173 = arith.constant 0 : i32
      %cond3A_174 = arith.cmpi ne, %convert_element_type3A_172, %cond3A_173 : i32
      scf.if %cond3A_174 {
        %dma_wait3A_181 = arith.constant 0 : i32
        %dma_wait3A_182 = arith.constant 0 : i32
        %dma_wait3A_183 = tpu.memref_slice %arg26[%dma_wait3A_181, %dma_wait3A_182] : memref<10240x128xf32, #tpu.memory_space<vmem_shared>> -> memref<10240x128xf32, #tpu.memory_space<vmem_shared>>
        tpu.wait_indirect_dma semaphore(%arg23 : memref<!tpu.dma_semaphore, #tpu.memory_space<semaphore_mem>>) src(%arg7 : memref<80x128xf32, #tpu.memory_space<vmem>>) dst(%dma_wait3A_183 : memref<10240x128xf32, #tpu.memory_space<vmem_shared>>)
      } else {
      }
      %le3A_175 = arith.constant 122 : i32
      %le3A_176 = arith.cmpi sle, %add3A_163, %le3A_175 : i32
      %convert_element_type3A_177 = arith.extui %le3A_176 : i1 to i32
      %cond3A_178 = arith.constant 0 : i32
      %cond3A_179 = arith.cmpi ne, %convert_element_type3A_177, %cond3A_178 : i32
      scf.if %cond3A_179 {
        %add3A_181 = arith.constant 2 : i32
        %add3A_182 = arith.addi %add3A_163, %add3A_181 : i32
        %mul3A_183 = arith.constant 80 : i32
        %mul3A_184 = arith.muli %add3A_182, %mul3A_183 : i32
        %add3A_185 = arith.addi %mul3A_40, %mul3A_184 : i32
        "tpu.region"() ({
          %run_scoped3A = tpu.sem_alloc : memref<!tpu.dma_semaphore, #tpu.memory_space<semaphore_mem>>
          %dma_start3A_192 = tpu.memref_slice %arg3[%add3A_185] : memref<320000xi32, #tpu.memory_space<hbm>> -> memref<80xi32, #tpu.memory_space<hbm>>
          %dma_start3A_193 = tpu.memref_slice %arg3[%add3A_185] : memref<320000xi32, #tpu.memory_space<hbm>> -> memref<80xi32, #tpu.memory_space<hbm>>
          tpu.enqueue_dma source(%dma_start3A_193 : memref<80xi32, #tpu.memory_space<hbm>>) target(%arg11 : memref<80xi32, #tpu.memory_space<vmem>>) target_semaphore(%run_scoped3A : memref<!tpu.dma_semaphore, #tpu.memory_space<semaphore_mem>>)
          %dma_wait3A_194 = tpu.memref_slice %arg3[%add3A_185] : memref<320000xi32, #tpu.memory_space<hbm>> -> memref<80xi32, #tpu.memory_space<hbm>>
          %dma_wait3A_195 = tpu.memref_slice %arg3[%add3A_185] : memref<320000xi32, #tpu.memory_space<hbm>> -> memref<80xi32, #tpu.memory_space<hbm>>
          tpu.wait_dma2 semaphore(%run_scoped3A : memref<!tpu.dma_semaphore, #tpu.memory_space<semaphore_mem>>) src(%dma_wait3A_195 : memref<80xi32, #tpu.memory_space<hbm>>) dst(%arg11 : memref<80xi32, #tpu.memory_space<vmem>>)
          tpu.yield
        }) : () -> ()
        %mul3A_186 = arith.constant 80 : i32
        %mul3A_187 = arith.muli %add3A_182, %mul3A_186 : i32
        %add3A_188 = arith.addi %mul3A_40, %mul3A_187 : i32
        "tpu.region"() ({
          %run_scoped3A = tpu.sem_alloc : memref<!tpu.dma_semaphore, #tpu.memory_space<semaphore_mem>>
          %dma_start3A_192 = tpu.memref_slice %arg4[%add3A_188] : memref<320000xi32, #tpu.memory_space<hbm>> -> memref<80xi32, #tpu.memory_space<hbm>>
          %dma_start3A_193 = tpu.memref_slice %arg4[%add3A_188] : memref<320000xi32, #tpu.memory_space<hbm>> -> memref<80xi32, #tpu.memory_space<hbm>>
          tpu.enqueue_dma source(%dma_start3A_193 : memref<80xi32, #tpu.memory_space<hbm>>) target(%arg15 : memref<80xi32, #tpu.memory_space<vmem>>) target_semaphore(%run_scoped3A : memref<!tpu.dma_semaphore, #tpu.memory_space<semaphore_mem>>)
          %dma_wait3A_194 = tpu.memref_slice %arg4[%add3A_188] : memref<320000xi32, #tpu.memory_space<hbm>> -> memref<80xi32, #tpu.memory_space<hbm>>
          %dma_wait3A_195 = tpu.memref_slice %arg4[%add3A_188] : memref<320000xi32, #tpu.memory_space<hbm>> -> memref<80xi32, #tpu.memory_space<hbm>>
          tpu.wait_dma2 semaphore(%run_scoped3A : memref<!tpu.dma_semaphore, #tpu.memory_space<semaphore_mem>>) src(%dma_wait3A_195 : memref<80xi32, #tpu.memory_space<hbm>>) dst(%arg15 : memref<80xi32, #tpu.memory_space<vmem>>)
          tpu.yield
        }) : () -> ()
        %dma_start3A_189 = arith.constant 0 : i32
        %dma_start3A_190 = arith.constant 0 : i32
        %dma_start3A_191 = tpu.memref_slice %arg2[%dma_start3A_189, %dma_start3A_190] : memref<10000x128xf32, #tpu.memory_space<hbm>> -> memref<10000x128xf32, #tpu.memory_space<hbm>>
        tpu.enqueue_indirect_dma source(%dma_start3A_191 : memref<10000x128xf32, #tpu.memory_space<hbm>>) target(%arg7 : memref<80x128xf32, #tpu.memory_space<vmem>>) offsets(%arg11 : memref<80xi32, #tpu.memory_space<vmem>>) semaphore(%arg19 : memref<!tpu.dma_semaphore, #tpu.memory_space<semaphore_mem>>)
      } else {
      }
      %scan3A_180 = arith.constant 0 : i32
      scf.yield %scan3A_180 : i32
    }
    %scan3A_60 = arith.constant 31 : i32
    %dma_wait3A = arith.constant 0 : i32
    %dma_wait3A_61 = arith.constant 0 : i32
    %dma_wait3A_62 = tpu.memref_slice %arg2[%dma_wait3A, %dma_wait3A_61] : memref<10000x128xf32, #tpu.memory_space<hbm>> -> memref<10000x128xf32, #tpu.memory_space<hbm>>
    tpu.wait_indirect_dma semaphore(%arg18 : memref<!tpu.dma_semaphore, #tpu.memory_space<semaphore_mem>>) src(%dma_wait3A_62 : memref<10000x128xf32, #tpu.memory_space<hbm>>) dst(%arg6 : memref<80x128xf32, #tpu.memory_space<vmem>>)
    %dma_start3A_63 = arith.constant 0 : i32
    %dma_start3A_64 = arith.constant 0 : i32
    %dma_start3A_65 = tpu.memref_slice %arg26[%dma_start3A_63, %dma_start3A_64] : memref<10240x128xf32, #tpu.memory_space<vmem_shared>> -> memref<10240x128xf32, #tpu.memory_space<vmem_shared>>
    tpu.enqueue_indirect_dma source(%arg6 : memref<80x128xf32, #tpu.memory_space<vmem>>) target(%dma_start3A_65 : memref<10240x128xf32, #tpu.memory_space<vmem_shared>>) offsets(%arg14 : memref<80xi32, #tpu.memory_space<vmem>>) semaphore(%arg22 : memref<!tpu.dma_semaphore, #tpu.memory_space<semaphore_mem>>) {add = true}
    %dma_wait3A_66 = arith.constant 0 : i32
    %dma_wait3A_67 = arith.constant 0 : i32
    %dma_wait3A_68 = tpu.memref_slice %arg26[%dma_wait3A_66, %dma_wait3A_67] : memref<10240x128xf32, #tpu.memory_space<vmem_shared>> -> memref<10240x128xf32, #tpu.memory_space<vmem_shared>>
    tpu.wait_indirect_dma semaphore(%arg24 : memref<!tpu.dma_semaphore, #tpu.memory_space<semaphore_mem>>) src(%arg8 : memref<80x128xf32, #tpu.memory_space<vmem>>) dst(%dma_wait3A_68 : memref<10240x128xf32, #tpu.memory_space<vmem_shared>>)
    %dma_wait3A_69 = arith.constant 0 : i32
    %dma_wait3A_70 = arith.constant 0 : i32
    %dma_wait3A_71 = tpu.memref_slice %arg26[%dma_wait3A_69, %dma_wait3A_70] : memref<10240x128xf32, #tpu.memory_space<vmem_shared>> -> memref<10240x128xf32, #tpu.memory_space<vmem_shared>>
    tpu.wait_indirect_dma semaphore(%arg25 : memref<!tpu.dma_semaphore, #tpu.memory_space<semaphore_mem>>) src(%arg9 : memref<80x128xf32, #tpu.memory_space<vmem>>) dst(%dma_wait3A_71 : memref<10240x128xf32, #tpu.memory_space<vmem_shared>>)
    %dma_wait3A_72 = arith.constant 0 : i32
    %dma_wait3A_73 = arith.constant 0 : i32
    %dma_wait3A_74 = tpu.memref_slice %arg26[%dma_wait3A_72, %dma_wait3A_73] : memref<10240x128xf32, #tpu.memory_space<vmem_shared>> -> memref<10240x128xf32, #tpu.memory_space<vmem_shared>>
    tpu.wait_indirect_dma semaphore(%arg22 : memref<!tpu.dma_semaphore, #tpu.memory_space<semaphore_mem>>) src(%arg6 : memref<80x128xf32, #tpu.memory_space<vmem>>) dst(%dma_wait3A_74 : memref<10240x128xf32, #tpu.memory_space<vmem_shared>>)
    %barrier3A_75 = arith.constant 0 : index
    tpu.barrier barrier_id(%barrier3A_75)
    %mul3A_76 = arith.constant 640 : i32
    %mul3A_77 = arith.muli %arg1, %mul3A_76 : i32
    %add3A_78 = arith.constant 0 : i32
    %add3A_79 = arith.addi %mul3A_77, %add3A_78 : i32
    "tpu.region"() ({
      %run_scoped3A = tpu.sem_alloc : memref<!tpu.dma_semaphore, #tpu.memory_space<semaphore_mem>>
      %dma_start3A_108 = arith.constant 0 : i32
      %dma_start3A_109 = tpu.memref_slice %arg5[%arg0, %add3A_79, %dma_start3A_108] : memref<2x10240x128xf32, #tpu.memory_space<hbm>> -> memref<1x80x128xf32, #tpu.memory_space<hbm>>
      %dma_start3A_110 = tpu.memref_squeeze %dma_start3A_109 : memref<1x80x128xf32, #tpu.memory_space<hbm>> -> memref<80x128xf32, #tpu.memory_space<hbm>>
      %dma_start3A_111 = arith.constant 0 : i32
      %dma_start3A_112 = tpu.memref_slice %arg26[%add3A_79, %dma_start3A_111] : memref<10240x128xf32, #tpu.memory_space<vmem_shared>> -> memref<80x128xf32, #tpu.memory_space<vmem_shared>>
      tpu.enqueue_dma source(%dma_start3A_112 : memref<80x128xf32, #tpu.memory_space<vmem_shared>>) target(%dma_start3A_110 : memref<80x128xf32, #tpu.memory_space<hbm>>) target_semaphore(%run_scoped3A : memref<!tpu.dma_semaphore, #tpu.memory_space<semaphore_mem>>)
      %dma_wait3A_113 = arith.constant 0 : i32
      %dma_wait3A_114 = tpu.memref_slice %arg5[%arg0, %add3A_79, %dma_wait3A_113] : memref<2x10240x128xf32, #tpu.memory_space<hbm>> -> memref<1x80x128xf32, #tpu.memory_space<hbm>>
      %dma_wait3A_115 = tpu.memref_squeeze %dma_wait3A_114 : memref<1x80x128xf32, #tpu.memory_space<hbm>> -> memref<80x128xf32, #tpu.memory_space<hbm>>
      %dma_wait3A_116 = arith.constant 0 : i32
      %dma_wait3A_117 = tpu.memref_slice %arg26[%add3A_79, %dma_wait3A_116] : memref<10240x128xf32, #tpu.memory_space<vmem_shared>> -> memref<80x128xf32, #tpu.memory_space<vmem_shared>>
      tpu.wait_dma2 semaphore(%run_scoped3A : memref<!tpu.dma_semaphore, #tpu.memory_space<semaphore_mem>>) src(%dma_wait3A_117 : memref<80x128xf32, #tpu.memory_space<vmem_shared>>) dst(%dma_wait3A_115 : memref<80x128xf32, #tpu.memory_space<hbm>>)
      tpu.yield
    }) : () -> ()
    %mul3A_80 = arith.constant 640 : i32
    %mul3A_81 = arith.muli %arg1, %mul3A_80 : i32
    %add3A_82 = arith.constant 80 : i32
    %add3A_83 = arith.addi %mul3A_81, %add3A_82 : i32
    "tpu.region"() ({
      %run_scoped3A = tpu.sem_alloc : memref<!tpu.dma_semaphore, #tpu.memory_space<semaphore_mem>>
      %dma_start3A_108 = arith.constant 0 : i32
      %dma_start3A_109 = tpu.memref_slice %arg5[%arg0, %add3A_83, %dma_start3A_108] : memref<2x10240x128xf32, #tpu.memory_space<hbm>> -> memref<1x80x128xf32, #tpu.memory_space<hbm>>
      %dma_start3A_110 = tpu.memref_squeeze %dma_start3A_109 : memref<1x80x128xf32, #tpu.memory_space<hbm>> -> memref<80x128xf32, #tpu.memory_space<hbm>>
      %dma_start3A_111 = arith.constant 0 : i32
      %dma_start3A_112 = tpu.memref_slice %arg26[%add3A_83, %dma_start3A_111] : memref<10240x128xf32, #tpu.memory_space<vmem_shared>> -> memref<80x128xf32, #tpu.memory_space<vmem_shared>>
      tpu.enqueue_dma source(%dma_start3A_112 : memref<80x128xf32, #tpu.memory_space<vmem_shared>>) target(%dma_start3A_110 : memref<80x128xf32, #tpu.memory_space<hbm>>) target_semaphore(%run_scoped3A : memref<!tpu.dma_semaphore, #tpu.memory_space<semaphore_mem>>)
      %dma_wait3A_113 = arith.constant 0 : i32
      %dma_wait3A_114 = tpu.memref_slice %arg5[%arg0, %add3A_83, %dma_wait3A_113] : memref<2x10240x128xf32, #tpu.memory_space<hbm>> -> memref<1x80x128xf32, #tpu.memory_space<hbm>>
      %dma_wait3A_115 = tpu.memref_squeeze %dma_wait3A_114 : memref<1x80x128xf32, #tpu.memory_space<hbm>> -> memref<80x128xf32, #tpu.memory_space<hbm>>
      %dma_wait3A_116 = arith.constant 0 : i32
      %dma_wait3A_117 = tpu.memref_slice %arg26[%add3A_83, %dma_wait3A_116] : memref<10240x128xf32, #tpu.memory_space<vmem_shared>> -> memref<80x128xf32, #tpu.memory_space<vmem_shared>>
      tpu.wait_dma2 semaphore(%run_scoped3A : memref<!tpu.dma_semaphore, #tpu.memory_space<semaphore_mem>>) src(%dma_wait3A_117 : memref<80x128xf32, #tpu.memory_space<vmem_shared>>) dst(%dma_wait3A_115 : memref<80x128xf32, #tpu.memory_space<hbm>>)
      tpu.yield
    }) : () -> ()
    %mul3A_84 = arith.constant 640 : i32
    %mul3A_85 = arith.muli %arg1, %mul3A_84 : i32
    %add3A_86 = arith.constant 160 : i32
    %add3A_87 = arith.addi %mul3A_85, %add3A_86 : i32
    "tpu.region"() ({
      %run_scoped3A = tpu.sem_alloc : memref<!tpu.dma_semaphore, #tpu.memory_space<semaphore_mem>>
      %dma_start3A_108 = arith.constant 0 : i32
      %dma_start3A_109 = tpu.memref_slice %arg5[%arg0, %add3A_87, %dma_start3A_108] : memref<2x10240x128xf32, #tpu.memory_space<hbm>> -> memref<1x80x128xf32, #tpu.memory_space<hbm>>
      %dma_start3A_110 = tpu.memref_squeeze %dma_start3A_109 : memref<1x80x128xf32, #tpu.memory_space<hbm>> -> memref<80x128xf32, #tpu.memory_space<hbm>>
      %dma_start3A_111 = arith.constant 0 : i32
      %dma_start3A_112 = tpu.memref_slice %arg26[%add3A_87, %dma_start3A_111] : memref<10240x128xf32, #tpu.memory_space<vmem_shared>> -> memref<80x128xf32, #tpu.memory_space<vmem_shared>>
      tpu.enqueue_dma source(%dma_start3A_112 : memref<80x128xf32, #tpu.memory_space<vmem_shared>>) target(%dma_start3A_110 : memref<80x128xf32, #tpu.memory_space<hbm>>) target_semaphore(%run_scoped3A : memref<!tpu.dma_semaphore, #tpu.memory_space<semaphore_mem>>)
      %dma_wait3A_113 = arith.constant 0 : i32
      %dma_wait3A_114 = tpu.memref_slice %arg5[%arg0, %add3A_87, %dma_wait3A_113] : memref<2x10240x128xf32, #tpu.memory_space<hbm>> -> memref<1x80x128xf32, #tpu.memory_space<hbm>>
      %dma_wait3A_115 = tpu.memref_squeeze %dma_wait3A_114 : memref<1x80x128xf32, #tpu.memory_space<hbm>> -> memref<80x128xf32, #tpu.memory_space<hbm>>
      %dma_wait3A_116 = arith.constant 0 : i32
      %dma_wait3A_117 = tpu.memref_slice %arg26[%add3A_87, %dma_wait3A_116] : memref<10240x128xf32, #tpu.memory_space<vmem_shared>> -> memref<80x128xf32, #tpu.memory_space<vmem_shared>>
      tpu.wait_dma2 semaphore(%run_scoped3A : memref<!tpu.dma_semaphore, #tpu.memory_space<semaphore_mem>>) src(%dma_wait3A_117 : memref<80x128xf32, #tpu.memory_space<vmem_shared>>) dst(%dma_wait3A_115 : memref<80x128xf32, #tpu.memory_space<hbm>>)
      tpu.yield
    }) : () -> ()
    %mul3A_88 = arith.constant 640 : i32
    %mul3A_89 = arith.muli %arg1, %mul3A_88 : i32
    %add3A_90 = arith.constant 240 : i32
    %add3A_91 = arith.addi %mul3A_89, %add3A_90 : i32
    "tpu.region"() ({
      %run_scoped3A = tpu.sem_alloc : memref<!tpu.dma_semaphore, #tpu.memory_space<semaphore_mem>>
      %dma_start3A_108 = arith.constant 0 : i32
      %dma_start3A_109 = tpu.memref_slice %arg5[%arg0, %add3A_91, %dma_start3A_108] : memref<2x10240x128xf32, #tpu.memory_space<hbm>> -> memref<1x80x128xf32, #tpu.memory_space<hbm>>
      %dma_start3A_110 = tpu.memref_squeeze %dma_start3A_109 : memref<1x80x128xf32, #tpu.memory_space<hbm>> -> memref<80x128xf32, #tpu.memory_space<hbm>>
      %dma_start3A_111 = arith.constant 0 : i32
      %dma_start3A_112 = tpu.memref_slice %arg26[%add3A_91, %dma_start3A_111] : memref<10240x128xf32, #tpu.memory_space<vmem_shared>> -> memref<80x128xf32, #tpu.memory_space<vmem_shared>>
      tpu.enqueue_dma source(%dma_start3A_112 : memref<80x128xf32, #tpu.memory_space<vmem_shared>>) target(%dma_start3A_110 : memref<80x128xf32, #tpu.memory_space<hbm>>) target_semaphore(%run_scoped3A : memref<!tpu.dma_semaphore, #tpu.memory_space<semaphore_mem>>)
      %dma_wait3A_113 = arith.constant 0 : i32
      %dma_wait3A_114 = tpu.memref_slice %arg5[%arg0, %add3A_91, %dma_wait3A_113] : memref<2x10240x128xf32, #tpu.memory_space<hbm>> -> memref<1x80x128xf32, #tpu.memory_space<hbm>>
      %dma_wait3A_115 = tpu.memref_squeeze %dma_wait3A_114 : memref<1x80x128xf32, #tpu.memory_space<hbm>> -> memref<80x128xf32, #tpu.memory_space<hbm>>
      %dma_wait3A_116 = arith.constant 0 : i32
      %dma_wait3A_117 = tpu.memref_slice %arg26[%add3A_91, %dma_wait3A_116] : memref<10240x128xf32, #tpu.memory_space<vmem_shared>> -> memref<80x128xf32, #tpu.memory_space<vmem_shared>>
      tpu.wait_dma2 semaphore(%run_scoped3A : memref<!tpu.dma_semaphore, #tpu.memory_space<semaphore_mem>>) src(%dma_wait3A_117 : memref<80x128xf32, #tpu.memory_space<vmem_shared>>) dst(%dma_wait3A_115 : memref<80x128xf32, #tpu.memory_space<hbm>>)
      tpu.yield
    }) : () -> ()
    %mul3A_92 = arith.constant 640 : i32
    %mul3A_93 = arith.muli %arg1, %mul3A_92 : i32
    %add3A_94 = arith.constant 320 : i32
    %add3A_95 = arith.addi %mul3A_93, %add3A_94 : i32
    "tpu.region"() ({
      %run_scoped3A = tpu.sem_alloc : memref<!tpu.dma_semaphore, #tpu.memory_space<semaphore_mem>>
      %dma_start3A_108 = arith.constant 0 : i32
      %dma_start3A_109 = tpu.memref_slice %arg5[%arg0, %add3A_95, %dma_start3A_108] : memref<2x10240x128xf32, #tpu.memory_space<hbm>> -> memref<1x80x128xf32, #tpu.memory_space<hbm>>
      %dma_start3A_110 = tpu.memref_squeeze %dma_start3A_109 : memref<1x80x128xf32, #tpu.memory_space<hbm>> -> memref<80x128xf32, #tpu.memory_space<hbm>>
      %dma_start3A_111 = arith.constant 0 : i32
      %dma_start3A_112 = tpu.memref_slice %arg26[%add3A_95, %dma_start3A_111] : memref<10240x128xf32, #tpu.memory_space<vmem_shared>> -> memref<80x128xf32, #tpu.memory_space<vmem_shared>>
      tpu.enqueue_dma source(%dma_start3A_112 : memref<80x128xf32, #tpu.memory_space<vmem_shared>>) target(%dma_start3A_110 : memref<80x128xf32, #tpu.memory_space<hbm>>) target_semaphore(%run_scoped3A : memref<!tpu.dma_semaphore, #tpu.memory_space<semaphore_mem>>)
      %dma_wait3A_113 = arith.constant 0 : i32
      %dma_wait3A_114 = tpu.memref_slice %arg5[%arg0, %add3A_95, %dma_wait3A_113] : memref<2x10240x128xf32, #tpu.memory_space<hbm>> -> memref<1x80x128xf32, #tpu.memory_space<hbm>>
      %dma_wait3A_115 = tpu.memref_squeeze %dma_wait3A_114 : memref<1x80x128xf32, #tpu.memory_space<hbm>> -> memref<80x128xf32, #tpu.memory_space<hbm>>
      %dma_wait3A_116 = arith.constant 0 : i32
      %dma_wait3A_117 = tpu.memref_slice %arg26[%add3A_95, %dma_wait3A_116] : memref<10240x128xf32, #tpu.memory_space<vmem_shared>> -> memref<80x128xf32, #tpu.memory_space<vmem_shared>>
      tpu.wait_dma2 semaphore(%run_scoped3A : memref<!tpu.dma_semaphore, #tpu.memory_space<semaphore_mem>>) src(%dma_wait3A_117 : memref<80x128xf32, #tpu.memory_space<vmem_shared>>) dst(%dma_wait3A_115 : memref<80x128xf32, #tpu.memory_space<hbm>>)
      tpu.yield
    }) : () -> ()
    %mul3A_96 = arith.constant 640 : i32
    %mul3A_97 = arith.muli %arg1, %mul3A_96 : i32
    %add3A_98 = arith.constant 400 : i32
    %add3A_99 = arith.addi %mul3A_97, %add3A_98 : i32
    "tpu.region"() ({
      %run_scoped3A = tpu.sem_alloc : memref<!tpu.dma_semaphore, #tpu.memory_space<semaphore_mem>>
      %dma_start3A_108 = arith.constant 0 : i32
      %dma_start3A_109 = tpu.memref_slice %arg5[%arg0, %add3A_99, %dma_start3A_108] : memref<2x10240x128xf32, #tpu.memory_space<hbm>> -> memref<1x80x128xf32, #tpu.memory_space<hbm>>
      %dma_start3A_110 = tpu.memref_squeeze %dma_start3A_109 : memref<1x80x128xf32, #tpu.memory_space<hbm>> -> memref<80x128xf32, #tpu.memory_space<hbm>>
      %dma_start3A_111 = arith.constant 0 : i32
      %dma_start3A_112 = tpu.memref_slice %arg26[%add3A_99, %dma_start3A_111] : memref<10240x128xf32, #tpu.memory_space<vmem_shared>> -> memref<80x128xf32, #tpu.memory_space<vmem_shared>>
      tpu.enqueue_dma source(%dma_start3A_112 : memref<80x128xf32, #tpu.memory_space<vmem_shared>>) target(%dma_start3A_110 : memref<80x128xf32, #tpu.memory_space<hbm>>) target_semaphore(%run_scoped3A : memref<!tpu.dma_semaphore, #tpu.memory_space<semaphore_mem>>)
      %dma_wait3A_113 = arith.constant 0 : i32
      %dma_wait3A_114 = tpu.memref_slice %arg5[%arg0, %add3A_99, %dma_wait3A_113] : memref<2x10240x128xf32, #tpu.memory_space<hbm>> -> memref<1x80x128xf32, #tpu.memory_space<hbm>>
      %dma_wait3A_115 = tpu.memref_squeeze %dma_wait3A_114 : memref<1x80x128xf32, #tpu.memory_space<hbm>> -> memref<80x128xf32, #tpu.memory_space<hbm>>
      %dma_wait3A_116 = arith.constant 0 : i32
      %dma_wait3A_117 = tpu.memref_slice %arg26[%add3A_99, %dma_wait3A_116] : memref<10240x128xf32, #tpu.memory_space<vmem_shared>> -> memref<80x128xf32, #tpu.memory_space<vmem_shared>>
      tpu.wait_dma2 semaphore(%run_scoped3A : memref<!tpu.dma_semaphore, #tpu.memory_space<semaphore_mem>>) src(%dma_wait3A_117 : memref<80x128xf32, #tpu.memory_space<vmem_shared>>) dst(%dma_wait3A_115 : memref<80x128xf32, #tpu.memory_space<hbm>>)
      tpu.yield
    }) : () -> ()
    %mul3A_100 = arith.constant 640 : i32
    %mul3A_101 = arith.muli %arg1, %mul3A_100 : i32
    %add3A_102 = arith.constant 480 : i32
    %add3A_103 = arith.addi %mul3A_101, %add3A_102 : i32
    "tpu.region"() ({
      %run_scoped3A = tpu.sem_alloc : memref<!tpu.dma_semaphore, #tpu.memory_space<semaphore_mem>>
      %dma_start3A_108 = arith.constant 0 : i32
      %dma_start3A_109 = tpu.memref_slice %arg5[%arg0, %add3A_103, %dma_start3A_108] : memref<2x10240x128xf32, #tpu.memory_space<hbm>> -> memref<1x80x128xf32, #tpu.memory_space<hbm>>
      %dma_start3A_110 = tpu.memref_squeeze %dma_start3A_109 : memref<1x80x128xf32, #tpu.memory_space<hbm>> -> memref<80x128xf32, #tpu.memory_space<hbm>>
      %dma_start3A_111 = arith.constant 0 : i32
      %dma_start3A_112 = tpu.memref_slice %arg26[%add3A_103, %dma_start3A_111] : memref<10240x128xf32, #tpu.memory_space<vmem_shared>> -> memref<80x128xf32, #tpu.memory_space<vmem_shared>>
      tpu.enqueue_dma source(%dma_start3A_112 : memref<80x128xf32, #tpu.memory_space<vmem_shared>>) target(%dma_start3A_110 : memref<80x128xf32, #tpu.memory_space<hbm>>) target_semaphore(%run_scoped3A : memref<!tpu.dma_semaphore, #tpu.memory_space<semaphore_mem>>)
      %dma_wait3A_113 = arith.constant 0 : i32
      %dma_wait3A_114 = tpu.memref_slice %arg5[%arg0, %add3A_103, %dma_wait3A_113] : memref<2x10240x128xf32, #tpu.memory_space<hbm>> -> memref<1x80x128xf32, #tpu.memory_space<hbm>>
      %dma_wait3A_115 = tpu.memref_squeeze %dma_wait3A_114 : memref<1x80x128xf32, #tpu.memory_space<hbm>> -> memref<80x128xf32, #tpu.memory_space<hbm>>
      %dma_wait3A_116 = arith.constant 0 : i32
      %dma_wait3A_117 = tpu.memref_slice %arg26[%add3A_103, %dma_wait3A_116] : memref<10240x128xf32, #tpu.memory_space<vmem_shared>> -> memref<80x128xf32, #tpu.memory_space<vmem_shared>>
      tpu.wait_dma2 semaphore(%run_scoped3A : memref<!tpu.dma_semaphore, #tpu.memory_space<semaphore_mem>>) src(%dma_wait3A_117 : memref<80x128xf32, #tpu.memory_space<vmem_shared>>) dst(%dma_wait3A_115 : memref<80x128xf32, #tpu.memory_space<hbm>>)
      tpu.yield
    }) : () -> ()
    %mul3A_104 = arith.constant 640 : i32
    %mul3A_105 = arith.muli %arg1, %mul3A_104 : i32
    %add3A_106 = arith.constant 560 : i32
    %add3A_107 = arith.addi %mul3A_105, %add3A_106 : i32
    "tpu.region"() ({
      %run_scoped3A = tpu.sem_alloc : memref<!tpu.dma_semaphore, #tpu.memory_space<semaphore_mem>>
      %dma_start3A_108 = arith.constant 0 : i32
      %dma_start3A_109 = tpu.memref_slice %arg5[%arg0, %add3A_107, %dma_start3A_108] : memref<2x10240x128xf32, #tpu.memory_space<hbm>> -> memref<1x80x128xf32, #tpu.memory_space<hbm>>
      %dma_start3A_110 = tpu.memref_squeeze %dma_start3A_109 : memref<1x80x128xf32, #tpu.memory_space<hbm>> -> memref<80x128xf32, #tpu.memory_space<hbm>>
      %dma_start3A_111 = arith.constant 0 : i32
      %dma_start3A_112 = tpu.memref_slice %arg26[%add3A_107, %dma_start3A_111] : memref<10240x128xf32, #tpu.memory_space<vmem_shared>> -> memref<80x128xf32, #tpu.memory_space<vmem_shared>>
      tpu.enqueue_dma source(%dma_start3A_112 : memref<80x128xf32, #tpu.memory_space<vmem_shared>>) target(%dma_start3A_110 : memref<80x128xf32, #tpu.memory_space<hbm>>) target_semaphore(%run_scoped3A : memref<!tpu.dma_semaphore, #tpu.memory_space<semaphore_mem>>)
      %dma_wait3A_113 = arith.constant 0 : i32
      %dma_wait3A_114 = tpu.memref_slice %arg5[%arg0, %add3A_107, %dma_wait3A_113] : memref<2x10240x128xf32, #tpu.memory_space<hbm>> -> memref<1x80x128xf32, #tpu.memory_space<hbm>>
      %dma_wait3A_115 = tpu.memref_squeeze %dma_wait3A_114 : memref<1x80x128xf32, #tpu.memory_space<hbm>> -> memref<80x128xf32, #tpu.memory_space<hbm>>
      %dma_wait3A_116 = arith.constant 0 : i32
      %dma_wait3A_117 = tpu.memref_slice %arg26[%add3A_107, %dma_wait3A_116] : memref<10240x128xf32, #tpu.memory_space<vmem_shared>> -> memref<80x128xf32, #tpu.memory_space<vmem_shared>>
      tpu.wait_dma2 semaphore(%run_scoped3A : memref<!tpu.dma_semaphore, #tpu.memory_space<semaphore_mem>>) src(%dma_wait3A_117 : memref<80x128xf32, #tpu.memory_space<vmem_shared>>) dst(%dma_wait3A_115 : memref<80x128xf32, #tpu.memory_space<hbm>>)
      tpu.yield
    }) : () -> ()
    return
  }
}

module attributes {stable_mosaic.version = 14 : i64} {
  func.func @_t0_body(%arg0: memref<32x10240xf32, #tpu.memory_space<vmem>>, %arg1: memref<32x256xf32, #tpu.memory_space<vmem>>, %arg2: memref<2x128xi32, #tpu.memory_space<vmem>>, %arg3: memref<1x10240xf32, #tpu.memory_space<vmem>>, %arg4: memref<4x128xi32, #tpu.memory_space<vmem>>) attributes {dimension_semantics = [], scalar_prefetch = 0 : i64, scratch_operands = 0 : i64, tpu.core_type = #tpu.core_type<tc>} {
    %get3A = arith.constant 0 : index
    %get3A_0 = arith.constant 0 : index
    %get3A_1 = vector.load %arg0[%get3A, %get3A_0] : memref<32x10240xf32, #tpu.memory_space<vmem>>, vector<32x10240xf32>
    %reduce_sum3A = arith.constant dense<0.000000e+00> : vector<10240xf32>
    %reduce_sum3A_2 = vector.multi_reduction <add>, %get3A_1, %reduce_sum3A [0] : vector<32x10240xf32> to vector<10240xf32>
    %broadcast_in_dim3A = vector.shape_cast %reduce_sum3A_2 : vector<10240xf32> to vector<1x10240xf32>
    %add3A = arith.constant 1.000000e+00 : f32
    %add3A_3 = vector.broadcast %add3A : f32 to vector<1x10240xf32>
    %add3A_4 = arith.addf %add3A_3, %broadcast_in_dim3A : vector<1x10240xf32>
    %rsqrt3A = math.rsqrt %add3A_4 : vector<1x10240xf32>
    %swap3A = arith.constant 0 : index
    %swap3A_5 = arith.constant 0 : index
    %swap3A_6 = vector.load %arg3[%swap3A, %swap3A_5] : memref<1x10240xf32, #tpu.memory_space<vmem>>, vector<1x10240xf32>
    tpu.vector_store %arg3[%swap3A, %swap3A_5], %rsqrt3A {strides = array<i32>} : memref<1x10240xf32, #tpu.memory_space<vmem>>, vector<1x10240xf32>,
    %get3A_7 = arith.constant 0 : index
    %get3A_8 = arith.constant 0 : index
    %get3A_9 = vector.load %arg1[%get3A_7, %get3A_8] : memref<32x256xf32, #tpu.memory_space<vmem>>, vector<32x256xf32>
    %reduce_sum3A_10 = arith.constant dense<0.000000e+00> : vector<256xf32>
    %reduce_sum3A_11 = vector.multi_reduction <add>, %get3A_9, %reduce_sum3A_10 [0] : vector<32x256xf32> to vector<256xf32>
    %reshape3A = vector.shape_cast %reduce_sum3A_11 : vector<256xf32> to vector<1x256xf32>
    %iota3A = tpu.iota {dimensions = array<i32: 0>} : vector<256x128xi32>
    %iota3A_12 = tpu.iota {dimensions = array<i32: 1>} : vector<256x128xi32>
    %lt3A = arith.cmpi slt, %iota3A, %iota3A_12 : vector<256x128xi32>
    %lt3A_13 = arith.constant 100 : i32
    %lt3A_14 = vector.broadcast %lt3A_13 : i32 to vector<256x128xi32>
    %lt3A_15 = arith.cmpi slt, %iota3A, %lt3A_14 : vector<256x128xi32>
    %and3A = arith.andi %lt3A, %lt3A_15 : vector<256x128xi1>
    %convert_element_type3A = arith.extui %and3A : vector<256x128xi1> to vector<256x128xi32>
    %convert_element_type3A_16 = arith.sitofp %convert_element_type3A : vector<256x128xi32> to vector<256x128xf32>
    %dot_general3A = arith.constant dense<0.000000e+00> : vector<1x128xf32>
    %dot_general3A_17 = tpu.matmul %reshape3A, %convert_element_type3A_16, %dot_general3A {dimension_numbers = #tpu.dot_dimension_numbers<[1], [0], [0], [1], [0, 0, 1, 1], [], []>, transpose_lhs_hint = false} : vector<1x256xf32>, vector<256x128xf32>, vector<1x128xf32> -> vector<1x128xf32>
    %convert_element_type3A_18 = arith.fptosi %dot_general3A_17 : vector<1x128xf32> to vector<1x128xi32>
    %get3A_19 = arith.constant 0 : index
    %get3A_20 = arith.constant 0 : index
    %get3A_21 = vector.load %arg2[%get3A_19, %get3A_20] : memref<2x128xi32, #tpu.memory_space<vmem>>, vector<2x128xi32>
    %add3A_22 = vector.broadcast %convert_element_type3A_18 : vector<1x128xi32> to vector<2x128xi32>
    %add3A_23 = arith.addi %add3A_22, %get3A_21 : vector<2x128xi32>
    %jit3A = arith.constant 0 : i32
    %jit3A_24 = arith.constant 9999 : i32
    %max3A = vector.broadcast %jit3A : i32 to vector<2x128xi32>
    %max3A_25 = arith.maxsi %max3A, %add3A_23 : vector<2x128xi32>
    %min3A = vector.broadcast %jit3A_24 : i32 to vector<2x128xi32>
    %min3A_26 = arith.minsi %min3A, %max3A_25 : vector<2x128xi32>
    %add3A_27 = arith.constant 10240 : i32
    %add3A_28 = vector.broadcast %add3A_27 : i32 to vector<2x128xi32>
    %add3A_29 = arith.addi %min3A_26, %add3A_28 : vector<2x128xi32>
    %concatenate3A = tpu.concatenate %min3A_26, %add3A_29 in 0 : vector<2x128xi32>, vector<2x128xi32> -> vector<4x128xi32>
    %swap3A_30 = arith.constant 0 : index
    %swap3A_31 = arith.constant 0 : index
    %swap3A_32 = vector.load %arg4[%swap3A_30, %swap3A_31] : memref<4x128xi32, #tpu.memory_space<vmem>>, vector<4x128xi32>
    tpu.vector_store %arg4[%swap3A_30, %swap3A_31], %concatenate3A {strides = array<i32>} : memref<4x128xi32, #tpu.memory_space<vmem>>, vector<4x128xi32>,
    return
  }
}

module attributes {stable_mosaic.version = 14 : i64} {
  func.func @_t1_body(%arg0: i32, %arg1: memref<2000x128xf32, #tpu.memory_space<vmem>>, %arg2: memref<128x128xf32, #tpu.memory_space<vmem>>, %arg3: memref<2000x1xf32, #tpu.memory_space<vmem>>, %arg4: memref<2000x128xf32, #tpu.memory_space<vmem>>) attributes {dimension_semantics = [#tpu.dimension_semantics<arbitrary>], iteration_bounds = array<i64: 5>, scalar_prefetch = 0 : i64, scratch_operands = 0 : i64, tpu.core_type = #tpu.core_type<tc>, window_params = [{transform_indices = @transform_0, window_bounds = array<i64: 2000, 128>}, {pipeline_mode = #tpu.pipeline_mode<synchronous>, transform_indices = @transform_1, window_bounds = array<i64: 128, 128>}, {transform_indices = @transform_2, window_bounds = array<i64: 2000, 1>}, {transform_indices = @transform_3, window_bounds = array<i64: 2000, 128>}]} {
    %get3A = arith.constant 0 : index
    %get3A_0 = arith.constant 0 : index
    %get3A_1 = vector.load %arg1[%get3A, %get3A_0] : memref<2000x128xf32, #tpu.memory_space<vmem>>, vector<2000x128xf32>
    %get3A_2 = arith.constant 0 : index
    %get3A_3 = arith.constant 0 : index
    %get3A_4 = vector.load %arg2[%get3A_2, %get3A_3] : memref<128x128xf32, #tpu.memory_space<vmem>>, vector<128x128xf32>
    %dot_general3A = arith.constant dense<0.000000e+00> : vector<2000x128xf32>
    %dot_general3A_5 = tpu.matmul %get3A_1, %get3A_4, %dot_general3A {dimension_numbers = #tpu.dot_dimension_numbers<[1], [0], [0], [1], [0, 0, 1, 1], [], []>, transpose_lhs_hint = false} : vector<2000x128xf32>, vector<128x128xf32>, vector<2000x128xf32> -> vector<2000x128xf32>
    %get3A_6 = arith.constant 0 : index
    %get3A_7 = arith.constant 0 : index
    %get3A_8 = vector.load %arg3[%get3A_6, %get3A_7] : memref<2000x1xf32, #tpu.memory_space<vmem>>, vector<2000x1xf32>
    %mul3A = vector.broadcast %get3A_8 : vector<2000x1xf32> to vector<2000x128xf32>
    %mul3A_9 = arith.mulf %dot_general3A_5, %mul3A : vector<2000x128xf32>
    %swap3A = arith.constant 0 : index
    %swap3A_10 = arith.constant 0 : index
    %swap3A_11 = vector.load %arg4[%swap3A, %swap3A_10] : memref<2000x128xf32, #tpu.memory_space<vmem>>, vector<2000x128xf32>
    tpu.vector_store %arg4[%swap3A, %swap3A_10], %mul3A_9 {strides = array<i32>} : memref<2000x128xf32, #tpu.memory_space<vmem>>, vector<2000x128xf32>,
    return
  }
  func.func @transform_0(%arg0: i32) -> (i32, i32) {
    %c0_i32 = arith.constant 0 : i32
    %c0_i32_0 = arith.constant 0 : i32
    return %arg0, %c0_i32 : i32, i32
  }
  func.func @transform_1(%arg0: i32) -> (i32, i32) {
    %c0_i32 = arith.constant 0 : i32
    %c0_i32_0 = arith.constant 0 : i32
    %c0_i32_1 = arith.constant 0 : i32
    return %c0_i32, %c0_i32_0 : i32, i32
  }
  func.func @transform_2(%arg0: i32) -> (i32, i32) {
    %c0_i32 = arith.constant 0 : i32
    %c0_i32_0 = arith.constant 0 : i32
    return %arg0, %c0_i32 : i32, i32
  }
  func.func @transform_3(%arg0: i32) -> (i32, i32) {
    %c0_i32 = arith.constant 0 : i32
    %c0_i32_0 = arith.constant 0 : i32
    return %arg0, %c0_i32 : i32, i32
  }
}

module attributes {stable_mosaic.version = 14 : i64} {
  func.func @_t2_body(%arg0: i32, %arg1: memref<2x2000x128xf32, #tpu.memory_space<vmem>>, %arg2: memref<2000x128xf32, #tpu.memory_space<vmem>>, %arg3: memref<2000x1xf32, #tpu.memory_space<vmem>>, %arg4: memref<1x128xf32, #tpu.memory_space<vmem>>, %arg5: memref<128x128xf32, #tpu.memory_space<vmem>>, %arg6: memref<2000x128xf32, #tpu.memory_space<vmem>>) attributes {dimension_semantics = [#tpu.dimension_semantics<arbitrary>], iteration_bounds = array<i64: 5>, scalar_prefetch = 0 : i64, scratch_operands = 0 : i64, tpu.core_type = #tpu.core_type<tc>, window_params = [{transform_indices = @transform_0, window_bounds = array<i64: 2, 2000, 128>}, {transform_indices = @transform_1, window_bounds = array<i64: 2000, 128>}, {transform_indices = @transform_2, window_bounds = array<i64: 2000, 1>}, {pipeline_mode = #tpu.pipeline_mode<synchronous>, transform_indices = @transform_3, window_bounds = array<i64: 1, 128>}, {pipeline_mode = #tpu.pipeline_mode<synchronous>, transform_indices = @transform_4, window_bounds = array<i64: 128, 128>}, {transform_indices = @transform_5, window_bounds = array<i64: 2000, 128>}]} {
    %get3A = arith.constant 0 : index
    %get3A_0 = arith.constant 0 : index
    %get3A_1 = vector.load %arg3[%get3A, %get3A_0] : memref<2000x1xf32, #tpu.memory_space<vmem>>, vector<2000x1xf32>
    %get3A_2 = arith.constant 0 : index
    %get3A_3 = arith.constant 0 : index
    %get3A_4 = arith.constant 0 : index
    %get3A_5 = vector.load %arg1[%get3A_2, %get3A_3, %get3A_4] : memref<2x2000x128xf32, #tpu.memory_space<vmem>>, vector<2x2000x128xf32>
    %slice3A = vector.extract_strided_slice %get3A_5 {offsets = [0, 0, 0], sizes = [1, 2000, 128], strides = [1, 1, 1]} : vector<2x2000x128xf32> to vector<1x2000x128xf32>
    %squeeze3A = vector.shape_cast %slice3A : vector<1x2000x128xf32> to vector<2000x128xf32>
    %slice3A_6 = vector.extract_strided_slice %get3A_5 {offsets = [1, 0, 0], sizes = [1, 2000, 128], strides = [1, 1, 1]} : vector<2x2000x128xf32> to vector<1x2000x128xf32>
    %squeeze3A_7 = vector.shape_cast %slice3A_6 : vector<1x2000x128xf32> to vector<2000x128xf32>
    %add3A = arith.addf %squeeze3A, %squeeze3A_7 : vector<2000x128xf32>
    %get3A_8 = arith.constant 0 : index
    %get3A_9 = arith.constant 0 : index
    %get3A_10 = vector.load %arg2[%get3A_8, %get3A_9] : memref<2000x128xf32, #tpu.memory_space<vmem>>, vector<2000x128xf32>
    %add3A_11 = arith.addf %add3A, %get3A_10 : vector<2000x128xf32>
    %mul3A = vector.broadcast %get3A_1 : vector<2000x1xf32> to vector<2000x128xf32>
    %mul3A_12 = arith.mulf %mul3A, %add3A_11 : vector<2000x128xf32>
    %get3A_13 = arith.constant 0 : index
    %get3A_14 = arith.constant 0 : index
    %get3A_15 = vector.load %arg4[%get3A_13, %get3A_14] : memref<1x128xf32, #tpu.memory_space<vmem>>, vector<1x128xf32>
    %add3A_16 = vector.broadcast %get3A_15 : vector<1x128xf32> to vector<2000x128xf32>
    %add3A_17 = arith.addf %mul3A_12, %add3A_16 : vector<2000x128xf32>
    %max3A = arith.constant 0.000000e+00 : f32
    %max3A_18 = vector.broadcast %max3A : f32 to vector<2000x128xf32>
    %max3A_19 = arith.maximumf %add3A_17, %max3A_18 : vector<2000x128xf32>
    %get3A_20 = arith.constant 0 : index
    %get3A_21 = arith.constant 0 : index
    %get3A_22 = vector.load %arg5[%get3A_20, %get3A_21] : memref<128x128xf32, #tpu.memory_space<vmem>>, vector<128x128xf32>
    %dot_general3A = arith.constant dense<0.000000e+00> : vector<2000x128xf32>
    %dot_general3A_23 = tpu.matmul %max3A_19, %get3A_22, %dot_general3A {dimension_numbers = #tpu.dot_dimension_numbers<[1], [0], [0], [1], [0, 0, 1, 1], [], []>, transpose_lhs_hint = false} : vector<2000x128xf32>, vector<128x128xf32>, vector<2000x128xf32> -> vector<2000x128xf32>
    %mul3A_24 = vector.broadcast %get3A_1 : vector<2000x1xf32> to vector<2000x128xf32>
    %mul3A_25 = arith.mulf %mul3A_24, %dot_general3A_23 : vector<2000x128xf32>
    %swap3A = arith.constant 0 : index
    %swap3A_26 = arith.constant 0 : index
    %swap3A_27 = vector.load %arg6[%swap3A, %swap3A_26] : memref<2000x128xf32, #tpu.memory_space<vmem>>, vector<2000x128xf32>
    tpu.vector_store %arg6[%swap3A, %swap3A_26], %mul3A_25 {strides = array<i32>} : memref<2000x128xf32, #tpu.memory_space<vmem>>, vector<2000x128xf32>,
    return
  }
  func.func @transform_0(%arg0: i32) -> (i32, i32, i32) {
    %c0_i32 = arith.constant 0 : i32
    %c0_i32_0 = arith.constant 0 : i32
    %c0_i32_1 = arith.constant 0 : i32
    return %c0_i32, %arg0, %c0_i32_0 : i32, i32, i32
  }
  func.func @transform_1(%arg0: i32) -> (i32, i32) {
    %c0_i32 = arith.constant 0 : i32
    %c0_i32_0 = arith.constant 0 : i32
    return %arg0, %c0_i32 : i32, i32
  }
  func.func @transform_2(%arg0: i32) -> (i32, i32) {
    %c0_i32 = arith.constant 0 : i32
    %c0_i32_0 = arith.constant 0 : i32
    return %arg0, %c0_i32 : i32, i32
  }
  func.func @transform_3(%arg0: i32) -> (i32, i32) {
    %c0_i32 = arith.constant 0 : i32
    %c0_i32_0 = arith.constant 0 : i32
    %c0_i32_1 = arith.constant 0 : i32
    return %c0_i32, %c0_i32_0 : i32, i32
  }
  func.func @transform_4(%arg0: i32) -> (i32, i32) {
    %c0_i32 = arith.constant 0 : i32
    %c0_i32_0 = arith.constant 0 : i32
    %c0_i32_1 = arith.constant 0 : i32
    return %c0_i32, %c0_i32_0 : i32, i32
  }
  func.func @transform_5(%arg0: i32) -> (i32, i32) {
    %c0_i32 = arith.constant 0 : i32
    %c0_i32_0 = arith.constant 0 : i32
    return %arg0, %c0_i32 : i32, i32
  }
}

module attributes {stable_mosaic.version = 14 : i64} {
  func.func @_t4_body(%arg0: memref<100x256xf32, #tpu.memory_space<vmem>>, %arg1: memref<256x128xf32, #tpu.memory_space<vmem>>, %arg2: memref<1x128xf32, #tpu.memory_space<vmem>>, %arg3: memref<100x128xf32, #tpu.memory_space<vmem>>) attributes {dimension_semantics = [], scalar_prefetch = 0 : i64, scratch_operands = 0 : i64, tpu.core_type = #tpu.core_type<tc>} {
    %get3A = arith.constant 0 : index
    %get3A_0 = arith.constant 0 : index
    %get3A_1 = vector.load %arg0[%get3A, %get3A_0] : memref<100x256xf32, #tpu.memory_space<vmem>>, vector<100x256xf32>
    %get3A_2 = arith.constant 0 : index
    %get3A_3 = arith.constant 0 : index
    %get3A_4 = vector.load %arg1[%get3A_2, %get3A_3] : memref<256x128xf32, #tpu.memory_space<vmem>>, vector<256x128xf32>
    %dot_general3A = arith.constant dense<0.000000e+00> : vector<100x128xf32>
    %dot_general3A_5 = tpu.matmul %get3A_1, %get3A_4, %dot_general3A {dimension_numbers = #tpu.dot_dimension_numbers<[1], [0], [0], [1], [0, 0, 1, 1], [], []>, transpose_lhs_hint = false} : vector<100x256xf32>, vector<256x128xf32>, vector<100x128xf32> -> vector<100x128xf32>
    %get3A_6 = arith.constant 0 : index
    %get3A_7 = arith.constant 0 : index
    %get3A_8 = vector.load %arg2[%get3A_6, %get3A_7] : memref<1x128xf32, #tpu.memory_space<vmem>>, vector<1x128xf32>
    %add3A = vector.broadcast %get3A_8 : vector<1x128xf32> to vector<100x128xf32>
    %add3A_9 = arith.addf %dot_general3A_5, %add3A : vector<100x128xf32>
    %swap3A = arith.constant 0 : index
    %swap3A_10 = arith.constant 0 : index
    %swap3A_11 = vector.load %arg3[%swap3A, %swap3A_10] : memref<100x128xf32, #tpu.memory_space<vmem>>, vector<100x128xf32>
    tpu.vector_store %arg3[%swap3A, %swap3A_10], %add3A_9 {strides = array<i32>} : memref<100x128xf32, #tpu.memory_space<vmem>>, vector<100x128xf32>,
    return
  }
}

</mosaic_0001>

<sc_bundles>
// kernel: kernel.10.cloned.1.call-start
scs
__scs_entry_jumppad:
0x0: {  	(pc) =	sbr.rel $0x88, $3  }
0x1: {  	(tag) =	ssettag $0x0;
	lr =	simm.s32 $0x1  }
0x2: {  	[smem:$0x3F97] =	sst lr;
	_ =	strace $0xD0000000  }
0x3: {  	_ = 	snop  }
0x4: {  	_ = 	snop  }
0x5: {  	_ = 	snop  }
0x6: {  	_ = 	snop  }
0x7: {  	_ = 	snop  }
__scs_overlays_trampoline_lowered:
0x8: {  	[smem:$0x3FA6] =	sst s0  }
0x9: {  	[smem:$0x3FA7] =	sst s1  }
0xa: {  	[smem:$0x3FA8] =	sst s2  }
0xb: {  	[smem:$0x3FA9] =	sst s3  }
0xc: {  	[smem:$0x3FAA] =	sst s4  }
0xd: {  	[smem:$0x3FAB] =	sst s5  }
0xe: {  	[smem:$0x3FAC] =	sst s6  }
0xf: {  	[smem:$0x3FAD] =	sst s7  }
0x10: {  	[smem:$0x3FAE] =	sst s8  }
0x11: {  	[smem:$0x3FAF] =	sst s9;
	s0 =	simm.s32 @!p0 $0x0  }
0x12: {  	s1 =	sld [smem:$0x3F95];
	s0 =	simm.s32 @p0 $0x1  }
0x13: {  	[smem:$0x3FB0] =	sst s0;
	s0 =	simm.s32 @!p1 $0x0  }
0x14: {  	s2 =	sld [smem:$0x3F94];
	s0 =	simm.s32 @p1 $0x1  }
0x15: {  	[smem:$0x3FB1] =	sst s0;
	s0 =	simm.s32 @!p2 $0x0  }
0x16: {  	s3 =	sld [smem:$0x3FDB];
	s0 =	simm.s32 @p2 $0x1  }
0x17: {  	s4 =	simm.s32 $0x1BF5;
	[smem:$0x3FB3] =	sst s0  }
0x18: {  	s0 =	sld [smem:$0x3F96];
	_ =	swait.ge [sflag:s4], $0x0  }
0x19: {  	s7 =	sld [smem:$0x3F97]  }
0x1a: {  	s8 =	sadd.s32 $0xFFFFE003, lr  }
0x1b: {  	s9 =	sadd.s32 $0xFFFFFEF7, lr;
	s5 =	simm.s32 $0xFFFFFFFF;
	p2 =	slt.u32 s8, $0xFFFFF086  }
0x1c: {  	p1 =	slt.u32 s9, $0xF7A;
	s5 =	simm.s32 @!p2 $0x0  }
0x1d: {  	s5 =	simm.s32 @p1 $0x1;
	p0 =	seq.s32 s7, s2  }
0x1e: {  	s7 =	smul.u32 @!p0 $0xF7A, s2;
	p2 =	seq.s32 @!p0 s5, $0x0  }
0x1f: {  	s9 =	smul.u32 $0xF7A, s1;
	s8 =	simm.s32 @!p0 $0x1BF5;
	p2 =	por !p2, p0  }
0x20: {  	[sflag:s8] =	ssyncset.s32 @!p0 $0xFFFFF086;
	s6 =	sadd.s32 @!p0 s3, s7;
	s7 =	simm.s32 @!p0 $0x108  }
0x21: {  	s3 =	sadd.s32 s3, s9;
	s6 =	sadd.s32 @!p0 $0x88, s6;
	s7 =	simm.s32 @p2 $0x1082  }
0x22: {  	[simem:s7], [sflag:s8] =	dma.local @!p0 [hbm:s6], $0xF7A  }
0x23: {  	s9 =	sor.u32 $0xD0000000, s2;
	s6 =	simm.s32 $0x108;
	_ =	swait.ge @!p0 [sflag:s8], $0x0  }
0x24: {  	s3 =	sadd.s32 $0x88, s3;
	s6 =	simm.s32 @!p1 $0x1082;
	[sflag:s4] =	ssyncset.s32 $0xFFFFF086  }
0x25: {  	[simem:s6], [sflag:s4] =	dma.local [hbm:s3], $0xF7A  }
0x26: {  	[smem:$0x3F97] =	sst s1;
	(tag) =	ssettag s2;
	_ =	strace s9  }
0x27: {  	s1 =	sld [smem:$0x3FA7]  }
0x28: {  	s2 =	sld [smem:$0x3FA8]  }
0x29: {  	s4 =	sld [smem:$0x3FAA]  }
0x2a: {  	p0 =	seq.s32 s5, $0x0;
	s5 =	sld [smem:$0x3FAB]  }
0x2b: {  	s6 =	sld [smem:$0x3FAC]  }
0x2c: {  	s7 =	sld [smem:$0x3FAD]  }
0x2d: {  	s3 =	simm.s32 $0x108;
	s8 =	sld [smem:$0x3FAE]  }
0x2e: {  	s3 =	simm.s32 @!p0 $0x1082;
	s9 =	sld [smem:$0x3FAF]  }
0x2f: {  	lr =	sadd.s32 s0, s3;
	s0 =	sld [smem:$0x3FA6]  }
0x30: {  	s3 =	sld [smem:$0x3FA9]  }
0x31: {  	[smem:$0x3FB2] =	sst s10  }
0x32: {  	s10 =	sld [smem:$0x3FB0];
	_ =	sdelay $0x3  }
0x33: {  	p0 =	seq.s32 s10, $0x1;
	s10 =	sld [smem:$0x3FB2];
	_ =	sdelay $0x3  }
0x34: {  	[smem:$0x3FB2] =	sst s10  }
0x35: {  	s10 =	sld [smem:$0x3FB1];
	_ =	sdelay $0x3  }
0x36: {  	p1 =	seq.s32 s10, $0x1;
	s10 =	sld [smem:$0x3FB2];
	_ =	sdelay $0x3  }
0x37: {  	[smem:$0x3FB2] =	sst s10  }
0x38: {  	s10 =	sld [smem:$0x3FB3]  }
0x39: {  	_ = 	snop;
	(pc) =	sbr.ind lr, $3  }
0x3a: {  	_ = 	snop  }
0x3b: {  	_ = 	snop  }
0x3c: {  	p2 =	seq.s32 s10, $0x1;
	s10 =	sld [smem:$0x3FB2]  }
0x3d: {  	_ =	shalt  }
0x3e: {  	_ =	shalt  }
0x3f: {  	_ =	shalt  }
0x40: {  	_ =	shalt  }
0x41: {  	_ =	shalt  }
0x42: {  	_ =	shalt  }
0x43: {  	_ =	shalt  }
0x44: {  	_ =	shalt  }
0x45: {  	_ =	shalt  }
0x46: {  	_ =	shalt  }
0x47: {  	_ =	shalt  }
0x48: {  	_ =	shalt  }
0x49: {  	_ =	shalt  }
0x4a: {  	_ =	shalt  }
0x4b: {  	_ =	shalt  }
0x4c: {  	_ =	shalt  }
0x4d: {  	_ =	shalt  }
0x4e: {  	_ =	shalt  }
0x4f: {  	_ =	shalt  }
0x50: {  	_ =	shalt  }
0x51: {  	_ =	shalt  }
0x52: {  	_ =	shalt  }
0x53: {  	_ =	shalt  }
0x54: {  	_ =	shalt  }
0x55: {  	_ =	shalt  }
0x56: {  	_ =	shalt  }
0x57: {  	_ =	shalt  }
0x58: {  	_ =	shalt  }
0x59: {  	_ =	shalt  }
0x5a: {  	_ =	shalt  }
0x5b: {  	_ =	shalt  }
0x5c: {  	_ =	shalt  }
0x5d: {  	_ =	shalt  }
0x5e: {  	_ =	shalt  }
0x5f: {  	_ =	shalt  }
0x60: {  	_ =	shalt  }
0x61: {  	_ =	shalt  }
0x62: {  	_ =	shalt  }
0x63: {  	_ =	shalt  }
0x64: {  	_ =	shalt  }
0x65: {  	_ =	shalt  }
0x66: {  	_ =	shalt  }
0x67: {  	_ =	shalt  }
0x68: {  	_ =	shalt  }
0x69: {  	_ =	shalt  }
0x6a: {  	_ =	shalt  }
0x6b: {  	_ =	shalt  }
0x6c: {  	_ =	shalt  }
0x6d: {  	_ =	shalt  }
0x6e: {  	_ =	shalt  }
0x6f: {  	_ =	shalt  }
0x70: {  	_ =	shalt  }
0x71: {  	_ =	shalt  }
0x72: {  	_ =	shalt  }
0x73: {  	_ =	shalt  }
0x74: {  	_ =	shalt  }
0x75: {  	_ =	shalt  }
0x76: {  	_ =	shalt  }
0x77: {  	_ =	shalt  }
0x78: {  	_ =	shalt  }
0x79: {  	_ =	shalt  }
0x7a: {  	_ =	shalt  }
0x7b: {  	_ =	shalt  }
0x7c: {  	_ =	shalt  }
0x7d: {  	_ =	shalt  }
0x7e: {  	_ =	shalt  }
0x7f: {  	_ =	shalt  }
0x80: {  	_ =	shalt  }
0x81: {  	_ =	shalt  }
0x82: {  	_ =	shalt  }
0x83: {  	_ =	shalt  }
0x84: {  	_ =	shalt  }
0x85: {  	_ =	shalt  }
0x86: {  	_ =	shalt  }
0x87: {  	_ =	shalt  }
.Lfunc_end0:
.L_simem_size_0:
called_computation_lowered:
.L_overlay_start_0:
0x88: {  	s2 =	sld [smem:$0x3FD9]  }
0x89: {  	s3 =	sld [smem:$0x3FFE];
	_ =	sdelay $0x1  }
0x8a: {  	s1 =	srdreg.scid  }
0x8b: {  	s0 =	sand.u32 $0x1, s1  }
0x8c: {  	s16 =	sshll.u32 s0, $0xA;
	s2 =	sadd.s32 s3, s2  }
0x8d: {  	s2 =	sadd.s32 s2, s16  }
0x8e: {  	[smem:$0x3FBE] =	sst s2  }
0x8f: {  	_ = 	snop  }
0x90: {  	(tm) =	ssettm $0x1  }
0x91: {  	s17 =	sld [smem:$0x3FFB];
	_ =	sdelay $0x3  }
0x92: {  	_ =	strace s17  }
0x93: {  	s2 =	sld [smem:$0x3FFC];
	_ =	sdelay $0x3  }
0x94: {  	_ =	strace s2  }
0x95: {  	s2 =	sld [smem:$0x3FFD];
	_ =	sdelay $0x3  }
0x96: {  	_ =	strace s2  }
0x97: {  	_ =	strace $0x8FFFFFFF  }
0x98: {  	s18 =	sld [smem:$0x3FDB];
	_ =	sdelay $0x1  }
0x99: {  	s19 =	simm.s32 $_scs_section_size  }
0x9a: {  	s4 =	simm.s32 $_size__tile_overlayer_lowered;
	s5 =	simm.s32 $_tile_overlayer_lowered  }
0x9b: {  	s22 =	simm.s32 $0x1BFF;
	s21 =	sshll.u32 s5, $0x1;
	s2 =	sadd.s32 s19, s18  }
0x9c: {  	s6 =	simm.s32 $0x0;
	s20 =	sshll.u32 s4, $0x1;
	s4 =	sadd.s32 s21, s2  }
0x9d: {  	[timem:s6], [sflag:s22] =	dma.local [hbm:s4], s20  }
0x9e: {  	_ =	swait.ge [sflag:s22], s20  }
0x9f: {  	s3 =	ssub.s32 $0x0, s20;
	[sflag:s22] =	ssyncset.done $0x0  }
0xa0: {  	[sflag:s22] =	ssyncadd.s32 s3;
	_ =	sdelay $0x1  }
0xa1: {  	s23 =	simm.s32 $0x1B8B  }
0xa2: {  	_ =	swait.ge [sflag:s23], $0x1  }
0xa3: {  	[sflag:s23] =	ssyncset.done $0x0  }
0xa4: {  	s25 =	simm.s32 $0x1B8E;
	s24 =	sld [smem:$0x3FFE];
	[sflag:s23] =	ssyncadd.s32 $0xFFFFFFFF  }
0xa5: {  	s26 =	simm.s32 $execute0_lowered;
	[smem:$0x3FD2] =	sst s25  }
0xa6: {  	s4 =	sshll.u32 s26, $0x1;
	_ =	strace $0x80000046;
	[dreg:$0x1] =	wrdreg $0xFFFFFFFF  }
0xa7: {  	s28 =	simm.s32 $_size_execute0_lowered;
	s2 =	sadd.s32 s2, s4;
	[dreg:$0x0] =	wrdreg $0x0  }
0xa8: {  	s4 =	sshll.u32 s28, $0x1;
	[dreg:$0x2] =	wrdreg s2  }
0xa9: {  	[dreg:$0x3] =	wrdreg s4  }
0xaa: {  	[dreg:$0x4] =	wrdreg $0xC0  }
0xab: {  	_ =	task [dreg:s6], $0x5FFFF  }
0xac: {  	[dreg:$0x1] =	wrdreg $0xFFFFFFFF  }
0xad: {  	[dreg:$0x0] =	wrdreg $0x60  }
0xae: {  	[dreg:$0x2] =	wrdreg s24  }
0xaf: {  	[dreg:$0x3] =	wrdreg $0x9  }
0xb0: {  	_ =	task.clear_ibuf [dreg:s6], $0x4FFFF;
	_ =	strace $0x90000046  }
0xb1: {  	s29 =	simm.s32 $0x9;
	_ =	strace $0x80000048  }
0xb2: {  	_ =	swait.ge [sflag:s29], $0x1  }
0xb3: {  	[sflag:s29] =	ssyncadd.s32 $0xFFFFFFFF  }
0xb4: {  	_ =	strace $0x90000048  }
0xb5: {  	_ =	sfence  }
0xb6: {  	s30 =	sld [smem:$0x0];
	_ =	sdelay $0x2  }
0xb7: {  	s31 =	sshll.u32 s1, $0xD;
	s1 =	sshrl.u32 s1, $0x2  }
0xb8: {  	s3 =	sand.u32 $0x4000, s31;
	s1 =	sadd.s32 s1, s30  }
0xb9: {  	s0 =	sor.u32 s3, s0;
	s1 =	sshll.u32 s1, $0x11  }
0xba: {  	s0 =	sor.u32 s1, s0  }
0xbb: {  	s0 =	sadd.s32 $0x8F2B, s0  }
0xbc: {  	[sflag:s0] =	ssyncadd.remote.s32 $0x1  }
0xbd: {  	_ =	sfence.sel $0xFFFF  }
0xbe: {  	[dreg:$0x0] =	wrdreg $0xFFFFFFFF;
	(pc) =	sbr.abs _section_cstart, $3  }
0xbf: {  	[dreg:$0x1] =	wrdreg $0xFFFFFFFF  }
0xc0: {  	_ =	task.clear_ibuf [dreg:s6], $0x2FFFF;
	_ =	strace $0x9FFFFFFF  }
0xc1: {  	(tm) =	ssettm $0x7FFFFFFF  }
tec
execute0_lowered:
.L_overlay_start_1:
0x0: {  	(tag) =	ssettag $0x1  }
0x1: {  	s1 =	srdreg.scid  }
0x2: {  	s0 =	stileid.u32;
	s4 =	rddreg [dreg:$0x0];
	s2 =	simm.s32 $0x0  }
0x3: {  	v0 =	vimm.s32 $0x65432100;
	s11 =	simm.s32 $0x14B80;
	s12 =	simm.s32 $0x14A00;
	s13 =	simm.s32 $0x14000  }
0x4: {  	v1 =	vimm.s32 $0xEDCBA987;
	v2 =	vimm.s32 $0xFFEDCBA9;
	v3 =	vimm.s32 $0x87654321;
	s5 =	sand.u32 $0x1, s1;
	s3 =	sshll.u32 s0, $0x1;
	s1 =	rddreg [dreg:$0x1]  }
0x5: {  	s14 =	simm.s32 $0x0;
	[smem:$0x7FF] =	sst s2;
	v1 =	vunpack.c.l.s4.s8 v1;
	v2 =	vunpack.c.l.s4.s8 v2;
	v3 =	vunpack.c.l.s4.s8 v3;
	s6 =	sor.u32 s5, s3  }
0x6: {  	v0 =	vunpack.c.l.s4.s8 v0;
	_ =	strace $0x80000047;
	s5 =	ssub.s32 $0x2, s5;
	s7 =	smul.u32 $0x28, s6  }
0x7: {  	s8 =	smul.u32 $0x2800, s6;
	s9 =	sshll.u32 s6, $0x8;
	v1 =	vunpack.c.0.s8.s32 v1;
	v2 =	vunpack.c.0.s8.s32 v2;
	v3 =	vunpack.c.0.s8.s32 v3;
	s31 =	sshrl.u32 s5, $0x1  }
0x8: {  	vm0 =	vcmask $0x3F3C;
	s3 =	sadd.s32 $0xD200, s4;
	v4 =	vunpack.c.0.s8.s32 v0;
	s9 =	sadd.s32 s9, s4;
	s10 =	ssub.s32 s5, s31  }
0x9: {  	v5 =	vimm.s32 $0x0;
	s7 =	sadd.s32 s7, s4;
	s8 =	sadd.s32 s8, s4;
	s4 =	smul.u32 $0x2710, s6;
	v1 =	vand.u32 $0xF, v1;
	v2 =	vcombine.low v3, v2  }
0xa: {  	v0 =	vimm.f32 $0.0e+00;
	s5 =	sadd.s32 $0x17000, s7;
	s6 =	sadd.s32 $0x17600, s8;
	s7 =	sadd.s32 $0x67600, s9;
	v1 =	vcombine.low v4, v1;
	v4 =	vlaneseq.u32  }
0xb: {  	s8 =	smax.u32 s10, $0x1;
	s9 =	simm.s32 $0x14800;
	s10 =	simm.s32 $0x1;
	v2 =	vand.u32 $0xF, v2;
	v3 =	vor.u32 $0x80000000, v4;
	v4 =	vadd.s32 $0x1, v4  }
.LBB2_1:
0xc: {  	s15 =	simm.s32 $0x200;
	s16 =	simm.s32 $0x0  }
.LBB2_2:
0xd: {  	p0 =	sne.s32 s15, $0x4FE00;
	[tilespmem:s16+$0x0] =	vst v0;
	s16 =	smov.u32 s15;
	s15 =	sadd.s32 $0x200, s15  }
.Ltmp0:
0xe: {  	(pc) =	sbr.rel @p0 .LBB2_2-.Ltmp0, $2  }
0xf: {  	_ =	sdelay $0x2  }
0x10: {  	s16 =	sshra.s32 s16, $0x2  }
0x11: {  	[tilespmem:s16+$0x0] =	vst v0  }
0x12: {  	[tilespmem:$0x14000] =	vst v0  }
0x13: {  	[tilespmem:$0x14080] =	vst v0  }
0x14: {  	[tilespmem:$0x14100] =	vst v0  }
0x15: {  	[tilespmem:$0x14180] =	vst v0  }
0x16: {  	[tilespmem:$0x14200] =	vst v0  }
0x17: {  	[tilespmem:$0x14280] =	vst v0  }
0x18: {  	[tilespmem:$0x14300] =	vst v0  }
0x19: {  	[tilespmem:$0x14380] =	vst v0  }
0x1a: {  	[tilespmem:$0x14400] =	vst v0  }
0x1b: {  	[tilespmem:$0x14480] =	vst v0  }
0x1c: {  	[tilespmem:$0x14500] =	vst v0  }
0x1d: {  	[tilespmem:$0x14580] =	vst v0  }
0x1e: {  	[tilespmem:$0x14600] =	vst v0  }
0x1f: {  	[tilespmem:$0x14680] =	vst v0  }
0x20: {  	[tilespmem:$0x14700] =	vst v0  }
0x21: {  	s15 =	simm.s32 $0x0;
	s16 =	simm.s32 $0x0;
	[tilespmem:$0x14780] =	vst v0  }
.LBB2_4:
0x22: {  	s17 =	smul.u32 $0x190, s16;
	_ =	sdelay $0x1  }
0x23: {  	s17 =	sadd.s32 s4, s17  }
0x24: {  	s17 =	sshrl.u32 s17, $0x3  }
0x25: {  	s17 =	sadd.s32 s3, s17  }
0x26: {  	[tilespmem:s9], [sflag:$0x1] =	stream.linear.gather [hbm4b:s17+s15], $0x190, $0x38;
	[tilespmem:$0x14C00] =	vst v63  }
0x27: {  	_ =	swait.ge [sflag:s10], $0x190  }
0x28: {  	[sflag:s10] =	ssyncset.done $0x0  }
0x29: {  	s31 =	simm.s32 $0x0;
	[sflag:s10] =	ssyncadd.s32 $0xFFFFFE70  }
0x2a: {  	v6 =	vld [tilespmem:s31+$0x14800];
	_ =	sdelay $0x4  }
0x2b: {  	v7 =	vxor.u32 $0x80000000, v6  }
0x2c: {  	(xrf1) =	vsort.ascd.msk.u32 $0xffff, v7, v6;
	_ =	sdelay $0xd  }
0x2d: {  	v6, _, _ =	vpop (xrf1)  }
0x2e: {  	v7 =	vxor.u32 $0x80000000, v6  }
0x2f: {  	[tilespmem:$0x14B80] =	vst v7  }
0x30: {  	v8 =	vld.idx.msk [tilespmem:v1+s11+$0x0], $0xffff;
	_ =	sdelay $0x3  }
0x31: {  	v9 =	vshra.s32 v7, $0x1F  }
0x32: {  	vm1 =	veq.s32 v7, v8;
	v8 =	vshrl.u32 v9, $0x1C  }
0x33: {  	v8 =	vadd.s32 v8, v7  }
0x34: {  	v62 =	vld.idx.msk [tilespmem:v2+s11+$0x0], $0xffff;
	v60 =	vsel vm1, $0x80000000, v3;
	v8 =	vshra.s32 v8, $0x4  }
0x35: {  	vm2 =	vgt.s32 v6, $0xFFFFFFFF;
	vm1 =	vlt.s32 v7, $0x1;
	(xrf0) =	vmax.scan.msk.u32 $0xffff, v60;
	v61 =	vshll.u32 v8, $0x4  }
0x36: {  	vm1 =	vmor vm2, vm1;
	vm2 =	vne.s32 v7, v61  }
0x37: {  	vm1 =	vmand vm1, vm2  }
0x38: {  	v10 =	vsel vm1, $0xFFFFFFFF, v5  }
0x39: {  	vm1 =	vne.s32 v7, v62;
	v8 =	vadd.s32 v10, v8  }
0x3a: {  	v6 =	vand.u32 $0xF, v6;
	vm1 =	vmor vm1, vm0;
	v8 =	vshll.u32 v8, $0x7  }
0x3b: {  	v63, _, _ =	vpop (xrf0);
	v6 =	vor.u32 v6, v8  }
0x3c: {  	v10 =	vxor.u32 $0x80000000, v63  }
0x3d: {  	v7 =	vsub.s32 v4, v10  }
0x3e: {  	s18 =	simm.s32 $0x80;
	s17 =	simm.s32 $0x40;
	v7 =	vcvt.s32.f32 v7  }
.LBB2_5:
0x3f: {  	p0 =	sne.s32 s18, $0x600  }
0x40: {  	s19 =	sshra.s32 s17, $0x2;
	s17 =	smov.u32 s18;
	s18 =	sadd.s32 $0x40, s18;
	[tilespmem:v6+s2+$0x0] =	vst.idx.add.f32.msk vm1, v7  }
0x41: {  	v6 =	vld [tilespmem:s19+$0x14800];
	_ =	sdelay $0x4  }
0x42: {  	v7 =	vxor.u32 $0x80000000, v6  }
0x43: {  	(xrf1) =	vsort.ascd.msk.u32 $0xffff, v7, v6;
	_ =	sdelay $0xd  }
0x44: {  	v6, _, _ =	vpop (xrf1)  }
0x45: {  	v7 =	vxor.u32 $0x80000000, v6  }
0x46: {  	[tilespmem:$0x14B80] =	vst v7;
	v8 =	vshra.s32 v7, $0x1F  }
0x47: {  	v9 =	vld.idx.msk [tilespmem:v1+s11+$0x0], $0xffff;
	v8 =	vshrl.u32 v8, $0x1C  }
0x48: {  	v8 =	vadd.s32 v8, v7  }
0x49: {  	v8 =	vshra.s32 v8, $0x4  }
0x4a: {  	vm2 =	vgt.s32 v6, $0xFFFFFFFF;
	vm1 =	vlt.s32 v7, $0x1;
	v10 =	vshll.u32 v8, $0x4  }
0x4b: {  	vm1 =	vmor vm2, vm1;
	vm2 =	vne.s32 v7, v10  }
0x4c: {  	vm1 =	vmand vm1, vm2  }
0x4d: {  	vm2 =	veq.s32 v7, v9;
	v10 =	vld.idx.msk [tilespmem:v2+s11+$0x0], $0xffff;
	v9 =	vsel vm1, $0xFFFFFFFF, v5  }
0x4e: {  	v11 =	vsel vm2, $0x80000000, v3;
	v8 =	vadd.s32 v9, v8  }
0x4f: {  	v8 =	vshll.u32 v8, $0x7;
	(xrf0) =	vmax.scan.msk.u32 $0xffff, v11;
	_ =	sdelay $0x3  }
0x50: {  	vm1 =	vne.s32 v7, v10  }
.Ltmp1:
0x51: {  	v6 =	vand.u32 $0xF, v6;
	vm1 =	vmor vm1, vm0;
	(pc) =	sbr.rel @p0 .LBB2_5-.Ltmp1, $4  }
0x52: {  	v6 =	vor.u32 v6, v8;
	v7, _, _ =	vpop (xrf0)  }
0x53: {  	v7 =	vxor.u32 $0x80000000, v7  }
0x54: {  	v7 =	vsub.s32 v4, v7  }
0x55: {  	v7 =	vcvt.s32.f32 v7  }
0x56: {  	_ =	sdelay $0x4  }
0x57: {  	s17 =	sshra.s32 s17, $0x2;
	[tilespmem:v6+s2+$0x0] =	vst.idx.add.f32.msk vm1, v7  }
0x58: {  	v6 =	vld [tilespmem:s17+$0x14800];
	_ =	sdelay $0x4  }
0x59: {  	v7 =	vxor.u32 $0x80000000, v6  }
0x5a: {  	(xrf1) =	vsort.ascd.msk.u32 $0xffff, v7, v6;
	_ =	sdelay $0xd  }
0x5b: {  	v6, _, _ =	vpop (xrf1)  }
0x5c: {  	v7 =	vxor.u32 $0x80000000, v6  }
0x5d: {  	[tilespmem:$0x14B80] =	vst v7  }
0x5e: {  	v8 =	vld.idx.msk [tilespmem:v1+s11+$0x0], $0xffff;
	_ =	sdelay $0x1  }
0x5f: {  	v9 =	vshra.s32 v7, $0x1F  }
0x60: {  	v9 =	vshrl.u32 v9, $0x1C  }
0x61: {  	v9 =	vadd.s32 v9, v7  }
0x62: {  	vm2 =	vgt.s32 v6, $0xFFFFFFFF;
	v60 =	vshra.s32 v9, $0x4;
	vm1 =	veq.s32 v7, v8  }
0x63: {  	v61 =	vld.idx.msk [tilespmem:v2+s11+$0x0], $0xffff;
	v62 =	vshll.u32 v60, $0x4;
	v10 =	vsel vm1, $0x80000000, v3;
	vm1 =	vlt.s32 v7, $0x1  }
0x64: {  	vm1 =	vmor vm2, vm1;
	vm2 =	vne.s32 v7, v62  }
0x65: {  	(xrf0) =	vmax.scan.msk.u32 $0xffff, v10;
	vm1 =	vmand vm1, vm2  }
0x66: {  	v63 =	vsel vm1, $0xFFFFFFFF, v5  }
0x67: {  	v8 =	vadd.s32 v63, v60  }
0x68: {  	vm1 =	vne.s32 v7, v61;
	v7 =	vshll.u32 v8, $0x7;
	_ =	sdelay $0x1  }
0x69: {  	s16 =	sadd.s32 $0x1, s16;
	v6 =	vand.u32 $0xF, v6;
	vm1 =	vmor vm1, vm0  }
0x6a: {  	p0 =	sne.s32 s16, $0x19;
	v6 =	vor.u32 v6, v7;
	v7, _, _ =	vpop (xrf0)  }
.Ltmp2:
0x6b: {  	v7 =	vxor.u32 $0x80000000, v7;
	(pc) =	sbr.rel @p0 .LBB2_4-.Ltmp2, $3  }
0x6c: {  	v7 =	vsub.s32 v4, v7  }
0x6d: {  	v7 =	vcvt.s32.f32 v7;
	_ =	sdelay $0x1  }
0x6e: {  	[tilespmem:v6+s2+$0x0] =	vst.idx.add.f32.msk vm1, v7  }
0x6f: {  	s15 =	simm.s32 $0x0  }
0x70: {  	[tilespmem:s12], [sflag:$0x1] =	stream.linear.gather [hbm4b:s5+s15], $0x140, $0x38;
	[tilespmem:$0x14C00] =	vst v63  }
0x71: {  	_ =	swait.ge [sflag:s10], $0x140  }
0x72: {  	[sflag:s10] =	ssyncset.done $0x0  }
0x73: {  	s31 =	simm.s32 $0x0;
	[sflag:s10] =	ssyncadd.s32 $0xFFFFFEC0  }
0x74: {  	v6 =	vld [tilespmem:s31+$0x14A00];
	_ =	sdelay $0x4  }
0x75: {  	v7 =	vxor.u32 $0x80000000, v6  }
0x76: {  	(xrf1) =	vsort.ascd.msk.u32 $0xffff, v7, v6;
	_ =	sdelay $0xd  }
0x77: {  	v6, _, _ =	vpop (xrf1)  }
0x78: {  	v7 =	vxor.u32 $0x80000000, v6  }
0x79: {  	[tilespmem:$0x14B80] =	vst v7  }
0x7a: {  	v8 =	vld.idx.msk [tilespmem:v1+s11+$0x0], $0xffff;
	_ =	sdelay $0x3  }
0x7b: {  	v9 =	vshra.s32 v7, $0x1F  }
0x7c: {  	vm1 =	veq.s32 v7, v8;
	v8 =	vshrl.u32 v9, $0x1C  }
0x7d: {  	v8 =	vadd.s32 v8, v7  }
0x7e: {  	v62 =	vld.idx.msk [tilespmem:v2+s11+$0x0], $0xffff;
	v60 =	vsel vm1, $0x80000000, v3;
	v8 =	vshra.s32 v8, $0x4  }
0x7f: {  	vm2 =	vgt.s32 v6, $0xFFFFFFFF;
	vm1 =	vlt.s32 v7, $0x1;
	(xrf0) =	vmax.scan.msk.u32 $0xffff, v60;
	v61 =	vshll.u32 v8, $0x4  }
0x80: {  	vm1 =	vmor vm2, vm1;
	vm2 =	vne.s32 v7, v61  }
0x81: {  	vm1 =	vmand vm1, vm2  }
0x82: {  	v10 =	vsel vm1, $0xFFFFFFFF, v5  }
0x83: {  	vm1 =	vne.s32 v7, v62;
	v8 =	vadd.s32 v10, v8  }
0x84: {  	v6 =	vand.u32 $0xF, v6;
	vm1 =	vmor vm1, vm0;
	v8 =	vshll.u32 v8, $0x7  }
0x85: {  	v63, _, _ =	vpop (xrf0);
	v6 =	vor.u32 v6, v8  }
0x86: {  	v10 =	vxor.u32 $0x80000000, v63  }
0x87: {  	v7 =	vsub.s32 v4, v10  }
0x88: {  	s16 =	simm.s32 $0x80;
	s15 =	simm.s32 $0x40;
	v7 =	vcvt.s32.f32 v7  }
.LBB2_8:
0x89: {  	p0 =	sne.s32 s16, $0x4C0  }
0x8a: {  	s17 =	sshra.s32 s15, $0x2;
	s15 =	smov.u32 s16;
	s16 =	sadd.s32 $0x40, s16;
	[tilespmem:v6+s13+$0x0] =	vst.idx.add.f32.msk vm1, v7  }
0x8b: {  	v6 =	vld [tilespmem:s17+$0x14A00];
	_ =	sdelay $0x4  }
0x8c: {  	v7 =	vxor.u32 $0x80000000, v6  }
0x8d: {  	(xrf1) =	vsort.ascd.msk.u32 $0xffff, v7, v6;
	_ =	sdelay $0xd  }
0x8e: {  	v6, _, _ =	vpop (xrf1)  }
0x8f: {  	v7 =	vxor.u32 $0x80000000, v6  }
0x90: {  	[tilespmem:$0x14B80] =	vst v7;
	v8 =	vshra.s32 v7, $0x1F  }
0x91: {  	v9 =	vld.idx.msk [tilespmem:v1+s11+$0x0], $0xffff;
	v8 =	vshrl.u32 v8, $0x1C  }
0x92: {  	v8 =	vadd.s32 v8, v7  }
0x93: {  	v8 =	vshra.s32 v8, $0x4  }
0x94: {  	vm2 =	vgt.s32 v6, $0xFFFFFFFF;
	vm1 =	vlt.s32 v7, $0x1;
	v10 =	vshll.u32 v8, $0x4  }
0x95: {  	vm1 =	vmor vm2, vm1;
	vm2 =	vne.s32 v7, v10  }
0x96: {  	vm1 =	vmand vm1, vm2  }
0x97: {  	vm2 =	veq.s32 v7, v9;
	v10 =	vld.idx.msk [tilespmem:v2+s11+$0x0], $0xffff;
	v9 =	vsel vm1, $0xFFFFFFFF, v5  }
0x98: {  	v11 =	vsel vm2, $0x80000000, v3;
	v8 =	vadd.s32 v9, v8  }
0x99: {  	v8 =	vshll.u32 v8, $0x7;
	(xrf0) =	vmax.scan.msk.u32 $0xffff, v11;
	_ =	sdelay $0x3  }
0x9a: {  	vm1 =	vne.s32 v7, v10  }
.Ltmp3:
0x9b: {  	v6 =	vand.u32 $0xF, v6;
	vm1 =	vmor vm1, vm0;
	(pc) =	sbr.rel @p0 .LBB2_8-.Ltmp3, $4  }
0x9c: {  	v6 =	vor.u32 v6, v8;
	v7, _, _ =	vpop (xrf0)  }
0x9d: {  	v7 =	vxor.u32 $0x80000000, v7  }
0x9e: {  	v7 =	vsub.s32 v4, v7  }
0x9f: {  	v7 =	vcvt.s32.f32 v7  }
0xa0: {  	_ =	sdelay $0x4  }
0xa1: {  	s15 =	sshra.s32 s15, $0x2;
	[tilespmem:v6+s13+$0x0] =	vst.idx.add.f32.msk vm1, v7  }
0xa2: {  	v6 =	vld [tilespmem:s15+$0x14A00];
	_ =	sdelay $0x4  }
0xa3: {  	v7 =	vxor.u32 $0x80000000, v6  }
0xa4: {  	(xrf1) =	vsort.ascd.msk.u32 $0xffff, v7, v6;
	_ =	sdelay $0xd  }
0xa5: {  	v6, _, _ =	vpop (xrf1)  }
0xa6: {  	v7 =	vxor.u32 $0x80000000, v6  }
0xa7: {  	[tilespmem:$0x14B80] =	vst v7  }
0xa8: {  	v8 =	vld.idx.msk [tilespmem:v1+s11+$0x0], $0xffff;
	_ =	sdelay $0x1  }
0xa9: {  	v9 =	vshra.s32 v7, $0x1F  }
0xaa: {  	v9 =	vshrl.u32 v9, $0x1C  }
0xab: {  	v9 =	vadd.s32 v9, v7  }
0xac: {  	vm2 =	vgt.s32 v6, $0xFFFFFFFF;
	v60 =	vshra.s32 v9, $0x4;
	vm1 =	veq.s32 v7, v8  }
0xad: {  	v61 =	vld.idx.msk [tilespmem:v2+s11+$0x0], $0xffff;
	v62 =	vshll.u32 v60, $0x4;
	v10 =	vsel vm1, $0x80000000, v3;
	vm1 =	vlt.s32 v7, $0x1  }
0xae: {  	vm1 =	vmor vm2, vm1;
	vm2 =	vne.s32 v7, v62  }
0xaf: {  	(xrf0) =	vmax.scan.msk.u32 $0xffff, v10;
	vm1 =	vmand vm1, vm2  }
0xb0: {  	v63 =	vsel vm1, $0xFFFFFFFF, v5  }
0xb1: {  	v8 =	vadd.s32 v63, v60  }
0xb2: {  	vm1 =	vne.s32 v7, v61;
	v7 =	vshll.u32 v8, $0x7;
	_ =	sdelay $0x1  }
0xb3: {  	v6 =	vand.u32 $0xF, v6;
	vm1 =	vmor vm1, vm0  }
0xb4: {  	v6 =	vor.u32 v6, v7;
	v7, _, _ =	vpop (xrf0)  }
0xb5: {  	v7 =	vxor.u32 $0x80000000, v7  }
0xb6: {  	v7 =	vsub.s32 v4, v7  }
0xb7: {  	v7 =	vcvt.s32.f32 v7;
	_ =	sdelay $0x1  }
0xb8: {  	[tilespmem:v6+s13+$0x0] =	vst.idx.add.f32.msk vm1, v7  }
0xb9: {  	[hbm4b:s6+s2] =	stream.linear.scatter [tilespmem:s2], [sflag:$0x1], $0x14000, $0x38;
	[tilespmem:$0x14C00] =	vst v63  }
0xba: {  	s14 =	sadd.s32 $0x1, s14;
	_ =	swait.ge [sflag:s10], $0x14000  }
0xbb: {  	p0 =	sne.s32 s14, s8;
	[sflag:s10] =	ssyncset.done $0x0  }
.Ltmp4:
0xbc: {  	[sflag:s10] =	ssyncadd.s32 $0xFFFEC000;
	(pc) =	sbr.rel @p0 .LBB2_1-.Ltmp4, $4  }
0xbd: {  	[hbm4b:s7+s2] =	stream.linear.scatter [tilespmem:s13], [sflag:$0x1], $0x800, $0x38;
	[tilespmem:$0x14C00] =	vst v63  }
0xbe: {  	_ =	swait.ge [sflag:s10], $0x800  }
0xbf: {  	[sflag:s10] =	ssyncset.done $0x0  }
0xc0: {  	[sflag:s10] =	ssyncadd.s32 $0xFFFFF800  }
0xc1: {  	_ =	sfence.sel $0x180000  }
0xc2: {  	[bflag:$0x0] =	sbarrier.arrive $0xFFFF  }
0xc3: {  	p0 =	sne.s32 s0, $0x0;
	_ =	strace $0x90000047  }
0xc4: {  	s0 =	sadd.s32 @!p0 $0x100000, s1;
	[bflag:$0x2] =	sbarrier.arrive $0xFFFF  }
0xc5: {  	[sflag:s0] =	ssyncadd.tile.s32 @!p0 $0x1;
	_ =	shalt  }
.Lfunc_end2:
_tile_overlayer_lowered:
.L_overlay_start_2:
0xc6: {  	(tag) =	ssettag $0x2  }
0xc7: {  	s0 =	rddreg [dreg:$0x0];
	s2 =	stileid.u32  }
0xc8: {  	s1 =	rddreg [dreg:$0x1];
	p0 =	sne.s32 s2, $0x0  }
0xc9: {  	s3 =	rddreg [dreg:$0x2];
	[bflag:$0x3] =	sbarrier.arrive $0xFFFF;
	s2 =	simm.s32 @!p0 $0x1C01  }
0xca: {  	[timem:s3], [sflag:s2] =	dma.local @!p0 [hbm:s0], s1  }
0xcb: {  	s0 =	simm.s32 @!p0 $0x1  }
0xcc: {  	_ =	swait.ge @!p0 [sflag:s0], s1  }
0xcd: {  	s1 =	ssub.s32 @!p0 $0x0, s1;
	[sflag:s0] =	ssyncset.done @!p0 $0x0  }
0xce: {  	[sflag:s0] =	ssyncadd.s32 @!p0 s1  }
0xcf: {  	[bflag:$0x3] =	sbarrier.arrive $0xFFFF  }
0xd0: {  	_ =	shalt  }

// kernel: kernel.13.cloned.1.call-start
scs
__scs_entry_jumppad:
0x0: {  	(pc) =	sbr.rel $0x88, $3  }
0x1: {  	(tag) =	ssettag $0x0;
	lr =	simm.s32 $0x1  }
0x2: {  	[smem:$0x3F97] =	sst lr;
	_ =	strace $0xD0000000  }
0x3: {  	_ = 	snop  }
0x4: {  	_ = 	snop  }
0x5: {  	_ = 	snop  }
0x6: {  	_ = 	snop  }
0x7: {  	_ = 	snop  }
__scs_overlays_trampoline_lowered:
0x8: {  	[smem:$0x3FA6] =	sst s0  }
0x9: {  	[smem:$0x3FA7] =	sst s1  }
0xa: {  	[smem:$0x3FA8] =	sst s2  }
0xb: {  	[smem:$0x3FA9] =	sst s3  }
0xc: {  	[smem:$0x3FAA] =	sst s4  }
0xd: {  	[smem:$0x3FAB] =	sst s5  }
0xe: {  	[smem:$0x3FAC] =	sst s6  }
0xf: {  	[smem:$0x3FAD] =	sst s7  }
0x10: {  	[smem:$0x3FAE] =	sst s8  }
0x11: {  	[smem:$0x3FAF] =	sst s9;
	s0 =	simm.s32 @!p0 $0x0  }
0x12: {  	s1 =	sld [smem:$0x3F95];
	s0 =	simm.s32 @p0 $0x1  }
0x13: {  	[smem:$0x3FB0] =	sst s0;
	s0 =	simm.s32 @!p1 $0x0  }
0x14: {  	s2 =	sld [smem:$0x3F94];
	s0 =	simm.s32 @p1 $0x1  }
0x15: {  	[smem:$0x3FB1] =	sst s0;
	s0 =	simm.s32 @!p2 $0x0  }
0x16: {  	s3 =	sld [smem:$0x3FDB];
	s0 =	simm.s32 @p2 $0x1  }
0x17: {  	s4 =	simm.s32 $0x1BF5;
	[smem:$0x3FB3] =	sst s0  }
0x18: {  	s0 =	sld [smem:$0x3F96];
	_ =	swait.ge [sflag:s4], $0x0  }
0x19: {  	s7 =	sld [smem:$0x3F97]  }
0x1a: {  	s8 =	sadd.s32 $0xFFFFE003, lr  }
0x1b: {  	s9 =	sadd.s32 $0xFFFFFEF7, lr;
	s5 =	simm.s32 $0xFFFFFFFF;
	p2 =	slt.u32 s8, $0xFFFFF086  }
0x1c: {  	p1 =	slt.u32 s9, $0xF7A;
	s5 =	simm.s32 @!p2 $0x0  }
0x1d: {  	s5 =	simm.s32 @p1 $0x1;
	p0 =	seq.s32 s7, s2  }
0x1e: {  	s7 =	smul.u32 @!p0 $0xF7A, s2;
	p2 =	seq.s32 @!p0 s5, $0x0  }
0x1f: {  	s9 =	smul.u32 $0xF7A, s1;
	s8 =	simm.s32 @!p0 $0x1BF5;
	p2 =	por !p2, p0  }
0x20: {  	[sflag:s8] =	ssyncset.s32 @!p0 $0xFFFFF086;
	s6 =	sadd.s32 @!p0 s3, s7;
	s7 =	simm.s32 @!p0 $0x108  }
0x21: {  	s3 =	sadd.s32 s3, s9;
	s6 =	sadd.s32 @!p0 $0x88, s6;
	s7 =	simm.s32 @p2 $0x1082  }
0x22: {  	[simem:s7], [sflag:s8] =	dma.local @!p0 [hbm:s6], $0xF7A  }
0x23: {  	s9 =	sor.u32 $0xD0000000, s2;
	s6 =	simm.s32 $0x108;
	_ =	swait.ge @!p0 [sflag:s8], $0x0  }
0x24: {  	s3 =	sadd.s32 $0x88, s3;
	s6 =	simm.s32 @!p1 $0x1082;
	[sflag:s4] =	ssyncset.s32 $0xFFFFF086  }
0x25: {  	[simem:s6], [sflag:s4] =	dma.local [hbm:s3], $0xF7A  }
0x26: {  	[smem:$0x3F97] =	sst s1;
	(tag) =	ssettag s2;
	_ =	strace s9  }
0x27: {  	s1 =	sld [smem:$0x3FA7]  }
0x28: {  	s2 =	sld [smem:$0x3FA8]  }
0x29: {  	s4 =	sld [smem:$0x3FAA]  }
0x2a: {  	p0 =	seq.s32 s5, $0x0;
	s5 =	sld [smem:$0x3FAB]  }
0x2b: {  	s6 =	sld [smem:$0x3FAC]  }
0x2c: {  	s7 =	sld [smem:$0x3FAD]  }
0x2d: {  	s3 =	simm.s32 $0x108;
	s8 =	sld [smem:$0x3FAE]  }
0x2e: {  	s3 =	simm.s32 @!p0 $0x1082;
	s9 =	sld [smem:$0x3FAF]  }
0x2f: {  	lr =	sadd.s32 s0, s3;
	s0 =	sld [smem:$0x3FA6]  }
0x30: {  	s3 =	sld [smem:$0x3FA9]  }
0x31: {  	[smem:$0x3FB2] =	sst s10  }
0x32: {  	s10 =	sld [smem:$0x3FB0];
	_ =	sdelay $0x3  }
0x33: {  	p0 =	seq.s32 s10, $0x1;
	s10 =	sld [smem:$0x3FB2];
	_ =	sdelay $0x3  }
0x34: {  	[smem:$0x3FB2] =	sst s10  }
0x35: {  	s10 =	sld [smem:$0x3FB1];
	_ =	sdelay $0x3  }
0x36: {  	p1 =	seq.s32 s10, $0x1;
	s10 =	sld [smem:$0x3FB2];
	_ =	sdelay $0x3  }
0x37: {  	[smem:$0x3FB2] =	sst s10  }
0x38: {  	s10 =	sld [smem:$0x3FB3]  }
0x39: {  	_ = 	snop;
	(pc) =	sbr.ind lr, $3  }
0x3a: {  	_ = 	snop  }
0x3b: {  	_ = 	snop  }
0x3c: {  	p2 =	seq.s32 s10, $0x1;
	s10 =	sld [smem:$0x3FB2]  }
0x3d: {  	_ =	shalt  }
0x3e: {  	_ =	shalt  }
0x3f: {  	_ =	shalt  }
0x40: {  	_ =	shalt  }
0x41: {  	_ =	shalt  }
0x42: {  	_ =	shalt  }
0x43: {  	_ =	shalt  }
0x44: {  	_ =	shalt  }
0x45: {  	_ =	shalt  }
0x46: {  	_ =	shalt  }
0x47: {  	_ =	shalt  }
0x48: {  	_ =	shalt  }
0x49: {  	_ =	shalt  }
0x4a: {  	_ =	shalt  }
0x4b: {  	_ =	shalt  }
0x4c: {  	_ =	shalt  }
0x4d: {  	_ =	shalt  }
0x4e: {  	_ =	shalt  }
0x4f: {  	_ =	shalt  }
0x50: {  	_ =	shalt  }
0x51: {  	_ =	shalt  }
0x52: {  	_ =	shalt  }
0x53: {  	_ =	shalt  }
0x54: {  	_ =	shalt  }
0x55: {  	_ =	shalt  }
0x56: {  	_ =	shalt  }
0x57: {  	_ =	shalt  }
0x58: {  	_ =	shalt  }
0x59: {  	_ =	shalt  }
0x5a: {  	_ =	shalt  }
0x5b: {  	_ =	shalt  }
0x5c: {  	_ =	shalt  }
0x5d: {  	_ =	shalt  }
0x5e: {  	_ =	shalt  }
0x5f: {  	_ =	shalt  }
0x60: {  	_ =	shalt  }
0x61: {  	_ =	shalt  }
0x62: {  	_ =	shalt  }
0x63: {  	_ =	shalt  }
0x64: {  	_ =	shalt  }
0x65: {  	_ =	shalt  }
0x66: {  	_ =	shalt  }
0x67: {  	_ =	shalt  }
0x68: {  	_ =	shalt  }
0x69: {  	_ =	shalt  }
0x6a: {  	_ =	shalt  }
0x6b: {  	_ =	shalt  }
0x6c: {  	_ =	shalt  }
0x6d: {  	_ =	shalt  }
0x6e: {  	_ =	shalt  }
0x6f: {  	_ =	shalt  }
0x70: {  	_ =	shalt  }
0x71: {  	_ =	shalt  }
0x72: {  	_ =	shalt  }
0x73: {  	_ =	shalt  }
0x74: {  	_ =	shalt  }
0x75: {  	_ =	shalt  }
0x76: {  	_ =	shalt  }
0x77: {  	_ =	shalt  }
0x78: {  	_ =	shalt  }
0x79: {  	_ =	shalt  }
0x7a: {  	_ =	shalt  }
0x7b: {  	_ =	shalt  }
0x7c: {  	_ =	shalt  }
0x7d: {  	_ =	shalt  }
0x7e: {  	_ =	shalt  }
0x7f: {  	_ =	shalt  }
0x80: {  	_ =	shalt  }
0x81: {  	_ =	shalt  }
0x82: {  	_ =	shalt  }
0x83: {  	_ =	shalt  }
0x84: {  	_ =	shalt  }
0x85: {  	_ =	shalt  }
0x86: {  	_ =	shalt  }
0x87: {  	_ =	shalt  }
.Lfunc_end0:
.L_simem_size_0:
called_computation.1_lowered:
.L_overlay_start_0:
0x88: {  	s2 =	sld [smem:$0x3FD9]  }
0x89: {  	s3 =	sld [smem:$0x3FFE];
	_ =	sdelay $0x1  }
0x8a: {  	s1 =	srdreg.scid  }
0x8b: {  	s0 =	sand.u32 $0x1, s1  }
0x8c: {  	s16 =	sshll.u32 s0, $0xA;
	s2 =	sadd.s32 s3, s2  }
0x8d: {  	s2 =	sadd.s32 s2, s16  }
0x8e: {  	[smem:$0x3FBE] =	sst s2  }
0x8f: {  	_ = 	snop  }
0x90: {  	(tm) =	ssettm $0x1  }
0x91: {  	s17 =	sld [smem:$0x3FFB];
	_ =	sdelay $0x3  }
0x92: {  	_ =	strace s17  }
0x93: {  	s2 =	sld [smem:$0x3FFC];
	_ =	sdelay $0x3  }
0x94: {  	_ =	strace s2  }
0x95: {  	s2 =	sld [smem:$0x3FFD];
	_ =	sdelay $0x3  }
0x96: {  	_ =	strace s2  }
0x97: {  	_ =	strace $0x8FFFFFFF  }
0x98: {  	s18 =	sld [smem:$0x3FDB];
	_ =	sdelay $0x1  }
0x99: {  	s19 =	simm.s32 $_scs_section_size  }
0x9a: {  	s4 =	simm.s32 $_size__tile_overlayer_lowered;
	s5 =	simm.s32 $_tile_overlayer_lowered  }
0x9b: {  	s22 =	simm.s32 $0x1BFF;
	s21 =	sshll.u32 s5, $0x1;
	s2 =	sadd.s32 s19, s18  }
0x9c: {  	s6 =	simm.s32 $0x0;
	s20 =	sshll.u32 s4, $0x1;
	s4 =	sadd.s32 s21, s2  }
0x9d: {  	[timem:s6], [sflag:s22] =	dma.local [hbm:s4], s20  }
0x9e: {  	_ =	swait.ge [sflag:s22], s20  }
0x9f: {  	s3 =	ssub.s32 $0x0, s20;
	[sflag:s22] =	ssyncset.done $0x0  }
0xa0: {  	[sflag:s22] =	ssyncadd.s32 s3;
	_ =	sdelay $0x1  }
0xa1: {  	s23 =	simm.s32 $0x1B8B  }
0xa2: {  	_ =	swait.ge [sflag:s23], $0x1  }
0xa3: {  	[sflag:s23] =	ssyncset.done $0x0  }
0xa4: {  	s25 =	simm.s32 $0x1B8E;
	s24 =	sld [smem:$0x3FFE];
	[sflag:s23] =	ssyncadd.s32 $0xFFFFFFFF  }
0xa5: {  	s26 =	simm.s32 $execute0_lowered;
	[smem:$0x3FD2] =	sst s25  }
0xa6: {  	s4 =	sshll.u32 s26, $0x1;
	_ =	strace $0x80000049;
	[dreg:$0x1] =	wrdreg $0xFFFFFFFF  }
0xa7: {  	s28 =	simm.s32 $_size_execute0_lowered;
	s2 =	sadd.s32 s2, s4;
	[dreg:$0x0] =	wrdreg $0x0  }
0xa8: {  	s4 =	sshll.u32 s28, $0x1;
	[dreg:$0x2] =	wrdreg s2  }
0xa9: {  	[dreg:$0x3] =	wrdreg s4  }
0xaa: {  	[dreg:$0x4] =	wrdreg $0xC0  }
0xab: {  	_ =	task [dreg:s6], $0x5FFFF  }
0xac: {  	[dreg:$0x1] =	wrdreg $0xFFFFFFFF  }
0xad: {  	[dreg:$0x0] =	wrdreg $0x60  }
0xae: {  	[dreg:$0x2] =	wrdreg s24  }
0xaf: {  	[dreg:$0x3] =	wrdreg $0xA4000  }
0xb0: {  	[dreg:$0x4] =	wrdreg $0x9  }
0xb1: {  	_ =	task.clear_ibuf [dreg:s6], $0x5FFFF;
	_ =	strace $0x90000049  }
0xb2: {  	s29 =	simm.s32 $0x9;
	_ =	strace $0x8000004B  }
0xb3: {  	_ =	swait.ge [sflag:s29], $0x1  }
0xb4: {  	[sflag:s29] =	ssyncadd.s32 $0xFFFFFFFF  }
0xb5: {  	_ =	strace $0x9000004B  }
0xb6: {  	_ =	sfence  }
0xb7: {  	s30 =	sld [smem:$0x0];
	_ =	sdelay $0x2  }
0xb8: {  	s31 =	sshll.u32 s1, $0xD;
	s1 =	sshrl.u32 s1, $0x2  }
0xb9: {  	s3 =	sand.u32 $0x4000, s31;
	s1 =	sadd.s32 s1, s30  }
0xba: {  	s0 =	sor.u32 s3, s0;
	s1 =	sshll.u32 s1, $0x11  }
0xbb: {  	s0 =	sor.u32 s1, s0  }
0xbc: {  	s0 =	sadd.s32 $0x8F2B, s0  }
0xbd: {  	[sflag:s0] =	ssyncadd.remote.s32 $0x1  }
0xbe: {  	_ =	sfence.sel $0xFFFF  }
0xbf: {  	[dreg:$0x0] =	wrdreg $0xFFFFFFFF;
	(pc) =	sbr.abs _section_cstart, $3  }
0xc0: {  	[dreg:$0x1] =	wrdreg $0xFFFFFFFF  }
0xc1: {  	_ =	task.clear_ibuf [dreg:s6], $0x2FFFF;
	_ =	strace $0x9FFFFFFF  }
0xc2: {  	(tm) =	ssettm $0x7FFFFFFF  }
0xc3: {  	_ =	shalt  }
tec
execute0_lowered:
.L_overlay_start_1:
0x0: {  	(tag) =	ssettag $0x1  }
0x1: {  	s3 =	rddreg [dreg:$0x0]  }
0x2: {  	s1 =	rddreg [dreg:$0x1];
	s2 =	simm.s32 $0x0  }
0x3: {  	s0 =	srdreg.scid;
	s20 =	stileid.u32;
	s30 =	simm.s32 $0x9  }
0x4: {  	s31 =	simm.s32 $0xA000;
	s28 =	simm.s32 $0x4;
	[smem:$0x7FF] =	sst s2  }
0x5: {  	s6 =	sand.u32 $0x1, s0;
	s4 =	sadd.s32 $0x3400, s3;
	s5 =	sadd.s32 $0xD200, s3  }
0x6: {  	s8 =	smul.u32 $0x14000, s20;
	s9 =	sadd.s32 $0x3E800, s3;
	s25 =	sshll.u32 s20, $0x1  }
0x7: {  	s17 =	smul.u32 $0x4E20, s20;
	_ =	strace $0x8000004A;
	[smem:$0x7FC] =	sst s4  }
0x8: {  	s0 =	ssub.s32 $0x2, s6;
	s14 =	smul.u32 $0x140000, s6;
	[smem:$0x7FD] =	sst s5  }
0x9: {  	s7 =	sshrl.u32 s0, $0x1;
	s10 =	sor.u32 $0x2800, s8;
	s11 =	sadd.s32 $0x5000, s8  }
0xa: {  	s12 =	sadd.s32 $0x7800, s8;
	s13 =	sadd.s32 $0xA000, s8;
	s15 =	sadd.s32 $0xC800, s8  }
0xb: {  	s16 =	sadd.s32 $0xF000, s8;
	s0 =	ssub.s32 s0, s7;
	s7 =	sor.u32 s6, s25  }
0xc: {  	s18 =	sadd.s32 s8, s14;
	s19 =	sadd.s32 s14, s10;
	s6 =	smul.u32 $0x2710, s6  }
0xd: {  	s8 =	sadd.s32 $0x11800, s8;
	s24 =	sadd.s32 s14, s13;
	s29 =	sadd.s32 s13, s1  }
0xe: {  	s13 =	simm.s32 $0x2;
	s18 =	sshrl.u32 s18, $0x3;
	s19 =	sshrl.u32 s19, $0x3  }
0xf: {  	s0 =	smax.u32 s0, $0x1;
	[dreg:$0x15] =	wrdreg s29;
	s18 =	sadd.s32 s9, s18  }
0x10: {  	s26 =	sadd.s32 s9, s19;
	s6 =	sadd.s32 s6, s17;
	[dreg:$0x1d] =	wrdreg s0  }
0x11: {  	s19 =	sadd.s32 s14, s12;
	s0 =	simm.s32 $0xA200;
	[dreg:$0x9] =	wrdreg s18  }
0x12: {  	[dreg:$0xa] =	wrdreg s26;
	s18 =	sadd.s32 s14, s11;
	s21 =	sadd.s32 $0x190, s6  }
0x13: {  	s25 =	sadd.s32 $0xF0, s6;
	s17 =	sshrl.u32 s18, $0x3;
	s18 =	sshrl.u32 s19, $0x3  }
0x14: {  	s19 =	sshrl.u32 s21, $0x3;
	s21 =	sadd.s32 s14, s16;
	s16 =	sadd.s32 s16, s1  }
0x15: {  	s17 =	sadd.s32 s9, s17;
	s22 =	sadd.s32 s9, s18;
	[dreg:$0x17] =	wrdreg s16  }
0x16: {  	s23 =	sadd.s32 s19, s5;
	s18 =	sshrl.u32 s24, $0x3;
	[dreg:$0xb] =	wrdreg s17  }
0x17: {  	s19 =	sadd.s32 s19, s4;
	s24 =	smul.u32 $0x50000, s20;
	[dreg:$0xc] =	wrdreg s22  }
0x18: {  	s20 =	sadd.s32 s10, s1;
	s10 =	smul.u32 $0x2710, s7;
	[dreg:$0x3] =	wrdreg s23  }
0x19: {  	s17 =	sshrl.u32 s25, $0x3;
	s18 =	sadd.s32 s9, s18;
	[dreg:$0x4] =	wrdreg s19  }
0x1a: {  	s19 =	sadd.s32 s14, s15;
	s22 =	sadd.s32 $0xA0, s6;
	[dreg:$0x12] =	wrdreg s20  }
0x1b: {  	s14 =	sadd.s32 s14, s8;
	s15 =	sadd.s32 s15, s1;
	[dreg:$0xd] =	wrdreg s18  }
0x1c: {  	s26 =	sadd.s32 s17, s5;
	s17 =	sadd.s32 s17, s4;
	s18 =	sshrl.u32 s19, $0x3  }
0x1d: {  	s23 =	sshrl.u32 s22, $0x3;
	s14 =	sshrl.u32 s14, $0x3;
	[dreg:$0x16] =	wrdreg s15  }
0x1e: {  	s22 =	sadd.s32 s12, s1;
	s12 =	simm.s32 $0x5000;
	[dreg:$0x5] =	wrdreg s26  }
0x1f: {  	s15 =	simm.s32 $0x6;
	[dreg:$0x6] =	wrdreg s17;
	s18 =	sadd.s32 s9, s18  }
0x20: {  	s17 =	sshrl.u32 s21, $0x3;
	s25 =	sadd.s32 s23, s5;
	[dreg:$0x14] =	wrdreg s22  }
0x21: {  	s26 =	sadd.s32 s23, s4;
	s21 =	sadd.s32 s11, s1;
	[dreg:$0xe] =	wrdreg s18  }
0x22: {  	s11 =	simm.s32 $0xA300;
	s17 =	sadd.s32 s9, s17;
	[dreg:$0x7] =	wrdreg s25  }
0x23: {  	s9 =	sadd.s32 s9, s14;
	[dreg:$0x8] =	wrdreg s26;
	s14 =	sadd.s32 $0x17600, s3  }
0x24: {  	s3 =	sshrl.u32 s10, $0x3;
	s26 =	sadd.s32 $0x140, s6;
	[dreg:$0x13] =	wrdreg s21  }
0x25: {  	s10 =	simm.s32 $0xA100;
	s6 =	simm.s32 $0x5;
	[dreg:$0xf] =	wrdreg s17  }
0x26: {  	[dreg:$0x10] =	wrdreg s9;
	s9 =	sshrl.u32 s24, $0x2;
	s17 =	sadd.s32 s8, s1  }
0x27: {  	s18 =	sadd.s32 s4, s3;
	s23 =	sadd.s32 $0xA, s3;
	[dreg:$0x1e] =	wrdreg s26  }
0x28: {  	s3 =	sadd.s32 s5, s3;
	s26 =	simm.s32 $0x3;
	[dreg:$0x18] =	wrdreg s17  }
0x29: {  	s8 =	simm.s32 $0x0;
	s19 =	sadd.s32 s9, s1;
	[dreg:$0x19] =	wrdreg s18  }
0x2a: {  	[dreg:$0x1a] =	wrdreg s3;
	s24 =	sadd.s32 s4, s23;
	s25 =	sadd.s32 s5, s23  }
0x2b: {  	s3 =	simm.s32 $0x50;
	s9 =	simm.s32 $0x1;
	[dreg:$0x1b] =	wrdreg s24  }
0x2c: {  	s23 =	simm.s32 $0xA180;
	s4 =	simm.s32 $0x2800;
	[dreg:$0x1c] =	wrdreg s25  }
0x2d: {  	v0 =	vimm.f32 $0.0e+00;
	s24 =	simm.s32 $0xA380;
	s25 =	simm.s32 $0x7800;
	[dreg:$0x11] =	wrdreg s19  }
.LBB2_1:
0x2e: {  	[dreg:$0x1f] =	wrdreg s8;
	s17 =	simm.s32 $0x0;
	s18 =	simm.s32 $0x200  }
.LBB2_2:
0x2f: {  	p0 =	sne.s32 s18, $0x9E00;
	[tilespmem:s17+$0x70] =	vst v0  }
0x30: {  	[tilespmem:s17+$0x0] =	vst v0  }
0x31: {  	[tilespmem:s17+$0x10] =	vst v0  }
.Ltmp0:
0x32: {  	[tilespmem:s17+$0x20] =	vst v0;
	(pc) =	sbr.rel @p0 .LBB2_2-.Ltmp0, $4  }
0x33: {  	[tilespmem:s17+$0x30] =	vst v0  }
0x34: {  	[tilespmem:s17+$0x40] =	vst v0  }
0x35: {  	[tilespmem:s17+$0x50] =	vst v0  }
0x36: {  	[tilespmem:s17+$0x60] =	vst v0;
	s17 =	sshra.s32 s18, $0x2;
	s18 =	sadd.s32 $0x200, s18  }
0x37: {  	[tilespmem:s17+$0x70] =	vst v0  }
0x38: {  	[tilespmem:s17+$0x0] =	vst v0  }
0x39: {  	[tilespmem:s17+$0x10] =	vst v0  }
0x3a: {  	[tilespmem:s17+$0x20] =	vst v0  }
0x3b: {  	[tilespmem:s17+$0x30] =	vst v0  }
0x3c: {  	[tilespmem:s17+$0x40] =	vst v0  }
0x3d: {  	[tilespmem:s17+$0x50] =	vst v0  }
0x3e: {  	[tilespmem:s17+$0x60] =	vst v0;
	s17 =	simm.s32 $0x0  }
0x3f: {  	[spmem:s19] =	stream.linear.scatter [tilespmem:s17], [sflag:$0x9], $0x2800, $0x38;
	[tilespmem:$0x1E400] =	vst v63  }
0x40: {  	_ =	swait.ge [sflag:s30], $0x2800  }
0x41: {  	[sflag:s30] =	ssyncset.done $0x0  }
0x42: {  	[sflag:s30] =	ssyncadd.s32 $0xFFFFD800  }
0x43: {  	[spmem:s20] =	stream.linear.scatter [tilespmem:s17], [sflag:$0x9], $0x2800, $0x38;
	[tilespmem:$0x1E400] =	vst v63  }
0x44: {  	_ =	swait.ge [sflag:s30], $0x2800  }
0x45: {  	[sflag:s30] =	ssyncset.done $0x0  }
0x46: {  	[sflag:s30] =	ssyncadd.s32 $0xFFFFD800  }
0x47: {  	[spmem:s21] =	stream.linear.scatter [tilespmem:s17], [sflag:$0x9], $0x2800, $0x38;
	[tilespmem:$0x1E400] =	vst v63  }
0x48: {  	_ =	swait.ge [sflag:s30], $0x2800  }
0x49: {  	[sflag:s30] =	ssyncset.done $0x0  }
0x4a: {  	[sflag:s30] =	ssyncadd.s32 $0xFFFFD800  }
0x4b: {  	[spmem:s22] =	stream.linear.scatter [tilespmem:s17], [sflag:$0x9], $0x2800, $0x38;
	[tilespmem:$0x1E400] =	vst v63  }
0x4c: {  	_ =	swait.ge [sflag:s30], $0x2800  }
0x4d: {  	[sflag:s30] =	ssyncset.done $0x0  }
0x4e: {  	[sflag:s30] =	ssyncadd.s32 $0xFFFFD800  }
0x4f: {  	[spmem:s29] =	stream.linear.scatter [tilespmem:s17], [sflag:$0x9], $0x2800, $0x38;
	[tilespmem:$0x1E400] =	vst v63  }
0x50: {  	_ =	swait.ge [sflag:s30], $0x2800  }
0x51: {  	[sflag:s30] =	ssyncset.done $0x0  }
0x52: {  	s7 =	rddreg [dreg:$0x16];
	[sflag:s30] =	ssyncadd.s32 $0xFFFFD800  }
0x53: {  	[spmem:s7] =	stream.linear.scatter [tilespmem:s17], [sflag:$0x9], $0x2800, $0x38;
	[tilespmem:$0x1E400] =	vst v63  }
0x54: {  	_ =	swait.ge [sflag:s30], $0x2800  }
0x55: {  	[sflag:s30] =	ssyncset.done $0x0  }
0x56: {  	s22 =	rddreg [dreg:$0x17];
	[sflag:s30] =	ssyncadd.s32 $0xFFFFD800  }
0x57: {  	[spmem:s22] =	stream.linear.scatter [tilespmem:s17], [sflag:$0x9], $0x2800, $0x38;
	[tilespmem:$0x1E400] =	vst v63  }
0x58: {  	_ =	swait.ge [sflag:s30], $0x2800  }
0x59: {  	[sflag:s30] =	ssyncset.done $0x0  }
0x5a: {  	s5 =	rddreg [dreg:$0x18];
	[sflag:s30] =	ssyncadd.s32 $0xFFFFD800  }
0x5b: {  	[spmem:s5] =	stream.linear.scatter [tilespmem:s17], [sflag:$0x9], $0x2800, $0x38;
	[tilespmem:$0x1E400] =	vst v63  }
0x5c: {  	_ =	swait.ge [sflag:s30], $0x2800  }
0x5d: {  	[sflag:s30] =	ssyncset.done $0x0  }
0x5e: {  	[sflag:s30] =	ssyncadd.s32 $0xFFFFD800  }
0x5f: {  	[bflag:$0x0] =	sbarrier.arrive $0xFFFF  }
0x60: {  	s8 =	rddreg [dreg:$0x19]  }
0x61: {  	[tilespmem:s31], [sflag:$0x9] =	stream.linear.gather [hbm4b:s8+s17], $0x50, $0x38;
	[tilespmem:$0x1E400] =	vst v63  }
0x62: {  	_ =	swait.ge [sflag:s30], $0x50  }
0x63: {  	[sflag:s30] =	ssyncset.done $0x0  }
0x64: {  	s16 =	rddreg [dreg:$0x1a];
	[sflag:s30] =	ssyncadd.s32 $0xFFFFFFB0  }
0x65: {  	[tilespmem:s0], [sflag:$0x9] =	stream.linear.gather [hbm4b:s16+s17], $0x50, $0x38;
	[tilespmem:$0x1E400] =	vst v63  }
0x66: {  	_ =	swait.ge [sflag:s30], $0x50  }
0x67: {  	[sflag:s30] =	ssyncset.done $0x0  }
0x68: {  	[sflag:s30] =	ssyncadd.s32 $0xFFFFFFB0  }
0x69: {  	[tilespmem:s17], [sflag:$0x1] =	stream.indirect.gather [hbm4b:s14+s3], $0x80, s31, s3, $0xb8;
	[tilespmem:$0x1E400] =	vst v63  }
0x6a: {  	s16 =	simm.s32 $0xA080;
	s18 =	rddreg [dreg:$0x1b]  }
0x6b: {  	[tilespmem:s16], [sflag:$0x9] =	stream.linear.gather [hbm4b:s18+s17], $0x50, $0x38;
	[tilespmem:$0x1E400] =	vst v63  }
0x6c: {  	_ =	swait.ge [sflag:s30], $0x50  }
0x6d: {  	[sflag:s30] =	ssyncset.done $0x0  }
0x6e: {  	s20 =	simm.s32 $0xA280;
	s19 =	rddreg [dreg:$0x1c];
	[sflag:s30] =	ssyncadd.s32 $0xFFFFFFB0  }
0x6f: {  	[tilespmem:s20], [sflag:$0x9] =	stream.linear.gather [hbm4b:s19+s17], $0x50, $0x38;
	[tilespmem:$0x1E400] =	vst v63  }
0x70: {  	_ =	swait.ge [sflag:s30], $0x50  }
0x71: {  	[sflag:s30] =	ssyncset.done $0x0  }
0x72: {  	s21 =	simm.s32 $0x2800;
	[sflag:s30] =	ssyncadd.s32 $0xFFFFFFB0  }
0x73: {  	[tilespmem:s21], [sflag:$0x2] =	stream.indirect.gather [hbm4b:s14+s3], $0x80, s16, s3, $0xb8;
	[tilespmem:$0x1E400] =	vst v63  }
0x74: {  	_ =	swait.ge [sflag:s9], $0x2800  }
0x75: {  	p0 =	por $0x1, $0x1;
	[sflag:s9] =	ssyncset.done $0x0  }
0x76: {  	s16 =	simm.s32 @!p0 $0x7;
	[sflag:s9] =	ssyncadd.s32 $0xFFFFD800  }
0x77: {  	[spmem:s1] =	stream.indirect.scatter.add.f32 [tilespmem:s2], [sflag:$0x5], $0x80, s0, s3, $0xb8;
	[tilespmem:$0x1E400] =	vst v63  }
0x78: {  	_ =	swait.ge @!p0 [sflag:s16], $0x2800  }
0x79: {  	s18 =	rddreg [dreg:$0x8];
	[sflag:s16] =	ssyncset.done @!p0 $0x0  }
0x7a: {  	[sflag:s16] =	ssyncadd.s32 @!p0 $0xFFFFD800;
	s22 =	sadd.s32 $0x0, s18  }
0x7b: {  	[tilespmem:s10], [sflag:$0x9] =	stream.linear.gather [hbm4b:s22+s2], $0x50, $0x38;
	[tilespmem:$0x1E400] =	vst v63  }
0x7c: {  	_ =	swait.ge [sflag:s30], $0x50  }
0x7d: {  	s5 =	rddreg [dreg:$0x7];
	[sflag:s30] =	ssyncset.done $0x0  }
0x7e: {  	[sflag:s30] =	ssyncadd.s32 $0xFFFFFFB0;
	s16 =	sadd.s32 $0x0, s5  }
0x7f: {  	[tilespmem:s11], [sflag:$0x9] =	stream.linear.gather [hbm4b:s16+s2], $0x50, $0x38;
	[tilespmem:$0x1E400] =	vst v63  }
0x80: {  	_ =	swait.ge [sflag:s30], $0x50  }
0x81: {  	[sflag:s30] =	ssyncset.done $0x0  }
0x82: {  	[sflag:s30] =	ssyncadd.s32 $0xFFFFFFB0  }
0x83: {  	[tilespmem:s12], [sflag:$0x3] =	stream.indirect.gather [hbm4b:s14+s3], $0x80, s10, s3, $0xb8;
	[tilespmem:$0x1E400] =	vst v63  }
0x84: {  	_ =	swait.ge [sflag:s13], $0x2800  }
0x85: {  	[sflag:s13] =	ssyncset.done $0x0  }
0x86: {  	s16 =	simm.s32 @!p0 $0x8;
	[sflag:s13] =	ssyncadd.s32 $0xFFFFD800  }
0x87: {  	[spmem:s1] =	stream.indirect.scatter.add.f32 [tilespmem:s21], [sflag:$0x6], $0x80, s20, s3, $0xb8;
	[tilespmem:$0x1E400] =	vst v63  }
0x88: {  	_ =	swait.ge @!p0 [sflag:s16], $0x2800  }
0x89: {  	s8 =	rddreg [dreg:$0x6];
	[sflag:s16] =	ssyncset.done @!p0 $0x0  }
0x8a: {  	[sflag:s16] =	ssyncadd.s32 @!p0 $0xFFFFD800;
	s18 =	sadd.s32 $0x0, s8  }
0x8b: {  	[tilespmem:s23], [sflag:$0x9] =	stream.linear.gather [hbm4b:s18+s2], $0x50, $0x38;
	[tilespmem:$0x1E400] =	vst v63  }
0x8c: {  	_ =	swait.ge [sflag:s30], $0x50  }
0x8d: {  	s19 =	rddreg [dreg:$0x5];
	[sflag:s30] =	ssyncset.done $0x0  }
0x8e: {  	[sflag:s30] =	ssyncadd.s32 $0xFFFFFFB0;
	s16 =	sadd.s32 $0x0, s19  }
0x8f: {  	[tilespmem:s24], [sflag:$0x9] =	stream.linear.gather [hbm4b:s16+s2], $0x50, $0x38;
	[tilespmem:$0x1E400] =	vst v63  }
0x90: {  	_ =	swait.ge [sflag:s30], $0x50  }
0x91: {  	[sflag:s30] =	ssyncset.done $0x0  }
0x92: {  	[sflag:s30] =	ssyncadd.s32 $0xFFFFFFB0  }
0x93: {  	[tilespmem:s25], [sflag:$0x4] =	stream.indirect.gather [hbm4b:s14+s3], $0x80, s23, s3, $0xb8;
	[tilespmem:$0x1E400] =	vst v63  }
0x94: {  	_ =	swait.ge [sflag:s26], $0x2800  }
0x95: {  	[sflag:s26] =	ssyncset.done $0x0  }
0x96: {  	[sflag:s26] =	ssyncadd.s32 $0xFFFFD800  }
0x97: {  	[spmem:s1] =	stream.indirect.scatter.add.f32 [tilespmem:s12], [sflag:$0x7], $0x80, s11, s3, $0xb8;
	[tilespmem:$0x1E400] =	vst v63  }
0x98: {  	_ =	swait.ge [sflag:s6], $0x2800  }
0x99: {  	s5 =	sld [smem:$0x7FC]  }
0x9a: {  	s20 =	rddreg [dreg:$0x1e]  }
0x9b: {  	[sflag:s6] =	ssyncset.done $0x0;
	s21 =	sshrl.u32 s20, $0x3  }
0x9c: {  	[sflag:s6] =	ssyncadd.s32 $0xFFFFD800;
	s22 =	sadd.s32 s5, s21  }
0x9d: {  	[tilespmem:s31], [sflag:$0x9] =	stream.linear.gather [hbm4b:s22+s2], $0x50, $0x38;
	[tilespmem:$0x1E400] =	vst v63  }
0x9e: {  	_ =	swait.ge [sflag:s30], $0x50  }
0x9f: {  	s8 =	sld [smem:$0x7FD];
	_ =	sdelay $0x1  }
0xa0: {  	[sflag:s30] =	ssyncset.done $0x0  }
0xa1: {  	[sflag:s30] =	ssyncadd.s32 $0xFFFFFFB0;
	s16 =	sadd.s32 s8, s21  }
0xa2: {  	[tilespmem:s0], [sflag:$0x9] =	stream.linear.gather [hbm4b:s16+s2], $0x50, $0x38;
	[tilespmem:$0x1E400] =	vst v63  }
0xa3: {  	_ =	swait.ge [sflag:s30], $0x50  }
0xa4: {  	[sflag:s30] =	ssyncset.done $0x0  }
0xa5: {  	[sflag:s30] =	ssyncadd.s32 $0xFFFFFFB0  }
0xa6: {  	[tilespmem:s2], [sflag:$0x1] =	stream.indirect.gather [hbm4b:s14+s3], $0x80, s31, s3, $0xb8;
	[tilespmem:$0x1E400] =	vst v63  }
0xa7: {  	_ =	swait.ge [sflag:s28], $0x2800  }
0xa8: {  	[sflag:s28] =	ssyncset.done $0x0  }
0xa9: {  	p1 =	por $0x0, $0x0;
	[sflag:s28] =	ssyncadd.s32 $0xFFFFD800  }
0xaa: {  	[spmem:s1] =	stream.indirect.scatter.add.f32 [tilespmem:s25], [sflag:$0x8], $0x80, s24, s3, $0xb8;
	[tilespmem:$0x1E400] =	vst v63  }
0xab: {  	s18 =	simm.s32 @!p1 $0x0;
	_ =	swait.ge [sflag:s15], $0x2800  }
0xac: {  	s22 =	simm.s32 @!p1 $0x9;
	s16 =	rddreg [dreg:$0x4];
	[sflag:s15] =	ssyncset.done $0x0  }
0xad: {  	s21 =	simm.s32 @!p1 $0xA080;
	[sflag:s15] =	ssyncadd.s32 $0xFFFFD800;
	s16 =	sadd.s32 @!p1 $0x0, s16  }
0xae: {  	[tilespmem:s21], [sflag:$0x9] =	stream.linear.gather @!p1 [hbm4b:s16+s18], $0x50, $0x38;
	[tilespmem:$0x1E400] =	vst v63  }
0xaf: {  	_ =	swait.ge @!p1 [sflag:s22], $0x50  }
0xb0: {  	s16 =	rddreg [dreg:$0x3];
	[sflag:s22] =	ssyncset.done @!p1 $0x0  }
0xb1: {  	s19 =	simm.s32 @!p1 $0xA280;
	[sflag:s22] =	ssyncadd.s32 @!p1 $0xFFFFFFB0;
	s16 =	sadd.s32 @!p1 $0x0, s16  }
0xb2: {  	[tilespmem:s19], [sflag:$0x9] =	stream.linear.gather @!p1 [hbm4b:s16+s18], $0x50, $0x38;
	[tilespmem:$0x1E400] =	vst v63  }
0xb3: {  	s29 =	simm.s32 @!p1 $0x50;
	s18 =	simm.s32 $0x28;
	_ =	swait.ge @!p1 [sflag:s22], $0x50  }
0xb4: {  	s19 =	sadd.s32 $0x140, s20;
	s16 =	simm.s32 @!p1 $0x2800;
	[sflag:s22] =	ssyncset.done @!p1 $0x0  }
.LBB2_4:
0xb5: {  	[sflag:s22] =	ssyncadd.s32 @!p1 $0xFFFFFFB0  }
0xb6: {  	[tilespmem:s16], [sflag:$0x2] =	stream.indirect.gather @!p1 [hbm4b:s14+s29], $0x80, s21, s29, $0xb8;
	[tilespmem:$0x1E400] =	vst v63  }
0xb7: {  	s20 =	smov.u32 s18;
	_ =	swait.ge [sflag:s9], $0x2800  }
0xb8: {  	p1 =	seq.s32 s20, $0x0;
	[sflag:s9] =	ssyncset.done $0x0  }
0xb9: {  	s16 =	simm.s32 @!p1 $0x7;
	[sflag:s9] =	ssyncadd.s32 $0xFFFFD800  }
0xba: {  	[spmem:s1] =	stream.indirect.scatter.add.f32 [tilespmem:s2], [sflag:$0x5], $0x80, s0, s3, $0xb8;
	[tilespmem:$0x1E400] =	vst v63  }
0xbb: {  	_ =	swait.ge @!p1 [sflag:s16], $0x2800  }
0xbc: {  	[sflag:s16] =	ssyncset.done @!p1 $0x0;
	s7 =	rddreg [dreg:$0x8]  }
0xbd: {  	[sflag:s16] =	ssyncadd.s32 @!p1 $0xFFFFD800;
	s21 =	sadd.s32 s20, s7  }
0xbe: {  	[tilespmem:s10], [sflag:$0x9] =	stream.linear.gather [hbm4b:s21+s2], $0x50, $0x38;
	[tilespmem:$0x1E400] =	vst v63  }
0xbf: {  	_ =	swait.ge [sflag:s30], $0x50  }
0xc0: {  	s22 =	rddreg [dreg:$0x7];
	[sflag:s30] =	ssyncset.done $0x0  }
0xc1: {  	[sflag:s30] =	ssyncadd.s32 $0xFFFFFFB0;
	s16 =	sadd.s32 s20, s22  }
0xc2: {  	[tilespmem:s11], [sflag:$0x9] =	stream.linear.gather [hbm4b:s16+s2], $0x50, $0x38;
	[tilespmem:$0x1E400] =	vst v63  }
0xc3: {  	_ =	swait.ge [sflag:s30], $0x50  }
0xc4: {  	[sflag:s30] =	ssyncset.done $0x0  }
0xc5: {  	[sflag:s30] =	ssyncadd.s32 $0xFFFFFFB0  }
0xc6: {  	[tilespmem:s12], [sflag:$0x3] =	stream.indirect.gather [hbm4b:s14+s3], $0x80, s10, s3, $0xb8;
	[tilespmem:$0x1E400] =	vst v63  }
0xc7: {  	_ =	swait.ge [sflag:s13], $0x2800  }
0xc8: {  	[sflag:s13] =	ssyncset.done $0x0  }
0xc9: {  	s7 =	simm.s32 $0xA280;
	s16 =	simm.s32 @!p1 $0x8;
	[sflag:s13] =	ssyncadd.s32 $0xFFFFD800  }
0xca: {  	[spmem:s1] =	stream.indirect.scatter.add.f32 [tilespmem:s4], [sflag:$0x6], $0x80, s7, s3, $0xb8;
	[tilespmem:$0x1E400] =	vst v63  }
0xcb: {  	_ =	swait.ge @!p1 [sflag:s16], $0x2800  }
0xcc: {  	[sflag:s16] =	ssyncset.done @!p1 $0x0;
	s7 =	rddreg [dreg:$0x6]  }
0xcd: {  	[sflag:s16] =	ssyncadd.s32 @!p1 $0xFFFFD800;
	s21 =	sadd.s32 s20, s7  }
0xce: {  	[tilespmem:s23], [sflag:$0x9] =	stream.linear.gather [hbm4b:s21+s2], $0x50, $0x38;
	[tilespmem:$0x1E400] =	vst v63  }
0xcf: {  	_ =	swait.ge [sflag:s30], $0x50  }
0xd0: {  	s22 =	rddreg [dreg:$0x5];
	[sflag:s30] =	ssyncset.done $0x0  }
0xd1: {  	[sflag:s30] =	ssyncadd.s32 $0xFFFFFFB0;
	s16 =	sadd.s32 s20, s22  }
0xd2: {  	[tilespmem:s24], [sflag:$0x9] =	stream.linear.gather [hbm4b:s16+s2], $0x50, $0x38;
	[tilespmem:$0x1E400] =	vst v63  }
0xd3: {  	_ =	swait.ge [sflag:s30], $0x50  }
0xd4: {  	[sflag:s30] =	ssyncset.done $0x0  }
0xd5: {  	[sflag:s30] =	ssyncadd.s32 $0xFFFFFFB0  }
0xd6: {  	[tilespmem:s25], [sflag:$0x4] =	stream.indirect.gather [hbm4b:s14+s3], $0x80, s23, s3, $0xb8;
	[tilespmem:$0x1E400] =	vst v63  }
0xd7: {  	_ =	swait.ge [sflag:s26], $0x2800  }
0xd8: {  	[sflag:s26] =	ssyncset.done $0x0  }
0xd9: {  	[sflag:s26] =	ssyncadd.s32 $0xFFFFD800  }
0xda: {  	[spmem:s1] =	stream.indirect.scatter.add.f32 [tilespmem:s12], [sflag:$0x7], $0x80, s11, s3, $0xb8;
	[tilespmem:$0x1E400] =	vst v63  }
0xdb: {  	_ =	swait.ge [sflag:s6], $0x2800  }
0xdc: {  	s7 =	sshrl.u32 s19, $0x3;
	[sflag:s6] =	ssyncset.done $0x0  }
0xdd: {  	s22 =	sadd.s32 s5, s7;
	[sflag:s6] =	ssyncadd.s32 $0xFFFFD800  }
0xde: {  	[tilespmem:s31], [sflag:$0x9] =	stream.linear.gather [hbm4b:s22+s2], $0x50, $0x38;
	[tilespmem:$0x1E400] =	vst v63  }
0xdf: {  	_ =	swait.ge [sflag:s30], $0x50  }
0xe0: {  	[sflag:s30] =	ssyncset.done $0x0  }
0xe1: {  	s16 =	sadd.s32 s8, s7;
	[sflag:s30] =	ssyncadd.s32 $0xFFFFFFB0  }
0xe2: {  	[tilespmem:s0], [sflag:$0x9] =	stream.linear.gather [hbm4b:s16+s2], $0x50, $0x38;
	[tilespmem:$0x1E400] =	vst v63  }
0xe3: {  	_ =	swait.ge [sflag:s30], $0x50  }
0xe4: {  	[sflag:s30] =	ssyncset.done $0x0  }
0xe5: {  	[sflag:s30] =	ssyncadd.s32 $0xFFFFFFB0  }
0xe6: {  	[tilespmem:s2], [sflag:$0x1] =	stream.indirect.gather [hbm4b:s14+s3], $0x80, s31, s3, $0xb8;
	[tilespmem:$0x1E400] =	vst v63  }
0xe7: {  	_ =	swait.ge [sflag:s28], $0x2800  }
0xe8: {  	s17 =	sadd.s32 $0x1, s17;
	[sflag:s28] =	ssyncset.done $0x0  }
0xe9: {  	p1 =	sgt.u32 s17, $0x1D;
	[sflag:s28] =	ssyncadd.s32 $0xFFFFD800  }
0xea: {  	[spmem:s1] =	stream.indirect.scatter.add.f32 [tilespmem:s25], [sflag:$0x8], $0x80, s24, s3, $0xb8;
	[tilespmem:$0x1E400] =	vst v63  }
0xeb: {  	s18 =	sadd.s32 $0x28, s18;
	s29 =	simm.s32 @!p1 $0x0;
	_ =	swait.ge [sflag:s15], $0x2800  }
0xec: {  	s21 =	simm.s32 @!p1 $0xA080;
	s16 =	rddreg [dreg:$0x4];
	[sflag:s15] =	ssyncset.done $0x0  }
0xed: {  	s22 =	simm.s32 @!p1 $0x9;
	[sflag:s15] =	ssyncadd.s32 $0xFFFFD800;
	s16 =	sadd.s32 @!p1 s20, s16  }
0xee: {  	[tilespmem:s21], [sflag:$0x9] =	stream.linear.gather @!p1 [hbm4b:s16+s29], $0x50, $0x38;
	[tilespmem:$0x1E400] =	vst v63  }
0xef: {  	p0 =	sne.s32 s18, $0x4D8;
	_ =	swait.ge @!p1 [sflag:s22], $0x50  }
.Ltmp1:
0xf0: {  	s16 =	rddreg [dreg:$0x3];
	[sflag:s22] =	ssyncset.done @!p1 $0x0;
	(pc) =	sbr.rel @p0 .LBB2_4-.Ltmp1, $4  }
0xf1: {  	s7 =	simm.s32 @!p1 $0xA280;
	[sflag:s22] =	ssyncadd.s32 @!p1 $0xFFFFFFB0;
	s16 =	sadd.s32 @!p1 s20, s16  }
0xf2: {  	[tilespmem:s7], [sflag:$0x9] =	stream.linear.gather @!p1 [hbm4b:s16+s29], $0x50, $0x38;
	[tilespmem:$0x1E400] =	vst v63  }
0xf3: {  	s19 =	sadd.s32 $0x140, s19;
	_ =	swait.ge @!p1 [sflag:s22], $0x50  }
0xf4: {  	s29 =	simm.s32 @!p1 $0x50;
	s16 =	simm.s32 @!p1 $0x2800;
	[sflag:s22] =	ssyncset.done @!p1 $0x0  }
0xf5: {  	[sflag:s22] =	ssyncadd.s32 @!p1 $0xFFFFFFB0  }
0xf6: {  	[tilespmem:s16], [sflag:$0x2] =	stream.indirect.gather @!p1 [hbm4b:s14+s29], $0x80, s21, s29, $0xb8;
	[tilespmem:$0x1E400] =	vst v63  }
0xf7: {  	_ =	swait.ge [sflag:s9], $0x2800  }
0xf8: {  	[sflag:s9] =	ssyncset.done $0x0  }
0xf9: {  	s7 =	simm.s32 $0x7;
	[sflag:s9] =	ssyncadd.s32 $0xFFFFD800  }
0xfa: {  	[spmem:s1] =	stream.indirect.scatter.add.f32 [tilespmem:s2], [sflag:$0x5], $0x80, s0, s3, $0xb8;
	[tilespmem:$0x1E400] =	vst v63  }
0xfb: {  	_ =	swait.ge [sflag:s7], $0x2800  }
0xfc: {  	[sflag:s7] =	ssyncset.done $0x0  }
0xfd: {  	s20 =	simm.s32 $0x8;
	[sflag:s7] =	ssyncadd.s32 $0xFFFFD800  }
0xfe: {  	_ =	swait.ge [sflag:s20], $0x2800  }
0xff: {  	[sflag:s20] =	ssyncset.done $0x0  }
0x100: {  	[sflag:s20] =	ssyncadd.s32 $0xFFFFD800  }
0x101: {  	_ =	swait.ge [sflag:s6], $0x2800  }
0x102: {  	[sflag:s6] =	ssyncset.done $0x0  }
0x103: {  	[sflag:s6] =	ssyncadd.s32 $0xFFFFD800  }
0x104: {  	s21 =	stileid.u32;
	[bflag:$0x0] =	sbarrier.arrive $0xFFFF  }
0x105: {  	s7 =	sshll.u32 s21, $0x6;
	s19 =	rddreg [dreg:$0x11]  }
0x106: {  	s7 =	sor.u32 $0x1C09, s7;
	s17 =	rddreg [dreg:$0x9];
	s22 =	sshrl.u32 s19, $0x3  }
0x107: {  	[hbm:s17], [sflag:s7] =	dma.local [spmem:s22], $0x500  }
0x108: {  	_ =	swait.ge [sflag:s30], $0x500  }
0x109: {  	[sflag:s30] =	ssyncset.done $0x0;
	s20 =	rddreg [dreg:$0x12]  }
0x10a: {  	s8 =	rddreg [dreg:$0xa];
	[sflag:s30] =	ssyncadd.s32 $0xFFFFFB00;
	s5 =	sshrl.u32 s20, $0x3  }
0x10b: {  	[hbm:s8], [sflag:s7] =	dma.local [spmem:s5], $0x500  }
0x10c: {  	_ =	swait.ge [sflag:s30], $0x500  }
0x10d: {  	[sflag:s30] =	ssyncset.done $0x0;
	s21 =	rddreg [dreg:$0x13]  }
0x10e: {  	s22 =	rddreg [dreg:$0xb];
	[sflag:s30] =	ssyncadd.s32 $0xFFFFFB00;
	s18 =	sshrl.u32 s21, $0x3  }
0x10f: {  	[hbm:s22], [sflag:s7] =	dma.local [spmem:s18], $0x500  }
0x110: {  	_ =	swait.ge [sflag:s30], $0x500  }
0x111: {  	[sflag:s30] =	ssyncset.done $0x0;
	s22 =	rddreg [dreg:$0x14]  }
0x112: {  	s8 =	rddreg [dreg:$0xc];
	[sflag:s30] =	ssyncadd.s32 $0xFFFFFB00;
	s5 =	sshrl.u32 s22, $0x3  }
0x113: {  	[hbm:s8], [sflag:s7] =	dma.local [spmem:s5], $0x500  }
0x114: {  	_ =	swait.ge [sflag:s30], $0x500  }
0x115: {  	[sflag:s30] =	ssyncset.done $0x0;
	s29 =	rddreg [dreg:$0x15]  }
0x116: {  	s18 =	rddreg [dreg:$0xd];
	[sflag:s30] =	ssyncadd.s32 $0xFFFFFB00;
	s17 =	sshrl.u32 s29, $0x3  }
0x117: {  	[hbm:s18], [sflag:s7] =	dma.local [spmem:s17], $0x500  }
0x118: {  	_ =	swait.ge [sflag:s30], $0x500  }
0x119: {  	[sflag:s30] =	ssyncset.done $0x0;
	s5 =	rddreg [dreg:$0x16]  }
0x11a: {  	s8 =	rddreg [dreg:$0xe];
	[sflag:s30] =	ssyncadd.s32 $0xFFFFFB00;
	s16 =	sshrl.u32 s5, $0x3  }
0x11b: {  	[hbm:s8], [sflag:s7] =	dma.local [spmem:s16], $0x500  }
0x11c: {  	_ =	swait.ge [sflag:s30], $0x500  }
0x11d: {  	[sflag:s30] =	ssyncset.done $0x0;
	s17 =	rddreg [dreg:$0x17]  }
0x11e: {  	s18 =	rddreg [dreg:$0xf];
	[sflag:s30] =	ssyncadd.s32 $0xFFFFFB00;
	s16 =	sshrl.u32 s17, $0x3  }
0x11f: {  	[hbm:s18], [sflag:s7] =	dma.local [spmem:s16], $0x500  }
0x120: {  	_ =	swait.ge [sflag:s30], $0x500  }
0x121: {  	[sflag:s30] =	ssyncset.done $0x0;
	s5 =	rddreg [dreg:$0x18]  }
0x122: {  	s8 =	rddreg [dreg:$0x10];
	[sflag:s30] =	ssyncadd.s32 $0xFFFFFB00;
	s16 =	sshrl.u32 s5, $0x3  }
0x123: {  	[hbm:s8], [sflag:s7] =	dma.local [spmem:s16], $0x500  }
0x124: {  	_ =	swait.ge [sflag:s30], $0x500  }
0x125: {  	s8 =	rddreg [dreg:$0x1f]  }
0x126: {  	s18 =	rddreg [dreg:$0x1d];
	s8 =	sadd.s32 $0x1, s8  }
0x127: {  	p0 =	sne.s32 s8, s18  }
.Ltmp2:
0x128: {  	_ = 	snop;
	(pc) =	sbr.rel @p0 .LBB2_1-.Ltmp2, $3  }
0x129: {  	_ =	sdelay $0x1  }
0x12a: {  	[sflag:s30] =	ssyncset.done $0x0  }
0x12b: {  	[sflag:s30] =	ssyncadd.s32 $0xFFFFFB00  }
0x12c: {  	_ =	sfence.sel $0x180000  }
0x12d: {  	[bflag:$0x0] =	sbarrier.arrive $0xFFFF  }
0x12e: {  	_ =	strace $0x9000004A  }
0x12f: {  	s0 =	stileid.u32;
	[bflag:$0x2] =	sbarrier.arrive $0xFFFF  }
0x130: {  	p0 =	sne.s32 s0, $0x0;
	s0 =	rddreg [dreg:$0x2]  }
0x131: {  	s0 =	sadd.s32 @!p0 $0x100000, s0  }
0x132: {  	[sflag:s0] =	ssyncadd.tile.s32 @!p0 $0x1;
	_ =	shalt  }
.Lfunc_end2:
_tile_overlayer_lowered:
.L_overlay_start_2:
0x133: {  	(tag) =	ssettag $0x2  }
0x134: {  	s0 =	rddreg [dreg:$0x0];
	s2 =	stileid.u32  }
0x135: {  	s1 =	rddreg [dreg:$0x1];
	p0 =	sne.s32 s2, $0x0  }
0x136: {  	s3 =	rddreg [dreg:$0x2];
	[bflag:$0x3] =	sbarrier.arrive $0xFFFF;
	s2 =	simm.s32 @!p0 $0x1C09  }
0x137: {  	[timem:s3], [sflag:s2] =	dma.local @!p0 [hbm:s0], s1  }
0x138: {  	s0 =	simm.s32 @!p0 $0x9  }
0x139: {  	_ =	swait.ge @!p0 [sflag:s0], s1  }
0x13a: {  	s1 =	ssub.s32 @!p0 $0x0, s1;
	[sflag:s0] =	ssyncset.done @!p0 $0x0  }
0x13b: {  	[sflag:s0] =	ssyncadd.s32 @!p0 s1  }
0x13c: {  	[bflag:$0x3] =	sbarrier.arrive $0xFFFF  }
0x13d: {  	_ =	shalt  }

// kernel: kernel.16.cloned.1.call-start
scs
__scs_entry_jumppad:
0x0: {  	(pc) =	sbr.rel $0x88, $3  }
0x1: {  	(tag) =	ssettag $0x0;
	lr =	simm.s32 $0x1  }
0x2: {  	[smem:$0x3F97] =	sst lr;
	_ =	strace $0xD0000000  }
0x3: {  	_ = 	snop  }
0x4: {  	_ = 	snop  }
0x5: {  	_ = 	snop  }
0x6: {  	_ = 	snop  }
0x7: {  	_ = 	snop  }
__scs_overlays_trampoline_lowered:
0x8: {  	[smem:$0x3FA6] =	sst s0  }
0x9: {  	[smem:$0x3FA7] =	sst s1  }
0xa: {  	[smem:$0x3FA8] =	sst s2  }
0xb: {  	[smem:$0x3FA9] =	sst s3  }
0xc: {  	[smem:$0x3FAA] =	sst s4  }
0xd: {  	[smem:$0x3FAB] =	sst s5  }
0xe: {  	[smem:$0x3FAC] =	sst s6  }
0xf: {  	[smem:$0x3FAD] =	sst s7  }
0x10: {  	[smem:$0x3FAE] =	sst s8  }
0x11: {  	[smem:$0x3FAF] =	sst s9;
	s0 =	simm.s32 @!p0 $0x0  }
0x12: {  	s1 =	sld [smem:$0x3F95];
	s0 =	simm.s32 @p0 $0x1  }
0x13: {  	[smem:$0x3FB0] =	sst s0;
	s0 =	simm.s32 @!p1 $0x0  }
0x14: {  	s2 =	sld [smem:$0x3F94];
	s0 =	simm.s32 @p1 $0x1  }
0x15: {  	[smem:$0x3FB1] =	sst s0;
	s0 =	simm.s32 @!p2 $0x0  }
0x16: {  	s3 =	sld [smem:$0x3FDB];
	s0 =	simm.s32 @p2 $0x1  }
0x17: {  	s4 =	simm.s32 $0x1BF5;
	[smem:$0x3FB3] =	sst s0  }
0x18: {  	s0 =	sld [smem:$0x3F96];
	_ =	swait.ge [sflag:s4], $0x0  }
0x19: {  	s7 =	sld [smem:$0x3F97]  }
0x1a: {  	s8 =	sadd.s32 $0xFFFFE003, lr  }
0x1b: {  	s9 =	sadd.s32 $0xFFFFFEF7, lr;
	s5 =	simm.s32 $0xFFFFFFFF;
	p2 =	slt.u32 s8, $0xFFFFF086  }
0x1c: {  	p1 =	slt.u32 s9, $0xF7A;
	s5 =	simm.s32 @!p2 $0x0  }
0x1d: {  	s5 =	simm.s32 @p1 $0x1;
	p0 =	seq.s32 s7, s2  }
0x1e: {  	s7 =	smul.u32 @!p0 $0xF7A, s2;
	p2 =	seq.s32 @!p0 s5, $0x0  }
0x1f: {  	s9 =	smul.u32 $0xF7A, s1;
	s8 =	simm.s32 @!p0 $0x1BF5;
	p2 =	por !p2, p0  }
0x20: {  	[sflag:s8] =	ssyncset.s32 @!p0 $0xFFFFF086;
	s6 =	sadd.s32 @!p0 s3, s7;
	s7 =	simm.s32 @!p0 $0x108  }
0x21: {  	s3 =	sadd.s32 s3, s9;
	s6 =	sadd.s32 @!p0 $0x88, s6;
	s7 =	simm.s32 @p2 $0x1082  }
0x22: {  	[simem:s7], [sflag:s8] =	dma.local @!p0 [hbm:s6], $0xF7A  }
0x23: {  	s9 =	sor.u32 $0xD0000000, s2;
	s6 =	simm.s32 $0x108;
	_ =	swait.ge @!p0 [sflag:s8], $0x0  }
0x24: {  	s3 =	sadd.s32 $0x88, s3;
	s6 =	simm.s32 @!p1 $0x1082;
	[sflag:s4] =	ssyncset.s32 $0xFFFFF086  }
0x25: {  	[simem:s6], [sflag:s4] =	dma.local [hbm:s3], $0xF7A  }
0x26: {  	[smem:$0x3F97] =	sst s1;
	(tag) =	ssettag s2;
	_ =	strace s9  }
0x27: {  	s1 =	sld [smem:$0x3FA7]  }
0x28: {  	s2 =	sld [smem:$0x3FA8]  }
0x29: {  	s4 =	sld [smem:$0x3FAA]  }
0x2a: {  	p0 =	seq.s32 s5, $0x0;
	s5 =	sld [smem:$0x3FAB]  }
0x2b: {  	s6 =	sld [smem:$0x3FAC]  }
0x2c: {  	s7 =	sld [smem:$0x3FAD]  }
0x2d: {  	s3 =	simm.s32 $0x108;
	s8 =	sld [smem:$0x3FAE]  }
0x2e: {  	s3 =	simm.s32 @!p0 $0x1082;
	s9 =	sld [smem:$0x3FAF]  }
0x2f: {  	lr =	sadd.s32 s0, s3;
	s0 =	sld [smem:$0x3FA6]  }
0x30: {  	s3 =	sld [smem:$0x3FA9]  }
0x31: {  	[smem:$0x3FB2] =	sst s10  }
0x32: {  	s10 =	sld [smem:$0x3FB0];
	_ =	sdelay $0x3  }
0x33: {  	p0 =	seq.s32 s10, $0x1;
	s10 =	sld [smem:$0x3FB2];
	_ =	sdelay $0x3  }
0x34: {  	[smem:$0x3FB2] =	sst s10  }
0x35: {  	s10 =	sld [smem:$0x3FB1];
	_ =	sdelay $0x3  }
0x36: {  	p1 =	seq.s32 s10, $0x1;
	s10 =	sld [smem:$0x3FB2];
	_ =	sdelay $0x3  }
0x37: {  	[smem:$0x3FB2] =	sst s10  }
0x38: {  	s10 =	sld [smem:$0x3FB3]  }
0x39: {  	_ = 	snop;
	(pc) =	sbr.ind lr, $3  }
0x3a: {  	_ = 	snop  }
0x3b: {  	_ = 	snop  }
0x3c: {  	p2 =	seq.s32 s10, $0x1;
	s10 =	sld [smem:$0x3FB2]  }
0x3d: {  	_ =	shalt  }
0x3e: {  	_ =	shalt  }
0x3f: {  	_ =	shalt  }
0x40: {  	_ =	shalt  }
0x41: {  	_ =	shalt  }
0x42: {  	_ =	shalt  }
0x43: {  	_ =	shalt  }
0x44: {  	_ =	shalt  }
0x45: {  	_ =	shalt  }
0x46: {  	_ =	shalt  }
0x47: {  	_ =	shalt  }
0x48: {  	_ =	shalt  }
0x49: {  	_ =	shalt  }
0x4a: {  	_ =	shalt  }
0x4b: {  	_ =	shalt  }
0x4c: {  	_ =	shalt  }
0x4d: {  	_ =	shalt  }
0x4e: {  	_ =	shalt  }
0x4f: {  	_ =	shalt  }
0x50: {  	_ =	shalt  }
0x51: {  	_ =	shalt  }
0x52: {  	_ =	shalt  }
0x53: {  	_ =	shalt  }
0x54: {  	_ =	shalt  }
0x55: {  	_ =	shalt  }
0x56: {  	_ =	shalt  }
0x57: {  	_ =	shalt  }
0x58: {  	_ =	shalt  }
0x59: {  	_ =	shalt  }
0x5a: {  	_ =	shalt  }
0x5b: {  	_ =	shalt  }
0x5c: {  	_ =	shalt  }
0x5d: {  	_ =	shalt  }
0x5e: {  	_ =	shalt  }
0x5f: {  	_ =	shalt  }
0x60: {  	_ =	shalt  }
0x61: {  	_ =	shalt  }
0x62: {  	_ =	shalt  }
0x63: {  	_ =	shalt  }
0x64: {  	_ =	shalt  }
0x65: {  	_ =	shalt  }
0x66: {  	_ =	shalt  }
0x67: {  	_ =	shalt  }
0x68: {  	_ =	shalt  }
0x69: {  	_ =	shalt  }
0x6a: {  	_ =	shalt  }
0x6b: {  	_ =	shalt  }
0x6c: {  	_ =	shalt  }
0x6d: {  	_ =	shalt  }
0x6e: {  	_ =	shalt  }
0x6f: {  	_ =	shalt  }
0x70: {  	_ =	shalt  }
0x71: {  	_ =	shalt  }
0x72: {  	_ =	shalt  }
0x73: {  	_ =	shalt  }
0x74: {  	_ =	shalt  }
0x75: {  	_ =	shalt  }
0x76: {  	_ =	shalt  }
0x77: {  	_ =	shalt  }
0x78: {  	_ =	shalt  }
0x79: {  	_ =	shalt  }
0x7a: {  	_ =	shalt  }
0x7b: {  	_ =	shalt  }
0x7c: {  	_ =	shalt  }
0x7d: {  	_ =	shalt  }
0x7e: {  	_ =	shalt  }
0x7f: {  	_ =	shalt  }
0x80: {  	_ =	shalt  }
0x81: {  	_ =	shalt  }
0x82: {  	_ =	shalt  }
0x83: {  	_ =	shalt  }
0x84: {  	_ =	shalt  }
0x85: {  	_ =	shalt  }
0x86: {  	_ =	shalt  }
0x87: {  	_ =	shalt  }
.Lfunc_end0:
.L_simem_size_0:
called_computation.2_lowered:
.L_overlay_start_0:
0x88: {  	s2 =	sld [smem:$0x3FD9]  }
0x89: {  	s3 =	sld [smem:$0x3FFE];
	_ =	sdelay $0x1  }
0x8a: {  	s1 =	srdreg.scid  }
0x8b: {  	s0 =	sand.u32 $0x1, s1  }
0x8c: {  	s16 =	sshll.u32 s0, $0xA;
	s2 =	sadd.s32 s3, s2  }
0x8d: {  	s2 =	sadd.s32 s2, s16  }
0x8e: {  	[smem:$0x3FBE] =	sst s2  }
0x8f: {  	_ = 	snop  }
0x90: {  	(tm) =	ssettm $0x1  }
0x91: {  	s17 =	sld [smem:$0x3FFB];
	_ =	sdelay $0x3  }
0x92: {  	_ =	strace s17  }
0x93: {  	s2 =	sld [smem:$0x3FFC];
	_ =	sdelay $0x3  }
0x94: {  	_ =	strace s2  }
0x95: {  	s2 =	sld [smem:$0x3FFD];
	_ =	sdelay $0x3  }
0x96: {  	_ =	strace s2  }
0x97: {  	_ =	strace $0x8FFFFFFF  }
0x98: {  	s18 =	sld [smem:$0x3FDB];
	_ =	sdelay $0x1  }
0x99: {  	s19 =	simm.s32 $_scs_section_size  }
0x9a: {  	s4 =	simm.s32 $_size__tile_overlayer_lowered;
	s5 =	simm.s32 $_tile_overlayer_lowered  }
0x9b: {  	s22 =	simm.s32 $0x1BFF;
	s21 =	sshll.u32 s5, $0x1;
	s2 =	sadd.s32 s19, s18  }
0x9c: {  	s6 =	simm.s32 $0x0;
	s20 =	sshll.u32 s4, $0x1;
	s4 =	sadd.s32 s21, s2  }
0x9d: {  	[timem:s6], [sflag:s22] =	dma.local [hbm:s4], s20  }
0x9e: {  	_ =	swait.ge [sflag:s22], s20  }
0x9f: {  	s3 =	ssub.s32 $0x0, s20;
	[sflag:s22] =	ssyncset.done $0x0  }
0xa0: {  	[sflag:s22] =	ssyncadd.s32 s3;
	_ =	sdelay $0x1  }
0xa1: {  	s23 =	simm.s32 $0x1B8B  }
0xa2: {  	_ =	swait.ge [sflag:s23], $0x1  }
0xa3: {  	[sflag:s23] =	ssyncset.done $0x0  }
0xa4: {  	s25 =	simm.s32 $0x1B8E;
	s24 =	sld [smem:$0x3FFE];
	[sflag:s23] =	ssyncadd.s32 $0xFFFFFFFF  }
0xa5: {  	s26 =	simm.s32 $execute0_lowered;
	[smem:$0x3FD2] =	sst s25  }
0xa6: {  	s4 =	sshll.u32 s26, $0x1;
	_ =	strace $0x8000004C;
	[dreg:$0x1] =	wrdreg $0xFFFFFFFF  }
0xa7: {  	s28 =	simm.s32 $_size_execute0_lowered;
	s2 =	sadd.s32 s2, s4;
	[dreg:$0x0] =	wrdreg $0x0  }
0xa8: {  	s4 =	sshll.u32 s28, $0x1;
	[dreg:$0x2] =	wrdreg s2  }
0xa9: {  	[dreg:$0x3] =	wrdreg s4  }
0xaa: {  	[dreg:$0x4] =	wrdreg $0xC0  }
0xab: {  	_ =	task [dreg:s6], $0x5FFFF  }
0xac: {  	[dreg:$0x1] =	wrdreg $0xFFFFFFFF  }
0xad: {  	[dreg:$0x0] =	wrdreg $0x60  }
0xae: {  	[dreg:$0x2] =	wrdreg s24  }
0xaf: {  	[dreg:$0x3] =	wrdreg $0xA4000  }
0xb0: {  	[dreg:$0x4] =	wrdreg $0x9  }
0xb1: {  	_ =	task.clear_ibuf [dreg:s6], $0x5FFFF;
	_ =	strace $0x9000004C  }
0xb2: {  	s29 =	simm.s32 $0x9;
	_ =	strace $0x8000004E  }
0xb3: {  	_ =	swait.ge [sflag:s29], $0x1  }
0xb4: {  	[sflag:s29] =	ssyncadd.s32 $0xFFFFFFFF  }
0xb5: {  	_ =	strace $0x9000004E  }
0xb6: {  	_ =	sfence  }
0xb7: {  	s30 =	sld [smem:$0x0];
	_ =	sdelay $0x2  }
0xb8: {  	s31 =	sshll.u32 s1, $0xD;
	s1 =	sshrl.u32 s1, $0x2  }
0xb9: {  	s3 =	sand.u32 $0x4000, s31;
	s1 =	sadd.s32 s1, s30  }
0xba: {  	s0 =	sor.u32 s3, s0;
	s1 =	sshll.u32 s1, $0x11  }
0xbb: {  	s0 =	sor.u32 s1, s0  }
0xbc: {  	s0 =	sadd.s32 $0x8F2B, s0  }
0xbd: {  	[sflag:s0] =	ssyncadd.remote.s32 $0x1  }
0xbe: {  	_ =	sfence.sel $0xFFFF  }
0xbf: {  	[dreg:$0x0] =	wrdreg $0xFFFFFFFF;
	(pc) =	sbr.abs _section_cstart, $3  }
0xc0: {  	[dreg:$0x1] =	wrdreg $0xFFFFFFFF  }
0xc1: {  	_ =	task.clear_ibuf [dreg:s6], $0x2FFFF;
	_ =	strace $0x9FFFFFFF  }
0xc2: {  	(tm) =	ssettm $0x7FFFFFFF  }
0xc3: {  	_ =	shalt  }
tec
execute0_lowered:
.L_overlay_start_1:
0x0: {  	(tag) =	ssettag $0x1  }
0x1: {  	s3 =	rddreg [dreg:$0x0]  }
0x2: {  	s1 =	rddreg [dreg:$0x1];
	s2 =	simm.s32 $0x0  }
0x3: {  	s0 =	srdreg.scid;
	s20 =	stileid.u32;
	s30 =	simm.s32 $0x9  }
0x4: {  	s31 =	simm.s32 $0xA000;
	s28 =	simm.s32 $0x4;
	[smem:$0x7FF] =	sst s2  }
0x5: {  	s6 =	sand.u32 $0x1, s0;
	s4 =	sadd.s32 $0x3400, s3;
	s5 =	sadd.s32 $0xD200, s3  }
0x6: {  	s8 =	smul.u32 $0x14000, s20;
	s9 =	sadd.s32 $0x3E800, s3;
	s25 =	sshll.u32 s20, $0x1  }
0x7: {  	s17 =	smul.u32 $0x4E20, s20;
	_ =	strace $0x8000004D;
	[smem:$0x7FC] =	sst s4  }
0x8: {  	s0 =	ssub.s32 $0x2, s6;
	s14 =	smul.u32 $0x140000, s6;
	[smem:$0x7FD] =	sst s5  }
0x9: {  	s7 =	sshrl.u32 s0, $0x1;
	s10 =	sor.u32 $0x2800, s8;
	s11 =	sadd.s32 $0x5000, s8  }
0xa: {  	s12 =	sadd.s32 $0x7800, s8;
	s13 =	sadd.s32 $0xA000, s8;
	s15 =	sadd.s32 $0xC800, s8  }
0xb: {  	s16 =	sadd.s32 $0xF000, s8;
	s0 =	ssub.s32 s0, s7;
	s7 =	sor.u32 s6, s25  }
0xc: {  	s18 =	sadd.s32 s8, s14;
	s19 =	sadd.s32 s14, s10;
	s6 =	smul.u32 $0x2710, s6  }
0xd: {  	s8 =	sadd.s32 $0x11800, s8;
	s24 =	sadd.s32 s14, s13;
	s29 =	sadd.s32 s13, s1  }
0xe: {  	s13 =	simm.s32 $0x2;
	s18 =	sshrl.u32 s18, $0x3;
	s19 =	sshrl.u32 s19, $0x3  }
0xf: {  	s0 =	smax.u32 s0, $0x1;
	[dreg:$0x15] =	wrdreg s29;
	s18 =	sadd.s32 s9, s18  }
0x10: {  	s26 =	sadd.s32 s9, s19;
	s6 =	sadd.s32 s6, s17;
	[dreg:$0x1d] =	wrdreg s0  }
0x11: {  	s19 =	sadd.s32 s14, s12;
	s0 =	simm.s32 $0xA200;
	[dreg:$0x9] =	wrdreg s18  }
0x12: {  	[dreg:$0xa] =	wrdreg s26;
	s18 =	sadd.s32 s14, s11;
	s21 =	sadd.s32 $0x190, s6  }
0x13: {  	s25 =	sadd.s32 $0xF0, s6;
	s17 =	sshrl.u32 s18, $0x3;
	s18 =	sshrl.u32 s19, $0x3  }
0x14: {  	s19 =	sshrl.u32 s21, $0x3;
	s21 =	sadd.s32 s14, s16;
	s16 =	sadd.s32 s16, s1  }
0x15: {  	s17 =	sadd.s32 s9, s17;
	s22 =	sadd.s32 s9, s18;
	[dreg:$0x17] =	wrdreg s16  }
0x16: {  	s23 =	sadd.s32 s19, s5;
	s18 =	sshrl.u32 s24, $0x3;
	[dreg:$0xb] =	wrdreg s17  }
0x17: {  	s19 =	sadd.s32 s19, s4;
	s24 =	smul.u32 $0x50000, s20;
	[dreg:$0xc] =	wrdreg s22  }
0x18: {  	s20 =	sadd.s32 s10, s1;
	s10 =	smul.u32 $0x2710, s7;
	[dreg:$0x3] =	wrdreg s23  }
0x19: {  	s17 =	sshrl.u32 s25, $0x3;
	s18 =	sadd.s32 s9, s18;
	[dreg:$0x4] =	wrdreg s19  }
0x1a: {  	s19 =	sadd.s32 s14, s15;
	s22 =	sadd.s32 $0xA0, s6;
	[dreg:$0x12] =	wrdreg s20  }
0x1b: {  	s14 =	sadd.s32 s14, s8;
	s15 =	sadd.s32 s15, s1;
	[dreg:$0xd] =	wrdreg s18  }
0x1c: {  	s26 =	sadd.s32 s17, s5;
	s17 =	sadd.s32 s17, s4;
	s18 =	sshrl.u32 s19, $0x3  }
0x1d: {  	s23 =	sshrl.u32 s22, $0x3;
	s14 =	sshrl.u32 s14, $0x3;
	[dreg:$0x16] =	wrdreg s15  }
0x1e: {  	s22 =	sadd.s32 s12, s1;
	s12 =	simm.s32 $0x5000;
	[dreg:$0x5] =	wrdreg s26  }
0x1f: {  	s15 =	simm.s32 $0x6;
	[dreg:$0x6] =	wrdreg s17;
	s18 =	sadd.s32 s9, s18  }
0x20: {  	s17 =	sshrl.u32 s21, $0x3;
	s25 =	sadd.s32 s23, s5;
	[dreg:$0x14] =	wrdreg s22  }
0x21: {  	s26 =	sadd.s32 s23, s4;
	s21 =	sadd.s32 s11, s1;
	[dreg:$0xe] =	wrdreg s18  }
0x22: {  	s11 =	simm.s32 $0xA300;
	s17 =	sadd.s32 s9, s17;
	[dreg:$0x7] =	wrdreg s25  }
0x23: {  	s9 =	sadd.s32 s9, s14;
	[dreg:$0x8] =	wrdreg s26;
	s14 =	sadd.s32 $0x17600, s3  }
0x24: {  	s3 =	sshrl.u32 s10, $0x3;
	s26 =	sadd.s32 $0x140, s6;
	[dreg:$0x13] =	wrdreg s21  }
0x25: {  	s10 =	simm.s32 $0xA100;
	s6 =	simm.s32 $0x5;
	[dreg:$0xf] =	wrdreg s17  }
0x26: {  	[dreg:$0x10] =	wrdreg s9;
	s9 =	sshrl.u32 s24, $0x2;
	s17 =	sadd.s32 s8, s1  }
0x27: {  	s18 =	sadd.s32 s4, s3;
	s23 =	sadd.s32 $0xA, s3;
	[dreg:$0x1e] =	wrdreg s26  }
0x28: {  	s3 =	sadd.s32 s5, s3;
	s26 =	simm.s32 $0x3;
	[dreg:$0x18] =	wrdreg s17  }
0x29: {  	s8 =	simm.s32 $0x0;
	s19 =	sadd.s32 s9, s1;
	[dreg:$0x19] =	wrdreg s18  }
0x2a: {  	[dreg:$0x1a] =	wrdreg s3;
	s24 =	sadd.s32 s4, s23;
	s25 =	sadd.s32 s5, s23  }
0x2b: {  	s3 =	simm.s32 $0x50;
	s9 =	simm.s32 $0x1;
	[dreg:$0x1b] =	wrdreg s24  }
0x2c: {  	s23 =	simm.s32 $0xA180;
	s4 =	simm.s32 $0x2800;
	[dreg:$0x1c] =	wrdreg s25  }
0x2d: {  	v0 =	vimm.f32 $0.0e+00;
	s24 =	simm.s32 $0xA380;
	s25 =	simm.s32 $0x7800;
	[dreg:$0x11] =	wrdreg s19  }
.LBB2_1:
0x2e: {  	[dreg:$0x1f] =	wrdreg s8;
	s17 =	simm.s32 $0x0;
	s18 =	simm.s32 $0x200  }
.LBB2_2:
0x2f: {  	p0 =	sne.s32 s18, $0x9E00;
	[tilespmem:s17+$0x70] =	vst v0  }
0x30: {  	[tilespmem:s17+$0x0] =	vst v0  }
0x31: {  	[tilespmem:s17+$0x10] =	vst v0  }
.Ltmp0:
0x32: {  	[tilespmem:s17+$0x20] =	vst v0;
	(pc) =	sbr.rel @p0 .LBB2_2-.Ltmp0, $4  }
0x33: {  	[tilespmem:s17+$0x30] =	vst v0  }
0x34: {  	[tilespmem:s17+$0x40] =	vst v0  }
0x35: {  	[tilespmem:s17+$0x50] =	vst v0  }
0x36: {  	[tilespmem:s17+$0x60] =	vst v0;
	s17 =	sshra.s32 s18, $0x2;
	s18 =	sadd.s32 $0x200, s18  }
0x37: {  	[tilespmem:s17+$0x70] =	vst v0  }
0x38: {  	[tilespmem:s17+$0x0] =	vst v0  }
0x39: {  	[tilespmem:s17+$0x10] =	vst v0  }
0x3a: {  	[tilespmem:s17+$0x20] =	vst v0  }
0x3b: {  	[tilespmem:s17+$0x30] =	vst v0  }
0x3c: {  	[tilespmem:s17+$0x40] =	vst v0  }
0x3d: {  	[tilespmem:s17+$0x50] =	vst v0  }
0x3e: {  	[tilespmem:s17+$0x60] =	vst v0;
	s17 =	simm.s32 $0x0  }
0x3f: {  	[spmem:s19] =	stream.linear.scatter [tilespmem:s17], [sflag:$0x9], $0x2800, $0x38;
	[tilespmem:$0x1E400] =	vst v63  }
0x40: {  	_ =	swait.ge [sflag:s30], $0x2800  }
0x41: {  	[sflag:s30] =	ssyncset.done $0x0  }
0x42: {  	[sflag:s30] =	ssyncadd.s32 $0xFFFFD800  }
0x43: {  	[spmem:s20] =	stream.linear.scatter [tilespmem:s17], [sflag:$0x9], $0x2800, $0x38;
	[tilespmem:$0x1E400] =	vst v63  }
0x44: {  	_ =	swait.ge [sflag:s30], $0x2800  }
0x45: {  	[sflag:s30] =	ssyncset.done $0x0  }
0x46: {  	[sflag:s30] =	ssyncadd.s32 $0xFFFFD800  }
0x47: {  	[spmem:s21] =	stream.linear.scatter [tilespmem:s17], [sflag:$0x9], $0x2800, $0x38;
	[tilespmem:$0x1E400] =	vst v63  }
0x48: {  	_ =	swait.ge [sflag:s30], $0x2800  }
0x49: {  	[sflag:s30] =	ssyncset.done $0x0  }
0x4a: {  	[sflag:s30] =	ssyncadd.s32 $0xFFFFD800  }
0x4b: {  	[spmem:s22] =	stream.linear.scatter [tilespmem:s17], [sflag:$0x9], $0x2800, $0x38;
	[tilespmem:$0x1E400] =	vst v63  }
0x4c: {  	_ =	swait.ge [sflag:s30], $0x2800  }
0x4d: {  	[sflag:s30] =	ssyncset.done $0x0  }
0x4e: {  	[sflag:s30] =	ssyncadd.s32 $0xFFFFD800  }
0x4f: {  	[spmem:s29] =	stream.linear.scatter [tilespmem:s17], [sflag:$0x9], $0x2800, $0x38;
	[tilespmem:$0x1E400] =	vst v63  }
0x50: {  	_ =	swait.ge [sflag:s30], $0x2800  }
0x51: {  	[sflag:s30] =	ssyncset.done $0x0  }
0x52: {  	s7 =	rddreg [dreg:$0x16];
	[sflag:s30] =	ssyncadd.s32 $0xFFFFD800  }
0x53: {  	[spmem:s7] =	stream.linear.scatter [tilespmem:s17], [sflag:$0x9], $0x2800, $0x38;
	[tilespmem:$0x1E400] =	vst v63  }
0x54: {  	_ =	swait.ge [sflag:s30], $0x2800  }
0x55: {  	[sflag:s30] =	ssyncset.done $0x0  }
0x56: {  	s22 =	rddreg [dreg:$0x17];
	[sflag:s30] =	ssyncadd.s32 $0xFFFFD800  }
0x57: {  	[spmem:s22] =	stream.linear.scatter [tilespmem:s17], [sflag:$0x9], $0x2800, $0x38;
	[tilespmem:$0x1E400] =	vst v63  }
0x58: {  	_ =	swait.ge [sflag:s30], $0x2800  }
0x59: {  	[sflag:s30] =	ssyncset.done $0x0  }
0x5a: {  	s5 =	rddreg [dreg:$0x18];
	[sflag:s30] =	ssyncadd.s32 $0xFFFFD800  }
0x5b: {  	[spmem:s5] =	stream.linear.scatter [tilespmem:s17], [sflag:$0x9], $0x2800, $0x38;
	[tilespmem:$0x1E400] =	vst v63  }
0x5c: {  	_ =	swait.ge [sflag:s30], $0x2800  }
0x5d: {  	[sflag:s30] =	ssyncset.done $0x0  }
0x5e: {  	[sflag:s30] =	ssyncadd.s32 $0xFFFFD800  }
0x5f: {  	[bflag:$0x0] =	sbarrier.arrive $0xFFFF  }
0x60: {  	s8 =	rddreg [dreg:$0x19]  }
0x61: {  	[tilespmem:s31], [sflag:$0x9] =	stream.linear.gather [hbm4b:s8+s17], $0x50, $0x38;
	[tilespmem:$0x1E400] =	vst v63  }
0x62: {  	_ =	swait.ge [sflag:s30], $0x50  }
0x63: {  	[sflag:s30] =	ssyncset.done $0x0  }
0x64: {  	s16 =	rddreg [dreg:$0x1a];
	[sflag:s30] =	ssyncadd.s32 $0xFFFFFFB0  }
0x65: {  	[tilespmem:s0], [sflag:$0x9] =	stream.linear.gather [hbm4b:s16+s17], $0x50, $0x38;
	[tilespmem:$0x1E400] =	vst v63  }
0x66: {  	_ =	swait.ge [sflag:s30], $0x50  }
0x67: {  	[sflag:s30] =	ssyncset.done $0x0  }
0x68: {  	[sflag:s30] =	ssyncadd.s32 $0xFFFFFFB0  }
0x69: {  	[tilespmem:s17], [sflag:$0x1] =	stream.indirect.gather [hbm4b:s14+s3], $0x80, s31, s3, $0xb8;
	[tilespmem:$0x1E400] =	vst v63  }
0x6a: {  	s16 =	simm.s32 $0xA080;
	s18 =	rddreg [dreg:$0x1b]  }
0x6b: {  	[tilespmem:s16], [sflag:$0x9] =	stream.linear.gather [hbm4b:s18+s17], $0x50, $0x38;
	[tilespmem:$0x1E400] =	vst v63  }
0x6c: {  	_ =	swait.ge [sflag:s30], $0x50  }
0x6d: {  	[sflag:s30] =	ssyncset.done $0x0  }
0x6e: {  	s20 =	simm.s32 $0xA280;
	s19 =	rddreg [dreg:$0x1c];
	[sflag:s30] =	ssyncadd.s32 $0xFFFFFFB0  }
0x6f: {  	[tilespmem:s20], [sflag:$0x9] =	stream.linear.gather [hbm4b:s19+s17], $0x50, $0x38;
	[tilespmem:$0x1E400] =	vst v63  }
0x70: {  	_ =	swait.ge [sflag:s30], $0x50  }
0x71: {  	[sflag:s30] =	ssyncset.done $0x0  }
0x72: {  	s21 =	simm.s32 $0x2800;
	[sflag:s30] =	ssyncadd.s32 $0xFFFFFFB0  }
0x73: {  	[tilespmem:s21], [sflag:$0x2] =	stream.indirect.gather [hbm4b:s14+s3], $0x80, s16, s3, $0xb8;
	[tilespmem:$0x1E400] =	vst v63  }
0x74: {  	_ =	swait.ge [sflag:s9], $0x2800  }
0x75: {  	p0 =	por $0x1, $0x1;
	[sflag:s9] =	ssyncset.done $0x0  }
0x76: {  	s16 =	simm.s32 @!p0 $0x7;
	[sflag:s9] =	ssyncadd.s32 $0xFFFFD800  }
0x77: {  	[spmem:s1] =	stream.indirect.scatter.add.f32 [tilespmem:s2], [sflag:$0x5], $0x80, s0, s3, $0xb8;
	[tilespmem:$0x1E400] =	vst v63  }
0x78: {  	_ =	swait.ge @!p0 [sflag:s16], $0x2800  }
0x79: {  	s18 =	rddreg [dreg:$0x8];
	[sflag:s16] =	ssyncset.done @!p0 $0x0  }
0x7a: {  	[sflag:s16] =	ssyncadd.s32 @!p0 $0xFFFFD800;
	s22 =	sadd.s32 $0x0, s18  }
0x7b: {  	[tilespmem:s10], [sflag:$0x9] =	stream.linear.gather [hbm4b:s22+s2], $0x50, $0x38;
	[tilespmem:$0x1E400] =	vst v63  }
0x7c: {  	_ =	swait.ge [sflag:s30], $0x50  }
0x7d: {  	s5 =	rddreg [dreg:$0x7];
	[sflag:s30] =	ssyncset.done $0x0  }
0x7e: {  	[sflag:s30] =	ssyncadd.s32 $0xFFFFFFB0;
	s16 =	sadd.s32 $0x0, s5  }
0x7f: {  	[tilespmem:s11], [sflag:$0x9] =	stream.linear.gather [hbm4b:s16+s2], $0x50, $0x38;
	[tilespmem:$0x1E400] =	vst v63  }
0x80: {  	_ =	swait.ge [sflag:s30], $0x50  }
0x81: {  	[sflag:s30] =	ssyncset.done $0x0  }
0x82: {  	[sflag:s30] =	ssyncadd.s32 $0xFFFFFFB0  }
0x83: {  	[tilespmem:s12], [sflag:$0x3] =	stream.indirect.gather [hbm4b:s14+s3], $0x80, s10, s3, $0xb8;
	[tilespmem:$0x1E400] =	vst v63  }
0x84: {  	_ =	swait.ge [sflag:s13], $0x2800  }
0x85: {  	[sflag:s13] =	ssyncset.done $0x0  }
0x86: {  	s16 =	simm.s32 @!p0 $0x8;
	[sflag:s13] =	ssyncadd.s32 $0xFFFFD800  }
0x87: {  	[spmem:s1] =	stream.indirect.scatter.add.f32 [tilespmem:s21], [sflag:$0x6], $0x80, s20, s3, $0xb8;
	[tilespmem:$0x1E400] =	vst v63  }
0x88: {  	_ =	swait.ge @!p0 [sflag:s16], $0x2800  }
0x89: {  	s8 =	rddreg [dreg:$0x6];
	[sflag:s16] =	ssyncset.done @!p0 $0x0  }
0x8a: {  	[sflag:s16] =	ssyncadd.s32 @!p0 $0xFFFFD800;
	s18 =	sadd.s32 $0x0, s8  }
0x8b: {  	[tilespmem:s23], [sflag:$0x9] =	stream.linear.gather [hbm4b:s18+s2], $0x50, $0x38;
	[tilespmem:$0x1E400] =	vst v63  }
0x8c: {  	_ =	swait.ge [sflag:s30], $0x50  }
0x8d: {  	s19 =	rddreg [dreg:$0x5];
	[sflag:s30] =	ssyncset.done $0x0  }
0x8e: {  	[sflag:s30] =	ssyncadd.s32 $0xFFFFFFB0;
	s16 =	sadd.s32 $0x0, s19  }
0x8f: {  	[tilespmem:s24], [sflag:$0x9] =	stream.linear.gather [hbm4b:s16+s2], $0x50, $0x38;
	[tilespmem:$0x1E400] =	vst v63  }
0x90: {  	_ =	swait.ge [sflag:s30], $0x50  }
0x91: {  	[sflag:s30] =	ssyncset.done $0x0  }
0x92: {  	[sflag:s30] =	ssyncadd.s32 $0xFFFFFFB0  }
0x93: {  	[tilespmem:s25], [sflag:$0x4] =	stream.indirect.gather [hbm4b:s14+s3], $0x80, s23, s3, $0xb8;
	[tilespmem:$0x1E400] =	vst v63  }
0x94: {  	_ =	swait.ge [sflag:s26], $0x2800  }
0x95: {  	[sflag:s26] =	ssyncset.done $0x0  }
0x96: {  	[sflag:s26] =	ssyncadd.s32 $0xFFFFD800  }
0x97: {  	[spmem:s1] =	stream.indirect.scatter.add.f32 [tilespmem:s12], [sflag:$0x7], $0x80, s11, s3, $0xb8;
	[tilespmem:$0x1E400] =	vst v63  }
0x98: {  	_ =	swait.ge [sflag:s6], $0x2800  }
0x99: {  	s5 =	sld [smem:$0x7FC]  }
0x9a: {  	s20 =	rddreg [dreg:$0x1e]  }
0x9b: {  	[sflag:s6] =	ssyncset.done $0x0;
	s21 =	sshrl.u32 s20, $0x3  }
0x9c: {  	[sflag:s6] =	ssyncadd.s32 $0xFFFFD800;
	s22 =	sadd.s32 s5, s21  }
0x9d: {  	[tilespmem:s31], [sflag:$0x9] =	stream.linear.gather [hbm4b:s22+s2], $0x50, $0x38;
	[tilespmem:$0x1E400] =	vst v63  }
0x9e: {  	_ =	swait.ge [sflag:s30], $0x50  }
0x9f: {  	s8 =	sld [smem:$0x7FD];
	_ =	sdelay $0x1  }
0xa0: {  	[sflag:s30] =	ssyncset.done $0x0  }
0xa1: {  	[sflag:s30] =	ssyncadd.s32 $0xFFFFFFB0;
	s16 =	sadd.s32 s8, s21  }
0xa2: {  	[tilespmem:s0], [sflag:$0x9] =	stream.linear.gather [hbm4b:s16+s2], $0x50, $0x38;
	[tilespmem:$0x1E400] =	vst v63  }
0xa3: {  	_ =	swait.ge [sflag:s30], $0x50  }
0xa4: {  	[sflag:s30] =	ssyncset.done $0x0  }
0xa5: {  	[sflag:s30] =	ssyncadd.s32 $0xFFFFFFB0  }
0xa6: {  	[tilespmem:s2], [sflag:$0x1] =	stream.indirect.gather [hbm4b:s14+s3], $0x80, s31, s3, $0xb8;
	[tilespmem:$0x1E400] =	vst v63  }
0xa7: {  	_ =	swait.ge [sflag:s28], $0x2800  }
0xa8: {  	[sflag:s28] =	ssyncset.done $0x0  }
0xa9: {  	p1 =	por $0x0, $0x0;
	[sflag:s28] =	ssyncadd.s32 $0xFFFFD800  }
0xaa: {  	[spmem:s1] =	stream.indirect.scatter.add.f32 [tilespmem:s25], [sflag:$0x8], $0x80, s24, s3, $0xb8;
	[tilespmem:$0x1E400] =	vst v63  }
0xab: {  	s18 =	simm.s32 @!p1 $0x0;
	_ =	swait.ge [sflag:s15], $0x2800  }
0xac: {  	s22 =	simm.s32 @!p1 $0x9;
	s16 =	rddreg [dreg:$0x4];
	[sflag:s15] =	ssyncset.done $0x0  }
0xad: {  	s21 =	simm.s32 @!p1 $0xA080;
	[sflag:s15] =	ssyncadd.s32 $0xFFFFD800;
	s16 =	sadd.s32 @!p1 $0x0, s16  }
0xae: {  	[tilespmem:s21], [sflag:$0x9] =	stream.linear.gather @!p1 [hbm4b:s16+s18], $0x50, $0x38;
	[tilespmem:$0x1E400] =	vst v63  }
0xaf: {  	_ =	swait.ge @!p1 [sflag:s22], $0x50  }
0xb0: {  	s16 =	rddreg [dreg:$0x3];
	[sflag:s22] =	ssyncset.done @!p1 $0x0  }
0xb1: {  	s19 =	simm.s32 @!p1 $0xA280;
	[sflag:s22] =	ssyncadd.s32 @!p1 $0xFFFFFFB0;
	s16 =	sadd.s32 @!p1 $0x0, s16  }
0xb2: {  	[tilespmem:s19], [sflag:$0x9] =	stream.linear.gather @!p1 [hbm4b:s16+s18], $0x50, $0x38;
	[tilespmem:$0x1E400] =	vst v63  }
0xb3: {  	s29 =	simm.s32 @!p1 $0x50;
	s18 =	simm.s32 $0x28;
	_ =	swait.ge @!p1 [sflag:s22], $0x50  }
0xb4: {  	s19 =	sadd.s32 $0x140, s20;
	s16 =	simm.s32 @!p1 $0x2800;
	[sflag:s22] =	ssyncset.done @!p1 $0x0  }
.LBB2_4:
0xb5: {  	[sflag:s22] =	ssyncadd.s32 @!p1 $0xFFFFFFB0  }
0xb6: {  	[tilespmem:s16], [sflag:$0x2] =	stream.indirect.gather @!p1 [hbm4b:s14+s29], $0x80, s21, s29, $0xb8;
	[tilespmem:$0x1E400] =	vst v63  }
0xb7: {  	s20 =	smov.u32 s18;
	_ =	swait.ge [sflag:s9], $0x2800  }
0xb8: {  	p1 =	seq.s32 s20, $0x0;
	[sflag:s9] =	ssyncset.done $0x0  }
0xb9: {  	s16 =	simm.s32 @!p1 $0x7;
	[sflag:s9] =	ssyncadd.s32 $0xFFFFD800  }
0xba: {  	[spmem:s1] =	stream.indirect.scatter.add.f32 [tilespmem:s2], [sflag:$0x5], $0x80, s0, s3, $0xb8;
	[tilespmem:$0x1E400] =	vst v63  }
0xbb: {  	_ =	swait.ge @!p1 [sflag:s16], $0x2800  }
0xbc: {  	[sflag:s16] =	ssyncset.done @!p1 $0x0;
	s7 =	rddreg [dreg:$0x8]  }
0xbd: {  	[sflag:s16] =	ssyncadd.s32 @!p1 $0xFFFFD800;
	s21 =	sadd.s32 s20, s7  }
0xbe: {  	[tilespmem:s10], [sflag:$0x9] =	stream.linear.gather [hbm4b:s21+s2], $0x50, $0x38;
	[tilespmem:$0x1E400] =	vst v63  }
0xbf: {  	_ =	swait.ge [sflag:s30], $0x50  }
0xc0: {  	s22 =	rddreg [dreg:$0x7];
	[sflag:s30] =	ssyncset.done $0x0  }
0xc1: {  	[sflag:s30] =	ssyncadd.s32 $0xFFFFFFB0;
	s16 =	sadd.s32 s20, s22  }
0xc2: {  	[tilespmem:s11], [sflag:$0x9] =	stream.linear.gather [hbm4b:s16+s2], $0x50, $0x38;
	[tilespmem:$0x1E400] =	vst v63  }
0xc3: {  	_ =	swait.ge [sflag:s30], $0x50  }
0xc4: {  	[sflag:s30] =	ssyncset.done $0x0  }
0xc5: {  	[sflag:s30] =	ssyncadd.s32 $0xFFFFFFB0  }
0xc6: {  	[tilespmem:s12], [sflag:$0x3] =	stream.indirect.gather [hbm4b:s14+s3], $0x80, s10, s3, $0xb8;
	[tilespmem:$0x1E400] =	vst v63  }
0xc7: {  	_ =	swait.ge [sflag:s13], $0x2800  }
0xc8: {  	[sflag:s13] =	ssyncset.done $0x0  }
0xc9: {  	s7 =	simm.s32 $0xA280;
	s16 =	simm.s32 @!p1 $0x8;
	[sflag:s13] =	ssyncadd.s32 $0xFFFFD800  }
0xca: {  	[spmem:s1] =	stream.indirect.scatter.add.f32 [tilespmem:s4], [sflag:$0x6], $0x80, s7, s3, $0xb8;
	[tilespmem:$0x1E400] =	vst v63  }
0xcb: {  	_ =	swait.ge @!p1 [sflag:s16], $0x2800  }
0xcc: {  	[sflag:s16] =	ssyncset.done @!p1 $0x0;
	s7 =	rddreg [dreg:$0x6]  }
0xcd: {  	[sflag:s16] =	ssyncadd.s32 @!p1 $0xFFFFD800;
	s21 =	sadd.s32 s20, s7  }
0xce: {  	[tilespmem:s23], [sflag:$0x9] =	stream.linear.gather [hbm4b:s21+s2], $0x50, $0x38;
	[tilespmem:$0x1E400] =	vst v63  }
0xcf: {  	_ =	swait.ge [sflag:s30], $0x50  }
0xd0: {  	s22 =	rddreg [dreg:$0x5];
	[sflag:s30] =	ssyncset.done $0x0  }
0xd1: {  	[sflag:s30] =	ssyncadd.s32 $0xFFFFFFB0;
	s16 =	sadd.s32 s20, s22  }
0xd2: {  	[tilespmem:s24], [sflag:$0x9] =	stream.linear.gather [hbm4b:s16+s2], $0x50, $0x38;
	[tilespmem:$0x1E400] =	vst v63  }
0xd3: {  	_ =	swait.ge [sflag:s30], $0x50  }
0xd4: {  	[sflag:s30] =	ssyncset.done $0x0  }
0xd5: {  	[sflag:s30] =	ssyncadd.s32 $0xFFFFFFB0  }
0xd6: {  	[tilespmem:s25], [sflag:$0x4] =	stream.indirect.gather [hbm4b:s14+s3], $0x80, s23, s3, $0xb8;
	[tilespmem:$0x1E400] =	vst v63  }
0xd7: {  	_ =	swait.ge [sflag:s26], $0x2800  }
0xd8: {  	[sflag:s26] =	ssyncset.done $0x0  }
0xd9: {  	[sflag:s26] =	ssyncadd.s32 $0xFFFFD800  }
0xda: {  	[spmem:s1] =	stream.indirect.scatter.add.f32 [tilespmem:s12], [sflag:$0x7], $0x80, s11, s3, $0xb8;
	[tilespmem:$0x1E400] =	vst v63  }
0xdb: {  	_ =	swait.ge [sflag:s6], $0x2800  }
0xdc: {  	s7 =	sshrl.u32 s19, $0x3;
	[sflag:s6] =	ssyncset.done $0x0  }
0xdd: {  	s22 =	sadd.s32 s5, s7;
	[sflag:s6] =	ssyncadd.s32 $0xFFFFD800  }
0xde: {  	[tilespmem:s31], [sflag:$0x9] =	stream.linear.gather [hbm4b:s22+s2], $0x50, $0x38;
	[tilespmem:$0x1E400] =	vst v63  }
0xdf: {  	_ =	swait.ge [sflag:s30], $0x50  }
0xe0: {  	[sflag:s30] =	ssyncset.done $0x0  }
0xe1: {  	s16 =	sadd.s32 s8, s7;
	[sflag:s30] =	ssyncadd.s32 $0xFFFFFFB0  }
0xe2: {  	[tilespmem:s0], [sflag:$0x9] =	stream.linear.gather [hbm4b:s16+s2], $0x50, $0x38;
	[tilespmem:$0x1E400] =	vst v63  }
0xe3: {  	_ =	swait.ge [sflag:s30], $0x50  }
0xe4: {  	[sflag:s30] =	ssyncset.done $0x0  }
0xe5: {  	[sflag:s30] =	ssyncadd.s32 $0xFFFFFFB0  }
0xe6: {  	[tilespmem:s2], [sflag:$0x1] =	stream.indirect.gather [hbm4b:s14+s3], $0x80, s31, s3, $0xb8;
	[tilespmem:$0x1E400] =	vst v63  }
0xe7: {  	_ =	swait.ge [sflag:s28], $0x2800  }
0xe8: {  	s17 =	sadd.s32 $0x1, s17;
	[sflag:s28] =	ssyncset.done $0x0  }
0xe9: {  	p1 =	sgt.u32 s17, $0x1D;
	[sflag:s28] =	ssyncadd.s32 $0xFFFFD800  }
0xea: {  	[spmem:s1] =	stream.indirect.scatter.add.f32 [tilespmem:s25], [sflag:$0x8], $0x80, s24, s3, $0xb8;
	[tilespmem:$0x1E400] =	vst v63  }
0xeb: {  	s18 =	sadd.s32 $0x28, s18;
	s29 =	simm.s32 @!p1 $0x0;
	_ =	swait.ge [sflag:s15], $0x2800  }
0xec: {  	s21 =	simm.s32 @!p1 $0xA080;
	s16 =	rddreg [dreg:$0x4];
	[sflag:s15] =	ssyncset.done $0x0  }
0xed: {  	s22 =	simm.s32 @!p1 $0x9;
	[sflag:s15] =	ssyncadd.s32 $0xFFFFD800;
	s16 =	sadd.s32 @!p1 s20, s16  }
0xee: {  	[tilespmem:s21], [sflag:$0x9] =	stream.linear.gather @!p1 [hbm4b:s16+s29], $0x50, $0x38;
	[tilespmem:$0x1E400] =	vst v63  }
0xef: {  	p0 =	sne.s32 s18, $0x4D8;
	_ =	swait.ge @!p1 [sflag:s22], $0x50  }
.Ltmp1:
0xf0: {  	s16 =	rddreg [dreg:$0x3];
	[sflag:s22] =	ssyncset.done @!p1 $0x0;
	(pc) =	sbr.rel @p0 .LBB2_4-.Ltmp1, $4  }
0xf1: {  	s7 =	simm.s32 @!p1 $0xA280;
	[sflag:s22] =	ssyncadd.s32 @!p1 $0xFFFFFFB0;
	s16 =	sadd.s32 @!p1 s20, s16  }
0xf2: {  	[tilespmem:s7], [sflag:$0x9] =	stream.linear.gather @!p1 [hbm4b:s16+s29], $0x50, $0x38;
	[tilespmem:$0x1E400] =	vst v63  }
0xf3: {  	s19 =	sadd.s32 $0x140, s19;
	_ =	swait.ge @!p1 [sflag:s22], $0x50  }
0xf4: {  	s29 =	simm.s32 @!p1 $0x50;
	s16 =	simm.s32 @!p1 $0x2800;
	[sflag:s22] =	ssyncset.done @!p1 $0x0  }
0xf5: {  	[sflag:s22] =	ssyncadd.s32 @!p1 $0xFFFFFFB0  }
0xf6: {  	[tilespmem:s16], [sflag:$0x2] =	stream.indirect.gather @!p1 [hbm4b:s14+s29], $0x80, s21, s29, $0xb8;
	[tilespmem:$0x1E400] =	vst v63  }
0xf7: {  	_ =	swait.ge [sflag:s9], $0x2800  }
0xf8: {  	[sflag:s9] =	ssyncset.done $0x0  }
0xf9: {  	s7 =	simm.s32 $0x7;
	[sflag:s9] =	ssyncadd.s32 $0xFFFFD800  }
0xfa: {  	[spmem:s1] =	stream.indirect.scatter.add.f32 [tilespmem:s2], [sflag:$0x5], $0x80, s0, s3, $0xb8;
	[tilespmem:$0x1E400] =	vst v63  }
0xfb: {  	_ =	swait.ge [sflag:s7], $0x2800  }
0xfc: {  	[sflag:s7] =	ssyncset.done $0x0  }
0xfd: {  	s20 =	simm.s32 $0x8;
	[sflag:s7] =	ssyncadd.s32 $0xFFFFD800  }
0xfe: {  	_ =	swait.ge [sflag:s20], $0x2800  }
0xff: {  	[sflag:s20] =	ssyncset.done $0x0  }
0x100: {  	[sflag:s20] =	ssyncadd.s32 $0xFFFFD800  }
0x101: {  	_ =	swait.ge [sflag:s6], $0x2800  }
0x102: {  	[sflag:s6] =	ssyncset.done $0x0  }
0x103: {  	[sflag:s6] =	ssyncadd.s32 $0xFFFFD800  }
0x104: {  	s21 =	stileid.u32;
	[bflag:$0x0] =	sbarrier.arrive $0xFFFF  }
0x105: {  	s7 =	sshll.u32 s21, $0x6;
	s19 =	rddreg [dreg:$0x11]  }
0x106: {  	s7 =	sor.u32 $0x1C09, s7;
	s17 =	rddreg [dreg:$0x9];
	s22 =	sshrl.u32 s19, $0x3  }
0x107: {  	[hbm:s17], [sflag:s7] =	dma.local [spmem:s22], $0x500  }
0x108: {  	_ =	swait.ge [sflag:s30], $0x500  }
0x109: {  	[sflag:s30] =	ssyncset.done $0x0;
	s20 =	rddreg [dreg:$0x12]  }
0x10a: {  	s8 =	rddreg [dreg:$0xa];
	[sflag:s30] =	ssyncadd.s32 $0xFFFFFB00;
	s5 =	sshrl.u32 s20, $0x3  }
0x10b: {  	[hbm:s8], [sflag:s7] =	dma.local [spmem:s5], $0x500  }
0x10c: {  	_ =	swait.ge [sflag:s30], $0x500  }
0x10d: {  	[sflag:s30] =	ssyncset.done $0x0;
	s21 =	rddreg [dreg:$0x13]  }
0x10e: {  	s22 =	rddreg [dreg:$0xb];
	[sflag:s30] =	ssyncadd.s32 $0xFFFFFB00;
	s18 =	sshrl.u32 s21, $0x3  }
0x10f: {  	[hbm:s22], [sflag:s7] =	dma.local [spmem:s18], $0x500  }
0x110: {  	_ =	swait.ge [sflag:s30], $0x500  }
0x111: {  	[sflag:s30] =	ssyncset.done $0x0;
	s22 =	rddreg [dreg:$0x14]  }
0x112: {  	s8 =	rddreg [dreg:$0xc];
	[sflag:s30] =	ssyncadd.s32 $0xFFFFFB00;
	s5 =	sshrl.u32 s22, $0x3  }
0x113: {  	[hbm:s8], [sflag:s7] =	dma.local [spmem:s5], $0x500  }
0x114: {  	_ =	swait.ge [sflag:s30], $0x500  }
0x115: {  	[sflag:s30] =	ssyncset.done $0x0;
	s29 =	rddreg [dreg:$0x15]  }
0x116: {  	s18 =	rddreg [dreg:$0xd];
	[sflag:s30] =	ssyncadd.s32 $0xFFFFFB00;
	s17 =	sshrl.u32 s29, $0x3  }
0x117: {  	[hbm:s18], [sflag:s7] =	dma.local [spmem:s17], $0x500  }
0x118: {  	_ =	swait.ge [sflag:s30], $0x500  }
0x119: {  	[sflag:s30] =	ssyncset.done $0x0;
	s5 =	rddreg [dreg:$0x16]  }
0x11a: {  	s8 =	rddreg [dreg:$0xe];
	[sflag:s30] =	ssyncadd.s32 $0xFFFFFB00;
	s16 =	sshrl.u32 s5, $0x3  }
0x11b: {  	[hbm:s8], [sflag:s7] =	dma.local [spmem:s16], $0x500  }
0x11c: {  	_ =	swait.ge [sflag:s30], $0x500  }
0x11d: {  	[sflag:s30] =	ssyncset.done $0x0;
	s17 =	rddreg [dreg:$0x17]  }
0x11e: {  	s18 =	rddreg [dreg:$0xf];
	[sflag:s30] =	ssyncadd.s32 $0xFFFFFB00;
	s16 =	sshrl.u32 s17, $0x3  }
0x11f: {  	[hbm:s18], [sflag:s7] =	dma.local [spmem:s16], $0x500  }
0x120: {  	_ =	swait.ge [sflag:s30], $0x500  }
0x121: {  	[sflag:s30] =	ssyncset.done $0x0;
	s5 =	rddreg [dreg:$0x18]  }
0x122: {  	s8 =	rddreg [dreg:$0x10];
	[sflag:s30] =	ssyncadd.s32 $0xFFFFFB00;
	s16 =	sshrl.u32 s5, $0x3  }
0x123: {  	[hbm:s8], [sflag:s7] =	dma.local [spmem:s16], $0x500  }
0x124: {  	_ =	swait.ge [sflag:s30], $0x500  }
0x125: {  	s8 =	rddreg [dreg:$0x1f]  }
0x126: {  	s18 =	rddreg [dreg:$0x1d];
	s8 =	sadd.s32 $0x1, s8  }
0x127: {  	p0 =	sne.s32 s8, s18  }
.Ltmp2:
0x128: {  	_ = 	snop;
	(pc) =	sbr.rel @p0 .LBB2_1-.Ltmp2, $3  }
0x129: {  	_ =	sdelay $0x1  }
0x12a: {  	[sflag:s30] =	ssyncset.done $0x0  }
0x12b: {  	[sflag:s30] =	ssyncadd.s32 $0xFFFFFB00  }
0x12c: {  	_ =	sfence.sel $0x180000  }
0x12d: {  	[bflag:$0x0] =	sbarrier.arrive $0xFFFF  }
0x12e: {  	_ =	strace $0x9000004D  }
0x12f: {  	s0 =	stileid.u32;
	[bflag:$0x2] =	sbarrier.arrive $0xFFFF  }
0x130: {  	p0 =	sne.s32 s0, $0x0;
	s0 =	rddreg [dreg:$0x2]  }
0x131: {  	s0 =	sadd.s32 @!p0 $0x100000, s0  }
0x132: {  	[sflag:s0] =	ssyncadd.tile.s32 @!p0 $0x1;
	_ =	shalt  }
.Lfunc_end2:
_tile_overlayer_lowered:
.L_overlay_start_2:
0x133: {  	(tag) =	ssettag $0x2  }
0x134: {  	s0 =	rddreg [dreg:$0x0];
	s2 =	stileid.u32  }
0x135: {  	s1 =	rddreg [dreg:$0x1];
	p0 =	sne.s32 s2, $0x0  }
0x136: {  	s3 =	rddreg [dreg:$0x2];
	[bflag:$0x3] =	sbarrier.arrive $0xFFFF;
	s2 =	simm.s32 @!p0 $0x1C09  }
0x137: {  	[timem:s3], [sflag:s2] =	dma.local @!p0 [hbm:s0], s1  }
0x138: {  	s0 =	simm.s32 @!p0 $0x9  }
0x139: {  	_ =	swait.ge @!p0 [sflag:s0], s1  }
0x13a: {  	s1 =	ssub.s32 @!p0 $0x0, s1;
	[sflag:s0] =	ssyncset.done @!p0 $0x0  }
0x13b: {  	[sflag:s0] =	ssyncadd.s32 @!p0 s1  }
0x13c: {  	[bflag:$0x3] =	sbarrier.arrive $0xFFFF  }
0x13d: {  	_ =	shalt  }

// kernel: kernel.19.cloned.1.call-start
scs
__scs_entry_jumppad:
0x0: {  	(pc) =	sbr.rel $0x88, $3  }
0x1: {  	(tag) =	ssettag $0x0;
	lr =	simm.s32 $0x1  }
0x2: {  	[smem:$0x3F97] =	sst lr;
	_ =	strace $0xD0000000  }
0x3: {  	_ = 	snop  }
0x4: {  	_ = 	snop  }
0x5: {  	_ = 	snop  }
0x6: {  	_ = 	snop  }
0x7: {  	_ = 	snop  }
__scs_overlays_trampoline_lowered:
0x8: {  	[smem:$0x3FA6] =	sst s0  }
0x9: {  	[smem:$0x3FA7] =	sst s1  }
0xa: {  	[smem:$0x3FA8] =	sst s2  }
0xb: {  	[smem:$0x3FA9] =	sst s3  }
0xc: {  	[smem:$0x3FAA] =	sst s4  }
0xd: {  	[smem:$0x3FAB] =	sst s5  }
0xe: {  	[smem:$0x3FAC] =	sst s6  }
0xf: {  	[smem:$0x3FAD] =	sst s7  }
0x10: {  	[smem:$0x3FAE] =	sst s8  }
0x11: {  	[smem:$0x3FAF] =	sst s9;
	s0 =	simm.s32 @!p0 $0x0  }
0x12: {  	s1 =	sld [smem:$0x3F95];
	s0 =	simm.s32 @p0 $0x1  }
0x13: {  	[smem:$0x3FB0] =	sst s0;
	s0 =	simm.s32 @!p1 $0x0  }
0x14: {  	s2 =	sld [smem:$0x3F94];
	s0 =	simm.s32 @p1 $0x1  }
0x15: {  	[smem:$0x3FB1] =	sst s0;
	s0 =	simm.s32 @!p2 $0x0  }
0x16: {  	s3 =	sld [smem:$0x3FDB];
	s0 =	simm.s32 @p2 $0x1  }
0x17: {  	s4 =	simm.s32 $0x1BF5;
	[smem:$0x3FB3] =	sst s0  }
0x18: {  	s0 =	sld [smem:$0x3F96];
	_ =	swait.ge [sflag:s4], $0x0  }
0x19: {  	s7 =	sld [smem:$0x3F97]  }
0x1a: {  	s8 =	sadd.s32 $0xFFFFE003, lr  }
0x1b: {  	s9 =	sadd.s32 $0xFFFFFEF7, lr;
	s5 =	simm.s32 $0xFFFFFFFF;
	p2 =	slt.u32 s8, $0xFFFFF086  }
0x1c: {  	p1 =	slt.u32 s9, $0xF7A;
	s5 =	simm.s32 @!p2 $0x0  }
0x1d: {  	s5 =	simm.s32 @p1 $0x1;
	p0 =	seq.s32 s7, s2  }
0x1e: {  	s7 =	smul.u32 @!p0 $0xF7A, s2;
	p2 =	seq.s32 @!p0 s5, $0x0  }
0x1f: {  	s9 =	smul.u32 $0xF7A, s1;
	s8 =	simm.s32 @!p0 $0x1BF5;
	p2 =	por !p2, p0  }
0x20: {  	[sflag:s8] =	ssyncset.s32 @!p0 $0xFFFFF086;
	s6 =	sadd.s32 @!p0 s3, s7;
	s7 =	simm.s32 @!p0 $0x108  }
0x21: {  	s3 =	sadd.s32 s3, s9;
	s6 =	sadd.s32 @!p0 $0x88, s6;
	s7 =	simm.s32 @p2 $0x1082  }
0x22: {  	[simem:s7], [sflag:s8] =	dma.local @!p0 [hbm:s6], $0xF7A  }
0x23: {  	s9 =	sor.u32 $0xD0000000, s2;
	s6 =	simm.s32 $0x108;
	_ =	swait.ge @!p0 [sflag:s8], $0x0  }
0x24: {  	s3 =	sadd.s32 $0x88, s3;
	s6 =	simm.s32 @!p1 $0x1082;
	[sflag:s4] =	ssyncset.s32 $0xFFFFF086  }
0x25: {  	[simem:s6], [sflag:s4] =	dma.local [hbm:s3], $0xF7A  }
0x26: {  	[smem:$0x3F97] =	sst s1;
	(tag) =	ssettag s2;
	_ =	strace s9  }
0x27: {  	s1 =	sld [smem:$0x3FA7]  }
0x28: {  	s2 =	sld [smem:$0x3FA8]  }
0x29: {  	s4 =	sld [smem:$0x3FAA]  }
0x2a: {  	p0 =	seq.s32 s5, $0x0;
	s5 =	sld [smem:$0x3FAB]  }
0x2b: {  	s6 =	sld [smem:$0x3FAC]  }
0x2c: {  	s7 =	sld [smem:$0x3FAD]  }
0x2d: {  	s3 =	simm.s32 $0x108;
	s8 =	sld [smem:$0x3FAE]  }
0x2e: {  	s3 =	simm.s32 @!p0 $0x1082;
	s9 =	sld [smem:$0x3FAF]  }
0x2f: {  	lr =	sadd.s32 s0, s3;
	s0 =	sld [smem:$0x3FA6]  }
0x30: {  	s3 =	sld [smem:$0x3FA9]  }
0x31: {  	[smem:$0x3FB2] =	sst s10  }
0x32: {  	s10 =	sld [smem:$0x3FB0];
	_ =	sdelay $0x3  }
0x33: {  	p0 =	seq.s32 s10, $0x1;
	s10 =	sld [smem:$0x3FB2];
	_ =	sdelay $0x3  }
0x34: {  	[smem:$0x3FB2] =	sst s10  }
0x35: {  	s10 =	sld [smem:$0x3FB1];
	_ =	sdelay $0x3  }
0x36: {  	p1 =	seq.s32 s10, $0x1;
	s10 =	sld [smem:$0x3FB2];
	_ =	sdelay $0x3  }
0x37: {  	[smem:$0x3FB2] =	sst s10  }
0x38: {  	s10 =	sld [smem:$0x3FB3]  }
0x39: {  	_ = 	snop;
	(pc) =	sbr.ind lr, $3  }
0x3a: {  	_ = 	snop  }
0x3b: {  	_ = 	snop  }
0x3c: {  	p2 =	seq.s32 s10, $0x1;
	s10 =	sld [smem:$0x3FB2]  }
0x3d: {  	_ =	shalt  }
0x3e: {  	_ =	shalt  }
0x3f: {  	_ =	shalt  }
0x40: {  	_ =	shalt  }
0x41: {  	_ =	shalt  }
0x42: {  	_ =	shalt  }
0x43: {  	_ =	shalt  }
0x44: {  	_ =	shalt  }
0x45: {  	_ =	shalt  }
0x46: {  	_ =	shalt  }
0x47: {  	_ =	shalt  }
0x48: {  	_ =	shalt  }
0x49: {  	_ =	shalt  }
0x4a: {  	_ =	shalt  }
0x4b: {  	_ =	shalt  }
0x4c: {  	_ =	shalt  }
0x4d: {  	_ =	shalt  }
0x4e: {  	_ =	shalt  }
0x4f: {  	_ =	shalt  }
0x50: {  	_ =	shalt  }
0x51: {  	_ =	shalt  }
0x52: {  	_ =	shalt  }
0x53: {  	_ =	shalt  }
0x54: {  	_ =	shalt  }
0x55: {  	_ =	shalt  }
0x56: {  	_ =	shalt  }
0x57: {  	_ =	shalt  }
0x58: {  	_ =	shalt  }
0x59: {  	_ =	shalt  }
0x5a: {  	_ =	shalt  }
0x5b: {  	_ =	shalt  }
0x5c: {  	_ =	shalt  }
0x5d: {  	_ =	shalt  }
0x5e: {  	_ =	shalt  }
0x5f: {  	_ =	shalt  }
0x60: {  	_ =	shalt  }
0x61: {  	_ =	shalt  }
0x62: {  	_ =	shalt  }
0x63: {  	_ =	shalt  }
0x64: {  	_ =	shalt  }
0x65: {  	_ =	shalt  }
0x66: {  	_ =	shalt  }
0x67: {  	_ =	shalt  }
0x68: {  	_ =	shalt  }
0x69: {  	_ =	shalt  }
0x6a: {  	_ =	shalt  }
0x6b: {  	_ =	shalt  }
0x6c: {  	_ =	shalt  }
0x6d: {  	_ =	shalt  }
0x6e: {  	_ =	shalt  }
0x6f: {  	_ =	shalt  }
0x70: {  	_ =	shalt  }
0x71: {  	_ =	shalt  }
0x72: {  	_ =	shalt  }
0x73: {  	_ =	shalt  }
0x74: {  	_ =	shalt  }
0x75: {  	_ =	shalt  }
0x76: {  	_ =	shalt  }
0x77: {  	_ =	shalt  }
0x78: {  	_ =	shalt  }
0x79: {  	_ =	shalt  }
0x7a: {  	_ =	shalt  }
0x7b: {  	_ =	shalt  }
0x7c: {  	_ =	shalt  }
0x7d: {  	_ =	shalt  }
0x7e: {  	_ =	shalt  }
0x7f: {  	_ =	shalt  }
0x80: {  	_ =	shalt  }
0x81: {  	_ =	shalt  }
0x82: {  	_ =	shalt  }
0x83: {  	_ =	shalt  }
0x84: {  	_ =	shalt  }
0x85: {  	_ =	shalt  }
0x86: {  	_ =	shalt  }
0x87: {  	_ =	shalt  }
.Lfunc_end0:
.L_simem_size_0:
called_computation.3_lowered:
.L_overlay_start_0:
0x88: {  	s2 =	sld [smem:$0x3FD9]  }
0x89: {  	s3 =	sld [smem:$0x3FFE];
	_ =	sdelay $0x1  }
0x8a: {  	s1 =	srdreg.scid  }
0x8b: {  	s0 =	sand.u32 $0x1, s1  }
0x8c: {  	s17 =	sshll.u32 s0, $0xA;
	s2 =	sadd.s32 s3, s2  }
0x8d: {  	s2 =	sadd.s32 s2, s17  }
0x8e: {  	[smem:$0x3FBE] =	sst s2  }
0x8f: {  	_ = 	snop  }
0x90: {  	s2 =	sld [smem:$0x3FC2]  }
0x91: {  	s18 =	sld [smem:$0x3FD0];
	(tm) =	ssettm $0x1  }
0x92: {  	s4 =	sld [smem:$0x3FFB];
	_ =	sdelay $0x3  }
0x93: {  	_ =	strace s4  }
0x94: {  	s4 =	sld [smem:$0x3FFC];
	_ =	sdelay $0x3  }
0x95: {  	_ =	strace s4  }
0x96: {  	s4 =	sld [smem:$0x3FFD];
	_ =	sdelay $0x3  }
0x97: {  	_ =	strace s4  }
0x98: {  	_ =	strace $0x8FFFFFFF  }
0x99: {  	s19 =	sld [smem:$0x3FDB];
	_ =	sdelay $0x1  }
0x9a: {  	s5 =	simm.s32 $_scs_section_size  }
0x9b: {  	s6 =	simm.s32 $_size__tile_overlayer_lowered;
	s7 =	simm.s32 $_tile_overlayer_lowered  }
0x9c: {  	s22 =	simm.s32 $0x1BFF;
	s21 =	sshll.u32 s7, $0x1;
	s4 =	sadd.s32 s5, s19  }
0x9d: {  	s8 =	simm.s32 $0x0;
	s20 =	sshll.u32 s6, $0x1;
	s6 =	sadd.s32 s21, s4  }
0x9e: {  	[timem:s8], [sflag:s22] =	dma.local [hbm:s6], s20  }
0x9f: {  	_ =	swait.ge [sflag:s22], s20  }
0xa0: {  	s5 =	ssub.s32 $0x0, s20;
	[sflag:s22] =	ssyncset.done $0x0  }
0xa1: {  	[sflag:s22] =	ssyncadd.s32 s5;
	_ =	sdelay $0x1  }
0xa2: {  	s23 =	simm.s32 $0x1B8B  }
0xa3: {  	_ =	swait.ge [sflag:s23], $0x1  }
0xa4: {  	[sflag:s23] =	ssyncset.done $0x0  }
0xa5: {  	s25 =	simm.s32 $0x1B8E;
	s24 =	sld [smem:$0x3FFE];
	[sflag:s23] =	ssyncadd.s32 $0xFFFFFFFF  }
0xa6: {  	s26 =	simm.s32 $execute0_lowered;
	[smem:$0x3FD2] =	sst s25  }
0xa7: {  	s6 =	sshll.u32 s26, $0x1;
	_ =	strace $0x8000004F;
	[dreg:$0x1] =	wrdreg $0xFFFFFFFF  }
0xa8: {  	s28 =	simm.s32 $_size_execute0_lowered;
	s4 =	sadd.s32 s4, s6;
	[dreg:$0x0] =	wrdreg $0x0  }
0xa9: {  	s6 =	sshll.u32 s28, $0x1;
	[dreg:$0x2] =	wrdreg s4  }
0xaa: {  	[dreg:$0x3] =	wrdreg s6  }
0xab: {  	[dreg:$0x4] =	wrdreg $0xC0  }
0xac: {  	_ =	task [dreg:s8], $0x5FFFF  }
0xad: {  	[dreg:$0x1] =	wrdreg $0xFFFFFFFF  }
0xae: {  	[dreg:$0x0] =	wrdreg $0x60  }
0xaf: {  	[dreg:$0x2] =	wrdreg s24  }
0xb0: {  	[dreg:$0x3] =	wrdreg s18  }
0xb1: {  	[dreg:$0x4] =	wrdreg s2  }
0xb2: {  	[dreg:$0x5] =	wrdreg $0x9  }
0xb3: {  	_ =	task.clear_ibuf [dreg:s8], $0x6FFFF;
	_ =	strace $0x9000004F  }
0xb4: {  	s29 =	simm.s32 $0x9;
	_ =	strace $0x80000051  }
0xb5: {  	_ =	swait.ge [sflag:s29], $0x1  }
0xb6: {  	[sflag:s29] =	ssyncadd.s32 $0xFFFFFFFF  }
0xb7: {  	_ =	strace $0x90000051  }
0xb8: {  	_ =	sfence  }
0xb9: {  	s30 =	sld [smem:$0x0];
	_ =	sdelay $0x2  }
0xba: {  	s31 =	sshll.u32 s1, $0xD;
	s1 =	sshrl.u32 s1, $0x2  }
0xbb: {  	s3 =	sand.u32 $0x4000, s31;
	s1 =	sadd.s32 s1, s30  }
0xbc: {  	s0 =	sor.u32 s3, s0;
	s1 =	sshll.u32 s1, $0x11  }
0xbd: {  	s0 =	sor.u32 s1, s0  }
0xbe: {  	s0 =	sadd.s32 $0x8F2B, s0  }
0xbf: {  	[sflag:s0] =	ssyncadd.remote.s32 $0x1  }
0xc0: {  	_ =	sfence.sel $0xFFFF  }
0xc1: {  	[dreg:$0x0] =	wrdreg $0xFFFFFFFF;
	(pc) =	sbr.abs _section_cstart, $3  }
0xc2: {  	[dreg:$0x1] =	wrdreg $0xFFFFFFFF  }
0xc3: {  	_ =	task.clear_ibuf [dreg:s8], $0x2FFFF;
	_ =	strace $0x9FFFFFFF  }
0xc4: {  	(tm) =	ssettm $0x7FFFFFFF  }
0xc5: {  	_ =	shalt  }
tec
execute0_lowered:
.L_overlay_start_1:
0x0: {  	(tag) =	ssettag $0x1  }
0x1: {  	s1 =	srdreg.scid;
	s0 =	stileid.u32  }
0x2: {  	s10 =	sand.u32 $0x1, s1;
	s4 =	sshll.u32 s0, $0x1  }
0x3: {  	s9 =	sor.u32 s10, s4  }
0x4: {  	p0 =	sgt.u32 s9, $0x18  }
.Ltmp0:
0x5: {  	s7 =	rddreg [dreg:$0x0];
	(pc) =	sbr.rel @p0 .LBB2_3-.Ltmp0, $4  }
0x6: {  	s8 =	rddreg [dreg:$0x1]  }
0x7: {  	s2 =	rddreg [dreg:$0x2];
	s3 =	simm.s32 $0x0  }
0x8: {  	[smem:$0x7FF] =	sst s3  }
0x9: {  	s1 =	rddreg [dreg:$0x3];
	_ =	strace $0x80000050  }
0xa: {  	s4 =	sadd.s32 $0x3E800, s7  }
0xb: {  	s5 =	sadd.s32 $0x17600, s7;
	s6 =	sadd.s32 $0x17000, s7;
	s10 =	ssub.s32 $0x2, s10;
	v0 =	vimm.s32 $0x76543210  }
0xc: {  	s11 =	sadd.s32 s9, s7;
	s12 =	sshll.u32 s9, $0x7;
	s14 =	simm.s32 $0x2900;
	v0 =	vunpack.c.l.s4.s8 v0  }
0xd: {  	s15 =	simm.s32 $0x8;
	s16 =	simm.s32 $0x2A00;
	s17 =	simm.s32 $0x2E00  }
0xe: {  	s18 =	simm.s32 $0x3200;
	s19 =	simm.s32 $0x3600;
	s13 =	sshrl.u32 s10, $0x1;
	v0 =	vunpack.c.0.s8.s32 v0  }
0xf: {  	vm0 =	vcmask $0x1F00;
	s12 =	sadd.s32 s12, s7;
	s7 =	sadd.s32 s8, s9;
	s8 =	sadd.s32 $0x8E800, s11  }
0x10: {  	s11 =	simm.s32 $0x1;
	s10 =	ssub.s32 s10, s13;
	s9 =	sadd.s32 $0x3400, s12;
	v0 =	vnsel vm0, $0x7, v0  }
0x11: {  	s12 =	simm.s32 $0x2800;
	s13 =	simm.s32 $0x2880;
	s10 =	smax.u32 s10, $0x1;
	[tilespmem:$0x1FFF0] =	vst v0  }
.LBB2_2:
0x12: {  	[tilespmem:s3], [sflag:$0x1] =	stream.linear.gather [hbm4b:s6+s3], $0x2800, $0x38;
	[tilespmem:$0x3A00] =	vst v63  }
0x13: {  	_ =	swait.ge [sflag:s11], $0x2800  }
0x14: {  	[sflag:s11] =	ssyncset.done $0x0  }
0x15: {  	[sflag:s11] =	ssyncadd.s32 $0xFFFFD800  }
0x16: {  	[tilespmem:s12], [sflag:$0x1] =	stream.linear.gather [hbm4b:s2+s3], $0x80, $0x38;
	[tilespmem:$0x3A00] =	vst v63  }
0x17: {  	_ =	swait.ge [sflag:s11], $0x80  }
0x18: {  	[sflag:s11] =	ssyncset.done $0x0  }
0x19: {  	[sflag:s11] =	ssyncadd.s32 $0xFFFFFF80  }
0x1a: {  	[tilespmem:s13], [sflag:$0x1] =	stream.linear.gather [hbm4b:s7+s3], $0x8, $0x38;
	[tilespmem:$0x3A00] =	vst v63  }
0x1b: {  	_ =	swait.ge [sflag:s11], $0x8  }
0x1c: {  	[sflag:s11] =	ssyncset.done $0x0  }
0x1d: {  	[sflag:s11] =	ssyncadd.s32 $0xFFFFFFF8  }
0x1e: {  	[tilespmem:s14], [sflag:$0x1] =	stream.linear.gather [hbm4b:s8+s3], $0x8, $0x38;
	[tilespmem:$0x3A00] =	vst v63  }
0x1f: {  	_ =	swait.ge [sflag:s11], $0x8  }
0x20: {  	v0 =	vld [tilespmem:$0x1FFF0];
	_ =	sdelay $0x5  }
0x21: {  	[sflag:s11] =	ssyncset.done $0x0  }
0x22: {  	[sflag:s11] =	ssyncadd.s32 $0xFFFFFFF8  }
0x23: {  	v0 =	vld.idx.msk [tilespmem:v0+s13+$0x0], $0xffff;
	_ =	sdelay $0x7  }
0x24: {  	v1 =	vld.idx.msk [tilespmem:v0+s3+$0x0], $0xffff;
	_ =	sdelay $0x4  }
0x25: {  	[tilespmem:$0x2980] =	vst v1  }
0x26: {  	[tilespmem:s16], [sflag:$0x1] =	stream.indirect.gather [hbm4b:s4+s15], $0x80, s13, s15, $0xb8;
	[tilespmem:$0x3A00] =	vst v63  }
0x27: {  	_ =	swait.ge [sflag:s11], $0x400  }
0x28: {  	[sflag:s11] =	ssyncset.done $0x0  }
0x29: {  	[sflag:s11] =	ssyncadd.s32 $0xFFFFFC00  }
0x2a: {  	[tilespmem:s17], [sflag:$0x1] =	stream.indirect.gather [hbm4b:s4+s15], $0x80, s14, s15, $0xb8;
	[tilespmem:$0x3A00] =	vst v63  }
0x2b: {  	_ =	swait.ge [sflag:s11], $0x400  }
0x2c: {  	[sflag:s11] =	ssyncset.done $0x0  }
0x2d: {  	[sflag:s11] =	ssyncadd.s32 $0xFFFFFC00  }
0x2e: {  	[tilespmem:s18], [sflag:$0x1] =	stream.indirect.gather [hbm4b:s5+s15], $0x80, s13, s15, $0xb8;
	[tilespmem:$0x3A00] =	vst v63  }
0x2f: {  	_ =	swait.ge [sflag:s11], $0x400  }
0x30: {  	[sflag:s11] =	ssyncset.done $0x0  }
0x31: {  	[sflag:s11] =	ssyncadd.s32 $0xFFFFFC00  }
0x32: {  	v9 =	vld [tilespmem:$0x2A00]  }
0x33: {  	v7 =	vld [tilespmem:$0x2E00]  }
0x34: {  	v13 =	vld [tilespmem:$0x3200]  }
0x35: {  	v40 =	vld [tilespmem:$0x2800]  }
0x36: {  	v6 =	vld [tilespmem:$0x2A10]  }
0x37: {  	v5 =	vld [tilespmem:$0x2E10]  }
0x38: {  	v11 =	vld [tilespmem:$0x3210]  }
0x39: {  	v33 =	vld [tilespmem:$0x2810]  }
0x3a: {  	v4 =	vld [tilespmem:$0x2A20]  }
0x3b: {  	v3 =	vld [tilespmem:$0x2E20]  }
0x3c: {  	v10 =	vld [tilespmem:$0x3220]  }
0x3d: {  	v30 =	vld [tilespmem:$0x2820]  }
0x3e: {  	v2 =	vld [tilespmem:$0x2A30]  }
0x3f: {  	v0 =	vld [tilespmem:$0x2E30]  }
0x40: {  	v8 =	vld [tilespmem:$0x3230]  }
0x41: {  	v32 =	vld [tilespmem:$0x2830]  }
0x42: {  	v26 =	vld [tilespmem:$0x2A40]  }
0x43: {  	v22 =	vld [tilespmem:$0x2E40]  }
0x44: {  	v31 =	vld [tilespmem:$0x3240]  }
0x45: {  	v12 =	vld [tilespmem:$0x2840]  }
0x46: {  	v23 =	vld [tilespmem:$0x2A50]  }
0x47: {  	v21 =	vld [tilespmem:$0x2E50]  }
0x48: {  	v29 =	vld [tilespmem:$0x3250]  }
0x49: {  	v57 =	vld [tilespmem:$0x2850]  }
0x4a: {  	v20 =	vld [tilespmem:$0x2A60]  }
0x4b: {  	v19 =	vld [tilespmem:$0x2E60]  }
0x4c: {  	v27 =	vld [tilespmem:$0x3260]  }
0x4d: {  	v58 =	vld [tilespmem:$0x2860]  }
0x4e: {  	v18 =	vld [tilespmem:$0x2A70]  }
0x4f: {  	v17 =	vld [tilespmem:$0x2E70]  }
0x50: {  	v25 =	vld [tilespmem:$0x3270]  }
0x51: {  	v56 =	vld [tilespmem:$0x2870]  }
0x52: {  	v16 =	vld [tilespmem:$0x2A80]  }
0x53: {  	v15 =	vld [tilespmem:$0x2E80]  }
0x54: {  	v24 =	vld [tilespmem:$0x3280]  }
0x55: {  	v54 =	vld [tilespmem:$0x2800]  }
0x56: {  	v14 =	vld [tilespmem:$0x2A90]  }
0x57: {  	v28 =	vld [tilespmem:$0x3290]  }
0x58: {  	v53 =	vld [tilespmem:$0x2810]  }
0x59: {  	v49 =	vld [tilespmem:$0x2AA0]  }
0x5a: {  	v45 =	vld [tilespmem:$0x2EA0]  }
0x5b: {  	v52 =	vld [tilespmem:$0x32A0]  }
0x5c: {  	v34 =	vld [tilespmem:$0x2820]  }
0x5d: {  	v46 =	vld [tilespmem:$0x2AB0]  }
0x5e: {  	v43 =	vld [tilespmem:$0x2EB0]  }
0x5f: {  	v59 =	vld [tilespmem:$0x2830]  }
0x60: {  	v60 =	vld [tilespmem:$0x2840];
	[tilespmem:$0x1F8A0] =	vst v12  }
0x61: {  	v51 =	vld [tilespmem:$0x32B0];
	[tilespmem:$0x1F8B0] =	vst v57  }
0x62: {  	v42 =	vld [tilespmem:$0x2AC0];
	[tilespmem:$0x1F8C0] =	vst v58  }
0x63: {  	v41 =	vld [tilespmem:$0x2EC0];
	[tilespmem:$0x1F8D0] =	vst v34  }
0x64: {  	v50 =	vld [tilespmem:$0x32C0];
	[tilespmem:$0x1F8E0] =	vst v59  }
0x65: {  	v12 =	vld [tilespmem:$0x2E90];
	[tilespmem:$0x1F8F0] =	vst v60  }
0x66: {  	v63 =	vld [tilespmem:$0x2F00];
	_ =	sdelay $0x4  }
0x67: {  	[tilespmem:$0x1F930] =	vst v63;
	v63 =	vld [tilespmem:$0x2B20];
	_ =	sdelay $0x4  }
0x68: {  	[tilespmem:$0x1F980] =	vst v63;
	v63 =	vld [tilespmem:$0x3340];
	_ =	sdelay $0x4  }
0x69: {  	[tilespmem:$0x1F9C0] =	vst v63;
	v63 =	vld [tilespmem:$0x3350];
	_ =	sdelay $0x4  }
0x6a: {  	[tilespmem:$0x1F9D0] =	vst v63;
	v63 =	vld [tilespmem:$0x2850];
	_ =	sdelay $0x4  }
0x6b: {  	[tilespmem:$0x1FA50] =	vst v63;
	v63 =	vld [tilespmem:$0x2B60];
	_ =	sdelay $0x4  }
0x6c: {  	[tilespmem:$0x1FA30] =	vst v63;
	v63 =	vld [tilespmem:$0x2F60];
	_ =	sdelay $0x4  }
0x6d: {  	[tilespmem:$0x1FA40] =	vst v63;
	v63 =	vld [tilespmem:$0x3360];
	_ =	sdelay $0x4  }
0x6e: {  	[tilespmem:$0x1FA80] =	vst v63;
	v63 =	vld [tilespmem:$0x2860];
	_ =	sdelay $0x4  }
0x6f: {  	[tilespmem:$0x1FB60] =	vst v63;
	v63 =	vld [tilespmem:$0x2B70];
	_ =	sdelay $0x4  }
0x70: {  	[tilespmem:$0x1FA60] =	vst v63;
	v63 =	vld [tilespmem:$0x2F70];
	_ =	sdelay $0x4  }
0x71: {  	[tilespmem:$0x1FA70] =	vst v63;
	v63 =	vld [tilespmem:$0x3370];
	_ =	sdelay $0x4  }
0x72: {  	[tilespmem:$0x1FAB0] =	vst v63;
	v63 =	vld [tilespmem:$0x2870];
	_ =	sdelay $0x4  }
0x73: {  	[tilespmem:$0x1FB70] =	vst v63;
	v63 =	vld [tilespmem:$0x2B80];
	_ =	sdelay $0x4  }
0x74: {  	[tilespmem:$0x1FA90] =	vst v63;
	v63 =	vld [tilespmem:$0x2F80];
	_ =	sdelay $0x4  }
0x75: {  	[tilespmem:$0x1FAA0] =	vst v63;
	v63 =	vld [tilespmem:$0x3380];
	_ =	sdelay $0x4  }
0x76: {  	[tilespmem:$0x1FAE0] =	vst v63;
	v63 =	vld [tilespmem:$0x2800];
	_ =	sdelay $0x4  }
0x77: {  	[tilespmem:$0x1FB80] =	vst v63;
	v63 =	vld [tilespmem:$0x2B90];
	_ =	sdelay $0x4  }
0x78: {  	[tilespmem:$0x1FAC0] =	vst v63;
	v63 =	vld [tilespmem:$0x2F90];
	_ =	sdelay $0x4  }
0x79: {  	[tilespmem:$0x1FAD0] =	vst v63;
	v63 =	vld [tilespmem:$0x3390];
	_ =	sdelay $0x4  }
0x7a: {  	[tilespmem:$0x1FB10] =	vst v63;
	v63 =	vld [tilespmem:$0x2810];
	_ =	sdelay $0x4  }
0x7b: {  	[tilespmem:$0x1FB90] =	vst v63;
	v63 =	vld [tilespmem:$0x2BA0];
	_ =	sdelay $0x4  }
0x7c: {  	[tilespmem:$0x1FAF0] =	vst v63;
	v63 =	vld [tilespmem:$0x2FA0];
	_ =	sdelay $0x4  }
0x7d: {  	[tilespmem:$0x1FB00] =	vst v63;
	v63 =	vld [tilespmem:$0x33A0];
	_ =	sdelay $0x4  }
0x7e: {  	[tilespmem:$0x1FB40] =	vst v63;
	v63 =	vld [tilespmem:$0x2820];
	_ =	sdelay $0x4  }
0x7f: {  	[tilespmem:$0x1FBA0] =	vst v63;
	v63 =	vld [tilespmem:$0x2BB0];
	_ =	sdelay $0x4  }
0x80: {  	[tilespmem:$0x1FB20] =	vst v63;
	v63 =	vld [tilespmem:$0x2FB0];
	_ =	sdelay $0x4  }
0x81: {  	[tilespmem:$0x1FB30] =	vst v63;
	v63 =	vld [tilespmem:$0x33B0];
	_ =	sdelay $0x4  }
0x82: {  	[tilespmem:$0x1FB50] =	vst v63;
	v63 =	vld [tilespmem:$0x2830];
	_ =	sdelay $0x4  }
0x83: {  	[tilespmem:$0x1FBD0] =	vst v63;
	v63 =	vld [tilespmem:$0x2BC0];
	_ =	sdelay $0x4  }
0x84: {  	[tilespmem:$0x1FBB0] =	vst v63;
	v63 =	vld [tilespmem:$0x2FC0];
	_ =	sdelay $0x4  }
0x85: {  	[tilespmem:$0x1FBC0] =	vst v63;
	v63 =	vld [tilespmem:$0x33C0];
	_ =	sdelay $0x4  }
0x86: {  	[tilespmem:$0x1FC00] =	vst v63;
	v63 =	vld [tilespmem:$0x2840];
	_ =	sdelay $0x4  }
0x87: {  	[tilespmem:$0x1FCE0] =	vst v63;
	v63 =	vld [tilespmem:$0x2BD0];
	_ =	sdelay $0x4  }
0x88: {  	[tilespmem:$0x1FBE0] =	vst v63;
	v63 =	vld [tilespmem:$0x2FD0];
	_ =	sdelay $0x4  }
0x89: {  	[tilespmem:$0x1FBF0] =	vst v63;
	v63 =	vld [tilespmem:$0x33D0];
	_ =	sdelay $0x4  }
0x8a: {  	[tilespmem:$0x1FC30] =	vst v63;
	v63 =	vld [tilespmem:$0x2850];
	_ =	sdelay $0x4  }
0x8b: {  	[tilespmem:$0x1FCF0] =	vst v63;
	v63 =	vld [tilespmem:$0x2BE0];
	_ =	sdelay $0x4  }
0x8c: {  	[tilespmem:$0x1FC10] =	vst v63;
	v63 =	vld [tilespmem:$0x2FE0];
	_ =	sdelay $0x4  }
0x8d: {  	[tilespmem:$0x1FC20] =	vst v63;
	v63 =	vld [tilespmem:$0x33E0];
	_ =	sdelay $0x4  }
0x8e: {  	[tilespmem:$0x1FC60] =	vst v63;
	v63 =	vld [tilespmem:$0x2860];
	_ =	sdelay $0x4  }
0x8f: {  	[tilespmem:$0x1FD00] =	vst v63;
	v63 =	vld [tilespmem:$0x2BF0];
	_ =	sdelay $0x4  }
0x90: {  	[tilespmem:$0x1FC40] =	vst v63;
	v63 =	vld [tilespmem:$0x2FF0];
	_ =	sdelay $0x4  }
0x91: {  	[tilespmem:$0x1FC50] =	vst v63;
	v63 =	vld [tilespmem:$0x33F0];
	_ =	sdelay $0x4  }
0x92: {  	[tilespmem:$0x1FC90] =	vst v63;
	v63 =	vld [tilespmem:$0x2870];
	_ =	sdelay $0x4  }
0x93: {  	[tilespmem:$0x1FD10] =	vst v63;
	v63 =	vld [tilespmem:$0x2C00];
	_ =	sdelay $0x4  }
0x94: {  	[tilespmem:$0x1FC70] =	vst v63;
	v63 =	vld [tilespmem:$0x3000];
	_ =	sdelay $0x4  }
0x95: {  	[tilespmem:$0x1FC80] =	vst v63;
	v63 =	vld [tilespmem:$0x3400];
	_ =	sdelay $0x4  }
0x96: {  	[tilespmem:$0x1FCC0] =	vst v63;
	v63 =	vld [tilespmem:$0x2800];
	_ =	sdelay $0x4  }
0x97: {  	[tilespmem:$0x1FD20] =	vst v63;
	v63 =	vld [tilespmem:$0x2C10];
	_ =	sdelay $0x4  }
0x98: {  	[tilespmem:$0x1FCA0] =	vst v63;
	v63 =	vld [tilespmem:$0x3010];
	_ =	sdelay $0x4  }
0x99: {  	[tilespmem:$0x1FCB0] =	vst v63;
	v63 =	vld [tilespmem:$0x3410];
	_ =	sdelay $0x4  }
0x9a: {  	[tilespmem:$0x1FCD0] =	vst v63;
	v63 =	vld [tilespmem:$0x2810];
	_ =	sdelay $0x4  }
0x9b: {  	[tilespmem:$0x1FD50] =	vst v63;
	v63 =	vld [tilespmem:$0x2C20];
	_ =	sdelay $0x2  }
0x9c: {  	v39 =	vld [tilespmem:$0x2AD0]  }
0x9d: {  	v37 =	vld [tilespmem:$0x2ED0]  }
0x9e: {  	[tilespmem:$0x1FD30] =	vst v63;
	v63 =	vld [tilespmem:$0x3020]  }
0x9f: {  	v48 =	vld [tilespmem:$0x32D0]  }
0xa0: {  	v34 =	vld [tilespmem:$0x2850]  }
0xa1: {  	v38 =	vld [tilespmem:$0x2AE0]  }
0xa2: {  	v35 =	vld [tilespmem:$0x2EE0]  }
0xa3: {  	[tilespmem:$0x1FD40] =	vst v63;
	v63 =	vld [tilespmem:$0x3420]  }
0xa4: {  	v47 =	vld [tilespmem:$0x32E0]  }
0xa5: {  	v61 =	vld [tilespmem:$0x2860]  }
0xa6: {  	v36 =	vld [tilespmem:$0x2AF0]  }
0xa7: {  	v44 =	vld [tilespmem:$0x32F0]  }
0xa8: {  	[tilespmem:$0x1FD80] =	vst v63;
	v63 =	vld [tilespmem:$0x2820]  }
0xa9: {  	v55 =	vld [tilespmem:$0x2870]  }
0xaa: {  	v62 =	vld [tilespmem:$0x2B00]  }
0xab: {  	v57 =	vld [tilespmem:$0x3300]  }
0xac: {  	v58 =	vld [tilespmem:$0x2800]  }
0xad: {  	[tilespmem:$0x1FE60] =	vst v63;
	v63 =	vld [tilespmem:$0x2C30]  }
0xae: {  	v59 =	vld [tilespmem:$0x2B10]  }
0xaf: {  	v60 =	vld [tilespmem:$0x2F10]  }
0xb0: {  	v7 =	vadd.f32 v7, v9;
	v9 =	vld [tilespmem:$0x2C60]  }
0xb1: {  	v21 =	vadd.f32 v21, v23;
	v23 =	vld [tilespmem:$0x2C80]  }
0xb2: {  	v3 =	vadd.f32 v3, v4;
	[tilespmem:$0x1FD60] =	vst v63;
	v63 =	vld [tilespmem:$0x3030]  }
0xb3: {  	v5 =	vadd.f32 v5, v6;
	v6 =	vadd.f32 v13, v7;
	v13 =	vld [tilespmem:$0x3060]  }
0xb4: {  	v3 =	vadd.f32 v10, v3;
	v10 =	vld [tilespmem:$0x2860];
	[tilespmem:$0x1F900] =	vst v34  }
0xb5: {  	[tilespmem:$0x1F910] =	vst v61;
	v34 =	vld [tilespmem:$0x2EF0]  }
0xb6: {  	[tilespmem:$0x1F940] =	vst v55;
	v61 =	vld [tilespmem:$0x3310]  }
0xb7: {  	[tilespmem:$0x1FD70] =	vst v63;
	v63 =	vld [tilespmem:$0x3430]  }
0xb8: {  	[tilespmem:$0x1F920] =	vst v62;
	v62 =	vld [tilespmem:$0x2810]  }
0xb9: {  	[tilespmem:$0x1F970] =	vst v57;
	v57 =	vld [tilespmem:$0x3320]  }
0xba: {  	[tilespmem:$0x1F9E0] =	vst v58;
	v58 =	vld [tilespmem:$0x2820]  }
0xbb: {  	[tilespmem:$0x1F950] =	vst v59;
	v59 =	vld [tilespmem:$0x3330]  }
0xbc: {  	[tilespmem:$0x1FDB0] =	vst v63;
	v63 =	vld [tilespmem:$0x2830]  }
0xbd: {  	v0 =	vadd.f32 v0, v2;
	[tilespmem:$0x1F960] =	vst v60;
	v60 =	vld [tilespmem:$0x2830]  }
0xbe: {  	v55 =	vld [tilespmem:$0x2F50];
	[tilespmem:$0x1FDF0] =	vst v9  }
0xbf: {  	v2 =	vbroadcast v1, $0x0;
	v0 =	vadd.f32 v8, v0;
	v9 =	vld [tilespmem:$0x3460];
	[tilespmem:$0x1FEB0] =	vst v23  }
0xc0: {  	v23 =	vld [tilespmem:$0x1F8B0];
	[tilespmem:$0x1FE00] =	vst v13  }
0xc1: {  	v0 =	vmul.f32 v0, v2;
	[tilespmem:$0x1FE70] =	vst v63;
	v63 =	vld [tilespmem:$0x2C40]  }
0xc2: {  	[tilespmem:$0x1FEA0] =	vst v10;
	v13 =	vld [tilespmem:$0x2C70];
	v10 =	vadd.f32 v22, v26  }
0xc3: {  	v22 =	vadd.f32 v0, v32;
	v32 =	vadd.f32 v17, v18;
	v17 =	vld [tilespmem:$0x2C90]  }
0xc4: {  	v18 =	vld [tilespmem:$0x3090]  }
0xc5: {  	v3 =	vmul.f32 v3, v2;
	v26 =	vadd.f32 v19, v20;
	v20 =	vld [tilespmem:$0x3490]  }
0xc6: {  	[tilespmem:$0x1FD90] =	vst v63;
	v63 =	vld [tilespmem:$0x3040]  }
0xc7: {  	v30 =	vadd.f32 v3, v30;
	v0 =	vadd.f32 v29, v21;
	v21 =	vld [tilespmem:$0x1F8A0]  }
0xc8: {  	v29 =	vld [tilespmem:$0x2CA0]  }
0xc9: {  	[tilespmem:$0x3620] =	vst v30;
	v30 =	vld [tilespmem:$0x3520]  }
0xca: {  	v3 =	vadd.f32 v31, v10;
	v31 =	vld [tilespmem:$0x3080]  }
0xcb: {  	[tilespmem:$0x1FDA0] =	vst v63;
	v63 =	vld [tilespmem:$0x3440]  }
0xcc: {  	[tilespmem:$0x3630] =	vst v22;
	v22 =	vld [tilespmem:$0x2820]  }
0xcd: {  	[tilespmem:$0x1F9F0] =	vst v62;
	v62 =	vld [tilespmem:$0x2F20]  }
0xce: {  	[tilespmem:$0x1F990] =	vst v61;
	v61 =	vld [tilespmem:$0x2B30]  }
0xcf: {  	[tilespmem:$0x1FA00] =	vst v58;
	v58 =	vld [tilespmem:$0x2F30]  }
0xd0: {  	[tilespmem:$0x1FDE0] =	vst v63;
	v63 =	vld [tilespmem:$0x2840]  }
0xd1: {  	[tilespmem:$0x1F9B0] =	vst v59;
	v59 =	vld [tilespmem:$0x2B40]  }
0xd2: {  	[tilespmem:$0x1F9A0] =	vst v57;
	v57 =	vld [tilespmem:$0x2F40]  }
0xd3: {  	[tilespmem:$0x1FA10] =	vst v60;
	v60 =	vld [tilespmem:$0x2840]  }
0xd4: {  	[tilespmem:$0x1FE40] =	vst v9;
	v9 =	vld [tilespmem:$0x3470]  }
0xd5: {  	[tilespmem:$0x1FE80] =	vst v63;
	v63 =	vld [tilespmem:$0x2C50]  }
0xd6: {  	v10 =	vadd.f32 v34, v36;
	v34 =	vld [tilespmem:$0x1F8F0]  }
0xd7: {  	[tilespmem:$0x1FF30] =	vst v20;
	v20 =	vld [tilespmem:$0x1F8D0]  }
0xd8: {  	[tilespmem:$0x1FF10] =	vst v29;
	v29 =	vld [tilespmem:$0x34C0]  }
0xd9: {  	[tilespmem:$0x1FEE0] =	vst v17;
	v17 =	vld [tilespmem:$0x2CD0]  }
0xda: {  	[tilespmem:$0x1FDC0] =	vst v63;
	v63 =	vld [tilespmem:$0x3050]  }
0xdb: {  	[tilespmem:$0x1FEF0] =	vst v18;
	v18 =	vld [tilespmem:$0x34D0]  }
0xdc: {  	[tilespmem:$0x1FEC0] =	vst v31;
	v31 =	vadd.f32 v45, v49;
	v45 =	vld [tilespmem:$0x30A0]  }
0xdd: {  	v0 =	vmul.f32 v0, v2;
	v49 =	vld [tilespmem:$0x34A0]  }
0xde: {  	[tilespmem:$0x1FA20] =	vst v60;
	v60 =	vld [tilespmem:$0x2B50]  }
0xdf: {  	v23 =	vadd.f32 v0, v23;
	[tilespmem:$0x1FDD0] =	vst v63;
	v63 =	vld [tilespmem:$0x3450]  }
0xe0: {  	v0 =	vadd.f32 v52, v31;
	v52 =	vadd.f32 v41, v42;
	v41 =	vld [tilespmem:$0x1F930]  }
0xe1: {  	v42 =	vld [tilespmem:$0x2840]  }
0xe2: {  	v8 =	vbroadcast v1, $0x1;
	v57 =	vadd.f32 v57, v59;
	v59 =	vld [tilespmem:$0x1F9B0]  }
0xe3: {  	v31 =	vld [tilespmem:$0x1FA00]  }
0xe4: {  	v0 =	vmul.f32 v0, v8;
	[tilespmem:$0x1FE10] =	vst v63;
	v63 =	vld [tilespmem:$0x2850]  }
0xe5: {  	[tilespmem:$0x1FF20] =	vst v45;
	v45 =	vld [tilespmem:$0x1F940]  }
0xe6: {  	[tilespmem:$0x1FF50] =	vst v49;
	v49 =	vld [tilespmem:$0x1F950];
	v36 =	vadd.f32 v0, v20  }
0xe7: {  	v20 =	vld [tilespmem:$0x30E0];
	[tilespmem:$0x1FFB0] =	vst v42  }
0xe8: {  	[tilespmem:$0x36A0] =	vst v36;
	v42 =	vld [tilespmem:$0x1FA40]  }
0xe9: {  	v36 =	vld [tilespmem:$0x1FD30];
	[tilespmem:$0x1FE90] =	vst v63;
	v63 =	vadd.f32 v11, v5  }
0xea: {  	v11 =	vmul.f32 v6, v2;
	v5 =	vadd.f32 v25, v32;
	v25 =	vld [tilespmem:$0x2810]  }
0xeb: {  	v4 =	vmul.f32 v63, v2;
	v63 =	vld [tilespmem:$0x3070]  }
0xec: {  	[tilespmem:$0x1FE20] =	vst v13;
	v13 =	vadd.f32 v11, v40;
	v11 =	vld [tilespmem:$0x2870]  }
0xed: {  	v40 =	vld [tilespmem:$0x3480]  }
0xee: {  	v33 =	vadd.f32 v4, v33;
	v4 =	vadd.f32 v27, v26;
	v26 =	vld [tilespmem:$0x1F8C0]  }
0xef: {  	[tilespmem:$0x3600] =	vst v13;
	v13 =	vld [tilespmem:$0x1FBA0]  }
0xf0: {  	[tilespmem:$0x1FF80] =	vst v25;
	v25 =	vld [tilespmem:$0x1F8E0]  }
0xf1: {  	v3 =	vmul.f32 v3, v2;
	[tilespmem:$0x1FE30] =	vst v63;
	v63 =	vadd.f32 v15, v16;
	v15 =	vld [tilespmem:$0x2800]  }
0xf2: {  	v4 =	vmul.f32 v4, v2;
	v2 =	vmul.f32 v5, v2;
	[tilespmem:$0x1FED0] =	vst v11;
	v11 =	vld [tilespmem:$0x34B0]  }
0xf3: {  	v46 =	vadd.f32 v43, v46;
	v16 =	vadd.f32 v12, v14;
	v12 =	vld [tilespmem:$0x2830]  }
0xf4: {  	[tilespmem:$0x1FF00] =	vst v40;
	v40 =	vadd.f32 v2, v56;
	v56 =	vld [tilespmem:$0x2CB0]  }
0xf5: {  	v2 =	vadd.f32 v51, v46;
	v46 =	vld [tilespmem:$0x30B0]  }
0xf6: {  	v51 =	vld [tilespmem:$0x1F970]  }
0xf7: {  	v19 =	vadd.f32 v28, v16;
	v28 =	vadd.f32 v3, v21;
	v21 =	vld [tilespmem:$0x2CC0]  }
0xf8: {  	v16 =	vld [tilespmem:$0x30C0]  }
0xf9: {  	v6 =	vadd.f32 v24, v63;
	v63 =	vadd.f32 v35, v38;
	v35 =	vld [tilespmem:$0x1F900]  }
0xfa: {  	v38 =	vld [tilespmem:$0x1F910]  }
0xfb: {  	v3 =	vadd.f32 v50, v52;
	v50 =	vld [tilespmem:$0x1F960]  }
0xfc: {  	[tilespmem:$0x1FE50] =	vst v9;
	v52 =	vld [tilespmem:$0x1F980]  }
0xfd: {  	v9 =	vadd.f32 v4, v26;
	[tilespmem:$0x3670] =	vst v40;
	v40 =	vld [tilespmem:$0x1FCE0]  }
0xfe: {  	v27 =	vmul.f32 v19, v8;
	v19 =	vld [tilespmem:$0x1F9F0]  }
0xff: {  	[tilespmem:$0x3660] =	vst v9;
	v9 =	vld [tilespmem:$0x3530]  }
0x100: {  	[tilespmem:$0x1FF60] =	vst v11;
	v11 =	vld [tilespmem:$0x30D0]  }
0x101: {  	v24 =	vmul.f32 v6, v8;
	[tilespmem:$0x1FF70] =	vst v15;
	v15 =	vld [tilespmem:$0x1F9E0]  }
0x102: {  	[tilespmem:$0x1FFA0] =	vst v12;
	v12 =	vld [tilespmem:$0x30F0]  }
0x103: {  	v32 =	vadd.f32 v24, v54;
	v24 =	vadd.f32 v27, v53;
	v53 =	vld [tilespmem:$0x2820]  }
0x104: {  	v2 =	vmul.f32 v2, v8;
	v5 =	vadd.f32 v47, v63;
	v54 =	vadd.f32 v37, v39;
	v39 =	vld [tilespmem:$0x1F920]  }
0x105: {  	[tilespmem:$0x1FF40] =	vst v56;
	v56 =	vld [tilespmem:$0x1F9A0]  }
0x106: {  	v47 =	vadd.f32 v2, v25;
	v26 =	vmul.f32 v5, v8;
	v5 =	vld [tilespmem:$0x1F9D0]  }
0x107: {  	v27 =	vld [tilespmem:$0x2860]  }
0x108: {  	v3 =	vmul.f32 v3, v8;
	[tilespmem:$0x36B0] =	vst v47;
	v47 =	vld [tilespmem:$0x1FD50]  }
0x109: {  	v4 =	vadd.f32 v48, v54;
	v54 =	vadd.f32 v58, v61;
	v58 =	vld [tilespmem:$0x2850]  }
0x10a: {  	v48 =	vadd.f32 v3, v34;
	v3 =	vadd.f32 v62, v52;
	v62 =	vld [tilespmem:$0x1F9C0]  }
0x10b: {  	v34 =	vld [tilespmem:$0x1FA10]  }
0x10c: {  	v43 =	vadd.f32 v26, v38;
	v38 =	vld [tilespmem:$0x1FA20]  }
0x10d: {  	v6 =	vadd.f32 v44, v10;
	v61 =	vadd.f32 v55, v60;
	v55 =	vld [tilespmem:$0x1FA60]  }
0x10e: {  	[tilespmem:$0x3680] =	vst v32;
	v32 =	vld [tilespmem:$0x2830]  }
0x10f: {  	v37 =	vmul.f32 v6, v8;
	v6 =	vadd.f32 v59, v54;
	v54 =	vld [tilespmem:$0x1FA50]  }
0x110: {  	v59 =	vld [tilespmem:$0x1FAA0]  }
0x111: {  	v14 =	vmul.f32 v4, v8;
	v4 =	vld [tilespmem:$0x1FAD0]  }
0x112: {  	[tilespmem:$0x36C0] =	vst v48;
	v48 =	vld [tilespmem:$0x1FD90]  }
0x113: {  	[tilespmem:$0x36E0] =	vst v43;
	v43 =	vld [tilespmem:$0x1FE00]  }
0x114: {  	v11 =	vadd.f32 v11, v17;
	v17 =	vld [tilespmem:$0x2D80]  }
0x115: {  	[tilespmem:$0x1FF90] =	vst v53;
	v53 =	vld [tilespmem:$0x1F990]  }
0x116: {  	v0 =	vadd.f32 v41, v39;
	v41 =	vadd.f32 v37, v45;
	v45 =	vld [tilespmem:$0x2CE0]  }
0x117: {  	v37 =	vld [tilespmem:$0x34E0]  }
0x118: {  	v39 =	vld [tilespmem:$0x1FA30]  }
0x119: {  	v3 =	vadd.f32 v56, v3;
	v56 =	vld [tilespmem:$0x1FA70]  }
0x11a: {  	v25 =	vbroadcast v1, $0x2;
	v10 =	vadd.f32 v5, v61;
	v61 =	vld [tilespmem:$0x2870]  }
0x11b: {  	v44 =	vadd.f32 v14, v35;
	v14 =	vld [tilespmem:$0x2D00]  }
0x11c: {  	v7 =	vmul.f32 v6, v25;
	v6 =	vld [tilespmem:$0x1FAE0]  }
0x11d: {  	v35 =	vmul.f32 v10, v25;
	v10 =	vld [tilespmem:$0x2CF0]  }
0x11e: {  	v8 =	vadd.f32 v62, v57;
	v57 =	vld [tilespmem:$0x1FA80]  }
0x11f: {  	[tilespmem:$0x1FFC0] =	vst v58;
	v58 =	vld [tilespmem:$0x1FA90]  }
0x120: {  	v62 =	vld [tilespmem:$0x1FAB0]  }
0x121: {  	[tilespmem:$0x36F0] =	vst v41;
	v41 =	vld [tilespmem:$0x1FE10]  }
0x122: {  	v3 =	vmul.f32 v3, v25;
	[tilespmem:$0x36D0] =	vst v44;
	v44 =	vld [tilespmem:$0x1FDD0]  }
0x123: {  	v0 =	vadd.f32 v51, v0;
	v52 =	vadd.f32 v7, v34;
	v26 =	vmul.f32 v8, v25;
	v8 =	vld [tilespmem:$0x34F0]  }
0x124: {  	v51 =	vadd.f32 v3, v31;
	v3 =	vadd.f32 v56, v55;
	v56 =	vld [tilespmem:$0x1FB10]  }
0x125: {  	v63 =	vmul.f32 v0, v25;
	[tilespmem:$0x1FFE0] =	vst v61;
	v61 =	vld [tilespmem:$0x1FB40]  }
0x126: {  	[tilespmem:$0x3730] =	vst v52;
	v52 =	vld [tilespmem:$0x1FE80]  }
0x127: {  	v2 =	vadd.f32 v50, v49;
	v49 =	vadd.f32 v63, v15;
	v63 =	vld [tilespmem:$0x1FAC0]  }
0x128: {  	v54 =	vadd.f32 v35, v54;
	v15 =	vld [tilespmem:$0x3500]  }
0x129: {  	[tilespmem:$0x3720] =	vst v51;
	v51 =	vld [tilespmem:$0x1FE60]  }
0x12a: {  	[tilespmem:$0x3750] =	vst v54;
	v54 =	vld [tilespmem:$0x1FED0]  }
0x12b: {  	v60 =	vadd.f32 v59, v58;
	v58 =	vld [tilespmem:$0x1FB30]  }
0x12c: {  	v2 =	vadd.f32 v53, v2;
	v3 =	vadd.f32 v62, v3;
	v62 =	vld [tilespmem:$0x1FB50]  }
0x12d: {  	v53 =	vadd.f32 v26, v38;
	v10 =	vadd.f32 v12, v10;
	v12 =	vld [tilespmem:$0x3590]  }
0x12e: {  	v2 =	vmul.f32 v2, v25;
	[tilespmem:$0x3700] =	vst v49;
	v49 =	vld [tilespmem:$0x1FE40]  }
0x12f: {  	[tilespmem:$0x3740] =	vst v53;
	v53 =	vld [tilespmem:$0x1FEA0]  }
0x130: {  	v50 =	vadd.f32 v2, v19;
	v2 =	vadd.f32 v42, v39;
	v39 =	vld [tilespmem:$0x1FAF0]  }
0x131: {  	v42 =	vld [tilespmem:$0x1FB00]  }
0x132: {  	v19 =	vld [tilespmem:$0x3100]  }
0x133: {  	v7 =	vadd.f32 v6, v60;
	v6 =	vld [tilespmem:$0x1FB90]  }
0x134: {  	v26 =	vadd.f32 v57, v2;
	v57 =	vld [tilespmem:$0x1FB20]  }
0x135: {  	v5 =	vadd.f32 v4, v63;
	v63 =	vld [tilespmem:$0x1FB60]  }
0x136: {  	v4 =	vld [tilespmem:$0x1FB70]  }
0x137: {  	v2 =	vld [tilespmem:$0x1FDF0]  }
0x138: {  	[tilespmem:$0x3710] =	vst v50;
	v50 =	vld [tilespmem:$0x1FE50]  }
0x139: {  	v60 =	vmul.f32 v26, v25;
	v26 =	vld [tilespmem:$0x2D10]  }
0x13a: {  	[tilespmem:$0x1FFD0] =	vst v27;
	v27 =	vadd.f32 v56, v5;
	v5 =	vld [tilespmem:$0x1FB80]  }
0x13b: {  	v25 =	vmul.f32 v3, v25;
	v3 =	vld [tilespmem:$0x2D70]  }
0x13c: {  	v55 =	vadd.f32 v42, v39;
	v42 =	vld [tilespmem:$0x2800]  }
0x13d: {  	v56 =	vadd.f32 v25, v4;
	v25 =	vld [tilespmem:$0x3110]  }
0x13e: {  	v39 =	vbroadcast v1, $0x3;
	v34 =	vadd.f32 v61, v55;
	v55 =	vadd.f32 v60, v63;
	v60 =	vld [tilespmem:$0x1FBD0]  }
0x13f: {  	v61 =	vld [tilespmem:$0x1FBE0]  }
0x140: {  	v27 =	vmul.f32 v27, v39;
	v4 =	vld [tilespmem:$0x1FC00]  }
0x141: {  	v59 =	vadd.f32 v58, v57;
	v43 =	vadd.f32 v43, v2;
	v2 =	vld [tilespmem:$0x1FE20]  }
0x142: {  	v31 =	vmul.f32 v7, v39;
	v58 =	vadd.f32 v27, v6;
	v27 =	vld [tilespmem:$0x3510]  }
0x143: {  	v35 =	vadd.f32 v62, v59;
	v62 =	vld [tilespmem:$0x1FBF0]  }
0x144: {  	v57 =	vadd.f32 v31, v5;
	v31 =	vld [tilespmem:$0x2D20]  }
0x145: {  	v5 =	vld [tilespmem:$0x1FC10]  }
0x146: {  	v6 =	vld [tilespmem:$0x1FC20]  }
0x147: {  	v34 =	vmul.f32 v34, v39;
	[tilespmem:$0x3760] =	vst v55;
	v55 =	vld [tilespmem:$0x1FF00]  }
0x148: {  	[tilespmem:$0x3770] =	vst v56;
	v56 =	vld [tilespmem:$0x1FF30]  }
0x149: {  	v59 =	vadd.f32 v34, v13;
	v34 =	vld [tilespmem:$0x1FBB0]  }
0x14a: {  	v7 =	vmul.f32 v35, v39;
	v35 =	vld [tilespmem:$0x1FBC0]  }
0x14b: {  	v13 =	vld [tilespmem:$0x2810]  }
0x14c: {  	[tilespmem:$0x3780] =	vst v57;
	v57 =	vld [tilespmem:$0x1FF50]  }
0x14d: {  	[tilespmem:$0x3790] =	vst v58;
	v58 =	vld [tilespmem:$0x1FF60]  }
0x14e: {  	v63 =	vadd.f32 v62, v61;
	v61 =	vld [tilespmem:$0x1FC30]  }
0x14f: {  	v60 =	vadd.f32 v7, v60;
	v62 =	vld [tilespmem:$0x1FC40]  }
0x150: {  	v7 =	vadd.f32 v6, v5;
	v5 =	vld [tilespmem:$0x1FC70];
	v38 =	vadd.f32 v35, v34  }
0x151: {  	v34 =	vld [tilespmem:$0x3120]  }
0x152: {  	v35 =	vadd.f32 v4, v38;
	v4 =	vld [tilespmem:$0x1FC60]  }
0x153: {  	[tilespmem:$0x3610] =	vst v33;
	v33 =	vadd.f32 v61, v63;
	v63 =	vld [tilespmem:$0x1FC50]  }
0x154: {  	v6 =	vld [tilespmem:$0x1FC80]  }
0x155: {  	v38 =	vld [tilespmem:$0x1FC90]  }
0x156: {  	[tilespmem:$0x37B0] =	vst v60;
	v60 =	vld [tilespmem:$0x1FF90]  }
0x157: {  	v34 =	vadd.f32 v34, v31;
	v31 =	vld [tilespmem:$0x31D0]  }
0x158: {  	[tilespmem:$0x3640] =	vst v28;
	v28 =	vadd.f32 v4, v7;
	v4 =	vld [tilespmem:$0x1FCC0];
	v61 =	vadd.f32 v63, v62  }
0x159: {  	v63 =	vld [tilespmem:$0x1FCB0]  }
0x15a: {  	[tilespmem:$0x3650] =	vst v23;
	v23 =	vadd.f32 v38, v61;
	v61 =	vld [tilespmem:$0x1FCA0]  }
0x15b: {  	v7 =	vadd.f32 v6, v5;
	v5 =	vld [tilespmem:$0x1FCD0]  }
0x15c: {  	v38 =	vld [tilespmem:$0x2D30]  }
0x15d: {  	v35 =	vmul.f32 v35, v39;
	v62 =	vadd.f32 v4, v7;
	v4 =	vld [tilespmem:$0x1FD10]  }
0x15e: {  	v7 =	vld [tilespmem:$0x3130]  }
0x15f: {  	v33 =	vmul.f32 v33, v39;
	v40 =	vadd.f32 v35, v40;
	v35 =	vld [tilespmem:$0x2D40];
	v61 =	vadd.f32 v63, v61  }
0x160: {  	v28 =	vmul.f32 v28, v39;
	v23 =	vmul.f32 v23, v39;
	v39 =	vld [tilespmem:$0x1FD40]  }
0x161: {  	v43 =	vadd.f32 v49, v43;
	v63 =	vbroadcast v1, $0x4;
	v6 =	vadd.f32 v5, v61;
	v61 =	vld [tilespmem:$0x1FCF0]  }
0x162: {  	v23 =	vadd.f32 v23, v4;
	v4 =	vld [tilespmem:$0x1FD60]  }
0x163: {  	v43 =	vmul.f32 v43, v63;
	v7 =	vadd.f32 v7, v38;
	v38 =	vld [tilespmem:$0x1FFD0]  }
0x164: {  	v5 =	vmul.f32 v6, v63;
	v6 =	vld [tilespmem:$0x1FD20]  }
0x165: {  	v43 =	vadd.f32 v43, v53;
	v53 =	vld [tilespmem:$0x1FEC0]  }
0x166: {  	[tilespmem:$0x37F0] =	vst v23;
	v23 =	vld [tilespmem:$0x2DA0]  }
0x167: {  	v47 =	vadd.f32 v5, v47;
	v5 =	vld [tilespmem:$0x1FD70]  }
0x168: {  	v61 =	vadd.f32 v33, v61;
	v33 =	vmul.f32 v62, v63;
	v62 =	vld [tilespmem:$0x1FD00]  }
0x169: {  	v7 =	vadd.f32 v9, v7;
	v9 =	vld [tilespmem:$0x2DB0]  }
0x16a: {  	[tilespmem:$0x3860] =	vst v43;
	v43 =	vld [tilespmem:$0x31B0]  }
0x16b: {  	[tilespmem:$0x37D0] =	vst v61;
	v61 =	vld [tilespmem:$0x1FFA0]  }
0x16c: {  	[tilespmem:$0x3690] =	vst v24;
	v24 =	vadd.f32 v5, v4;
	v4 =	vld [tilespmem:$0x1FDA0]  }
0x16d: {  	v5 =	vld [tilespmem:$0x1FDB0];
	v28 =	vadd.f32 v28, v62  }
0x16e: {  	v62 =	vadd.f32 v33, v6;
	v33 =	vadd.f32 v39, v36;
	v39 =	vld [tilespmem:$0x3140]  }
0x16f: {  	v36 =	vld [tilespmem:$0x3540]  }
0x170: {  	v6 =	vld [tilespmem:$0x1FD80]  }
0x171: {  	[tilespmem:$0x37E0] =	vst v28;
	v28 =	vld [tilespmem:$0x3190]  }
0x172: {  	[tilespmem:$0x3800] =	vst v62;
	v62 =	vadd.f32 v25, v26;
	v25 =	vld [tilespmem:$0x31A0]  }
0x173: {  	v26 =	vld [tilespmem:$0x35A0]  }
0x174: {  	v0 =	vadd.f32 v4, v48;
	v48 =	vld [tilespmem:$0x2840]  }
0x175: {  	v33 =	vadd.f32 v6, v33;
	v6 =	vld [tilespmem:$0x1FDC0]  }
0x176: {  	v24 =	vadd.f32 v5, v24;
	v5 =	vld [tilespmem:$0x1FDE0]  }
0x177: {  	v4 =	vld [tilespmem:$0x3150]  }
0x178: {  	v8 =	vadd.f32 v8, v10;
	v10 =	vadd.f32 v27, v62;
	v27 =	vld [tilespmem:$0x2830]  }
0x179: {  	v20 =	vadd.f32 v20, v45;
	v45 =	vadd.f32 v39, v35;
	v35 =	vld [tilespmem:$0x35D0];
	v49 =	vmul.f32 v33, v63  }
0x17a: {  	v39 =	vld [tilespmem:$0x2DF0];
	v44 =	vadd.f32 v44, v6  }
0x17b: {  	v49 =	vadd.f32 v49, v51;
	v51 =	vld [tilespmem:$0x1FE70]  }
0x17c: {  	v0 =	vadd.f32 v5, v0;
	v41 =	vadd.f32 v41, v44;
	v44 =	vld [tilespmem:$0x1FE30]  }
0x17d: {  	v6 =	vld [tilespmem:$0x2D50]  }
0x17e: {  	v16 =	vadd.f32 v16, v21;
	v33 =	vld [tilespmem:$0x2850];
	v0 =	vmul.f32 v0, v63  }
0x17f: {  	v21 =	vbroadcast v1, $0x5;
	v20 =	vadd.f32 v37, v20;
	v24 =	vmul.f32 v24, v63;
	v5 =	vld [tilespmem:$0x3550]  }
0x180: {  	v0 =	vadd.f32 v0, v52;
	v52 =	vld [tilespmem:$0x1FE90]  }
0x181: {  	v37 =	vmul.f32 v20, v21;
	v24 =	vadd.f32 v24, v51;
	v51 =	vld [tilespmem:$0x3160];
	v44 =	vadd.f32 v44, v2  }
0x182: {  	v4 =	vadd.f32 v4, v6;
	v6 =	vld [tilespmem:$0x2DC0]  }
0x183: {  	[tilespmem:$0x3840] =	vst v0;
	v0 =	vadd.f32 v37, v38;
	v37 =	vld [tilespmem:$0x2DE0];
	v44 =	vadd.f32 v50, v44  }
0x184: {  	v38 =	vld [tilespmem:$0x31E0]  }
0x185: {  	v2 =	vld [tilespmem:$0x1FEE0];
	v44 =	vmul.f32 v44, v63  }
0x186: {  	v41 =	vmul.f32 v41, v63;
	v63 =	vld [tilespmem:$0x1FEB0]  }
0x187: {  	[tilespmem:$0x3830] =	vst v24;
	v24 =	vbroadcast v1, $0x6;
	v44 =	vadd.f32 v44, v54;
	v54 =	vld [tilespmem:$0x1FEF0]  }
0x188: {  	v41 =	vadd.f32 v41, v52;
	v52 =	vld [tilespmem:$0x3560]  }
0x189: {  	v10 =	vmul.f32 v10, v24;
	v50 =	vld [tilespmem:$0x2D60]  }
0x18a: {  	[tilespmem:$0x3850] =	vst v41;
	v41 =	vld [tilespmem:$0x1FFE0]  }
0x18b: {  	v10 =	vadd.f32 v10, v13;
	v13 =	vld [tilespmem:$0x35B0];
	v53 =	vadd.f32 v53, v63  }
0x18c: {  	v54 =	vadd.f32 v54, v2;
	v2 =	vld [tilespmem:$0x1FF10]  }
0x18d: {  	v14 =	vadd.f32 v19, v14;
	v53 =	vadd.f32 v55, v53;
	v55 =	vld [tilespmem:$0x1FF20]  }
0x18e: {  	v11 =	vadd.f32 v18, v11;
	[tilespmem:$0x3820] =	vst v49;
	v49 =	vadd.f32 v51, v50;
	v50 =	vld [tilespmem:$0x31C0]  }
0x18f: {  	v8 =	vmul.f32 v8, v21;
	v14 =	vadd.f32 v15, v14;
	v54 =	vadd.f32 v56, v54;
	v56 =	vld [tilespmem:$0x1FF40]  }
0x190: {  	v15 =	vadd.f32 v30, v34;
	v43 =	vadd.f32 v43, v9;
	v51 =	vld [tilespmem:$0x35C0]  }
0x191: {  	[tilespmem:$0x3810] =	vst v47;
	v47 =	vadd.f32 v36, v45;
	v1 =	vbroadcast v1, $0x7;
	v8 =	vadd.f32 v8, v41;
	v41 =	vld [tilespmem:$0x31F0]  }
0x192: {  	v14 =	vmul.f32 v14, v24;
	v15 =	vmul.f32 v15, v24;
	[tilespmem:$0x3870] =	vst v44;
	v44 =	vld [tilespmem:$0x35E0];
	v55 =	vadd.f32 v55, v2  }
0x193: {  	[tilespmem:$0x37A0] =	vst v59;
	v4 =	vadd.f32 v5, v4;
	v7 =	vmul.f32 v7, v24;
	v59 =	vmul.f32 v53, v21;
	v2 =	vld [tilespmem:$0x3170]  }
0x194: {  	v53 =	vmul.f32 v54, v21;
	v54 =	vld [tilespmem:$0x3180];
	v46 =	vadd.f32 v46, v56;
	v55 =	vadd.f32 v57, v55  }
0x195: {  	[tilespmem:$0x37C0] =	vst v40;
	v14 =	vadd.f32 v14, v42;
	v7 =	vadd.f32 v7, v32;
	v32 =	vmul.f32 v4, v24;
	v56 =	vld [tilespmem:$0x3570]  }
0x196: {  	[tilespmem:$0x38E0] =	vst v0;
	v15 =	vadd.f32 v15, v22;
	v46 =	vadd.f32 v58, v46;
	v18 =	vmul.f32 v55, v21;
	v58 =	vld [tilespmem:$0x1FF70]  }
0x197: {  	v62 =	vmul.f32 v47, v24;
	[tilespmem:$0x3900] =	vst v14;
	v0 =	vadd.f32 v32, v33;
	v47 =	vadd.f32 v13, v43;
	v57 =	vld [tilespmem:$0x2870]  }
0x198: {  	[tilespmem:$0x3910] =	vst v10;
	v2 =	vadd.f32 v2, v3;
	v46 =	vmul.f32 v46, v21;
	v18 =	vadd.f32 v18, v60;
	v60 =	vld [tilespmem:$0x1FFB0]  }
0x199: {  	v16 =	vadd.f32 v29, v16;
	[tilespmem:$0x3950] =	vst v0;
	v0 =	vmul.f32 v47, v1;
	v6 =	vadd.f32 v50, v6;
	v55 =	vld [tilespmem:$0x3580]  }
0x19a: {  	[tilespmem:$0x3920] =	vst v15;
	v2 =	vadd.f32 v56, v2;
	v46 =	vadd.f32 v46, v61;
	v61 =	vld [tilespmem:$0x1FFC0]  }
0x19b: {  	v16 =	vmul.f32 v16, v21;
	[tilespmem:$0x3930] =	vst v7;
	v0 =	vadd.f32 v0, v27;
	v29 =	vadd.f32 v59, v58;
	v59 =	vld [tilespmem:$0x1FF80]  }
0x19c: {  	[tilespmem:$0x38F0] =	vst v8;
	v3 =	vadd.f32 v51, v6;
	v58 =	vld [tilespmem:$0x2D90];
	v2 =	vmul.f32 v2, v24  }
0x19d: {  	v11 =	vmul.f32 v11, v21;
	v63 =	vld [tilespmem:$0x2860];
	[tilespmem:$0x39B0] =	vst v0;
	v16 =	vadd.f32 v16, v60;
	v60 =	vadd.f32 v54, v17  }
0x19e: {  	v51 =	vadd.f32 v38, v37;
	[tilespmem:$0x38B0] =	vst v46;
	v46 =	vld [tilespmem:$0x35F0];
	v2 =	vadd.f32 v2, v57  }
0x19f: {  	[tilespmem:$0x38A0] =	vst v18;
	v11 =	vadd.f32 v11, v61;
	v61 =	vld [tilespmem:$0x2DD0];
	v34 =	vadd.f32 v55, v60  }
0x1a0: {  	[tilespmem:$0x3880] =	vst v29;
	v55 =	vld [tilespmem:$0x2860];
	v40 =	vadd.f32 v53, v59;
	v59 =	vadd.f32 v52, v49  }
0x1a1: {  	v57 =	vadd.f32 v44, v51;
	[tilespmem:$0x38C0] =	vst v16;
	v53 =	vld [tilespmem:$0x2800];
	v30 =	vadd.f32 v28, v58  }
0x1a2: {  	v54 =	vadd.f32 v41, v39;
	v49 =	vld [tilespmem:$0x2840];
	[tilespmem:$0x38D0] =	vst v11;
	v11 =	vadd.f32 v62, v48;
	v5 =	vmul.f32 v59, v24  }
0x1a3: {  	v19 =	vld [tilespmem:$0x2810];
	v60 =	vmul.f32 v57, v1;
	[tilespmem:$0x3890] =	vst v40;
	v36 =	vadd.f32 v12, v30;
	v40 =	vadd.f32 v25, v23  }
0x1a4: {  	v20 =	vld [tilespmem:$0x2820];
	[tilespmem:$0x3970] =	vst v2;
	v4 =	vmul.f32 v34, v1;
	v5 =	vadd.f32 v5, v63;
	v48 =	vadd.f32 v31, v61  }
0x1a5: {  	v3 =	vmul.f32 v3, v1;
	v52 =	vld [tilespmem:$0x2850];
	[tilespmem:$0x3940] =	vst v11;
	v45 =	vadd.f32 v26, v40;
	v62 =	vadd.f32 v60, v55  }
0x1a6: {  	v58 =	vld [tilespmem:$0x2870];
	v8 =	vmul.f32 v36, v1;
	v4 =	vadd.f32 v4, v53;
	[tilespmem:$0x3960] =	vst v5;
	v53 =	vadd.f32 v35, v48  }
0x1a7: {  	v59 =	vadd.f32 v46, v54;
	v3 =	vadd.f32 v3, v49;
	v50 =	vmul.f32 v45, v1;
	[tilespmem:$0x39E0] =	vst v62  }
0x1a8: {  	v42 =	vadd.f32 v8, v19;
	[tilespmem:$0x3980] =	vst v4;
	v2 =	vmul.f32 v53, v1  }
0x1a9: {  	[tilespmem:$0x39C0] =	vst v3;
	v56 =	vadd.f32 v50, v20;
	v1 =	vmul.f32 v59, v1  }
0x1aa: {  	[tilespmem:$0x3990] =	vst v42;
	v61 =	vadd.f32 v2, v52  }
0x1ab: {  	[tilespmem:$0x39A0] =	vst v56;
	v63 =	vadd.f32 v1, v58  }
0x1ac: {  	p0 =	sne.s32 s10, $0x1;
	[tilespmem:$0x39D0] =	vst v61  }
.Ltmp1:
0x1ad: {  	[tilespmem:$0x39F0] =	vst v63;
	(pc) =	sbr.rel @p0 .LBB2_2-.Ltmp1, $4  }
0x1ae: {  	[hbm4b:s9+s3] =	stream.linear.scatter [tilespmem:s19], [sflag:$0x1], $0x400, $0x38;
	[tilespmem:$0x3A00] =	vst v63  }
0x1af: {  	_ =	swait.ge [sflag:s11], $0x400  }
0x1b0: {  	[sflag:s11] =	ssyncset.done $0x0  }
0x1b1: {  	s10 =	sadd.s32 $0xFFFFFFFF, s10;
	[sflag:s11] =	ssyncadd.s32 $0xFFFFFC00  }
.LBB2_3:
0x1b2: {  	_ =	sfence.sel $0x180000  }
0x1b3: {  	[bflag:$0x0] =	sbarrier.arrive $0xFFFF  }
0x1b4: {  	p0 =	sne.s32 s0, $0x0;
	_ =	strace $0x90000050  }
0x1b5: {  	s0 =	sadd.s32 @!p0 $0x100000, s1;
	[bflag:$0x2] =	sbarrier.arrive $0xFFFF  }
0x1b6: {  	[sflag:s0] =	ssyncadd.tile.s32 @!p0 $0x1;
	_ =	shalt  }
.Lfunc_end2:
_tile_overlayer_lowered:
.L_overlay_start_2:
0x1b7: {  	(tag) =	ssettag $0x2  }
0x1b8: {  	s0 =	rddreg [dreg:$0x0];
	s2 =	stileid.u32  }
0x1b9: {  	s1 =	rddreg [dreg:$0x1];
	p0 =	sne.s32 s2, $0x0  }
0x1ba: {  	s3 =	rddreg [dreg:$0x2];
	[bflag:$0x3] =	sbarrier.arrive $0xFFFF;
	s2 =	simm.s32 @!p0 $0x1C01  }
0x1bb: {  	[timem:s3], [sflag:s2] =	dma.local @!p0 [hbm:s0], s1  }
0x1bc: {  	s0 =	simm.s32 @!p0 $0x1  }
0x1bd: {  	_ =	swait.ge @!p0 [sflag:s0], s1  }
0x1be: {  	s1 =	ssub.s32 @!p0 $0x0, s1;
	[sflag:s0] =	ssyncset.done @!p0 $0x0  }
0x1bf: {  	[sflag:s0] =	ssyncadd.s32 @!p0 s1  }
0x1c0: {  	[bflag:$0x3] =	sbarrier.arrive $0xFFFF  }
0x1c1: {  	_ =	shalt  }

</sc_bundles>
